<compile_context>
chip_gen: v7x
topology: tpu7x:2x2x1
jax: 0.10.2.dev20260603
libtpu: 0.0.44.dev20260713+nightly
codegen_flags: <defaults>
</compile_context>

<pallas_src>
import functools

import jax
import jax.numpy as jnp
from jax import lax
from jax.experimental import pallas as pl
from jax.experimental.pallas import tpu as pltpu
from jax.experimental.pallas import tpu_sc as plsc

EPS = 1e-12
B, C, D = 4096, 1000, 64
ROWS_LG = 1024
ROWS_FT = 128
K = 5
THR = 0.6
DPAD = 128

NW = 32
RPW = B // NW
KPAD = 8
LANES = 16


def _col_logsumexp(x):
    m = jnp.max(x, axis=0, keepdims=True)
    e = jnp.exp(x - m)
    s = jnp.sum(e, axis=0, keepdims=True)
    return m + jnp.log(s), e, s


def _entropy_kernel(lt_ref, h_ref):
    x = lt_ref[...]
    lse, e, s = _col_logsumexp(x)
    p = e / s
    h_ref[...] = lse - jnp.sum(p * x, axis=0, keepdims=True)


def _kd_kernel(ls_ref, lt_ref, lab_ref, h_ref, sup_ref, kd_ref):
    i = pl.program_id(0)
    ls = ls_ref[...]
    lt = lt_ref[...]
    rows = ls.shape[1]

    h_all = h_ref[...]
    hmean = jnp.mean(h_all)
    wmax = jnp.max(jnp.exp(-2.0 * h_all))
    h_blk = h_ref[:, pl.ds(i * rows, rows)]
    w = jnp.exp(-2.0 * h_blk) / (wmax + EPS)
    tau = 1.0 + 3.0 * jax.nn.sigmoid(2.0 * (h_blk - hmean))

    lse_s, _, _ = _col_logsumexp(ls)
    lab = lab_ref[0, 0, :].reshape(1, rows)
    row = jax.lax.broadcasted_iota(jnp.int32, ls.shape, 0)
    sel = row == lab
    logp_lab = jnp.sum(jnp.where(sel, ls - lse_s, 0.0), axis=0)
    sup_part = -jnp.sum(logp_lab)

    itau = 1.0 / tau
    xt = lt * itau
    xs = ls * itau
    lse_t2, et, st = _col_logsumexp(xt)
    lse_s2, _, _ = _col_logsumexp(xs)
    ptd = jnp.sum(et * (lt - ls), axis=0, keepdims=True) / st
    kl = itau * ptd - lse_t2 + lse_s2
    kd_part = jnp.sum(w * kl * tau * tau)

    @pl.when(i == 0)
    def _():
        sup_ref[0, 0] = 0.0
        kd_ref[0, 0] = 0.0

    sup_ref[0, 0] += sup_part
    kd_ref[0, 0] += kd_part


def _norm_kernel(ft_ref, fs_ref, tn_ref, sn_ref, dir_ref, hub_ref):
    ft = ft_ref[...]
    fs = fs_ref[...]
    nt = jnp.sqrt(jnp.sum(ft * ft, axis=1, keepdims=True))
    ns = jnp.sqrt(jnp.sum(fs * fs, axis=1, keepdims=True))
    tnf = ft / (nt + EPS)
    sn_full = fs / (ns + EPS)
    tn_ref[...] = tnf.astype(jnp.bfloat16)
    sn_ref[...] = jnp.concatenate(
        [sn_full, jnp.zeros((B, DPAD - D), jnp.float32)], axis=1)

    cos_st = jnp.sum(tnf * sn_full, axis=1)
    dir_ref[0, 0] = jnp.sum(1.0 - cos_st)
    rho_t = jnp.maximum(nt[:, 0], EPS)
    rho_s = jnp.maximum(ns[:, 0], EPS)
    dlog = jnp.log(rho_s) - jnp.log(rho_t)
    a = jnp.abs(dlog)
    hub = jnp.where(a < 0.2, 0.5 * dlog * dlog, 0.2 * (a - 0.1))
    hub_ref[0, 0] = jnp.sum(hub)


def _feat_kernel(tn_ref, idx_ref, wn_ref, wsum_ref):
    i = pl.program_id(0)
    rows = ROWS_FT

    tn = tn_ref[...]
    tn_blk = tn_ref[pl.ds(i * rows, rows), :]

    sim = jax.lax.dot_general(tn, tn_blk, (((1,), (1,)), ((), ())),
                              preferred_element_type=jnp.float32)
    cand_r = jax.lax.broadcasted_iota(jnp.int32, sim.shape, 0)
    own_c = jax.lax.broadcasted_iota(jnp.int32, sim.shape, 1) + i * rows
    simb = jnp.where(cand_r == own_c, sim + 2.0, sim + 4.0)

    bits = jax.lax.bitcast_convert_type(simb, jnp.int32)
    key = (bits & jnp.int32(-4096)) | ((B - 1) - cand_r)

    NEGK = jnp.int32(-(2 ** 31))
    G = 32
    key3 = key.reshape(B // G, G, rows)
    gm1 = jnp.max(key3, axis=1)
    gm2 = jnp.max(jnp.where(key3 < gm1[:, None, :], key3, NEGK), axis=1)
    leaders = jnp.concatenate([gm1, gm2], axis=0)

    idx_rows = []
    w_rows = []
    m_prev = None
    for it in range(K):
        cand = leaders if it == 0 else jnp.where(leaders < m_prev, leaders, NEGK)
        mk = jnp.max(cand, axis=0, keepdims=True)
        idx = (B - 1) - (mk & jnp.int32(0xFFF))
        sm = mk & jnp.int32(-4096)
        m32 = jax.lax.bitcast_convert_type(sm, jnp.float32) - 4.0
        wk = jnp.maximum(m32, 0.0) * (m32 >= THR).astype(jnp.float32)
        idx_rows.append(idx)
        w_rows.append(wk)
        m_prev = mk

    idx_cat = jnp.concatenate(idx_rows, axis=0)
    w_cat = jnp.concatenate(w_rows, axis=0)
    wsum = jnp.sum(w_cat, axis=0, keepdims=True)
    zero = wsum <= 0.0
    wn = jnp.where(zero, 1.0 / K, w_cat / jnp.maximum(wsum, EPS))
    idx_ref[0, pl.ds(0, K), :] = idx_cat
    idx_ref[0, pl.ds(K, KPAD - K), :] = jnp.zeros((KPAD - K, rows), jnp.int32)
    wn_ref[0, pl.ds(0, K), :] = wn
    wn_ref[0, pl.ds(K, KPAD - K), :] = jnp.zeros((KPAD - K, rows), jnp.float32)
    wsum_part = jnp.sum(wn)

    @pl.when(i == 0)
    def _():
        wsum_ref[0, 0] = 0.0

    wsum_ref[0, 0] += wsum_part


def _sc_nbr_kernel(su_hbm, idx_hbm, wn_hbm, out_hbm,
                   idx_v, wn_v, own_v, gat_v, acc_v, sem):
    wid = lax.axis_index("s") * 2 + lax.axis_index("c")
    pltpu.sync_copy(idx_hbm.at[wid], idx_v)
    pltpu.sync_copy(wn_hbm.at[wid], wn_v)
    pltpu.sync_copy(su_hbm.at[pl.ds(wid * RPW, RPW)], own_v)
    for k in range(K):
        pltpu.async_copy(
            su_hbm.at[idx_v.at[k]],
            gat_v.at[pl.ds(k * RPW, RPW)], sem).wait()

    def chunk_body(c, acc):
        wk = [wn_v[k, pl.ds(c * LANES, LANES)] for k in range(K)]
        for j in range(LANES):
            r = c * LANES + j
            for k in range(K):
                w = wk[k][j]
                for q in range(D // LANES):
                    acc = acc + w * (own_v[r, pl.ds(q * LANES, LANES)]
                                     * gat_v[k * RPW + r, pl.ds(q * LANES, LANES)])
        return acc

    acc = lax.fori_loop(0, RPW // LANES, chunk_body,
                        jnp.zeros((LANES,), jnp.float32))
    acc_v[...] = acc
    pltpu.sync_copy(acc_v, out_hbm.at[wid])


@functools.cache
def _sc_nbr():
    return functools.partial(
        pl.kernel,
        out_type=jax.ShapeDtypeStruct((NW, LANES), jnp.float32),
        mesh=plsc.VectorSubcoreMesh(core_axis_name="c", subcore_axis_name="s"),
        scratch_types=[
            pltpu.VMEM((KPAD, RPW), jnp.int32),
            pltpu.VMEM((KPAD, RPW), jnp.float32),
            pltpu.VMEM((RPW, DPAD), jnp.float32),
            pltpu.VMEM((K * RPW, DPAD), jnp.float32),
            pltpu.VMEM((LANES,), jnp.float32),
            pltpu.SemaphoreType.DMA,
        ],
    )(_sc_nbr_kernel)


def _sc_call(sn, idx_flat, wn_flat):
    return _sc_nbr()(sn, idx_flat, wn_flat)


@jax.jit
def _run(logits_s, labels, logits_t, feat_s, feat_t, step, total_steps):
    nlg = B // ROWS_LG
    nft = B // ROWS_FT

    tn_bf, sn, dir_sum, hub_sum = pl.pallas_call(
        _norm_kernel,
        in_specs=[
            pl.BlockSpec((B, D), lambda: (0, 0)),
            pl.BlockSpec((B, D), lambda: (0, 0)),
        ],
        out_specs=[
            pl.BlockSpec((B, D), lambda: (0, 0)),
            pl.BlockSpec((B, DPAD), lambda: (0, 0)),
            pl.BlockSpec(memory_space=pltpu.SMEM, block_shape=(1, 1),
                         index_map=lambda: (0, 0)),
            pl.BlockSpec(memory_space=pltpu.SMEM, block_shape=(1, 1),
                         index_map=lambda: (0, 0)),
        ],
        out_shape=[
            jax.ShapeDtypeStruct((B, D), jnp.bfloat16),
            jax.ShapeDtypeStruct((B, DPAD), jnp.float32),
            jax.ShapeDtypeStruct((1, 1), jnp.float32),
            jax.ShapeDtypeStruct((1, 1), jnp.float32),
        ],
    )(feat_t, feat_s)

    idx, wn, wsum_sum = pl.pallas_call(
        _feat_kernel,
        grid=(nft,),
        in_specs=[
            pl.BlockSpec((B, D), lambda i: (0, 0)),
        ],
        out_specs=[
            pl.BlockSpec((1, KPAD, ROWS_FT), lambda i: (i, 0, 0)),
            pl.BlockSpec((1, KPAD, ROWS_FT), lambda i: (i, 0, 0)),
            pl.BlockSpec(memory_space=pltpu.SMEM, block_shape=(1, 1),
                         index_map=lambda i: (0, 0)),
        ],
        out_shape=[
            jax.ShapeDtypeStruct((nft, KPAD, ROWS_FT), jnp.int32),
            jax.ShapeDtypeStruct((nft, KPAD, ROWS_FT), jnp.float32),
            jax.ShapeDtypeStruct((1, 1), jnp.float32),
        ],
    )(tn_bf)

    sc_dots = _sc_call(sn, idx, wn)

    ls_t = logits_s.T
    lt_t = logits_t.T
    h = pl.pallas_call(
        _entropy_kernel,
        grid=(nlg,),
        in_specs=[pl.BlockSpec((C, ROWS_LG), lambda i: (0, i))],
        out_specs=pl.BlockSpec((1, ROWS_LG), lambda i: (0, i)),
        out_shape=jax.ShapeDtypeStruct((1, B), jnp.float32),
    )(lt_t)

    lab3 = labels.reshape(nlg, 1, ROWS_LG)
    sup_sum, kd_sum = pl.pallas_call(
        _kd_kernel,
        grid=(nlg,),
        in_specs=[
            pl.BlockSpec((C, ROWS_LG), lambda i: (0, i)),
            pl.BlockSpec((C, ROWS_LG), lambda i: (0, i)),
            pl.BlockSpec((1, 1, ROWS_LG), lambda i: (i, 0, 0)),
            pl.BlockSpec((1, B), lambda i: (0, 0)),
        ],
        out_specs=[
            pl.BlockSpec(memory_space=pltpu.SMEM, block_shape=(1, 1),
                         index_map=lambda i: (0, 0)),
            pl.BlockSpec(memory_space=pltpu.SMEM, block_shape=(1, 1),
                         index_map=lambda i: (0, 0)),
        ],
        out_shape=[jax.ShapeDtypeStruct((1, 1), jnp.float32),
                   jax.ShapeDtypeStruct((1, 1), jnp.float32)],
    )(ls_t, lt_t, lab3, h)

    loss_sup = sup_sum[0, 0] / B
    loss_kd = kd_sum[0, 0] / B
    loss_geom = dir_sum[0, 0] / B + 0.5 * (hub_sum[0, 0] / B)
    loss_nbr = (wsum_sum[0, 0] - jnp.sum(sc_dots)) / B

    t = step / total_steps
    s_sched = jax.nn.sigmoid(jnp.asarray(8.0 * (t - 0.15), dtype=jnp.float32))
    lam_geom = 0.5 * s_sched
    lam_nbr = 0.25 * s_sched
    loss_total = loss_sup + loss_kd + lam_geom * loss_geom + lam_nbr * loss_nbr
    return loss_total, loss_sup, loss_kd, loss_geom, loss_nbr


def kernel(logits_s, labels, logits_t, feat_s, feat_t, step, total_steps):
    return _run(logits_s, labels, logits_t, feat_s, feat_t, step, total_steps)

# --- scband reference (transcript-rebuilt; emitter-appended) ---
"""Pipeline reference for scband-sandkdloss-7275674600209 (READ-ONLY COPY).

The authoritative reference and input builder live on the scoring server;
editing this copy changes nothing except your own understanding.
"""

import jax, jax.numpy as jnp
import numpy as np

EPS = 1e-12


def _entropy_from_logits(logits):
    logp = jax.nn.log_softmax(logits, axis=-1)
    return -(jnp.exp(logp) * logp).sum(axis=-1)


def _kl_with_temperature(t_logits, s_logits, tau):
    tau2 = tau.reshape(-1, 1)
    t_logp = jax.nn.log_softmax(t_logits / tau2, axis=-1)
    s_logp = jax.nn.log_softmax(s_logits / tau2, axis=-1)
    kl = (jnp.exp(t_logp) * (t_logp - s_logp)).sum(axis=-1)
    return kl * (tau ** 2)


def _huber(x, delta):
    a = jnp.abs(x)
    return jnp.where(a < delta, 0.5 * x * x, delta * (a - 0.5 * delta))


def _topk_neighbors_teacher(t_feat, k_neighbors=5, thr=0.6):
    t_u = t_feat / (jnp.linalg.norm(t_feat, axis=-1, keepdims=True) + EPS)
    sim = t_u @ t_u.T
    B = sim.shape[0]
    idx = jnp.arange(B)
    sim = sim.at[idx, idx].add(-2.0)
    K = min(k_neighbors, max(B - 1, 1))
    topk_sim, topk_idx = jax.lax.top_k(sim, K)
    mask = (topk_sim >= thr).astype(jnp.float32)
    weights = jnp.maximum(topk_sim, 0.0) * mask
    zero_rows = weights.sum(axis=-1, keepdims=True) <= 0
    weights = jnp.where(zero_rows, jnp.full_like(weights, 1.0 / K), weights)
    return topk_idx, weights


def _forward(logits_s, labels, logits_t, feat_s, feat_t, step, total_steps):
    # sup CE
    logp_s = jax.nn.log_softmax(logits_s, axis=-1)
    loss_sup = -jnp.take_along_axis(logp_s, labels[:, None].astype(jnp.int32), axis=1)[:, 0].mean()
    # soft KD with uncertainty weighting + adaptive temperature (teacher stats detached)
    H = jax.lax.stop_gradient(_entropy_from_logits(logits_t))
    w = jnp.exp(-2.0 * H)
    w = w / (w.max() + EPS)
    Hc = H - H.mean()
    tau = 1.0 + (4.0 - 1.0) * jax.nn.sigmoid(2.0 * Hc)
    w = jax.lax.stop_gradient(w)
    tau = jax.lax.stop_gradient(tau)
    kl_per = _kl_with_temperature(logits_t, logits_s, tau)
    loss_kd = (w * kl_per).mean()
    # geom: direction cosine + log-norm Huber
    tn = feat_t / (jnp.linalg.norm(feat_t, axis=-1, keepdims=True) + EPS)
    sn = feat_s / (jnp.linalg.norm(feat_s, axis=-1, keepdims=True) + EPS)
    cos_sim = (tn * sn).sum(axis=-1)
    dir_loss = (1.0 - cos_sim).mean()
    rho_t = jnp.maximum(jnp.linalg.norm(feat_t, axis=-1), EPS)
    rho_s = jnp.maximum(jnp.linalg.norm(feat_s, axis=-1), EPS)
    dlog = jnp.log(rho_s) - jnp.log(rho_t)
    huber = _huber(dlog, 0.2).mean()
    loss_geom = dir_loss + 0.5 * huber
    # neighbor consistency (teacher top-k knn, no_grad)
    nbr_idx, weights = _topk_neighbors_teacher(jax.lax.stop_gradient(feat_t))
    s_u = feat_s / (jnp.linalg.norm(feat_s, axis=-1, keepdims=True) + EPS)
    s_u_j = s_u[nbr_idx]
    cos_ij = (s_u[:, None, :] * s_u_j).sum(axis=-1)
    loss_ij = (1.0 - cos_ij) * weights
    denom = jnp.maximum(weights.sum(axis=-1, keepdims=True), EPS)
    loss_nbr = (loss_ij / denom).sum(axis=-1).mean()
    # sigmoid schedule
    t = step / total_steps
    s_geom = jax.nn.sigmoid(jnp.asarray(8.0 * (t - 0.15), dtype=jnp.float32))
    s_nbr = jax.nn.sigmoid(jnp.asarray(8.0 * (t - 0.15), dtype=jnp.float32))
    lam_geom = 0.5 * s_geom
    lam_nbr = 0.25 * s_nbr
    loss_total = 1.0 * loss_sup + 1.0 * loss_kd + lam_geom * loss_geom + lam_nbr * loss_nbr
    return loss_total, loss_sup, loss_kd, loss_geom, loss_nbr


def setup_inputs(seed: int = 0):
    key = jax.random.key(seed)
    ks = jax.random.split(key, 5)
    B, C, D = 4096, 1000, 64
    return {
        "logits_s": jax.random.normal(ks[0], (B, C), dtype=jnp.float32),
        "labels": jax.random.randint(ks[1], (B,), 0, C, dtype=jnp.int32),
        "logits_t": jax.random.normal(ks[2], (B, C), dtype=jnp.float32),
        "feat_s": jax.random.normal(ks[3], (B, D), dtype=jnp.float32),
        "feat_t": jax.random.normal(ks[4], (B, D), dtype=jnp.float32),
        "step": 1000,
        "total_steps": 10000,
    }


def reference(logits_s, labels, logits_t, feat_s, feat_t, step, total_steps):
    return _forward(logits_s, labels, logits_t, feat_s, feat_t, step, total_steps)

if __name__ == "__main__":
    import jax
    _d = setup_inputs()
    print(jax.jit(kernel)(*tuple(_d.values())))

</pallas_src>

<mosaic_0001>
#map = affine_map<(d0, d1) -> (0, 0)>
#map1 = affine_map<(d0, d1) -> (0, 0, 0)>
module attributes {stable_mosaic.version = 14 : i64} {
  func.func @_sc_nbr_kernel(%arg0: i32, %arg1: i32, %arg2: memref<4096x128xf32, #tpu.memory_space<hbm>>, %arg3: memref<32x8x128xi32, #tpu.memory_space<hbm>>, %arg4: memref<32x8x128xf32, #tpu.memory_space<hbm>>, %arg5: memref<32x16xf32, #tpu.memory_space<hbm>>, %arg6: memref<8x128xi32, #tpu.memory_space<vmem>>, %arg7: memref<8x128xf32, #tpu.memory_space<vmem>>, %arg8: memref<128x128xf32, #tpu.memory_space<vmem>>, %arg9: memref<640x128xf32, #tpu.memory_space<vmem>>, %arg10: memref<16xf32, #tpu.memory_space<vmem>>, %arg11: memref<!tpu.dma_semaphore, #tpu.memory_space<semaphore_mem>>) attributes {dimension_semantics = [#tpu.dimension_semantics<core_parallel>, #tpu.dimension_semantics<subcore_parallel>], iteration_bounds = array<i64: 2, 16>, scalar_prefetch = 0 : i64, scratch_operands = 6 : i64, tpu.core_type = #tpu.core_type<sc_vector_subcore>, window_params = [{transform_indices = #map}, {transform_indices = #map1}, {transform_indices = #map1}, {transform_indices = #map}]} {
    %mul3A = arith.constant 2 : i32
    %mul3A_0 = arith.muli %arg1, %mul3A : i32
    %add3A = arith.addi %mul3A_0, %arg0 : i32
    "tpu.region"() ({
      %run_scoped3A = tpu.sem_alloc : memref<!tpu.dma_semaphore, #tpu.memory_space<semaphore_mem>>
      %dma_start3A_110 = arith.constant 0 : i32
      %dma_start3A_111 = arith.constant 0 : i32
      %dma_start3A_112 = tpu.memref_slice %arg3[%add3A, %dma_start3A_110, %dma_start3A_111] : memref<32x8x128xi32, #tpu.memory_space<hbm>> -> memref<1x8x128xi32, #tpu.memory_space<hbm>>
      %dma_start3A_113 = tpu.memref_squeeze %dma_start3A_112 : memref<1x8x128xi32, #tpu.memory_space<hbm>> -> memref<8x128xi32, #tpu.memory_space<hbm>>
      %dma_start3A_114 = arith.constant 0 : i32
      %dma_start3A_115 = arith.constant 0 : i32
      %dma_start3A_116 = tpu.memref_slice %arg3[%add3A, %dma_start3A_114, %dma_start3A_115] : memref<32x8x128xi32, #tpu.memory_space<hbm>> -> memref<1x8x128xi32, #tpu.memory_space<hbm>>
      %dma_start3A_117 = tpu.memref_squeeze %dma_start3A_116 : memref<1x8x128xi32, #tpu.memory_space<hbm>> -> memref<8x128xi32, #tpu.memory_space<hbm>>
      tpu.enqueue_dma source(%dma_start3A_117 : memref<8x128xi32, #tpu.memory_space<hbm>>) target(%arg6 : memref<8x128xi32, #tpu.memory_space<vmem>>) target_semaphore(%run_scoped3A : memref<!tpu.dma_semaphore, #tpu.memory_space<semaphore_mem>>)
      %dma_wait3A_118 = arith.constant 0 : i32
      %dma_wait3A_119 = arith.constant 0 : i32
      %dma_wait3A_120 = tpu.memref_slice %arg3[%add3A, %dma_wait3A_118, %dma_wait3A_119] : memref<32x8x128xi32, #tpu.memory_space<hbm>> -> memref<1x8x128xi32, #tpu.memory_space<hbm>>
      %dma_wait3A_121 = tpu.memref_squeeze %dma_wait3A_120 : memref<1x8x128xi32, #tpu.memory_space<hbm>> -> memref<8x128xi32, #tpu.memory_space<hbm>>
      %dma_wait3A_122 = arith.constant 0 : i32
      %dma_wait3A_123 = arith.constant 0 : i32
      %dma_wait3A_124 = tpu.memref_slice %arg3[%add3A, %dma_wait3A_122, %dma_wait3A_123] : memref<32x8x128xi32, #tpu.memory_space<hbm>> -> memref<1x8x128xi32, #tpu.memory_space<hbm>>
      %dma_wait3A_125 = tpu.memref_squeeze %dma_wait3A_124 : memref<1x8x128xi32, #tpu.memory_space<hbm>> -> memref<8x128xi32, #tpu.memory_space<hbm>>
      tpu.wait_dma2 semaphore(%run_scoped3A : memref<!tpu.dma_semaphore, #tpu.memory_space<semaphore_mem>>) src(%dma_wait3A_125 : memref<8x128xi32, #tpu.memory_space<hbm>>) dst(%arg6 : memref<8x128xi32, #tpu.memory_space<vmem>>)
      tpu.yield
    }) : () -> ()
    "tpu.region"() ({
      %run_scoped3A = tpu.sem_alloc : memref<!tpu.dma_semaphore, #tpu.memory_space<semaphore_mem>>
      %dma_start3A_110 = arith.constant 0 : i32
      %dma_start3A_111 = arith.constant 0 : i32
      %dma_start3A_112 = tpu.memref_slice %arg4[%add3A, %dma_start3A_110, %dma_start3A_111] : memref<32x8x128xf32, #tpu.memory_space<hbm>> -> memref<1x8x128xf32, #tpu.memory_space<hbm>>
      %dma_start3A_113 = tpu.memref_squeeze %dma_start3A_112 : memref<1x8x128xf32, #tpu.memory_space<hbm>> -> memref<8x128xf32, #tpu.memory_space<hbm>>
      %dma_start3A_114 = arith.constant 0 : i32
      %dma_start3A_115 = arith.constant 0 : i32
      %dma_start3A_116 = tpu.memref_slice %arg4[%add3A, %dma_start3A_114, %dma_start3A_115] : memref<32x8x128xf32, #tpu.memory_space<hbm>> -> memref<1x8x128xf32, #tpu.memory_space<hbm>>
      %dma_start3A_117 = tpu.memref_squeeze %dma_start3A_116 : memref<1x8x128xf32, #tpu.memory_space<hbm>> -> memref<8x128xf32, #tpu.memory_space<hbm>>
      tpu.enqueue_dma source(%dma_start3A_117 : memref<8x128xf32, #tpu.memory_space<hbm>>) target(%arg7 : memref<8x128xf32, #tpu.memory_space<vmem>>) target_semaphore(%run_scoped3A : memref<!tpu.dma_semaphore, #tpu.memory_space<semaphore_mem>>)
      %dma_wait3A_118 = arith.constant 0 : i32
      %dma_wait3A_119 = arith.constant 0 : i32
      %dma_wait3A_120 = tpu.memref_slice %arg4[%add3A, %dma_wait3A_118, %dma_wait3A_119] : memref<32x8x128xf32, #tpu.memory_space<hbm>> -> memref<1x8x128xf32, #tpu.memory_space<hbm>>
      %dma_wait3A_121 = tpu.memref_squeeze %dma_wait3A_120 : memref<1x8x128xf32, #tpu.memory_space<hbm>> -> memref<8x128xf32, #tpu.memory_space<hbm>>
      %dma_wait3A_122 = arith.constant 0 : i32
      %dma_wait3A_123 = arith.constant 0 : i32
      %dma_wait3A_124 = tpu.memref_slice %arg4[%add3A, %dma_wait3A_122, %dma_wait3A_123] : memref<32x8x128xf32, #tpu.memory_space<hbm>> -> memref<1x8x128xf32, #tpu.memory_space<hbm>>
      %dma_wait3A_125 = tpu.memref_squeeze %dma_wait3A_124 : memref<1x8x128xf32, #tpu.memory_space<hbm>> -> memref<8x128xf32, #tpu.memory_space<hbm>>
      tpu.wait_dma2 semaphore(%run_scoped3A : memref<!tpu.dma_semaphore, #tpu.memory_space<semaphore_mem>>) src(%dma_wait3A_125 : memref<8x128xf32, #tpu.memory_space<hbm>>) dst(%arg7 : memref<8x128xf32, #tpu.memory_space<vmem>>)
      tpu.yield
    }) : () -> ()
    %mul3A_1 = arith.constant 128 : i32
    %mul3A_2 = arith.muli %add3A, %mul3A_1 : i32
    "tpu.region"() ({
      %run_scoped3A = tpu.sem_alloc : memref<!tpu.dma_semaphore, #tpu.memory_space<semaphore_mem>>
      %dma_start3A_110 = arith.constant 0 : i32
      %dma_start3A_111 = tpu.memref_slice %arg2[%mul3A_2, %dma_start3A_110] : memref<4096x128xf32, #tpu.memory_space<hbm>> -> memref<128x128xf32, #tpu.memory_space<hbm>>
      %dma_start3A_112 = arith.constant 0 : i32
      %dma_start3A_113 = tpu.memref_slice %arg2[%mul3A_2, %dma_start3A_112] : memref<4096x128xf32, #tpu.memory_space<hbm>> -> memref<128x128xf32, #tpu.memory_space<hbm>>
      tpu.enqueue_dma source(%dma_start3A_113 : memref<128x128xf32, #tpu.memory_space<hbm>>) target(%arg8 : memref<128x128xf32, #tpu.memory_space<vmem>>) target_semaphore(%run_scoped3A : memref<!tpu.dma_semaphore, #tpu.memory_space<semaphore_mem>>)
      %dma_wait3A_114 = arith.constant 0 : i32
      %dma_wait3A_115 = tpu.memref_slice %arg2[%mul3A_2, %dma_wait3A_114] : memref<4096x128xf32, #tpu.memory_space<hbm>> -> memref<128x128xf32, #tpu.memory_space<hbm>>
      %dma_wait3A_116 = arith.constant 0 : i32
      %dma_wait3A_117 = tpu.memref_slice %arg2[%mul3A_2, %dma_wait3A_116] : memref<4096x128xf32, #tpu.memory_space<hbm>> -> memref<128x128xf32, #tpu.memory_space<hbm>>
      tpu.wait_dma2 semaphore(%run_scoped3A : memref<!tpu.dma_semaphore, #tpu.memory_space<semaphore_mem>>) src(%dma_wait3A_117 : memref<128x128xf32, #tpu.memory_space<hbm>>) dst(%arg8 : memref<128x128xf32, #tpu.memory_space<vmem>>)
      tpu.yield
    }) : () -> ()
    %dma_start3A = arith.constant 0 : i32
    %dma_start3A_3 = arith.constant 0 : i32
    %dma_start3A_4 = arith.constant 0 : i32
    %dma_start3A_5 = tpu.memref_slice %arg9[%dma_start3A_3, %dma_start3A_4] : memref<640x128xf32, #tpu.memory_space<vmem>> -> memref<128x128xf32, #tpu.memory_space<vmem>>
    %dma_start3A_6 = arith.constant 0 : i32
    %dma_start3A_7 = tpu.memref_slice %arg6[%dma_start3A, %dma_start3A_6] : memref<8x128xi32, #tpu.memory_space<vmem>> -> memref<1x128xi32, #tpu.memory_space<vmem>>
    %dma_start3A_8 = tpu.memref_squeeze %dma_start3A_7 : memref<1x128xi32, #tpu.memory_space<vmem>> -> memref<128xi32, #tpu.memory_space<vmem>>
    %dma_start3A_9 = arith.constant 0 : i32
    %dma_start3A_10 = arith.constant 0 : i32
    %dma_start3A_11 = tpu.memref_slice %arg2[%dma_start3A_9, %dma_start3A_10] : memref<4096x128xf32, #tpu.memory_space<hbm>> -> memref<4096x128xf32, #tpu.memory_space<hbm>>
    tpu.enqueue_indirect_dma source(%dma_start3A_11 : memref<4096x128xf32, #tpu.memory_space<hbm>>) target(%dma_start3A_5 : memref<128x128xf32, #tpu.memory_space<vmem>>) offsets(%dma_start3A_8 : memref<128xi32, #tpu.memory_space<vmem>>) semaphore(%arg11 : memref<!tpu.dma_semaphore, #tpu.memory_space<semaphore_mem>>)
    %dma_wait3A = arith.constant 0 : i32
    %dma_wait3A_12 = arith.constant 0 : i32
    %dma_wait3A_13 = arith.constant 0 : i32
    %dma_wait3A_14 = tpu.memref_slice %arg9[%dma_wait3A_12, %dma_wait3A_13] : memref<640x128xf32, #tpu.memory_space<vmem>> -> memref<128x128xf32, #tpu.memory_space<vmem>>
    %dma_wait3A_15 = arith.constant 0 : i32
    %dma_wait3A_16 = tpu.memref_slice %arg6[%dma_wait3A, %dma_wait3A_15] : memref<8x128xi32, #tpu.memory_space<vmem>> -> memref<1x128xi32, #tpu.memory_space<vmem>>
    %dma_wait3A_17 = tpu.memref_squeeze %dma_wait3A_16 : memref<1x128xi32, #tpu.memory_space<vmem>> -> memref<128xi32, #tpu.memory_space<vmem>>
    %dma_wait3A_18 = arith.constant 0 : i32
    %dma_wait3A_19 = arith.constant 0 : i32
    %dma_wait3A_20 = tpu.memref_slice %arg2[%dma_wait3A_18, %dma_wait3A_19] : memref<4096x128xf32, #tpu.memory_space<hbm>> -> memref<4096x128xf32, #tpu.memory_space<hbm>>
    tpu.wait_indirect_dma semaphore(%arg11 : memref<!tpu.dma_semaphore, #tpu.memory_space<semaphore_mem>>) src(%dma_wait3A_20 : memref<4096x128xf32, #tpu.memory_space<hbm>>) dst(%dma_wait3A_14 : memref<128x128xf32, #tpu.memory_space<vmem>>)
    %dma_start3A_21 = arith.constant 1 : i32
    %dma_start3A_22 = arith.constant 128 : i32
    %dma_start3A_23 = arith.constant 0 : i32
    %dma_start3A_24 = tpu.memref_slice %arg9[%dma_start3A_22, %dma_start3A_23] : memref<640x128xf32, #tpu.memory_space<vmem>> -> memref<128x128xf32, #tpu.memory_space<vmem>>
    %dma_start3A_25 = arith.constant 0 : i32
    %dma_start3A_26 = tpu.memref_slice %arg6[%dma_start3A_21, %dma_start3A_25] : memref<8x128xi32, #tpu.memory_space<vmem>> -> memref<1x128xi32, #tpu.memory_space<vmem>>
    %dma_start3A_27 = tpu.memref_squeeze %dma_start3A_26 : memref<1x128xi32, #tpu.memory_space<vmem>> -> memref<128xi32, #tpu.memory_space<vmem>>
    %dma_start3A_28 = arith.constant 0 : i32
    %dma_start3A_29 = arith.constant 0 : i32
    %dma_start3A_30 = tpu.memref_slice %arg2[%dma_start3A_28, %dma_start3A_29] : memref<4096x128xf32, #tpu.memory_space<hbm>> -> memref<4096x128xf32, #tpu.memory_space<hbm>>
    tpu.enqueue_indirect_dma source(%dma_start3A_30 : memref<4096x128xf32, #tpu.memory_space<hbm>>) target(%dma_start3A_24 : memref<128x128xf32, #tpu.memory_space<vmem>>) offsets(%dma_start3A_27 : memref<128xi32, #tpu.memory_space<vmem>>) semaphore(%arg11 : memref<!tpu.dma_semaphore, #tpu.memory_space<semaphore_mem>>)
    %dma_wait3A_31 = arith.constant 1 : i32
    %dma_wait3A_32 = arith.constant 128 : i32
    %dma_wait3A_33 = arith.constant 0 : i32
    %dma_wait3A_34 = tpu.memref_slice %arg9[%dma_wait3A_32, %dma_wait3A_33] : memref<640x128xf32, #tpu.memory_space<vmem>> -> memref<128x128xf32, #tpu.memory_space<vmem>>
    %dma_wait3A_35 = arith.constant 0 : i32
    %dma_wait3A_36 = tpu.memref_slice %arg6[%dma_wait3A_31, %dma_wait3A_35] : memref<8x128xi32, #tpu.memory_space<vmem>> -> memref<1x128xi32, #tpu.memory_space<vmem>>
    %dma_wait3A_37 = tpu.memref_squeeze %dma_wait3A_36 : memref<1x128xi32, #tpu.memory_space<vmem>> -> memref<128xi32, #tpu.memory_space<vmem>>
    %dma_wait3A_38 = arith.constant 0 : i32
    %dma_wait3A_39 = arith.constant 0 : i32
    %dma_wait3A_40 = tpu.memref_slice %arg2[%dma_wait3A_38, %dma_wait3A_39] : memref<4096x128xf32, #tpu.memory_space<hbm>> -> memref<4096x128xf32, #tpu.memory_space<hbm>>
    tpu.wait_indirect_dma semaphore(%arg11 : memref<!tpu.dma_semaphore, #tpu.memory_space<semaphore_mem>>) src(%dma_wait3A_40 : memref<4096x128xf32, #tpu.memory_space<hbm>>) dst(%dma_wait3A_34 : memref<128x128xf32, #tpu.memory_space<vmem>>)
    %dma_start3A_41 = arith.constant 2 : i32
    %dma_start3A_42 = arith.constant 256 : i32
    %dma_start3A_43 = arith.constant 0 : i32
    %dma_start3A_44 = tpu.memref_slice %arg9[%dma_start3A_42, %dma_start3A_43] : memref<640x128xf32, #tpu.memory_space<vmem>> -> memref<128x128xf32, #tpu.memory_space<vmem>>
    %dma_start3A_45 = arith.constant 0 : i32
    %dma_start3A_46 = tpu.memref_slice %arg6[%dma_start3A_41, %dma_start3A_45] : memref<8x128xi32, #tpu.memory_space<vmem>> -> memref<1x128xi32, #tpu.memory_space<vmem>>
    %dma_start3A_47 = tpu.memref_squeeze %dma_start3A_46 : memref<1x128xi32, #tpu.memory_space<vmem>> -> memref<128xi32, #tpu.memory_space<vmem>>
    %dma_start3A_48 = arith.constant 0 : i32
    %dma_start3A_49 = arith.constant 0 : i32
    %dma_start3A_50 = tpu.memref_slice %arg2[%dma_start3A_48, %dma_start3A_49] : memref<4096x128xf32, #tpu.memory_space<hbm>> -> memref<4096x128xf32, #tpu.memory_space<hbm>>
    tpu.enqueue_indirect_dma source(%dma_start3A_50 : memref<4096x128xf32, #tpu.memory_space<hbm>>) target(%dma_start3A_44 : memref<128x128xf32, #tpu.memory_space<vmem>>) offsets(%dma_start3A_47 : memref<128xi32, #tpu.memory_space<vmem>>) semaphore(%arg11 : memref<!tpu.dma_semaphore, #tpu.memory_space<semaphore_mem>>)
    %dma_wait3A_51 = arith.constant 2 : i32
    %dma_wait3A_52 = arith.constant 256 : i32
    %dma_wait3A_53 = arith.constant 0 : i32
    %dma_wait3A_54 = tpu.memref_slice %arg9[%dma_wait3A_52, %dma_wait3A_53] : memref<640x128xf32, #tpu.memory_space<vmem>> -> memref<128x128xf32, #tpu.memory_space<vmem>>
    %dma_wait3A_55 = arith.constant 0 : i32
    %dma_wait3A_56 = tpu.memref_slice %arg6[%dma_wait3A_51, %dma_wait3A_55] : memref<8x128xi32, #tpu.memory_space<vmem>> -> memref<1x128xi32, #tpu.memory_space<vmem>>
    %dma_wait3A_57 = tpu.memref_squeeze %dma_wait3A_56 : memref<1x128xi32, #tpu.memory_space<vmem>> -> memref<128xi32, #tpu.memory_space<vmem>>
    %dma_wait3A_58 = arith.constant 0 : i32
    %dma_wait3A_59 = arith.constant 0 : i32
    %dma_wait3A_60 = tpu.memref_slice %arg2[%dma_wait3A_58, %dma_wait3A_59] : memref<4096x128xf32, #tpu.memory_space<hbm>> -> memref<4096x128xf32, #tpu.memory_space<hbm>>
    tpu.wait_indirect_dma semaphore(%arg11 : memref<!tpu.dma_semaphore, #tpu.memory_space<semaphore_mem>>) src(%dma_wait3A_60 : memref<4096x128xf32, #tpu.memory_space<hbm>>) dst(%dma_wait3A_54 : memref<128x128xf32, #tpu.memory_space<vmem>>)
    %dma_start3A_61 = arith.constant 3 : i32
    %dma_start3A_62 = arith.constant 384 : i32
    %dma_start3A_63 = arith.constant 0 : i32
    %dma_start3A_64 = tpu.memref_slice %arg9[%dma_start3A_62, %dma_start3A_63] : memref<640x128xf32, #tpu.memory_space<vmem>> -> memref<128x128xf32, #tpu.memory_space<vmem>>
    %dma_start3A_65 = arith.constant 0 : i32
    %dma_start3A_66 = tpu.memref_slice %arg6[%dma_start3A_61, %dma_start3A_65] : memref<8x128xi32, #tpu.memory_space<vmem>> -> memref<1x128xi32, #tpu.memory_space<vmem>>
    %dma_start3A_67 = tpu.memref_squeeze %dma_start3A_66 : memref<1x128xi32, #tpu.memory_space<vmem>> -> memref<128xi32, #tpu.memory_space<vmem>>
    %dma_start3A_68 = arith.constant 0 : i32
    %dma_start3A_69 = arith.constant 0 : i32
    %dma_start3A_70 = tpu.memref_slice %arg2[%dma_start3A_68, %dma_start3A_69] : memref<4096x128xf32, #tpu.memory_space<hbm>> -> memref<4096x128xf32, #tpu.memory_space<hbm>>
    tpu.enqueue_indirect_dma source(%dma_start3A_70 : memref<4096x128xf32, #tpu.memory_space<hbm>>) target(%dma_start3A_64 : memref<128x128xf32, #tpu.memory_space<vmem>>) offsets(%dma_start3A_67 : memref<128xi32, #tpu.memory_space<vmem>>) semaphore(%arg11 : memref<!tpu.dma_semaphore, #tpu.memory_space<semaphore_mem>>)
    %dma_wait3A_71 = arith.constant 3 : i32
    %dma_wait3A_72 = arith.constant 384 : i32
    %dma_wait3A_73 = arith.constant 0 : i32
    %dma_wait3A_74 = tpu.memref_slice %arg9[%dma_wait3A_72, %dma_wait3A_73] : memref<640x128xf32, #tpu.memory_space<vmem>> -> memref<128x128xf32, #tpu.memory_space<vmem>>
    %dma_wait3A_75 = arith.constant 0 : i32
    %dma_wait3A_76 = tpu.memref_slice %arg6[%dma_wait3A_71, %dma_wait3A_75] : memref<8x128xi32, #tpu.memory_space<vmem>> -> memref<1x128xi32, #tpu.memory_space<vmem>>
    %dma_wait3A_77 = tpu.memref_squeeze %dma_wait3A_76 : memref<1x128xi32, #tpu.memory_space<vmem>> -> memref<128xi32, #tpu.memory_space<vmem>>
    %dma_wait3A_78 = arith.constant 0 : i32
    %dma_wait3A_79 = arith.constant 0 : i32
    %dma_wait3A_80 = tpu.memref_slice %arg2[%dma_wait3A_78, %dma_wait3A_79] : memref<4096x128xf32, #tpu.memory_space<hbm>> -> memref<4096x128xf32, #tpu.memory_space<hbm>>
    tpu.wait_indirect_dma semaphore(%arg11 : memref<!tpu.dma_semaphore, #tpu.memory_space<semaphore_mem>>) src(%dma_wait3A_80 : memref<4096x128xf32, #tpu.memory_space<hbm>>) dst(%dma_wait3A_74 : memref<128x128xf32, #tpu.memory_space<vmem>>)
    %dma_start3A_81 = arith.constant 4 : i32
    %dma_start3A_82 = arith.constant 512 : i32
    %dma_start3A_83 = arith.constant 0 : i32
    %dma_start3A_84 = tpu.memref_slice %arg9[%dma_start3A_82, %dma_start3A_83] : memref<640x128xf32, #tpu.memory_space<vmem>> -> memref<128x128xf32, #tpu.memory_space<vmem>>
    %dma_start3A_85 = arith.constant 0 : i32
    %dma_start3A_86 = tpu.memref_slice %arg6[%dma_start3A_81, %dma_start3A_85] : memref<8x128xi32, #tpu.memory_space<vmem>> -> memref<1x128xi32, #tpu.memory_space<vmem>>
    %dma_start3A_87 = tpu.memref_squeeze %dma_start3A_86 : memref<1x128xi32, #tpu.memory_space<vmem>> -> memref<128xi32, #tpu.memory_space<vmem>>
    %dma_start3A_88 = arith.constant 0 : i32
    %dma_start3A_89 = arith.constant 0 : i32
    %dma_start3A_90 = tpu.memref_slice %arg2[%dma_start3A_88, %dma_start3A_89] : memref<4096x128xf32, #tpu.memory_space<hbm>> -> memref<4096x128xf32, #tpu.memory_space<hbm>>
    tpu.enqueue_indirect_dma source(%dma_start3A_90 : memref<4096x128xf32, #tpu.memory_space<hbm>>) target(%dma_start3A_84 : memref<128x128xf32, #tpu.memory_space<vmem>>) offsets(%dma_start3A_87 : memref<128xi32, #tpu.memory_space<vmem>>) semaphore(%arg11 : memref<!tpu.dma_semaphore, #tpu.memory_space<semaphore_mem>>)
    %dma_wait3A_91 = arith.constant 4 : i32
    %dma_wait3A_92 = arith.constant 512 : i32
    %dma_wait3A_93 = arith.constant 0 : i32
    %dma_wait3A_94 = tpu.memref_slice %arg9[%dma_wait3A_92, %dma_wait3A_93] : memref<640x128xf32, #tpu.memory_space<vmem>> -> memref<128x128xf32, #tpu.memory_space<vmem>>
    %dma_wait3A_95 = arith.constant 0 : i32
    %dma_wait3A_96 = tpu.memref_slice %arg6[%dma_wait3A_91, %dma_wait3A_95] : memref<8x128xi32, #tpu.memory_space<vmem>> -> memref<1x128xi32, #tpu.memory_space<vmem>>
    %dma_wait3A_97 = tpu.memref_squeeze %dma_wait3A_96 : memref<1x128xi32, #tpu.memory_space<vmem>> -> memref<128xi32, #tpu.memory_space<vmem>>
    %dma_wait3A_98 = arith.constant 0 : i32
    %dma_wait3A_99 = arith.constant 0 : i32
    %dma_wait3A_100 = tpu.memref_slice %arg2[%dma_wait3A_98, %dma_wait3A_99] : memref<4096x128xf32, #tpu.memory_space<hbm>> -> memref<4096x128xf32, #tpu.memory_space<hbm>>
    tpu.wait_indirect_dma semaphore(%arg11 : memref<!tpu.dma_semaphore, #tpu.memory_space<semaphore_mem>>) src(%dma_wait3A_100 : memref<4096x128xf32, #tpu.memory_space<hbm>>) dst(%dma_wait3A_94 : memref<128x128xf32, #tpu.memory_space<vmem>>)
    %broadcast_in_dim3A = arith.constant 0.000000e+00 : f32
    %broadcast_in_dim3A_101 = vector.broadcast %broadcast_in_dim3A : f32 to vector<16xf32>
    %scan3A = arith.constant 0 : i32
    %scan3A_102 = arith.constant 8 : i32
    %scan3A_103 = arith.addi %scan3A, %scan3A_102 : i32
    %scan3A_104 = arith.constant 1 : i32
    %scan3A_105 = scf.for %scan3A_110 = %scan3A to %scan3A_103 step %scan3A_104 iter_args(%scan3A_111 = %broadcast_in_dim3A_101) -> (vector<16xf32>)  : i32 {
      %mul3A_112 = arith.constant 16 : i32
      %mul3A_113 = arith.muli %scan3A_110, %mul3A_112 : i32
      %get3A = arith.constant 0 : i32
      %get3A_114 = arith.index_cast %get3A : i32 to index
      %get3A_115 = arith.index_cast %mul3A_113 : i32 to index
      %get3A_116 = tpu.vector_load %arg7[%get3A_114, %get3A_115] {strides = array<i32>} : memref<8x128xf32, #tpu.memory_space<vmem>>, vector<1x16xf32>,
      %get3A_117 = vector.shape_cast %get3A_116 : vector<1x16xf32> to vector<16xf32>
      %mul3A_118 = arith.constant 16 : i32
      %mul3A_119 = arith.muli %scan3A_110, %mul3A_118 : i32
      %get3A_120 = arith.constant 1 : i32
      %get3A_121 = arith.index_cast %get3A_120 : i32 to index
      %get3A_122 = arith.index_cast %mul3A_119 : i32 to index
      %get3A_123 = tpu.vector_load %arg7[%get3A_121, %get3A_122] {strides = array<i32>} : memref<8x128xf32, #tpu.memory_space<vmem>>, vector<1x16xf32>,
      %get3A_124 = vector.shape_cast %get3A_123 : vector<1x16xf32> to vector<16xf32>
      %mul3A_125 = arith.constant 16 : i32
      %mul3A_126 = arith.muli %scan3A_110, %mul3A_125 : i32
      %get3A_127 = arith.constant 2 : i32
      %get3A_128 = arith.index_cast %get3A_127 : i32 to index
      %get3A_129 = arith.index_cast %mul3A_126 : i32 to index
      %get3A_130 = tpu.vector_load %arg7[%get3A_128, %get3A_129] {strides = array<i32>} : memref<8x128xf32, #tpu.memory_space<vmem>>, vector<1x16xf32>,
      %get3A_131 = vector.shape_cast %get3A_130 : vector<1x16xf32> to vector<16xf32>
      %mul3A_132 = arith.constant 16 : i32
      %mul3A_133 = arith.muli %scan3A_110, %mul3A_132 : i32
      %get3A_134 = arith.constant 3 : i32
      %get3A_135 = arith.index_cast %get3A_134 : i32 to index
      %get3A_136 = arith.index_cast %mul3A_133 : i32 to index
      %get3A_137 = tpu.vector_load %arg7[%get3A_135, %get3A_136] {strides = array<i32>} : memref<8x128xf32, #tpu.memory_space<vmem>>, vector<1x16xf32>,
      %get3A_138 = vector.shape_cast %get3A_137 : vector<1x16xf32> to vector<16xf32>
      %mul3A_139 = arith.constant 16 : i32
      %mul3A_140 = arith.muli %scan3A_110, %mul3A_139 : i32
      %get3A_141 = arith.constant 4 : i32
      %get3A_142 = arith.index_cast %get3A_141 : i32 to index
      %get3A_143 = arith.index_cast %mul3A_140 : i32 to index
      %get3A_144 = tpu.vector_load %arg7[%get3A_142, %get3A_143] {strides = array<i32>} : memref<8x128xf32, #tpu.memory_space<vmem>>, vector<1x16xf32>,
      %get3A_145 = vector.shape_cast %get3A_144 : vector<1x16xf32> to vector<16xf32>
      %mul3A_146 = arith.constant 16 : i32
      %mul3A_147 = arith.muli %scan3A_110, %mul3A_146 : i32
      %add3A_148 = arith.constant 0 : i32
      %add3A_149 = arith.addi %mul3A_147, %add3A_148 : i32
      %slice3A = vector.extract_strided_slice %get3A_117 {offsets = [0], sizes = [1], strides = [1]} : vector<16xf32> to vector<1xf32>
      %squeeze3A = vector.extract %slice3A[0] : f32 from vector<1xf32>
      %get3A_150 = arith.index_cast %add3A_149 : i32 to index
      %get3A_151 = arith.constant 0 : index
      %get3A_152 = tpu.vector_load %arg8[%get3A_150, %get3A_151] {strides = array<i32>} : memref<128x128xf32, #tpu.memory_space<vmem>>, vector<1x16xf32>,
      %get3A_153 = vector.shape_cast %get3A_152 : vector<1x16xf32> to vector<16xf32>
      %add3A_154 = arith.constant 0 : i32
      %add3A_155 = arith.addi %add3A_154, %add3A_149 : i32
      %get3A_156 = arith.index_cast %add3A_155 : i32 to index
      %get3A_157 = arith.constant 0 : index
      %get3A_158 = tpu.vector_load %arg9[%get3A_156, %get3A_157] {strides = array<i32>} : memref<640x128xf32, #tpu.memory_space<vmem>>, vector<1x16xf32>,
      %get3A_159 = vector.shape_cast %get3A_158 : vector<1x16xf32> to vector<16xf32>
      %mul3A_160 = arith.mulf %get3A_153, %get3A_159 : vector<16xf32>
      %mul3A_161 = vector.broadcast %squeeze3A : f32 to vector<16xf32>
      %mul3A_162 = arith.mulf %mul3A_161, %mul3A_160 : vector<16xf32>
      %add3A_163 = arith.addf %scan3A_111, %mul3A_162 : vector<16xf32>
      %get3A_164 = arith.index_cast %add3A_149 : i32 to index
      %get3A_165 = arith.constant 16 : index
      %get3A_166 = tpu.vector_load %arg8[%get3A_164, %get3A_165] {strides = array<i32>} : memref<128x128xf32, #tpu.memory_space<vmem>>, vector<1x16xf32>,
      %get3A_167 = vector.shape_cast %get3A_166 : vector<1x16xf32> to vector<16xf32>
      %add3A_168 = arith.constant 0 : i32
      %add3A_169 = arith.addi %add3A_168, %add3A_149 : i32
      %get3A_170 = arith.index_cast %add3A_169 : i32 to index
      %get3A_171 = arith.constant 16 : index
      %get3A_172 = tpu.vector_load %arg9[%get3A_170, %get3A_171] {strides = array<i32>} : memref<640x128xf32, #tpu.memory_space<vmem>>, vector<1x16xf32>,
      %get3A_173 = vector.shape_cast %get3A_172 : vector<1x16xf32> to vector<16xf32>
      %mul3A_174 = arith.mulf %get3A_167, %get3A_173 : vector<16xf32>
      %mul3A_175 = vector.broadcast %squeeze3A : f32 to vector<16xf32>
      %mul3A_176 = arith.mulf %mul3A_175, %mul3A_174 : vector<16xf32>
      %add3A_177 = arith.addf %add3A_163, %mul3A_176 : vector<16xf32>
      %get3A_178 = arith.index_cast %add3A_149 : i32 to index
      %get3A_179 = arith.constant 32 : index
      %get3A_180 = tpu.vector_load %arg8[%get3A_178, %get3A_179] {strides = array<i32>} : memref<128x128xf32, #tpu.memory_space<vmem>>, vector<1x16xf32>,
      %get3A_181 = vector.shape_cast %get3A_180 : vector<1x16xf32> to vector<16xf32>
      %add3A_182 = arith.constant 0 : i32
      %add3A_183 = arith.addi %add3A_182, %add3A_149 : i32
      %get3A_184 = arith.index_cast %add3A_183 : i32 to index
      %get3A_185 = arith.constant 32 : index
      %get3A_186 = tpu.vector_load %arg9[%get3A_184, %get3A_185] {strides = array<i32>} : memref<640x128xf32, #tpu.memory_space<vmem>>, vector<1x16xf32>,
      %get3A_187 = vector.shape_cast %get3A_186 : vector<1x16xf32> to vector<16xf32>
      %mul3A_188 = arith.mulf %get3A_181, %get3A_187 : vector<16xf32>
      %mul3A_189 = vector.broadcast %squeeze3A : f32 to vector<16xf32>
      %mul3A_190 = arith.mulf %mul3A_189, %mul3A_188 : vector<16xf32>
      %add3A_191 = arith.addf %add3A_177, %mul3A_190 : vector<16xf32>
      %get3A_192 = arith.index_cast %add3A_149 : i32 to index
      %get3A_193 = arith.constant 48 : index
      %get3A_194 = tpu.vector_load %arg8[%get3A_192, %get3A_193] {strides = array<i32>} : memref<128x128xf32, #tpu.memory_space<vmem>>, vector<1x16xf32>,
      %get3A_195 = vector.shape_cast %get3A_194 : vector<1x16xf32> to vector<16xf32>
      %add3A_196 = arith.constant 0 : i32
      %add3A_197 = arith.addi %add3A_196, %add3A_149 : i32
      %get3A_198 = arith.index_cast %add3A_197 : i32 to index
      %get3A_199 = arith.constant 48 : index
      %get3A_200 = tpu.vector_load %arg9[%get3A_198, %get3A_199] {strides = array<i32>} : memref<640x128xf32, #tpu.memory_space<vmem>>, vector<1x16xf32>,
      %get3A_201 = vector.shape_cast %get3A_200 : vector<1x16xf32> to vector<16xf32>
      %mul3A_202 = arith.mulf %get3A_195, %get3A_201 : vector<16xf32>
      %mul3A_203 = vector.broadcast %squeeze3A : f32 to vector<16xf32>
      %mul3A_204 = arith.mulf %mul3A_203, %mul3A_202 : vector<16xf32>
      %add3A_205 = arith.addf %add3A_191, %mul3A_204 : vector<16xf32>
      %slice3A_206 = vector.extract_strided_slice %get3A_124 {offsets = [0], sizes = [1], strides = [1]} : vector<16xf32> to vector<1xf32>
      %squeeze3A_207 = vector.extract %slice3A_206[0] : f32 from vector<1xf32>
      %get3A_208 = arith.index_cast %add3A_149 : i32 to index
      %get3A_209 = arith.constant 0 : index
      %get3A_210 = tpu.vector_load %arg8[%get3A_208, %get3A_209] {strides = array<i32>} : memref<128x128xf32, #tpu.memory_space<vmem>>, vector<1x16xf32>,
      %get3A_211 = vector.shape_cast %get3A_210 : vector<1x16xf32> to vector<16xf32>
      %add3A_212 = arith.constant 128 : i32
      %add3A_213 = arith.addi %add3A_212, %add3A_149 : i32
      %get3A_214 = arith.index_cast %add3A_213 : i32 to index
      %get3A_215 = arith.constant 0 : index
      %get3A_216 = tpu.vector_load %arg9[%get3A_214, %get3A_215] {strides = array<i32>} : memref<640x128xf32, #tpu.memory_space<vmem>>, vector<1x16xf32>,
      %get3A_217 = vector.shape_cast %get3A_216 : vector<1x16xf32> to vector<16xf32>
      %mul3A_218 = arith.mulf %get3A_211, %get3A_217 : vector<16xf32>
      %mul3A_219 = vector.broadcast %squeeze3A_207 : f32 to vector<16xf32>
      %mul3A_220 = arith.mulf %mul3A_219, %mul3A_218 : vector<16xf32>
      %add3A_221 = arith.addf %add3A_205, %mul3A_220 : vector<16xf32>
      %get3A_222 = arith.index_cast %add3A_149 : i32 to index
      %get3A_223 = arith.constant 16 : index
      %get3A_224 = tpu.vector_load %arg8[%get3A_222, %get3A_223] {strides = array<i32>} : memref<128x128xf32, #tpu.memory_space<vmem>>, vector<1x16xf32>,
      %get3A_225 = vector.shape_cast %get3A_224 : vector<1x16xf32> to vector<16xf32>
      %add3A_226 = arith.constant 128 : i32
      %add3A_227 = arith.addi %add3A_226, %add3A_149 : i32
      %get3A_228 = arith.index_cast %add3A_227 : i32 to index
      %get3A_229 = arith.constant 16 : index
      %get3A_230 = tpu.vector_load %arg9[%get3A_228, %get3A_229] {strides = array<i32>} : memref<640x128xf32, #tpu.memory_space<vmem>>, vector<1x16xf32>,
      %get3A_231 = vector.shape_cast %get3A_230 : vector<1x16xf32> to vector<16xf32>
      %mul3A_232 = arith.mulf %get3A_225, %get3A_231 : vector<16xf32>
      %mul3A_233 = vector.broadcast %squeeze3A_207 : f32 to vector<16xf32>
      %mul3A_234 = arith.mulf %mul3A_233, %mul3A_232 : vector<16xf32>
      %add3A_235 = arith.addf %add3A_221, %mul3A_234 : vector<16xf32>
      %get3A_236 = arith.index_cast %add3A_149 : i32 to index
      %get3A_237 = arith.constant 32 : index
      %get3A_238 = tpu.vector_load %arg8[%get3A_236, %get3A_237] {strides = array<i32>} : memref<128x128xf32, #tpu.memory_space<vmem>>, vector<1x16xf32>,
      %get3A_239 = vector.shape_cast %get3A_238 : vector<1x16xf32> to vector<16xf32>
      %add3A_240 = arith.constant 128 : i32
      %add3A_241 = arith.addi %add3A_240, %add3A_149 : i32
      %get3A_242 = arith.index_cast %add3A_241 : i32 to index
      %get3A_243 = arith.constant 32 : index
      %get3A_244 = tpu.vector_load %arg9[%get3A_242, %get3A_243] {strides = array<i32>} : memref<640x128xf32, #tpu.memory_space<vmem>>, vector<1x16xf32>,
      %get3A_245 = vector.shape_cast %get3A_244 : vector<1x16xf32> to vector<16xf32>
      %mul3A_246 = arith.mulf %get3A_239, %get3A_245 : vector<16xf32>
      %mul3A_247 = vector.broadcast %squeeze3A_207 : f32 to vector<16xf32>
      %mul3A_248 = arith.mulf %mul3A_247, %mul3A_246 : vector<16xf32>
      %add3A_249 = arith.addf %add3A_235, %mul3A_248 : vector<16xf32>
      %get3A_250 = arith.index_cast %add3A_149 : i32 to index
      %get3A_251 = arith.constant 48 : index
      %get3A_252 = tpu.vector_load %arg8[%get3A_250, %get3A_251] {strides = array<i32>} : memref<128x128xf32, #tpu.memory_space<vmem>>, vector<1x16xf32>,
      %get3A_253 = vector.shape_cast %get3A_252 : vector<1x16xf32> to vector<16xf32>
      %add3A_254 = arith.constant 128 : i32
      %add3A_255 = arith.addi %add3A_254, %add3A_149 : i32
      %get3A_256 = arith.index_cast %add3A_255 : i32 to index
      %get3A_257 = arith.constant 48 : index
      %get3A_258 = tpu.vector_load %arg9[%get3A_256, %get3A_257] {strides = array<i32>} : memref<640x128xf32, #tpu.memory_space<vmem>>, vector<1x16xf32>,
      %get3A_259 = vector.shape_cast %get3A_258 : vector<1x16xf32> to vector<16xf32>
      %mul3A_260 = arith.mulf %get3A_253, %get3A_259 : vector<16xf32>
      %mul3A_261 = vector.broadcast %squeeze3A_207 : f32 to vector<16xf32>
      %mul3A_262 = arith.mulf %mul3A_261, %mul3A_260 : vector<16xf32>
      %add3A_263 = arith.addf %add3A_249, %mul3A_262 : vector<16xf32>
      %slice3A_264 = vector.extract_strided_slice %get3A_131 {offsets = [0], sizes = [1], strides = [1]} : vector<16xf32> to vector<1xf32>
      %squeeze3A_265 = vector.extract %slice3A_264[0] : f32 from vector<1xf32>
      %get3A_266 = arith.index_cast %add3A_149 : i32 to index
      %get3A_267 = arith.constant 0 : index
      %get3A_268 = tpu.vector_load %arg8[%get3A_266, %get3A_267] {strides = array<i32>} : memref<128x128xf32, #tpu.memory_space<vmem>>, vector<1x16xf32>,
      %get3A_269 = vector.shape_cast %get3A_268 : vector<1x16xf32> to vector<16xf32>
      %add3A_270 = arith.constant 256 : i32
      %add3A_271 = arith.addi %add3A_270, %add3A_149 : i32
      %get3A_272 = arith.index_cast %add3A_271 : i32 to index
      %get3A_273 = arith.constant 0 : index
      %get3A_274 = tpu.vector_load %arg9[%get3A_272, %get3A_273] {strides = array<i32>} : memref<640x128xf32, #tpu.memory_space<vmem>>, vector<1x16xf32>,
      %get3A_275 = vector.shape_cast %get3A_274 : vector<1x16xf32> to vector<16xf32>
      %mul3A_276 = arith.mulf %get3A_269, %get3A_275 : vector<16xf32>
      %mul3A_277 = vector.broadcast %squeeze3A_265 : f32 to vector<16xf32>
      %mul3A_278 = arith.mulf %mul3A_277, %mul3A_276 : vector<16xf32>
      %add3A_279 = arith.addf %add3A_263, %mul3A_278 : vector<16xf32>
      %get3A_280 = arith.index_cast %add3A_149 : i32 to index
      %get3A_281 = arith.constant 16 : index
      %get3A_282 = tpu.vector_load %arg8[%get3A_280, %get3A_281] {strides = array<i32>} : memref<128x128xf32, #tpu.memory_space<vmem>>, vector<1x16xf32>,
      %get3A_283 = vector.shape_cast %get3A_282 : vector<1x16xf32> to vector<16xf32>
      %add3A_284 = arith.constant 256 : i32
      %add3A_285 = arith.addi %add3A_284, %add3A_149 : i32
      %get3A_286 = arith.index_cast %add3A_285 : i32 to index
      %get3A_287 = arith.constant 16 : index
      %get3A_288 = tpu.vector_load %arg9[%get3A_286, %get3A_287] {strides = array<i32>} : memref<640x128xf32, #tpu.memory_space<vmem>>, vector<1x16xf32>,
      %get3A_289 = vector.shape_cast %get3A_288 : vector<1x16xf32> to vector<16xf32>
      %mul3A_290 = arith.mulf %get3A_283, %get3A_289 : vector<16xf32>
      %mul3A_291 = vector.broadcast %squeeze3A_265 : f32 to vector<16xf32>
      %mul3A_292 = arith.mulf %mul3A_291, %mul3A_290 : vector<16xf32>
      %add3A_293 = arith.addf %add3A_279, %mul3A_292 : vector<16xf32>
      %get3A_294 = arith.index_cast %add3A_149 : i32 to index
      %get3A_295 = arith.constant 32 : index
      %get3A_296 = tpu.vector_load %arg8[%get3A_294, %get3A_295] {strides = array<i32>} : memref<128x128xf32, #tpu.memory_space<vmem>>, vector<1x16xf32>,
      %get3A_297 = vector.shape_cast %get3A_296 : vector<1x16xf32> to vector<16xf32>
      %add3A_298 = arith.constant 256 : i32
      %add3A_299 = arith.addi %add3A_298, %add3A_149 : i32
      %get3A_300 = arith.index_cast %add3A_299 : i32 to index
      %get3A_301 = arith.constant 32 : index
      %get3A_302 = tpu.vector_load %arg9[%get3A_300, %get3A_301] {strides = array<i32>} : memref<640x128xf32, #tpu.memory_space<vmem>>, vector<1x16xf32>,
      %get3A_303 = vector.shape_cast %get3A_302 : vector<1x16xf32> to vector<16xf32>
      %mul3A_304 = arith.mulf %get3A_297, %get3A_303 : vector<16xf32>
      %mul3A_305 = vector.broadcast %squeeze3A_265 : f32 to vector<16xf32>
      %mul3A_306 = arith.mulf %mul3A_305, %mul3A_304 : vector<16xf32>
      %add3A_307 = arith.addf %add3A_293, %mul3A_306 : vector<16xf32>
      %get3A_308 = arith.index_cast %add3A_149 : i32 to index
      %get3A_309 = arith.constant 48 : index
      %get3A_310 = tpu.vector_load %arg8[%get3A_308, %get3A_309] {strides = array<i32>} : memref<128x128xf32, #tpu.memory_space<vmem>>, vector<1x16xf32>,
      %get3A_311 = vector.shape_cast %get3A_310 : vector<1x16xf32> to vector<16xf32>
      %add3A_312 = arith.constant 256 : i32
      %add3A_313 = arith.addi %add3A_312, %add3A_149 : i32
      %get3A_314 = arith.index_cast %add3A_313 : i32 to index
      %get3A_315 = arith.constant 48 : index
      %get3A_316 = tpu.vector_load %arg9[%get3A_314, %get3A_315] {strides = array<i32>} : memref<640x128xf32, #tpu.memory_space<vmem>>, vector<1x16xf32>,
      %get3A_317 = vector.shape_cast %get3A_316 : vector<1x16xf32> to vector<16xf32>
      %mul3A_318 = arith.mulf %get3A_311, %get3A_317 : vector<16xf32>
      %mul3A_319 = vector.broadcast %squeeze3A_265 : f32 to vector<16xf32>
      %mul3A_320 = arith.mulf %mul3A_319, %mul3A_318 : vector<16xf32>
      %add3A_321 = arith.addf %add3A_307, %mul3A_320 : vector<16xf32>
      %slice3A_322 = vector.extract_strided_slice %get3A_138 {offsets = [0], sizes = [1], strides = [1]} : vector<16xf32> to vector<1xf32>
      %squeeze3A_323 = vector.extract %slice3A_322[0] : f32 from vector<1xf32>
      %get3A_324 = arith.index_cast %add3A_149 : i32 to index
      %get3A_325 = arith.constant 0 : index
      %get3A_326 = tpu.vector_load %arg8[%get3A_324, %get3A_325] {strides = array<i32>} : memref<128x128xf32, #tpu.memory_space<vmem>>, vector<1x16xf32>,
      %get3A_327 = vector.shape_cast %get3A_326 : vector<1x16xf32> to vector<16xf32>
      %add3A_328 = arith.constant 384 : i32
      %add3A_329 = arith.addi %add3A_328, %add3A_149 : i32
      %get3A_330 = arith.index_cast %add3A_329 : i32 to index
      %get3A_331 = arith.constant 0 : index
      %get3A_332 = tpu.vector_load %arg9[%get3A_330, %get3A_331] {strides = array<i32>} : memref<640x128xf32, #tpu.memory_space<vmem>>, vector<1x16xf32>,
      %get3A_333 = vector.shape_cast %get3A_332 : vector<1x16xf32> to vector<16xf32>
      %mul3A_334 = arith.mulf %get3A_327, %get3A_333 : vector<16xf32>
      %mul3A_335 = vector.broadcast %squeeze3A_323 : f32 to vector<16xf32>
      %mul3A_336 = arith.mulf %mul3A_335, %mul3A_334 : vector<16xf32>
      %add3A_337 = arith.addf %add3A_321, %mul3A_336 : vector<16xf32>
      %get3A_338 = arith.index_cast %add3A_149 : i32 to index
      %get3A_339 = arith.constant 16 : index
      %get3A_340 = tpu.vector_load %arg8[%get3A_338, %get3A_339] {strides = array<i32>} : memref<128x128xf32, #tpu.memory_space<vmem>>, vector<1x16xf32>,
      %get3A_341 = vector.shape_cast %get3A_340 : vector<1x16xf32> to vector<16xf32>
      %add3A_342 = arith.constant 384 : i32
      %add3A_343 = arith.addi %add3A_342, %add3A_149 : i32
      %get3A_344 = arith.index_cast %add3A_343 : i32 to index
      %get3A_345 = arith.constant 16 : index
      %get3A_346 = tpu.vector_load %arg9[%get3A_344, %get3A_345] {strides = array<i32>} : memref<640x128xf32, #tpu.memory_space<vmem>>, vector<1x16xf32>,
      %get3A_347 = vector.shape_cast %get3A_346 : vector<1x16xf32> to vector<16xf32>
      %mul3A_348 = arith.mulf %get3A_341, %get3A_347 : vector<16xf32>
      %mul3A_349 = vector.broadcast %squeeze3A_323 : f32 to vector<16xf32>
      %mul3A_350 = arith.mulf %mul3A_349, %mul3A_348 : vector<16xf32>
      %add3A_351 = arith.addf %add3A_337, %mul3A_350 : vector<16xf32>
      %get3A_352 = arith.index_cast %add3A_149 : i32 to index
      %get3A_353 = arith.constant 32 : index
      %get3A_354 = tpu.vector_load %arg8[%get3A_352, %get3A_353] {strides = array<i32>} : memref<128x128xf32, #tpu.memory_space<vmem>>, vector<1x16xf32>,
      %get3A_355 = vector.shape_cast %get3A_354 : vector<1x16xf32> to vector<16xf32>
      %add3A_356 = arith.constant 384 : i32
      %add3A_357 = arith.addi %add3A_356, %add3A_149 : i32
      %get3A_358 = arith.index_cast %add3A_357 : i32 to index
      %get3A_359 = arith.constant 32 : index
      %get3A_360 = tpu.vector_load %arg9[%get3A_358, %get3A_359] {strides = array<i32>} : memref<640x128xf32, #tpu.memory_space<vmem>>, vector<1x16xf32>,
      %get3A_361 = vector.shape_cast %get3A_360 : vector<1x16xf32> to vector<16xf32>
      %mul3A_362 = arith.mulf %get3A_355, %get3A_361 : vector<16xf32>
      %mul3A_363 = vector.broadcast %squeeze3A_323 : f32 to vector<16xf32>
      %mul3A_364 = arith.mulf %mul3A_363, %mul3A_362 : vector<16xf32>
      %add3A_365 = arith.addf %add3A_351, %mul3A_364 : vector<16xf32>
      %get3A_366 = arith.index_cast %add3A_149 : i32 to index
      %get3A_367 = arith.constant 48 : index
      %get3A_368 = tpu.vector_load %arg8[%get3A_366, %get3A_367] {strides = array<i32>} : memref<128x128xf32, #tpu.memory_space<vmem>>, vector<1x16xf32>,
      %get3A_369 = vector.shape_cast %get3A_368 : vector<1x16xf32> to vector<16xf32>
      %add3A_370 = arith.constant 384 : i32
      %add3A_371 = arith.addi %add3A_370, %add3A_149 : i32
      %get3A_372 = arith.index_cast %add3A_371 : i32 to index
      %get3A_373 = arith.constant 48 : index
      %get3A_374 = tpu.vector_load %arg9[%get3A_372, %get3A_373] {strides = array<i32>} : memref<640x128xf32, #tpu.memory_space<vmem>>, vector<1x16xf32>,
      %get3A_375 = vector.shape_cast %get3A_374 : vector<1x16xf32> to vector<16xf32>
      %mul3A_376 = arith.mulf %get3A_369, %get3A_375 : vector<16xf32>
      %mul3A_377 = vector.broadcast %squeeze3A_323 : f32 to vector<16xf32>
      %mul3A_378 = arith.mulf %mul3A_377, %mul3A_376 : vector<16xf32>
      %add3A_379 = arith.addf %add3A_365, %mul3A_378 : vector<16xf32>
      %slice3A_380 = vector.extract_strided_slice %get3A_145 {offsets = [0], sizes = [1], strides = [1]} : vector<16xf32> to vector<1xf32>
      %squeeze3A_381 = vector.extract %slice3A_380[0] : f32 from vector<1xf32>
      %get3A_382 = arith.index_cast %add3A_149 : i32 to index
      %get3A_383 = arith.constant 0 : index
      %get3A_384 = tpu.vector_load %arg8[%get3A_382, %get3A_383] {strides = array<i32>} : memref<128x128xf32, #tpu.memory_space<vmem>>, vector<1x16xf32>,
      %get3A_385 = vector.shape_cast %get3A_384 : vector<1x16xf32> to vector<16xf32>
      %add3A_386 = arith.constant 512 : i32
      %add3A_387 = arith.addi %add3A_386, %add3A_149 : i32
      %get3A_388 = arith.index_cast %add3A_387 : i32 to index
      %get3A_389 = arith.constant 0 : index
      %get3A_390 = tpu.vector_load %arg9[%get3A_388, %get3A_389] {strides = array<i32>} : memref<640x128xf32, #tpu.memory_space<vmem>>, vector<1x16xf32>,
      %get3A_391 = vector.shape_cast %get3A_390 : vector<1x16xf32> to vector<16xf32>
      %mul3A_392 = arith.mulf %get3A_385, %get3A_391 : vector<16xf32>
      %mul3A_393 = vector.broadcast %squeeze3A_381 : f32 to vector<16xf32>
      %mul3A_394 = arith.mulf %mul3A_393, %mul3A_392 : vector<16xf32>
      %add3A_395 = arith.addf %add3A_379, %mul3A_394 : vector<16xf32>
      %get3A_396 = arith.index_cast %add3A_149 : i32 to index
      %get3A_397 = arith.constant 16 : index
      %get3A_398 = tpu.vector_load %arg8[%get3A_396, %get3A_397] {strides = array<i32>} : memref<128x128xf32, #tpu.memory_space<vmem>>, vector<1x16xf32>,
      %get3A_399 = vector.shape_cast %get3A_398 : vector<1x16xf32> to vector<16xf32>
      %add3A_400 = arith.constant 512 : i32
      %add3A_401 = arith.addi %add3A_400, %add3A_149 : i32
      %get3A_402 = arith.index_cast %add3A_401 : i32 to index
      %get3A_403 = arith.constant 16 : index
      %get3A_404 = tpu.vector_load %arg9[%get3A_402, %get3A_403] {strides = array<i32>} : memref<640x128xf32, #tpu.memory_space<vmem>>, vector<1x16xf32>,
      %get3A_405 = vector.shape_cast %get3A_404 : vector<1x16xf32> to vector<16xf32>
      %mul3A_406 = arith.mulf %get3A_399, %get3A_405 : vector<16xf32>
      %mul3A_407 = vector.broadcast %squeeze3A_381 : f32 to vector<16xf32>
      %mul3A_408 = arith.mulf %mul3A_407, %mul3A_406 : vector<16xf32>
      %add3A_409 = arith.addf %add3A_395, %mul3A_408 : vector<16xf32>
      %get3A_410 = arith.index_cast %add3A_149 : i32 to index
      %get3A_411 = arith.constant 32 : index
      %get3A_412 = tpu.vector_load %arg8[%get3A_410, %get3A_411] {strides = array<i32>} : memref<128x128xf32, #tpu.memory_space<vmem>>, vector<1x16xf32>,
      %get3A_413 = vector.shape_cast %get3A_412 : vector<1x16xf32> to vector<16xf32>
      %add3A_414 = arith.constant 512 : i32
      %add3A_415 = arith.addi %add3A_414, %add3A_149 : i32
      %get3A_416 = arith.index_cast %add3A_415 : i32 to index
      %get3A_417 = arith.constant 32 : index
      %get3A_418 = tpu.vector_load %arg9[%get3A_416, %get3A_417] {strides = array<i32>} : memref<640x128xf32, #tpu.memory_space<vmem>>, vector<1x16xf32>,
      %get3A_419 = vector.shape_cast %get3A_418 : vector<1x16xf32> to vector<16xf32>
      %mul3A_420 = arith.mulf %get3A_413, %get3A_419 : vector<16xf32>
      %mul3A_421 = vector.broadcast %squeeze3A_381 : f32 to vector<16xf32>
      %mul3A_422 = arith.mulf %mul3A_421, %mul3A_420 : vector<16xf32>
      %add3A_423 = arith.addf %add3A_409, %mul3A_422 : vector<16xf32>
      %get3A_424 = arith.index_cast %add3A_149 : i32 to index
      %get3A_425 = arith.constant 48 : index
      %get3A_426 = tpu.vector_load %arg8[%get3A_424, %get3A_425] {strides = array<i32>} : memref<128x128xf32, #tpu.memory_space<vmem>>, vector<1x16xf32>,
      %get3A_427 = vector.shape_cast %get3A_426 : vector<1x16xf32> to vector<16xf32>
      %add3A_428 = arith.constant 512 : i32
      %add3A_429 = arith.addi %add3A_428, %add3A_149 : i32
      %get3A_430 = arith.index_cast %add3A_429 : i32 to index
      %get3A_431 = arith.constant 48 : index
      %get3A_432 = tpu.vector_load %arg9[%get3A_430, %get3A_431] {strides = array<i32>} : memref<640x128xf32, #tpu.memory_space<vmem>>, vector<1x16xf32>,
      %get3A_433 = vector.shape_cast %get3A_432 : vector<1x16xf32> to vector<16xf32>
      %mul3A_434 = arith.mulf %get3A_427, %get3A_433 : vector<16xf32>
      %mul3A_435 = vector.broadcast %squeeze3A_381 : f32 to vector<16xf32>
      %mul3A_436 = arith.mulf %mul3A_435, %mul3A_434 : vector<16xf32>
      %add3A_437 = arith.addf %add3A_423, %mul3A_436 : vector<16xf32>
      %mul3A_438 = arith.constant 16 : i32
      %mul3A_439 = arith.muli %scan3A_110, %mul3A_438 : i32
      %add3A_440 = arith.constant 1 : i32
      %add3A_441 = arith.addi %mul3A_439, %add3A_440 : i32
      %slice3A_442 = vector.extract_strided_slice %get3A_117 {offsets = [1], sizes = [1], strides = [1]} : vector<16xf32> to vector<1xf32>
      %squeeze3A_443 = vector.extract %slice3A_442[0] : f32 from vector<1xf32>
      %get3A_444 = arith.index_cast %add3A_441 : i32 to index
      %get3A_445 = arith.constant 0 : index
      %get3A_446 = tpu.vector_load %arg8[%get3A_444, %get3A_445] {strides = array<i32>} : memref<128x128xf32, #tpu.memory_space<vmem>>, vector<1x16xf32>,
      %get3A_447 = vector.shape_cast %get3A_446 : vector<1x16xf32> to vector<16xf32>
      %add3A_448 = arith.constant 0 : i32
      %add3A_449 = arith.addi %add3A_448, %add3A_441 : i32
      %get3A_450 = arith.index_cast %add3A_449 : i32 to index
      %get3A_451 = arith.constant 0 : index
      %get3A_452 = tpu.vector_load %arg9[%get3A_450, %get3A_451] {strides = array<i32>} : memref<640x128xf32, #tpu.memory_space<vmem>>, vector<1x16xf32>,
      %get3A_453 = vector.shape_cast %get3A_452 : vector<1x16xf32> to vector<16xf32>
      %mul3A_454 = arith.mulf %get3A_447, %get3A_453 : vector<16xf32>
      %mul3A_455 = vector.broadcast %squeeze3A_443 : f32 to vector<16xf32>
      %mul3A_456 = arith.mulf %mul3A_455, %mul3A_454 : vector<16xf32>
      %add3A_457 = arith.addf %add3A_437, %mul3A_456 : vector<16xf32>
      %get3A_458 = arith.index_cast %add3A_441 : i32 to index
      %get3A_459 = arith.constant 16 : index
      %get3A_460 = tpu.vector_load %arg8[%get3A_458, %get3A_459] {strides = array<i32>} : memref<128x128xf32, #tpu.memory_space<vmem>>, vector<1x16xf32>,
      %get3A_461 = vector.shape_cast %get3A_460 : vector<1x16xf32> to vector<16xf32>
      %add3A_462 = arith.constant 0 : i32
      %add3A_463 = arith.addi %add3A_462, %add3A_441 : i32
      %get3A_464 = arith.index_cast %add3A_463 : i32 to index
      %get3A_465 = arith.constant 16 : index
      %get3A_466 = tpu.vector_load %arg9[%get3A_464, %get3A_465] {strides = array<i32>} : memref<640x128xf32, #tpu.memory_space<vmem>>, vector<1x16xf32>,
      %get3A_467 = vector.shape_cast %get3A_466 : vector<1x16xf32> to vector<16xf32>
      %mul3A_468 = arith.mulf %get3A_461, %get3A_467 : vector<16xf32>
      %mul3A_469 = vector.broadcast %squeeze3A_443 : f32 to vector<16xf32>
      %mul3A_470 = arith.mulf %mul3A_469, %mul3A_468 : vector<16xf32>
      %add3A_471 = arith.addf %add3A_457, %mul3A_470 : vector<16xf32>
      %get3A_472 = arith.index_cast %add3A_441 : i32 to index
      %get3A_473 = arith.constant 32 : index
      %get3A_474 = tpu.vector_load %arg8[%get3A_472, %get3A_473] {strides = array<i32>} : memref<128x128xf32, #tpu.memory_space<vmem>>, vector<1x16xf32>,
      %get3A_475 = vector.shape_cast %get3A_474 : vector<1x16xf32> to vector<16xf32>
      %add3A_476 = arith.constant 0 : i32
      %add3A_477 = arith.addi %add3A_476, %add3A_441 : i32
      %get3A_478 = arith.index_cast %add3A_477 : i32 to index
      %get3A_479 = arith.constant 32 : index
      %get3A_480 = tpu.vector_load %arg9[%get3A_478, %get3A_479] {strides = array<i32>} : memref<640x128xf32, #tpu.memory_space<vmem>>, vector<1x16xf32>,
      %get3A_481 = vector.shape_cast %get3A_480 : vector<1x16xf32> to vector<16xf32>
      %mul3A_482 = arith.mulf %get3A_475, %get3A_481 : vector<16xf32>
      %mul3A_483 = vector.broadcast %squeeze3A_443 : f32 to vector<16xf32>
      %mul3A_484 = arith.mulf %mul3A_483, %mul3A_482 : vector<16xf32>
      %add3A_485 = arith.addf %add3A_471, %mul3A_484 : vector<16xf32>
      %get3A_486 = arith.index_cast %add3A_441 : i32 to index
      %get3A_487 = arith.constant 48 : index
      %get3A_488 = tpu.vector_load %arg8[%get3A_486, %get3A_487] {strides = array<i32>} : memref<128x128xf32, #tpu.memory_space<vmem>>, vector<1x16xf32>,
      %get3A_489 = vector.shape_cast %get3A_488 : vector<1x16xf32> to vector<16xf32>
      %add3A_490 = arith.constant 0 : i32
      %add3A_491 = arith.addi %add3A_490, %add3A_441 : i32
      %get3A_492 = arith.index_cast %add3A_491 : i32 to index
      %get3A_493 = arith.constant 48 : index
      %get3A_494 = tpu.vector_load %arg9[%get3A_492, %get3A_493] {strides = array<i32>} : memref<640x128xf32, #tpu.memory_space<vmem>>, vector<1x16xf32>,
      %get3A_495 = vector.shape_cast %get3A_494 : vector<1x16xf32> to vector<16xf32>
      %mul3A_496 = arith.mulf %get3A_489, %get3A_495 : vector<16xf32>
      %mul3A_497 = vector.broadcast %squeeze3A_443 : f32 to vector<16xf32>
      %mul3A_498 = arith.mulf %mul3A_497, %mul3A_496 : vector<16xf32>
      %add3A_499 = arith.addf %add3A_485, %mul3A_498 : vector<16xf32>
      %slice3A_500 = vector.extract_strided_slice %get3A_124 {offsets = [1], sizes = [1], strides = [1]} : vector<16xf32> to vector<1xf32>
      %squeeze3A_501 = vector.extract %slice3A_500[0] : f32 from vector<1xf32>
      %get3A_502 = arith.index_cast %add3A_441 : i32 to index
      %get3A_503 = arith.constant 0 : index
      %get3A_504 = tpu.vector_load %arg8[%get3A_502, %get3A_503] {strides = array<i32>} : memref<128x128xf32, #tpu.memory_space<vmem>>, vector<1x16xf32>,
      %get3A_505 = vector.shape_cast %get3A_504 : vector<1x16xf32> to vector<16xf32>
      %add3A_506 = arith.constant 128 : i32
      %add3A_507 = arith.addi %add3A_506, %add3A_441 : i32
      %get3A_508 = arith.index_cast %add3A_507 : i32 to index
      %get3A_509 = arith.constant 0 : index
      %get3A_510 = tpu.vector_load %arg9[%get3A_508, %get3A_509] {strides = array<i32>} : memref<640x128xf32, #tpu.memory_space<vmem>>, vector<1x16xf32>,
      %get3A_511 = vector.shape_cast %get3A_510 : vector<1x16xf32> to vector<16xf32>
      %mul3A_512 = arith.mulf %get3A_505, %get3A_511 : vector<16xf32>
      %mul3A_513 = vector.broadcast %squeeze3A_501 : f32 to vector<16xf32>
      %mul3A_514 = arith.mulf %mul3A_513, %mul3A_512 : vector<16xf32>
      %add3A_515 = arith.addf %add3A_499, %mul3A_514 : vector<16xf32>
      %get3A_516 = arith.index_cast %add3A_441 : i32 to index
      %get3A_517 = arith.constant 16 : index
      %get3A_518 = tpu.vector_load %arg8[%get3A_516, %get3A_517] {strides = array<i32>} : memref<128x128xf32, #tpu.memory_space<vmem>>, vector<1x16xf32>,
      %get3A_519 = vector.shape_cast %get3A_518 : vector<1x16xf32> to vector<16xf32>
      %add3A_520 = arith.constant 128 : i32
      %add3A_521 = arith.addi %add3A_520, %add3A_441 : i32
      %get3A_522 = arith.index_cast %add3A_521 : i32 to index
      %get3A_523 = arith.constant 16 : index
      %get3A_524 = tpu.vector_load %arg9[%get3A_522, %get3A_523] {strides = array<i32>} : memref<640x128xf32, #tpu.memory_space<vmem>>, vector<1x16xf32>,
      %get3A_525 = vector.shape_cast %get3A_524 : vector<1x16xf32> to vector<16xf32>
      %mul3A_526 = arith.mulf %get3A_519, %get3A_525 : vector<16xf32>
      %mul3A_527 = vector.broadcast %squeeze3A_501 : f32 to vector<16xf32>
      %mul3A_528 = arith.mulf %mul3A_527, %mul3A_526 : vector<16xf32>
      %add3A_529 = arith.addf %add3A_515, %mul3A_528 : vector<16xf32>
      %get3A_530 = arith.index_cast %add3A_441 : i32 to index
      %get3A_531 = arith.constant 32 : index
      %get3A_532 = tpu.vector_load %arg8[%get3A_530, %get3A_531] {strides = array<i32>} : memref<128x128xf32, #tpu.memory_space<vmem>>, vector<1x16xf32>,
      %get3A_533 = vector.shape_cast %get3A_532 : vector<1x16xf32> to vector<16xf32>
      %add3A_534 = arith.constant 128 : i32
      %add3A_535 = arith.addi %add3A_534, %add3A_441 : i32
      %get3A_536 = arith.index_cast %add3A_535 : i32 to index
      %get3A_537 = arith.constant 32 : index
      %get3A_538 = tpu.vector_load %arg9[%get3A_536, %get3A_537] {strides = array<i32>} : memref<640x128xf32, #tpu.memory_space<vmem>>, vector<1x16xf32>,
      %get3A_539 = vector.shape_cast %get3A_538 : vector<1x16xf32> to vector<16xf32>
      %mul3A_540 = arith.mulf %get3A_533, %get3A_539 : vector<16xf32>
      %mul3A_541 = vector.broadcast %squeeze3A_501 : f32 to vector<16xf32>
      %mul3A_542 = arith.mulf %mul3A_541, %mul3A_540 : vector<16xf32>
      %add3A_543 = arith.addf %add3A_529, %mul3A_542 : vector<16xf32>
      %get3A_544 = arith.index_cast %add3A_441 : i32 to index
      %get3A_545 = arith.constant 48 : index
      %get3A_546 = tpu.vector_load %arg8[%get3A_544, %get3A_545] {strides = array<i32>} : memref<128x128xf32, #tpu.memory_space<vmem>>, vector<1x16xf32>,
      %get3A_547 = vector.shape_cast %get3A_546 : vector<1x16xf32> to vector<16xf32>
      %add3A_548 = arith.constant 128 : i32
      %add3A_549 = arith.addi %add3A_548, %add3A_441 : i32
      %get3A_550 = arith.index_cast %add3A_549 : i32 to index
      %get3A_551 = arith.constant 48 : index
      %get3A_552 = tpu.vector_load %arg9[%get3A_550, %get3A_551] {strides = array<i32>} : memref<640x128xf32, #tpu.memory_space<vmem>>, vector<1x16xf32>,
      %get3A_553 = vector.shape_cast %get3A_552 : vector<1x16xf32> to vector<16xf32>
      %mul3A_554 = arith.mulf %get3A_547, %get3A_553 : vector<16xf32>
      %mul3A_555 = vector.broadcast %squeeze3A_501 : f32 to vector<16xf32>
      %mul3A_556 = arith.mulf %mul3A_555, %mul3A_554 : vector<16xf32>
      %add3A_557 = arith.addf %add3A_543, %mul3A_556 : vector<16xf32>
      %slice3A_558 = vector.extract_strided_slice %get3A_131 {offsets = [1], sizes = [1], strides = [1]} : vector<16xf32> to vector<1xf32>
      %squeeze3A_559 = vector.extract %slice3A_558[0] : f32 from vector<1xf32>
      %get3A_560 = arith.index_cast %add3A_441 : i32 to index
      %get3A_561 = arith.constant 0 : index
      %get3A_562 = tpu.vector_load %arg8[%get3A_560, %get3A_561] {strides = array<i32>} : memref<128x128xf32, #tpu.memory_space<vmem>>, vector<1x16xf32>,
      %get3A_563 = vector.shape_cast %get3A_562 : vector<1x16xf32> to vector<16xf32>
      %add3A_564 = arith.constant 256 : i32
      %add3A_565 = arith.addi %add3A_564, %add3A_441 : i32
      %get3A_566 = arith.index_cast %add3A_565 : i32 to index
      %get3A_567 = arith.constant 0 : index
      %get3A_568 = tpu.vector_load %arg9[%get3A_566, %get3A_567] {strides = array<i32>} : memref<640x128xf32, #tpu.memory_space<vmem>>, vector<1x16xf32>,
      %get3A_569 = vector.shape_cast %get3A_568 : vector<1x16xf32> to vector<16xf32>
      %mul3A_570 = arith.mulf %get3A_563, %get3A_569 : vector<16xf32>
      %mul3A_571 = vector.broadcast %squeeze3A_559 : f32 to vector<16xf32>
      %mul3A_572 = arith.mulf %mul3A_571, %mul3A_570 : vector<16xf32>
      %add3A_573 = arith.addf %add3A_557, %mul3A_572 : vector<16xf32>
      %get3A_574 = arith.index_cast %add3A_441 : i32 to index
      %get3A_575 = arith.constant 16 : index
      %get3A_576 = tpu.vector_load %arg8[%get3A_574, %get3A_575] {strides = array<i32>} : memref<128x128xf32, #tpu.memory_space<vmem>>, vector<1x16xf32>,
      %get3A_577 = vector.shape_cast %get3A_576 : vector<1x16xf32> to vector<16xf32>
      %add3A_578 = arith.constant 256 : i32
      %add3A_579 = arith.addi %add3A_578, %add3A_441 : i32
      %get3A_580 = arith.index_cast %add3A_579 : i32 to index
      %get3A_581 = arith.constant 16 : index
      %get3A_582 = tpu.vector_load %arg9[%get3A_580, %get3A_581] {strides = array<i32>} : memref<640x128xf32, #tpu.memory_space<vmem>>, vector<1x16xf32>,
      %get3A_583 = vector.shape_cast %get3A_582 : vector<1x16xf32> to vector<16xf32>
      %mul3A_584 = arith.mulf %get3A_577, %get3A_583 : vector<16xf32>
      %mul3A_585 = vector.broadcast %squeeze3A_559 : f32 to vector<16xf32>
      %mul3A_586 = arith.mulf %mul3A_585, %mul3A_584 : vector<16xf32>
      %add3A_587 = arith.addf %add3A_573, %mul3A_586 : vector<16xf32>
      %get3A_588 = arith.index_cast %add3A_441 : i32 to index
      %get3A_589 = arith.constant 32 : index
      %get3A_590 = tpu.vector_load %arg8[%get3A_588, %get3A_589] {strides = array<i32>} : memref<128x128xf32, #tpu.memory_space<vmem>>, vector<1x16xf32>,
      %get3A_591 = vector.shape_cast %get3A_590 : vector<1x16xf32> to vector<16xf32>
      %add3A_592 = arith.constant 256 : i32
      %add3A_593 = arith.addi %add3A_592, %add3A_441 : i32
      %get3A_594 = arith.index_cast %add3A_593 : i32 to index
      %get3A_595 = arith.constant 32 : index
      %get3A_596 = tpu.vector_load %arg9[%get3A_594, %get3A_595] {strides = array<i32>} : memref<640x128xf32, #tpu.memory_space<vmem>>, vector<1x16xf32>,
      %get3A_597 = vector.shape_cast %get3A_596 : vector<1x16xf32> to vector<16xf32>
      %mul3A_598 = arith.mulf %get3A_591, %get3A_597 : vector<16xf32>
      %mul3A_599 = vector.broadcast %squeeze3A_559 : f32 to vector<16xf32>
      %mul3A_600 = arith.mulf %mul3A_599, %mul3A_598 : vector<16xf32>
      %add3A_601 = arith.addf %add3A_587, %mul3A_600 : vector<16xf32>
      %get3A_602 = arith.index_cast %add3A_441 : i32 to index
      %get3A_603 = arith.constant 48 : index
      %get3A_604 = tpu.vector_load %arg8[%get3A_602, %get3A_603] {strides = array<i32>} : memref<128x128xf32, #tpu.memory_space<vmem>>, vector<1x16xf32>,
      %get3A_605 = vector.shape_cast %get3A_604 : vector<1x16xf32> to vector<16xf32>
      %add3A_606 = arith.constant 256 : i32
      %add3A_607 = arith.addi %add3A_606, %add3A_441 : i32
      %get3A_608 = arith.index_cast %add3A_607 : i32 to index
      %get3A_609 = arith.constant 48 : index
      %get3A_610 = tpu.vector_load %arg9[%get3A_608, %get3A_609] {strides = array<i32>} : memref<640x128xf32, #tpu.memory_space<vmem>>, vector<1x16xf32>,
      %get3A_611 = vector.shape_cast %get3A_610 : vector<1x16xf32> to vector<16xf32>
      %mul3A_612 = arith.mulf %get3A_605, %get3A_611 : vector<16xf32>
      %mul3A_613 = vector.broadcast %squeeze3A_559 : f32 to vector<16xf32>
      %mul3A_614 = arith.mulf %mul3A_613, %mul3A_612 : vector<16xf32>
      %add3A_615 = arith.addf %add3A_601, %mul3A_614 : vector<16xf32>
      %slice3A_616 = vector.extract_strided_slice %get3A_138 {offsets = [1], sizes = [1], strides = [1]} : vector<16xf32> to vector<1xf32>
      %squeeze3A_617 = vector.extract %slice3A_616[0] : f32 from vector<1xf32>
      %get3A_618 = arith.index_cast %add3A_441 : i32 to index
      %get3A_619 = arith.constant 0 : index
      %get3A_620 = tpu.vector_load %arg8[%get3A_618, %get3A_619] {strides = array<i32>} : memref<128x128xf32, #tpu.memory_space<vmem>>, vector<1x16xf32>,
      %get3A_621 = vector.shape_cast %get3A_620 : vector<1x16xf32> to vector<16xf32>
      %add3A_622 = arith.constant 384 : i32
      %add3A_623 = arith.addi %add3A_622, %add3A_441 : i32
      %get3A_624 = arith.index_cast %add3A_623 : i32 to index
      %get3A_625 = arith.constant 0 : index
      %get3A_626 = tpu.vector_load %arg9[%get3A_624, %get3A_625] {strides = array<i32>} : memref<640x128xf32, #tpu.memory_space<vmem>>, vector<1x16xf32>,
      %get3A_627 = vector.shape_cast %get3A_626 : vector<1x16xf32> to vector<16xf32>
      %mul3A_628 = arith.mulf %get3A_621, %get3A_627 : vector<16xf32>
      %mul3A_629 = vector.broadcast %squeeze3A_617 : f32 to vector<16xf32>
      %mul3A_630 = arith.mulf %mul3A_629, %mul3A_628 : vector<16xf32>
      %add3A_631 = arith.addf %add3A_615, %mul3A_630 : vector<16xf32>
      %get3A_632 = arith.index_cast %add3A_441 : i32 to index
      %get3A_633 = arith.constant 16 : index
      %get3A_634 = tpu.vector_load %arg8[%get3A_632, %get3A_633] {strides = array<i32>} : memref<128x128xf32, #tpu.memory_space<vmem>>, vector<1x16xf32>,
      %get3A_635 = vector.shape_cast %get3A_634 : vector<1x16xf32> to vector<16xf32>
      %add3A_636 = arith.constant 384 : i32
      %add3A_637 = arith.addi %add3A_636, %add3A_441 : i32
      %get3A_638 = arith.index_cast %add3A_637 : i32 to index
      %get3A_639 = arith.constant 16 : index
      %get3A_640 = tpu.vector_load %arg9[%get3A_638, %get3A_639] {strides = array<i32>} : memref<640x128xf32, #tpu.memory_space<vmem>>, vector<1x16xf32>,
      %get3A_641 = vector.shape_cast %get3A_640 : vector<1x16xf32> to vector<16xf32>
      %mul3A_642 = arith.mulf %get3A_635, %get3A_641 : vector<16xf32>
      %mul3A_643 = vector.broadcast %squeeze3A_617 : f32 to vector<16xf32>
      %mul3A_644 = arith.mulf %mul3A_643, %mul3A_642 : vector<16xf32>
      %add3A_645 = arith.addf %add3A_631, %mul3A_644 : vector<16xf32>
      %get3A_646 = arith.index_cast %add3A_441 : i32 to index
      %get3A_647 = arith.constant 32 : index
      %get3A_648 = tpu.vector_load %arg8[%get3A_646, %get3A_647] {strides = array<i32>} : memref<128x128xf32, #tpu.memory_space<vmem>>, vector<1x16xf32>,
      %get3A_649 = vector.shape_cast %get3A_648 : vector<1x16xf32> to vector<16xf32>
      %add3A_650 = arith.constant 384 : i32
      %add3A_651 = arith.addi %add3A_650, %add3A_441 : i32
      %get3A_652 = arith.index_cast %add3A_651 : i32 to index
      %get3A_653 = arith.constant 32 : index
      %get3A_654 = tpu.vector_load %arg9[%get3A_652, %get3A_653] {strides = array<i32>} : memref<640x128xf32, #tpu.memory_space<vmem>>, vector<1x16xf32>,
      %get3A_655 = vector.shape_cast %get3A_654 : vector<1x16xf32> to vector<16xf32>
      %mul3A_656 = arith.mulf %get3A_649, %get3A_655 : vector<16xf32>
      %mul3A_657 = vector.broadcast %squeeze3A_617 : f32 to vector<16xf32>
      %mul3A_658 = arith.mulf %mul3A_657, %mul3A_656 : vector<16xf32>
      %add3A_659 = arith.addf %add3A_645, %mul3A_658 : vector<16xf32>
      %get3A_660 = arith.index_cast %add3A_441 : i32 to index
      %get3A_661 = arith.constant 48 : index
      %get3A_662 = tpu.vector_load %arg8[%get3A_660, %get3A_661] {strides = array<i32>} : memref<128x128xf32, #tpu.memory_space<vmem>>, vector<1x16xf32>,
      %get3A_663 = vector.shape_cast %get3A_662 : vector<1x16xf32> to vector<16xf32>
      %add3A_664 = arith.constant 384 : i32
      %add3A_665 = arith.addi %add3A_664, %add3A_441 : i32
      %get3A_666 = arith.index_cast %add3A_665 : i32 to index
      %get3A_667 = arith.constant 48 : index
      %get3A_668 = tpu.vector_load %arg9[%get3A_666, %get3A_667] {strides = array<i32>} : memref<640x128xf32, #tpu.memory_space<vmem>>, vector<1x16xf32>,
      %get3A_669 = vector.shape_cast %get3A_668 : vector<1x16xf32> to vector<16xf32>
      %mul3A_670 = arith.mulf %get3A_663, %get3A_669 : vector<16xf32>
      %mul3A_671 = vector.broadcast %squeeze3A_617 : f32 to vector<16xf32>
      %mul3A_672 = arith.mulf %mul3A_671, %mul3A_670 : vector<16xf32>
      %add3A_673 = arith.addf %add3A_659, %mul3A_672 : vector<16xf32>
      %slice3A_674 = vector.extract_strided_slice %get3A_145 {offsets = [1], sizes = [1], strides = [1]} : vector<16xf32> to vector<1xf32>
      %squeeze3A_675 = vector.extract %slice3A_674[0] : f32 from vector<1xf32>
      %get3A_676 = arith.index_cast %add3A_441 : i32 to index
      %get3A_677 = arith.constant 0 : index
      %get3A_678 = tpu.vector_load %arg8[%get3A_676, %get3A_677] {strides = array<i32>} : memref<128x128xf32, #tpu.memory_space<vmem>>, vector<1x16xf32>,
      %get3A_679 = vector.shape_cast %get3A_678 : vector<1x16xf32> to vector<16xf32>
      %add3A_680 = arith.constant 512 : i32
      %add3A_681 = arith.addi %add3A_680, %add3A_441 : i32
      %get3A_682 = arith.index_cast %add3A_681 : i32 to index
      %get3A_683 = arith.constant 0 : index
      %get3A_684 = tpu.vector_load %arg9[%get3A_682, %get3A_683] {strides = array<i32>} : memref<640x128xf32, #tpu.memory_space<vmem>>, vector<1x16xf32>,
      %get3A_685 = vector.shape_cast %get3A_684 : vector<1x16xf32> to vector<16xf32>
      %mul3A_686 = arith.mulf %get3A_679, %get3A_685 : vector<16xf32>
      %mul3A_687 = vector.broadcast %squeeze3A_675 : f32 to vector<16xf32>
      %mul3A_688 = arith.mulf %mul3A_687, %mul3A_686 : vector<16xf32>
      %add3A_689 = arith.addf %add3A_673, %mul3A_688 : vector<16xf32>
      %get3A_690 = arith.index_cast %add3A_441 : i32 to index
      %get3A_691 = arith.constant 16 : index
      %get3A_692 = tpu.vector_load %arg8[%get3A_690, %get3A_691] {strides = array<i32>} : memref<128x128xf32, #tpu.memory_space<vmem>>, vector<1x16xf32>,
      %get3A_693 = vector.shape_cast %get3A_692 : vector<1x16xf32> to vector<16xf32>
      %add3A_694 = arith.constant 512 : i32
      %add3A_695 = arith.addi %add3A_694, %add3A_441 : i32
      %get3A_696 = arith.index_cast %add3A_695 : i32 to index
      %get3A_697 = arith.constant 16 : index
      %get3A_698 = tpu.vector_load %arg9[%get3A_696, %get3A_697] {strides = array<i32>} : memref<640x128xf32, #tpu.memory_space<vmem>>, vector<1x16xf32>,
      %get3A_699 = vector.shape_cast %get3A_698 : vector<1x16xf32> to vector<16xf32>
      %mul3A_700 = arith.mulf %get3A_693, %get3A_699 : vector<16xf32>
      %mul3A_701 = vector.broadcast %squeeze3A_675 : f32 to vector<16xf32>
      %mul3A_702 = arith.mulf %mul3A_701, %mul3A_700 : vector<16xf32>
      %add3A_703 = arith.addf %add3A_689, %mul3A_702 : vector<16xf32>
      %get3A_704 = arith.index_cast %add3A_441 : i32 to index
      %get3A_705 = arith.constant 32 : index
      %get3A_706 = tpu.vector_load %arg8[%get3A_704, %get3A_705] {strides = array<i32>} : memref<128x128xf32, #tpu.memory_space<vmem>>, vector<1x16xf32>,
      %get3A_707 = vector.shape_cast %get3A_706 : vector<1x16xf32> to vector<16xf32>
      %add3A_708 = arith.constant 512 : i32
      %add3A_709 = arith.addi %add3A_708, %add3A_441 : i32
      %get3A_710 = arith.index_cast %add3A_709 : i32 to index
      %get3A_711 = arith.constant 32 : index
      %get3A_712 = tpu.vector_load %arg9[%get3A_710, %get3A_711] {strides = array<i32>} : memref<640x128xf32, #tpu.memory_space<vmem>>, vector<1x16xf32>,
      %get3A_713 = vector.shape_cast %get3A_712 : vector<1x16xf32> to vector<16xf32>
      %mul3A_714 = arith.mulf %get3A_707, %get3A_713 : vector<16xf32>
      %mul3A_715 = vector.broadcast %squeeze3A_675 : f32 to vector<16xf32>
      %mul3A_716 = arith.mulf %mul3A_715, %mul3A_714 : vector<16xf32>
      %add3A_717 = arith.addf %add3A_703, %mul3A_716 : vector<16xf32>
      %get3A_718 = arith.index_cast %add3A_441 : i32 to index
      %get3A_719 = arith.constant 48 : index
      %get3A_720 = tpu.vector_load %arg8[%get3A_718, %get3A_719] {strides = array<i32>} : memref<128x128xf32, #tpu.memory_space<vmem>>, vector<1x16xf32>,
      %get3A_721 = vector.shape_cast %get3A_720 : vector<1x16xf32> to vector<16xf32>
      %add3A_722 = arith.constant 512 : i32
      %add3A_723 = arith.addi %add3A_722, %add3A_441 : i32
      %get3A_724 = arith.index_cast %add3A_723 : i32 to index
      %get3A_725 = arith.constant 48 : index
      %get3A_726 = tpu.vector_load %arg9[%get3A_724, %get3A_725] {strides = array<i32>} : memref<640x128xf32, #tpu.memory_space<vmem>>, vector<1x16xf32>,
      %get3A_727 = vector.shape_cast %get3A_726 : vector<1x16xf32> to vector<16xf32>
      %mul3A_728 = arith.mulf %get3A_721, %get3A_727 : vector<16xf32>
      %mul3A_729 = vector.broadcast %squeeze3A_675 : f32 to vector<16xf32>
      %mul3A_730 = arith.mulf %mul3A_729, %mul3A_728 : vector<16xf32>
      %add3A_731 = arith.addf %add3A_717, %mul3A_730 : vector<16xf32>
      %mul3A_732 = arith.constant 16 : i32
      %mul3A_733 = arith.muli %scan3A_110, %mul3A_732 : i32
      %add3A_734 = arith.constant 2 : i32
      %add3A_735 = arith.addi %mul3A_733, %add3A_734 : i32
      %slice3A_736 = vector.extract_strided_slice %get3A_117 {offsets = [2], sizes = [1], strides = [1]} : vector<16xf32> to vector<1xf32>
      %squeeze3A_737 = vector.extract %slice3A_736[0] : f32 from vector<1xf32>
      %get3A_738 = arith.index_cast %add3A_735 : i32 to index
      %get3A_739 = arith.constant 0 : index
      %get3A_740 = tpu.vector_load %arg8[%get3A_738, %get3A_739] {strides = array<i32>} : memref<128x128xf32, #tpu.memory_space<vmem>>, vector<1x16xf32>,
      %get3A_741 = vector.shape_cast %get3A_740 : vector<1x16xf32> to vector<16xf32>
      %add3A_742 = arith.constant 0 : i32
      %add3A_743 = arith.addi %add3A_742, %add3A_735 : i32
      %get3A_744 = arith.index_cast %add3A_743 : i32 to index
      %get3A_745 = arith.constant 0 : index
      %get3A_746 = tpu.vector_load %arg9[%get3A_744, %get3A_745] {strides = array<i32>} : memref<640x128xf32, #tpu.memory_space<vmem>>, vector<1x16xf32>,
      %get3A_747 = vector.shape_cast %get3A_746 : vector<1x16xf32> to vector<16xf32>
      %mul3A_748 = arith.mulf %get3A_741, %get3A_747 : vector<16xf32>
      %mul3A_749 = vector.broadcast %squeeze3A_737 : f32 to vector<16xf32>
      %mul3A_750 = arith.mulf %mul3A_749, %mul3A_748 : vector<16xf32>
      %add3A_751 = arith.addf %add3A_731, %mul3A_750 : vector<16xf32>
      %get3A_752 = arith.index_cast %add3A_735 : i32 to index
      %get3A_753 = arith.constant 16 : index
      %get3A_754 = tpu.vector_load %arg8[%get3A_752, %get3A_753] {strides = array<i32>} : memref<128x128xf32, #tpu.memory_space<vmem>>, vector<1x16xf32>,
      %get3A_755 = vector.shape_cast %get3A_754 : vector<1x16xf32> to vector<16xf32>
      %add3A_756 = arith.constant 0 : i32
      %add3A_757 = arith.addi %add3A_756, %add3A_735 : i32
      %get3A_758 = arith.index_cast %add3A_757 : i32 to index
      %get3A_759 = arith.constant 16 : index
      %get3A_760 = tpu.vector_load %arg9[%get3A_758, %get3A_759] {strides = array<i32>} : memref<640x128xf32, #tpu.memory_space<vmem>>, vector<1x16xf32>,
      %get3A_761 = vector.shape_cast %get3A_760 : vector<1x16xf32> to vector<16xf32>
      %mul3A_762 = arith.mulf %get3A_755, %get3A_761 : vector<16xf32>
      %mul3A_763 = vector.broadcast %squeeze3A_737 : f32 to vector<16xf32>
      %mul3A_764 = arith.mulf %mul3A_763, %mul3A_762 : vector<16xf32>
      %add3A_765 = arith.addf %add3A_751, %mul3A_764 : vector<16xf32>
      %get3A_766 = arith.index_cast %add3A_735 : i32 to index
      %get3A_767 = arith.constant 32 : index
      %get3A_768 = tpu.vector_load %arg8[%get3A_766, %get3A_767] {strides = array<i32>} : memref<128x128xf32, #tpu.memory_space<vmem>>, vector<1x16xf32>,
      %get3A_769 = vector.shape_cast %get3A_768 : vector<1x16xf32> to vector<16xf32>
      %add3A_770 = arith.constant 0 : i32
      %add3A_771 = arith.addi %add3A_770, %add3A_735 : i32
      %get3A_772 = arith.index_cast %add3A_771 : i32 to index
      %get3A_773 = arith.constant 32 : index
      %get3A_774 = tpu.vector_load %arg9[%get3A_772, %get3A_773] {strides = array<i32>} : memref<640x128xf32, #tpu.memory_space<vmem>>, vector<1x16xf32>,
      %get3A_775 = vector.shape_cast %get3A_774 : vector<1x16xf32> to vector<16xf32>
      %mul3A_776 = arith.mulf %get3A_769, %get3A_775 : vector<16xf32>
      %mul3A_777 = vector.broadcast %squeeze3A_737 : f32 to vector<16xf32>
      %mul3A_778 = arith.mulf %mul3A_777, %mul3A_776 : vector<16xf32>
      %add3A_779 = arith.addf %add3A_765, %mul3A_778 : vector<16xf32>
      %get3A_780 = arith.index_cast %add3A_735 : i32 to index
      %get3A_781 = arith.constant 48 : index
      %get3A_782 = tpu.vector_load %arg8[%get3A_780, %get3A_781] {strides = array<i32>} : memref<128x128xf32, #tpu.memory_space<vmem>>, vector<1x16xf32>,
      %get3A_783 = vector.shape_cast %get3A_782 : vector<1x16xf32> to vector<16xf32>
      %add3A_784 = arith.constant 0 : i32
      %add3A_785 = arith.addi %add3A_784, %add3A_735 : i32
      %get3A_786 = arith.index_cast %add3A_785 : i32 to index
      %get3A_787 = arith.constant 48 : index
      %get3A_788 = tpu.vector_load %arg9[%get3A_786, %get3A_787] {strides = array<i32>} : memref<640x128xf32, #tpu.memory_space<vmem>>, vector<1x16xf32>,
      %get3A_789 = vector.shape_cast %get3A_788 : vector<1x16xf32> to vector<16xf32>
      %mul3A_790 = arith.mulf %get3A_783, %get3A_789 : vector<16xf32>
      %mul3A_791 = vector.broadcast %squeeze3A_737 : f32 to vector<16xf32>
      %mul3A_792 = arith.mulf %mul3A_791, %mul3A_790 : vector<16xf32>
      %add3A_793 = arith.addf %add3A_779, %mul3A_792 : vector<16xf32>
      %slice3A_794 = vector.extract_strided_slice %get3A_124 {offsets = [2], sizes = [1], strides = [1]} : vector<16xf32> to vector<1xf32>
      %squeeze3A_795 = vector.extract %slice3A_794[0] : f32 from vector<1xf32>
      %get3A_796 = arith.index_cast %add3A_735 : i32 to index
      %get3A_797 = arith.constant 0 : index
      %get3A_798 = tpu.vector_load %arg8[%get3A_796, %get3A_797] {strides = array<i32>} : memref<128x128xf32, #tpu.memory_space<vmem>>, vector<1x16xf32>,
      %get3A_799 = vector.shape_cast %get3A_798 : vector<1x16xf32> to vector<16xf32>
      %add3A_800 = arith.constant 128 : i32
      %add3A_801 = arith.addi %add3A_800, %add3A_735 : i32
      %get3A_802 = arith.index_cast %add3A_801 : i32 to index
      %get3A_803 = arith.constant 0 : index
      %get3A_804 = tpu.vector_load %arg9[%get3A_802, %get3A_803] {strides = array<i32>} : memref<640x128xf32, #tpu.memory_space<vmem>>, vector<1x16xf32>,
      %get3A_805 = vector.shape_cast %get3A_804 : vector<1x16xf32> to vector<16xf32>
      %mul3A_806 = arith.mulf %get3A_799, %get3A_805 : vector<16xf32>
      %mul3A_807 = vector.broadcast %squeeze3A_795 : f32 to vector<16xf32>
      %mul3A_808 = arith.mulf %mul3A_807, %mul3A_806 : vector<16xf32>
      %add3A_809 = arith.addf %add3A_793, %mul3A_808 : vector<16xf32>
      %get3A_810 = arith.index_cast %add3A_735 : i32 to index
      %get3A_811 = arith.constant 16 : index
      %get3A_812 = tpu.vector_load %arg8[%get3A_810, %get3A_811] {strides = array<i32>} : memref<128x128xf32, #tpu.memory_space<vmem>>, vector<1x16xf32>,
      %get3A_813 = vector.shape_cast %get3A_812 : vector<1x16xf32> to vector<16xf32>
      %add3A_814 = arith.constant 128 : i32
      %add3A_815 = arith.addi %add3A_814, %add3A_735 : i32
      %get3A_816 = arith.index_cast %add3A_815 : i32 to index
      %get3A_817 = arith.constant 16 : index
      %get3A_818 = tpu.vector_load %arg9[%get3A_816, %get3A_817] {strides = array<i32>} : memref<640x128xf32, #tpu.memory_space<vmem>>, vector<1x16xf32>,
      %get3A_819 = vector.shape_cast %get3A_818 : vector<1x16xf32> to vector<16xf32>
      %mul3A_820 = arith.mulf %get3A_813, %get3A_819 : vector<16xf32>
      %mul3A_821 = vector.broadcast %squeeze3A_795 : f32 to vector<16xf32>
      %mul3A_822 = arith.mulf %mul3A_821, %mul3A_820 : vector<16xf32>
      %add3A_823 = arith.addf %add3A_809, %mul3A_822 : vector<16xf32>
      %get3A_824 = arith.index_cast %add3A_735 : i32 to index
      %get3A_825 = arith.constant 32 : index
      %get3A_826 = tpu.vector_load %arg8[%get3A_824, %get3A_825] {strides = array<i32>} : memref<128x128xf32, #tpu.memory_space<vmem>>, vector<1x16xf32>,
      %get3A_827 = vector.shape_cast %get3A_826 : vector<1x16xf32> to vector<16xf32>
      %add3A_828 = arith.constant 128 : i32
      %add3A_829 = arith.addi %add3A_828, %add3A_735 : i32
      %get3A_830 = arith.index_cast %add3A_829 : i32 to index
      %get3A_831 = arith.constant 32 : index
      %get3A_832 = tpu.vector_load %arg9[%get3A_830, %get3A_831] {strides = array<i32>} : memref<640x128xf32, #tpu.memory_space<vmem>>, vector<1x16xf32>,
      %get3A_833 = vector.shape_cast %get3A_832 : vector<1x16xf32> to vector<16xf32>
      %mul3A_834 = arith.mulf %get3A_827, %get3A_833 : vector<16xf32>
      %mul3A_835 = vector.broadcast %squeeze3A_795 : f32 to vector<16xf32>
      %mul3A_836 = arith.mulf %mul3A_835, %mul3A_834 : vector<16xf32>
      %add3A_837 = arith.addf %add3A_823, %mul3A_836 : vector<16xf32>
      %get3A_838 = arith.index_cast %add3A_735 : i32 to index
      %get3A_839 = arith.constant 48 : index
      %get3A_840 = tpu.vector_load %arg8[%get3A_838, %get3A_839] {strides = array<i32>} : memref<128x128xf32, #tpu.memory_space<vmem>>, vector<1x16xf32>,
      %get3A_841 = vector.shape_cast %get3A_840 : vector<1x16xf32> to vector<16xf32>
      %add3A_842 = arith.constant 128 : i32
      %add3A_843 = arith.addi %add3A_842, %add3A_735 : i32
      %get3A_844 = arith.index_cast %add3A_843 : i32 to index
      %get3A_845 = arith.constant 48 : index
      %get3A_846 = tpu.vector_load %arg9[%get3A_844, %get3A_845] {strides = array<i32>} : memref<640x128xf32, #tpu.memory_space<vmem>>, vector<1x16xf32>,
      %get3A_847 = vector.shape_cast %get3A_846 : vector<1x16xf32> to vector<16xf32>
      %mul3A_848 = arith.mulf %get3A_841, %get3A_847 : vector<16xf32>
      %mul3A_849 = vector.broadcast %squeeze3A_795 : f32 to vector<16xf32>
      %mul3A_850 = arith.mulf %mul3A_849, %mul3A_848 : vector<16xf32>
      %add3A_851 = arith.addf %add3A_837, %mul3A_850 : vector<16xf32>
      %slice3A_852 = vector.extract_strided_slice %get3A_131 {offsets = [2], sizes = [1], strides = [1]} : vector<16xf32> to vector<1xf32>
      %squeeze3A_853 = vector.extract %slice3A_852[0] : f32 from vector<1xf32>
      %get3A_854 = arith.index_cast %add3A_735 : i32 to index
      %get3A_855 = arith.constant 0 : index
      %get3A_856 = tpu.vector_load %arg8[%get3A_854, %get3A_855] {strides = array<i32>} : memref<128x128xf32, #tpu.memory_space<vmem>>, vector<1x16xf32>,
      %get3A_857 = vector.shape_cast %get3A_856 : vector<1x16xf32> to vector<16xf32>
      %add3A_858 = arith.constant 256 : i32
      %add3A_859 = arith.addi %add3A_858, %add3A_735 : i32
      %get3A_860 = arith.index_cast %add3A_859 : i32 to index
      %get3A_861 = arith.constant 0 : index
      %get3A_862 = tpu.vector_load %arg9[%get3A_860, %get3A_861] {strides = array<i32>} : memref<640x128xf32, #tpu.memory_space<vmem>>, vector<1x16xf32>,
      %get3A_863 = vector.shape_cast %get3A_862 : vector<1x16xf32> to vector<16xf32>
      %mul3A_864 = arith.mulf %get3A_857, %get3A_863 : vector<16xf32>
      %mul3A_865 = vector.broadcast %squeeze3A_853 : f32 to vector<16xf32>
      %mul3A_866 = arith.mulf %mul3A_865, %mul3A_864 : vector<16xf32>
      %add3A_867 = arith.addf %add3A_851, %mul3A_866 : vector<16xf32>
      %get3A_868 = arith.index_cast %add3A_735 : i32 to index
      %get3A_869 = arith.constant 16 : index
      %get3A_870 = tpu.vector_load %arg8[%get3A_868, %get3A_869] {strides = array<i32>} : memref<128x128xf32, #tpu.memory_space<vmem>>, vector<1x16xf32>,
      %get3A_871 = vector.shape_cast %get3A_870 : vector<1x16xf32> to vector<16xf32>
      %add3A_872 = arith.constant 256 : i32
      %add3A_873 = arith.addi %add3A_872, %add3A_735 : i32
      %get3A_874 = arith.index_cast %add3A_873 : i32 to index
      %get3A_875 = arith.constant 16 : index
      %get3A_876 = tpu.vector_load %arg9[%get3A_874, %get3A_875] {strides = array<i32>} : memref<640x128xf32, #tpu.memory_space<vmem>>, vector<1x16xf32>,
      %get3A_877 = vector.shape_cast %get3A_876 : vector<1x16xf32> to vector<16xf32>
      %mul3A_878 = arith.mulf %get3A_871, %get3A_877 : vector<16xf32>
      %mul3A_879 = vector.broadcast %squeeze3A_853 : f32 to vector<16xf32>
      %mul3A_880 = arith.mulf %mul3A_879, %mul3A_878 : vector<16xf32>
      %add3A_881 = arith.addf %add3A_867, %mul3A_880 : vector<16xf32>
      %get3A_882 = arith.index_cast %add3A_735 : i32 to index
      %get3A_883 = arith.constant 32 : index
      %get3A_884 = tpu.vector_load %arg8[%get3A_882, %get3A_883] {strides = array<i32>} : memref<128x128xf32, #tpu.memory_space<vmem>>, vector<1x16xf32>,
      %get3A_885 = vector.shape_cast %get3A_884 : vector<1x16xf32> to vector<16xf32>
      %add3A_886 = arith.constant 256 : i32
      %add3A_887 = arith.addi %add3A_886, %add3A_735 : i32
      %get3A_888 = arith.index_cast %add3A_887 : i32 to index
      %get3A_889 = arith.constant 32 : index
      %get3A_890 = tpu.vector_load %arg9[%get3A_888, %get3A_889] {strides = array<i32>} : memref<640x128xf32, #tpu.memory_space<vmem>>, vector<1x16xf32>,
      %get3A_891 = vector.shape_cast %get3A_890 : vector<1x16xf32> to vector<16xf32>
      %mul3A_892 = arith.mulf %get3A_885, %get3A_891 : vector<16xf32>
      %mul3A_893 = vector.broadcast %squeeze3A_853 : f32 to vector<16xf32>
      %mul3A_894 = arith.mulf %mul3A_893, %mul3A_892 : vector<16xf32>
      %add3A_895 = arith.addf %add3A_881, %mul3A_894 : vector<16xf32>
      %get3A_896 = arith.index_cast %add3A_735 : i32 to index
      %get3A_897 = arith.constant 48 : index
      %get3A_898 = tpu.vector_load %arg8[%get3A_896, %get3A_897] {strides = array<i32>} : memref<128x128xf32, #tpu.memory_space<vmem>>, vector<1x16xf32>,
      %get3A_899 = vector.shape_cast %get3A_898 : vector<1x16xf32> to vector<16xf32>
      %add3A_900 = arith.constant 256 : i32
      %add3A_901 = arith.addi %add3A_900, %add3A_735 : i32
      %get3A_902 = arith.index_cast %add3A_901 : i32 to index
      %get3A_903 = arith.constant 48 : index
      %get3A_904 = tpu.vector_load %arg9[%get3A_902, %get3A_903] {strides = array<i32>} : memref<640x128xf32, #tpu.memory_space<vmem>>, vector<1x16xf32>,
      %get3A_905 = vector.shape_cast %get3A_904 : vector<1x16xf32> to vector<16xf32>
      %mul3A_906 = arith.mulf %get3A_899, %get3A_905 : vector<16xf32>
      %mul3A_907 = vector.broadcast %squeeze3A_853 : f32 to vector<16xf32>
      %mul3A_908 = arith.mulf %mul3A_907, %mul3A_906 : vector<16xf32>
      %add3A_909 = arith.addf %add3A_895, %mul3A_908 : vector<16xf32>
      %slice3A_910 = vector.extract_strided_slice %get3A_138 {offsets = [2], sizes = [1], strides = [1]} : vector<16xf32> to vector<1xf32>
      %squeeze3A_911 = vector.extract %slice3A_910[0] : f32 from vector<1xf32>
      %get3A_912 = arith.index_cast %add3A_735 : i32 to index
      %get3A_913 = arith.constant 0 : index
      %get3A_914 = tpu.vector_load %arg8[%get3A_912, %get3A_913] {strides = array<i32>} : memref<128x128xf32, #tpu.memory_space<vmem>>, vector<1x16xf32>,
      %get3A_915 = vector.shape_cast %get3A_914 : vector<1x16xf32> to vector<16xf32>
      %add3A_916 = arith.constant 384 : i32
      %add3A_917 = arith.addi %add3A_916, %add3A_735 : i32
      %get3A_918 = arith.index_cast %add3A_917 : i32 to index
      %get3A_919 = arith.constant 0 : index
      %get3A_920 = tpu.vector_load %arg9[%get3A_918, %get3A_919] {strides = array<i32>} : memref<640x128xf32, #tpu.memory_space<vmem>>, vector<1x16xf32>,
      %get3A_921 = vector.shape_cast %get3A_920 : vector<1x16xf32> to vector<16xf32>
      %mul3A_922 = arith.mulf %get3A_915, %get3A_921 : vector<16xf32>
      %mul3A_923 = vector.broadcast %squeeze3A_911 : f32 to vector<16xf32>
      %mul3A_924 = arith.mulf %mul3A_923, %mul3A_922 : vector<16xf32>
      %add3A_925 = arith.addf %add3A_909, %mul3A_924 : vector<16xf32>
      %get3A_926 = arith.index_cast %add3A_735 : i32 to index
      %get3A_927 = arith.constant 16 : index
      %get3A_928 = tpu.vector_load %arg8[%get3A_926, %get3A_927] {strides = array<i32>} : memref<128x128xf32, #tpu.memory_space<vmem>>, vector<1x16xf32>,
      %get3A_929 = vector.shape_cast %get3A_928 : vector<1x16xf32> to vector<16xf32>
      %add3A_930 = arith.constant 384 : i32
      %add3A_931 = arith.addi %add3A_930, %add3A_735 : i32
      %get3A_932 = arith.index_cast %add3A_931 : i32 to index
      %get3A_933 = arith.constant 16 : index
      %get3A_934 = tpu.vector_load %arg9[%get3A_932, %get3A_933] {strides = array<i32>} : memref<640x128xf32, #tpu.memory_space<vmem>>, vector<1x16xf32>,
      %get3A_935 = vector.shape_cast %get3A_934 : vector<1x16xf32> to vector<16xf32>
      %mul3A_936 = arith.mulf %get3A_929, %get3A_935 : vector<16xf32>
      %mul3A_937 = vector.broadcast %squeeze3A_911 : f32 to vector<16xf32>
      %mul3A_938 = arith.mulf %mul3A_937, %mul3A_936 : vector<16xf32>
      %add3A_939 = arith.addf %add3A_925, %mul3A_938 : vector<16xf32>
      %get3A_940 = arith.index_cast %add3A_735 : i32 to index
      %get3A_941 = arith.constant 32 : index
      %get3A_942 = tpu.vector_load %arg8[%get3A_940, %get3A_941] {strides = array<i32>} : memref<128x128xf32, #tpu.memory_space<vmem>>, vector<1x16xf32>,
      %get3A_943 = vector.shape_cast %get3A_942 : vector<1x16xf32> to vector<16xf32>
      %add3A_944 = arith.constant 384 : i32
      %add3A_945 = arith.addi %add3A_944, %add3A_735 : i32
      %get3A_946 = arith.index_cast %add3A_945 : i32 to index
      %get3A_947 = arith.constant 32 : index
      %get3A_948 = tpu.vector_load %arg9[%get3A_946, %get3A_947] {strides = array<i32>} : memref<640x128xf32, #tpu.memory_space<vmem>>, vector<1x16xf32>,
      %get3A_949 = vector.shape_cast %get3A_948 : vector<1x16xf32> to vector<16xf32>
      %mul3A_950 = arith.mulf %get3A_943, %get3A_949 : vector<16xf32>
      %mul3A_951 = vector.broadcast %squeeze3A_911 : f32 to vector<16xf32>
      %mul3A_952 = arith.mulf %mul3A_951, %mul3A_950 : vector<16xf32>
      %add3A_953 = arith.addf %add3A_939, %mul3A_952 : vector<16xf32>
      %get3A_954 = arith.index_cast %add3A_735 : i32 to index
      %get3A_955 = arith.constant 48 : index
      %get3A_956 = tpu.vector_load %arg8[%get3A_954, %get3A_955] {strides = array<i32>} : memref<128x128xf32, #tpu.memory_space<vmem>>, vector<1x16xf32>,
      %get3A_957 = vector.shape_cast %get3A_956 : vector<1x16xf32> to vector<16xf32>
      %add3A_958 = arith.constant 384 : i32
      %add3A_959 = arith.addi %add3A_958, %add3A_735 : i32
      %get3A_960 = arith.index_cast %add3A_959 : i32 to index
      %get3A_961 = arith.constant 48 : index
      %get3A_962 = tpu.vector_load %arg9[%get3A_960, %get3A_961] {strides = array<i32>} : memref<640x128xf32, #tpu.memory_space<vmem>>, vector<1x16xf32>,
      %get3A_963 = vector.shape_cast %get3A_962 : vector<1x16xf32> to vector<16xf32>
      %mul3A_964 = arith.mulf %get3A_957, %get3A_963 : vector<16xf32>
      %mul3A_965 = vector.broadcast %squeeze3A_911 : f32 to vector<16xf32>
      %mul3A_966 = arith.mulf %mul3A_965, %mul3A_964 : vector<16xf32>
      %add3A_967 = arith.addf %add3A_953, %mul3A_966 : vector<16xf32>
      %slice3A_968 = vector.extract_strided_slice %get3A_145 {offsets = [2], sizes = [1], strides = [1]} : vector<16xf32> to vector<1xf32>
      %squeeze3A_969 = vector.extract %slice3A_968[0] : f32 from vector<1xf32>
      %get3A_970 = arith.index_cast %add3A_735 : i32 to index
      %get3A_971 = arith.constant 0 : index
      %get3A_972 = tpu.vector_load %arg8[%get3A_970, %get3A_971] {strides = array<i32>} : memref<128x128xf32, #tpu.memory_space<vmem>>, vector<1x16xf32>,
      %get3A_973 = vector.shape_cast %get3A_972 : vector<1x16xf32> to vector<16xf32>
      %add3A_974 = arith.constant 512 : i32
      %add3A_975 = arith.addi %add3A_974, %add3A_735 : i32
      %get3A_976 = arith.index_cast %add3A_975 : i32 to index
      %get3A_977 = arith.constant 0 : index
      %get3A_978 = tpu.vector_load %arg9[%get3A_976, %get3A_977] {strides = array<i32>} : memref<640x128xf32, #tpu.memory_space<vmem>>, vector<1x16xf32>,
      %get3A_979 = vector.shape_cast %get3A_978 : vector<1x16xf32> to vector<16xf32>
      %mul3A_980 = arith.mulf %get3A_973, %get3A_979 : vector<16xf32>
      %mul3A_981 = vector.broadcast %squeeze3A_969 : f32 to vector<16xf32>
      %mul3A_982 = arith.mulf %mul3A_981, %mul3A_980 : vector<16xf32>
      %add3A_983 = arith.addf %add3A_967, %mul3A_982 : vector<16xf32>
      %get3A_984 = arith.index_cast %add3A_735 : i32 to index
      %get3A_985 = arith.constant 16 : index
      %get3A_986 = tpu.vector_load %arg8[%get3A_984, %get3A_985] {strides = array<i32>} : memref<128x128xf32, #tpu.memory_space<vmem>>, vector<1x16xf32>,
      %get3A_987 = vector.shape_cast %get3A_986 : vector<1x16xf32> to vector<16xf32>
      %add3A_988 = arith.constant 512 : i32
      %add3A_989 = arith.addi %add3A_988, %add3A_735 : i32
      %get3A_990 = arith.index_cast %add3A_989 : i32 to index
      %get3A_991 = arith.constant 16 : index
      %get3A_992 = tpu.vector_load %arg9[%get3A_990, %get3A_991] {strides = array<i32>} : memref<640x128xf32, #tpu.memory_space<vmem>>, vector<1x16xf32>,
      %get3A_993 = vector.shape_cast %get3A_992 : vector<1x16xf32> to vector<16xf32>
      %mul3A_994 = arith.mulf %get3A_987, %get3A_993 : vector<16xf32>
      %mul3A_995 = vector.broadcast %squeeze3A_969 : f32 to vector<16xf32>
      %mul3A_996 = arith.mulf %mul3A_995, %mul3A_994 : vector<16xf32>
      %add3A_997 = arith.addf %add3A_983, %mul3A_996 : vector<16xf32>
      %get3A_998 = arith.index_cast %add3A_735 : i32 to index
      %get3A_999 = arith.constant 32 : index
      %get3A_1000 = tpu.vector_load %arg8[%get3A_998, %get3A_999] {strides = array<i32>} : memref<128x128xf32, #tpu.memory_space<vmem>>, vector<1x16xf32>,
      %get3A_1001 = vector.shape_cast %get3A_1000 : vector<1x16xf32> to vector<16xf32>
      %add3A_1002 = arith.constant 512 : i32
      %add3A_1003 = arith.addi %add3A_1002, %add3A_735 : i32
      %get3A_1004 = arith.index_cast %add3A_1003 : i32 to index
      %get3A_1005 = arith.constant 32 : index
      %get3A_1006 = tpu.vector_load %arg9[%get3A_1004, %get3A_1005] {strides = array<i32>} : memref<640x128xf32, #tpu.memory_space<vmem>>, vector<1x16xf32>,
      %get3A_1007 = vector.shape_cast %get3A_1006 : vector<1x16xf32> to vector<16xf32>
      %mul3A_1008 = arith.mulf %get3A_1001, %get3A_1007 : vector<16xf32>
      %mul3A_1009 = vector.broadcast %squeeze3A_969 : f32 to vector<16xf32>
      %mul3A_1010 = arith.mulf %mul3A_1009, %mul3A_1008 : vector<16xf32>
      %add3A_1011 = arith.addf %add3A_997, %mul3A_1010 : vector<16xf32>
      %get3A_1012 = arith.index_cast %add3A_735 : i32 to index
      %get3A_1013 = arith.constant 48 : index
      %get3A_1014 = tpu.vector_load %arg8[%get3A_1012, %get3A_1013] {strides = array<i32>} : memref<128x128xf32, #tpu.memory_space<vmem>>, vector<1x16xf32>,
      %get3A_1015 = vector.shape_cast %get3A_1014 : vector<1x16xf32> to vector<16xf32>
      %add3A_1016 = arith.constant 512 : i32
      %add3A_1017 = arith.addi %add3A_1016, %add3A_735 : i32
      %get3A_1018 = arith.index_cast %add3A_1017 : i32 to index
      %get3A_1019 = arith.constant 48 : index
      %get3A_1020 = tpu.vector_load %arg9[%get3A_1018, %get3A_1019] {strides = array<i32>} : memref<640x128xf32, #tpu.memory_space<vmem>>, vector<1x16xf32>,
      %get3A_1021 = vector.shape_cast %get3A_1020 : vector<1x16xf32> to vector<16xf32>
      %mul3A_1022 = arith.mulf %get3A_1015, %get3A_1021 : vector<16xf32>
      %mul3A_1023 = vector.broadcast %squeeze3A_969 : f32 to vector<16xf32>
      %mul3A_1024 = arith.mulf %mul3A_1023, %mul3A_1022 : vector<16xf32>
      %add3A_1025 = arith.addf %add3A_1011, %mul3A_1024 : vector<16xf32>
      %mul3A_1026 = arith.constant 16 : i32
      %mul3A_1027 = arith.muli %scan3A_110, %mul3A_1026 : i32
      %add3A_1028 = arith.constant 3 : i32
      %add3A_1029 = arith.addi %mul3A_1027, %add3A_1028 : i32
      %slice3A_1030 = vector.extract_strided_slice %get3A_117 {offsets = [3], sizes = [1], strides = [1]} : vector<16xf32> to vector<1xf32>
      %squeeze3A_1031 = vector.extract %slice3A_1030[0] : f32 from vector<1xf32>
      %get3A_1032 = arith.index_cast %add3A_1029 : i32 to index
      %get3A_1033 = arith.constant 0 : index
      %get3A_1034 = tpu.vector_load %arg8[%get3A_1032, %get3A_1033] {strides = array<i32>} : memref<128x128xf32, #tpu.memory_space<vmem>>, vector<1x16xf32>,
      %get3A_1035 = vector.shape_cast %get3A_1034 : vector<1x16xf32> to vector<16xf32>
      %add3A_1036 = arith.constant 0 : i32
      %add3A_1037 = arith.addi %add3A_1036, %add3A_1029 : i32
      %get3A_1038 = arith.index_cast %add3A_1037 : i32 to index
      %get3A_1039 = arith.constant 0 : index
      %get3A_1040 = tpu.vector_load %arg9[%get3A_1038, %get3A_1039] {strides = array<i32>} : memref<640x128xf32, #tpu.memory_space<vmem>>, vector<1x16xf32>,
      %get3A_1041 = vector.shape_cast %get3A_1040 : vector<1x16xf32> to vector<16xf32>
      %mul3A_1042 = arith.mulf %get3A_1035, %get3A_1041 : vector<16xf32>
      %mul3A_1043 = vector.broadcast %squeeze3A_1031 : f32 to vector<16xf32>
      %mul3A_1044 = arith.mulf %mul3A_1043, %mul3A_1042 : vector<16xf32>
      %add3A_1045 = arith.addf %add3A_1025, %mul3A_1044 : vector<16xf32>
      %get3A_1046 = arith.index_cast %add3A_1029 : i32 to index
      %get3A_1047 = arith.constant 16 : index
      %get3A_1048 = tpu.vector_load %arg8[%get3A_1046, %get3A_1047] {strides = array<i32>} : memref<128x128xf32, #tpu.memory_space<vmem>>, vector<1x16xf32>,
      %get3A_1049 = vector.shape_cast %get3A_1048 : vector<1x16xf32> to vector<16xf32>
      %add3A_1050 = arith.constant 0 : i32
      %add3A_1051 = arith.addi %add3A_1050, %add3A_1029 : i32
      %get3A_1052 = arith.index_cast %add3A_1051 : i32 to index
      %get3A_1053 = arith.constant 16 : index
      %get3A_1054 = tpu.vector_load %arg9[%get3A_1052, %get3A_1053] {strides = array<i32>} : memref<640x128xf32, #tpu.memory_space<vmem>>, vector<1x16xf32>,
      %get3A_1055 = vector.shape_cast %get3A_1054 : vector<1x16xf32> to vector<16xf32>
      %mul3A_1056 = arith.mulf %get3A_1049, %get3A_1055 : vector<16xf32>
      %mul3A_1057 = vector.broadcast %squeeze3A_1031 : f32 to vector<16xf32>
      %mul3A_1058 = arith.mulf %mul3A_1057, %mul3A_1056 : vector<16xf32>
      %add3A_1059 = arith.addf %add3A_1045, %mul3A_1058 : vector<16xf32>
      %get3A_1060 = arith.index_cast %add3A_1029 : i32 to index
      %get3A_1061 = arith.constant 32 : index
      %get3A_1062 = tpu.vector_load %arg8[%get3A_1060, %get3A_1061] {strides = array<i32>} : memref<128x128xf32, #tpu.memory_space<vmem>>, vector<1x16xf32>,
      %get3A_1063 = vector.shape_cast %get3A_1062 : vector<1x16xf32> to vector<16xf32>
      %add3A_1064 = arith.constant 0 : i32
      %add3A_1065 = arith.addi %add3A_1064, %add3A_1029 : i32
      %get3A_1066 = arith.index_cast %add3A_1065 : i32 to index
      %get3A_1067 = arith.constant 32 : index
      %get3A_1068 = tpu.vector_load %arg9[%get3A_1066, %get3A_1067] {strides = array<i32>} : memref<640x128xf32, #tpu.memory_space<vmem>>, vector<1x16xf32>,
      %get3A_1069 = vector.shape_cast %get3A_1068 : vector<1x16xf32> to vector<16xf32>
      %mul3A_1070 = arith.mulf %get3A_1063, %get3A_1069 : vector<16xf32>
      %mul3A_1071 = vector.broadcast %squeeze3A_1031 : f32 to vector<16xf32>
      %mul3A_1072 = arith.mulf %mul3A_1071, %mul3A_1070 : vector<16xf32>
      %add3A_1073 = arith.addf %add3A_1059, %mul3A_1072 : vector<16xf32>
      %get3A_1074 = arith.index_cast %add3A_1029 : i32 to index
      %get3A_1075 = arith.constant 48 : index
      %get3A_1076 = tpu.vector_load %arg8[%get3A_1074, %get3A_1075] {strides = array<i32>} : memref<128x128xf32, #tpu.memory_space<vmem>>, vector<1x16xf32>,
      %get3A_1077 = vector.shape_cast %get3A_1076 : vector<1x16xf32> to vector<16xf32>
      %add3A_1078 = arith.constant 0 : i32
      %add3A_1079 = arith.addi %add3A_1078, %add3A_1029 : i32
      %get3A_1080 = arith.index_cast %add3A_1079 : i32 to index
      %get3A_1081 = arith.constant 48 : index
      %get3A_1082 = tpu.vector_load %arg9[%get3A_1080, %get3A_1081] {strides = array<i32>} : memref<640x128xf32, #tpu.memory_space<vmem>>, vector<1x16xf32>,
      %get3A_1083 = vector.shape_cast %get3A_1082 : vector<1x16xf32> to vector<16xf32>
      %mul3A_1084 = arith.mulf %get3A_1077, %get3A_1083 : vector<16xf32>
      %mul3A_1085 = vector.broadcast %squeeze3A_1031 : f32 to vector<16xf32>
      %mul3A_1086 = arith.mulf %mul3A_1085, %mul3A_1084 : vector<16xf32>
      %add3A_1087 = arith.addf %add3A_1073, %mul3A_1086 : vector<16xf32>
      %slice3A_1088 = vector.extract_strided_slice %get3A_124 {offsets = [3], sizes = [1], strides = [1]} : vector<16xf32> to vector<1xf32>
      %squeeze3A_1089 = vector.extract %slice3A_1088[0] : f32 from vector<1xf32>
      %get3A_1090 = arith.index_cast %add3A_1029 : i32 to index
      %get3A_1091 = arith.constant 0 : index
      %get3A_1092 = tpu.vector_load %arg8[%get3A_1090, %get3A_1091] {strides = array<i32>} : memref<128x128xf32, #tpu.memory_space<vmem>>, vector<1x16xf32>,
      %get3A_1093 = vector.shape_cast %get3A_1092 : vector<1x16xf32> to vector<16xf32>
      %add3A_1094 = arith.constant 128 : i32
      %add3A_1095 = arith.addi %add3A_1094, %add3A_1029 : i32
      %get3A_1096 = arith.index_cast %add3A_1095 : i32 to index
      %get3A_1097 = arith.constant 0 : index
      %get3A_1098 = tpu.vector_load %arg9[%get3A_1096, %get3A_1097] {strides = array<i32>} : memref<640x128xf32, #tpu.memory_space<vmem>>, vector<1x16xf32>,
      %get3A_1099 = vector.shape_cast %get3A_1098 : vector<1x16xf32> to vector<16xf32>
      %mul3A_1100 = arith.mulf %get3A_1093, %get3A_1099 : vector<16xf32>
      %mul3A_1101 = vector.broadcast %squeeze3A_1089 : f32 to vector<16xf32>
      %mul3A_1102 = arith.mulf %mul3A_1101, %mul3A_1100 : vector<16xf32>
      %add3A_1103 = arith.addf %add3A_1087, %mul3A_1102 : vector<16xf32>
      %get3A_1104 = arith.index_cast %add3A_1029 : i32 to index
      %get3A_1105 = arith.constant 16 : index
      %get3A_1106 = tpu.vector_load %arg8[%get3A_1104, %get3A_1105] {strides = array<i32>} : memref<128x128xf32, #tpu.memory_space<vmem>>, vector<1x16xf32>,
      %get3A_1107 = vector.shape_cast %get3A_1106 : vector<1x16xf32> to vector<16xf32>
      %add3A_1108 = arith.constant 128 : i32
      %add3A_1109 = arith.addi %add3A_1108, %add3A_1029 : i32
      %get3A_1110 = arith.index_cast %add3A_1109 : i32 to index
      %get3A_1111 = arith.constant 16 : index
      %get3A_1112 = tpu.vector_load %arg9[%get3A_1110, %get3A_1111] {strides = array<i32>} : memref<640x128xf32, #tpu.memory_space<vmem>>, vector<1x16xf32>,
      %get3A_1113 = vector.shape_cast %get3A_1112 : vector<1x16xf32> to vector<16xf32>
      %mul3A_1114 = arith.mulf %get3A_1107, %get3A_1113 : vector<16xf32>
      %mul3A_1115 = vector.broadcast %squeeze3A_1089 : f32 to vector<16xf32>
      %mul3A_1116 = arith.mulf %mul3A_1115, %mul3A_1114 : vector<16xf32>
      %add3A_1117 = arith.addf %add3A_1103, %mul3A_1116 : vector<16xf32>
      %get3A_1118 = arith.index_cast %add3A_1029 : i32 to index
      %get3A_1119 = arith.constant 32 : index
      %get3A_1120 = tpu.vector_load %arg8[%get3A_1118, %get3A_1119] {strides = array<i32>} : memref<128x128xf32, #tpu.memory_space<vmem>>, vector<1x16xf32>,
      %get3A_1121 = vector.shape_cast %get3A_1120 : vector<1x16xf32> to vector<16xf32>
      %add3A_1122 = arith.constant 128 : i32
      %add3A_1123 = arith.addi %add3A_1122, %add3A_1029 : i32
      %get3A_1124 = arith.index_cast %add3A_1123 : i32 to index
      %get3A_1125 = arith.constant 32 : index
      %get3A_1126 = tpu.vector_load %arg9[%get3A_1124, %get3A_1125] {strides = array<i32>} : memref<640x128xf32, #tpu.memory_space<vmem>>, vector<1x16xf32>,
      %get3A_1127 = vector.shape_cast %get3A_1126 : vector<1x16xf32> to vector<16xf32>
      %mul3A_1128 = arith.mulf %get3A_1121, %get3A_1127 : vector<16xf32>
      %mul3A_1129 = vector.broadcast %squeeze3A_1089 : f32 to vector<16xf32>
      %mul3A_1130 = arith.mulf %mul3A_1129, %mul3A_1128 : vector<16xf32>
      %add3A_1131 = arith.addf %add3A_1117, %mul3A_1130 : vector<16xf32>
      %get3A_1132 = arith.index_cast %add3A_1029 : i32 to index
      %get3A_1133 = arith.constant 48 : index
      %get3A_1134 = tpu.vector_load %arg8[%get3A_1132, %get3A_1133] {strides = array<i32>} : memref<128x128xf32, #tpu.memory_space<vmem>>, vector<1x16xf32>,
      %get3A_1135 = vector.shape_cast %get3A_1134 : vector<1x16xf32> to vector<16xf32>
      %add3A_1136 = arith.constant 128 : i32
      %add3A_1137 = arith.addi %add3A_1136, %add3A_1029 : i32
      %get3A_1138 = arith.index_cast %add3A_1137 : i32 to index
      %get3A_1139 = arith.constant 48 : index
      %get3A_1140 = tpu.vector_load %arg9[%get3A_1138, %get3A_1139] {strides = array<i32>} : memref<640x128xf32, #tpu.memory_space<vmem>>, vector<1x16xf32>,
      %get3A_1141 = vector.shape_cast %get3A_1140 : vector<1x16xf32> to vector<16xf32>
      %mul3A_1142 = arith.mulf %get3A_1135, %get3A_1141 : vector<16xf32>
      %mul3A_1143 = vector.broadcast %squeeze3A_1089 : f32 to vector<16xf32>
      %mul3A_1144 = arith.mulf %mul3A_1143, %mul3A_1142 : vector<16xf32>
      %add3A_1145 = arith.addf %add3A_1131, %mul3A_1144 : vector<16xf32>
      %slice3A_1146 = vector.extract_strided_slice %get3A_131 {offsets = [3], sizes = [1], strides = [1]} : vector<16xf32> to vector<1xf32>
      %squeeze3A_1147 = vector.extract %slice3A_1146[0] : f32 from vector<1xf32>
      %get3A_1148 = arith.index_cast %add3A_1029 : i32 to index
      %get3A_1149 = arith.constant 0 : index
      %get3A_1150 = tpu.vector_load %arg8[%get3A_1148, %get3A_1149] {strides = array<i32>} : memref<128x128xf32, #tpu.memory_space<vmem>>, vector<1x16xf32>,
      %get3A_1151 = vector.shape_cast %get3A_1150 : vector<1x16xf32> to vector<16xf32>
      %add3A_1152 = arith.constant 256 : i32
      %add3A_1153 = arith.addi %add3A_1152, %add3A_1029 : i32
      %get3A_1154 = arith.index_cast %add3A_1153 : i32 to index
      %get3A_1155 = arith.constant 0 : index
      %get3A_1156 = tpu.vector_load %arg9[%get3A_1154, %get3A_1155] {strides = array<i32>} : memref<640x128xf32, #tpu.memory_space<vmem>>, vector<1x16xf32>,
      %get3A_1157 = vector.shape_cast %get3A_1156 : vector<1x16xf32> to vector<16xf32>
      %mul3A_1158 = arith.mulf %get3A_1151, %get3A_1157 : vector<16xf32>
      %mul3A_1159 = vector.broadcast %squeeze3A_1147 : f32 to vector<16xf32>
      %mul3A_1160 = arith.mulf %mul3A_1159, %mul3A_1158 : vector<16xf32>
      %add3A_1161 = arith.addf %add3A_1145, %mul3A_1160 : vector<16xf32>
      %get3A_1162 = arith.index_cast %add3A_1029 : i32 to index
      %get3A_1163 = arith.constant 16 : index
      %get3A_1164 = tpu.vector_load %arg8[%get3A_1162, %get3A_1163] {strides = array<i32>} : memref<128x128xf32, #tpu.memory_space<vmem>>, vector<1x16xf32>,
      %get3A_1165 = vector.shape_cast %get3A_1164 : vector<1x16xf32> to vector<16xf32>
      %add3A_1166 = arith.constant 256 : i32
      %add3A_1167 = arith.addi %add3A_1166, %add3A_1029 : i32
      %get3A_1168 = arith.index_cast %add3A_1167 : i32 to index
      %get3A_1169 = arith.constant 16 : index
      %get3A_1170 = tpu.vector_load %arg9[%get3A_1168, %get3A_1169] {strides = array<i32>} : memref<640x128xf32, #tpu.memory_space<vmem>>, vector<1x16xf32>,
      %get3A_1171 = vector.shape_cast %get3A_1170 : vector<1x16xf32> to vector<16xf32>
      %mul3A_1172 = arith.mulf %get3A_1165, %get3A_1171 : vector<16xf32>
      %mul3A_1173 = vector.broadcast %squeeze3A_1147 : f32 to vector<16xf32>
      %mul3A_1174 = arith.mulf %mul3A_1173, %mul3A_1172 : vector<16xf32>
      %add3A_1175 = arith.addf %add3A_1161, %mul3A_1174 : vector<16xf32>
      %get3A_1176 = arith.index_cast %add3A_1029 : i32 to index
      %get3A_1177 = arith.constant 32 : index
      %get3A_1178 = tpu.vector_load %arg8[%get3A_1176, %get3A_1177] {strides = array<i32>} : memref<128x128xf32, #tpu.memory_space<vmem>>, vector<1x16xf32>,
      %get3A_1179 = vector.shape_cast %get3A_1178 : vector<1x16xf32> to vector<16xf32>
      %add3A_1180 = arith.constant 256 : i32
      %add3A_1181 = arith.addi %add3A_1180, %add3A_1029 : i32
      %get3A_1182 = arith.index_cast %add3A_1181 : i32 to index
      %get3A_1183 = arith.constant 32 : index
      %get3A_1184 = tpu.vector_load %arg9[%get3A_1182, %get3A_1183] {strides = array<i32>} : memref<640x128xf32, #tpu.memory_space<vmem>>, vector<1x16xf32>,
      %get3A_1185 = vector.shape_cast %get3A_1184 : vector<1x16xf32> to vector<16xf32>
      %mul3A_1186 = arith.mulf %get3A_1179, %get3A_1185 : vector<16xf32>
      %mul3A_1187 = vector.broadcast %squeeze3A_1147 : f32 to vector<16xf32>
      %mul3A_1188 = arith.mulf %mul3A_1187, %mul3A_1186 : vector<16xf32>
      %add3A_1189 = arith.addf %add3A_1175, %mul3A_1188 : vector<16xf32>
      %get3A_1190 = arith.index_cast %add3A_1029 : i32 to index
      %get3A_1191 = arith.constant 48 : index
      %get3A_1192 = tpu.vector_load %arg8[%get3A_1190, %get3A_1191] {strides = array<i32>} : memref<128x128xf32, #tpu.memory_space<vmem>>, vector<1x16xf32>,
      %get3A_1193 = vector.shape_cast %get3A_1192 : vector<1x16xf32> to vector<16xf32>
      %add3A_1194 = arith.constant 256 : i32
      %add3A_1195 = arith.addi %add3A_1194, %add3A_1029 : i32
      %get3A_1196 = arith.index_cast %add3A_1195 : i32 to index
      %get3A_1197 = arith.constant 48 : index
      %get3A_1198 = tpu.vector_load %arg9[%get3A_1196, %get3A_1197] {strides = array<i32>} : memref<640x128xf32, #tpu.memory_space<vmem>>, vector<1x16xf32>,
      %get3A_1199 = vector.shape_cast %get3A_1198 : vector<1x16xf32> to vector<16xf32>
      %mul3A_1200 = arith.mulf %get3A_1193, %get3A_1199 : vector<16xf32>
      %mul3A_1201 = vector.broadcast %squeeze3A_1147 : f32 to vector<16xf32>
      %mul3A_1202 = arith.mulf %mul3A_1201, %mul3A_1200 : vector<16xf32>
      %add3A_1203 = arith.addf %add3A_1189, %mul3A_1202 : vector<16xf32>
      %slice3A_1204 = vector.extract_strided_slice %get3A_138 {offsets = [3], sizes = [1], strides = [1]} : vector<16xf32> to vector<1xf32>
      %squeeze3A_1205 = vector.extract %slice3A_1204[0] : f32 from vector<1xf32>
      %get3A_1206 = arith.index_cast %add3A_1029 : i32 to index
      %get3A_1207 = arith.constant 0 : index
      %get3A_1208 = tpu.vector_load %arg8[%get3A_1206, %get3A_1207] {strides = array<i32>} : memref<128x128xf32, #tpu.memory_space<vmem>>, vector<1x16xf32>,
      %get3A_1209 = vector.shape_cast %get3A_1208 : vector<1x16xf32> to vector<16xf32>
      %add3A_1210 = arith.constant 384 : i32
      %add3A_1211 = arith.addi %add3A_1210, %add3A_1029 : i32
      %get3A_1212 = arith.index_cast %add3A_1211 : i32 to index
      %get3A_1213 = arith.constant 0 : index
      %get3A_1214 = tpu.vector_load %arg9[%get3A_1212, %get3A_1213] {strides = array<i32>} : memref<640x128xf32, #tpu.memory_space<vmem>>, vector<1x16xf32>,
      %get3A_1215 = vector.shape_cast %get3A_1214 : vector<1x16xf32> to vector<16xf32>
      %mul3A_1216 = arith.mulf %get3A_1209, %get3A_1215 : vector<16xf32>
      %mul3A_1217 = vector.broadcast %squeeze3A_1205 : f32 to vector<16xf32>
      %mul3A_1218 = arith.mulf %mul3A_1217, %mul3A_1216 : vector<16xf32>
      %add3A_1219 = arith.addf %add3A_1203, %mul3A_1218 : vector<16xf32>
      %get3A_1220 = arith.index_cast %add3A_1029 : i32 to index
      %get3A_1221 = arith.constant 16 : index
      %get3A_1222 = tpu.vector_load %arg8[%get3A_1220, %get3A_1221] {strides = array<i32>} : memref<128x128xf32, #tpu.memory_space<vmem>>, vector<1x16xf32>,
      %get3A_1223 = vector.shape_cast %get3A_1222 : vector<1x16xf32> to vector<16xf32>
      %add3A_1224 = arith.constant 384 : i32
      %add3A_1225 = arith.addi %add3A_1224, %add3A_1029 : i32
      %get3A_1226 = arith.index_cast %add3A_1225 : i32 to index
      %get3A_1227 = arith.constant 16 : index
      %get3A_1228 = tpu.vector_load %arg9[%get3A_1226, %get3A_1227] {strides = array<i32>} : memref<640x128xf32, #tpu.memory_space<vmem>>, vector<1x16xf32>,
      %get3A_1229 = vector.shape_cast %get3A_1228 : vector<1x16xf32> to vector<16xf32>
      %mul3A_1230 = arith.mulf %get3A_1223, %get3A_1229 : vector<16xf32>
      %mul3A_1231 = vector.broadcast %squeeze3A_1205 : f32 to vector<16xf32>
      %mul3A_1232 = arith.mulf %mul3A_1231, %mul3A_1230 : vector<16xf32>
      %add3A_1233 = arith.addf %add3A_1219, %mul3A_1232 : vector<16xf32>
      %get3A_1234 = arith.index_cast %add3A_1029 : i32 to index
      %get3A_1235 = arith.constant 32 : index
      %get3A_1236 = tpu.vector_load %arg8[%get3A_1234, %get3A_1235] {strides = array<i32>} : memref<128x128xf32, #tpu.memory_space<vmem>>, vector<1x16xf32>,
      %get3A_1237 = vector.shape_cast %get3A_1236 : vector<1x16xf32> to vector<16xf32>
      %add3A_1238 = arith.constant 384 : i32
      %add3A_1239 = arith.addi %add3A_1238, %add3A_1029 : i32
      %get3A_1240 = arith.index_cast %add3A_1239 : i32 to index
      %get3A_1241 = arith.constant 32 : index
      %get3A_1242 = tpu.vector_load %arg9[%get3A_1240, %get3A_1241] {strides = array<i32>} : memref<640x128xf32, #tpu.memory_space<vmem>>, vector<1x16xf32>,
      %get3A_1243 = vector.shape_cast %get3A_1242 : vector<1x16xf32> to vector<16xf32>
      %mul3A_1244 = arith.mulf %get3A_1237, %get3A_1243 : vector<16xf32>
      %mul3A_1245 = vector.broadcast %squeeze3A_1205 : f32 to vector<16xf32>
      %mul3A_1246 = arith.mulf %mul3A_1245, %mul3A_1244 : vector<16xf32>
      %add3A_1247 = arith.addf %add3A_1233, %mul3A_1246 : vector<16xf32>
      %get3A_1248 = arith.index_cast %add3A_1029 : i32 to index
      %get3A_1249 = arith.constant 48 : index
      %get3A_1250 = tpu.vector_load %arg8[%get3A_1248, %get3A_1249] {strides = array<i32>} : memref<128x128xf32, #tpu.memory_space<vmem>>, vector<1x16xf32>,
      %get3A_1251 = vector.shape_cast %get3A_1250 : vector<1x16xf32> to vector<16xf32>
      %add3A_1252 = arith.constant 384 : i32
      %add3A_1253 = arith.addi %add3A_1252, %add3A_1029 : i32
      %get3A_1254 = arith.index_cast %add3A_1253 : i32 to index
      %get3A_1255 = arith.constant 48 : index
      %get3A_1256 = tpu.vector_load %arg9[%get3A_1254, %get3A_1255] {strides = array<i32>} : memref<640x128xf32, #tpu.memory_space<vmem>>, vector<1x16xf32>,
      %get3A_1257 = vector.shape_cast %get3A_1256 : vector<1x16xf32> to vector<16xf32>
      %mul3A_1258 = arith.mulf %get3A_1251, %get3A_1257 : vector<16xf32>
      %mul3A_1259 = vector.broadcast %squeeze3A_1205 : f32 to vector<16xf32>
      %mul3A_1260 = arith.mulf %mul3A_1259, %mul3A_1258 : vector<16xf32>
      %add3A_1261 = arith.addf %add3A_1247, %mul3A_1260 : vector<16xf32>
      %slice3A_1262 = vector.extract_strided_slice %get3A_145 {offsets = [3], sizes = [1], strides = [1]} : vector<16xf32> to vector<1xf32>
      %squeeze3A_1263 = vector.extract %slice3A_1262[0] : f32 from vector<1xf32>
      %get3A_1264 = arith.index_cast %add3A_1029 : i32 to index
      %get3A_1265 = arith.constant 0 : index
      %get3A_1266 = tpu.vector_load %arg8[%get3A_1264, %get3A_1265] {strides = array<i32>} : memref<128x128xf32, #tpu.memory_space<vmem>>, vector<1x16xf32>,
      %get3A_1267 = vector.shape_cast %get3A_1266 : vector<1x16xf32> to vector<16xf32>
      %add3A_1268 = arith.constant 512 : i32
      %add3A_1269 = arith.addi %add3A_1268, %add3A_1029 : i32
      %get3A_1270 = arith.index_cast %add3A_1269 : i32 to index
      %get3A_1271 = arith.constant 0 : index
      %get3A_1272 = tpu.vector_load %arg9[%get3A_1270, %get3A_1271] {strides = array<i32>} : memref<640x128xf32, #tpu.memory_space<vmem>>, vector<1x16xf32>,
      %get3A_1273 = vector.shape_cast %get3A_1272 : vector<1x16xf32> to vector<16xf32>
      %mul3A_1274 = arith.mulf %get3A_1267, %get3A_1273 : vector<16xf32>
      %mul3A_1275 = vector.broadcast %squeeze3A_1263 : f32 to vector<16xf32>
      %mul3A_1276 = arith.mulf %mul3A_1275, %mul3A_1274 : vector<16xf32>
      %add3A_1277 = arith.addf %add3A_1261, %mul3A_1276 : vector<16xf32>
      %get3A_1278 = arith.index_cast %add3A_1029 : i32 to index
      %get3A_1279 = arith.constant 16 : index
      %get3A_1280 = tpu.vector_load %arg8[%get3A_1278, %get3A_1279] {strides = array<i32>} : memref<128x128xf32, #tpu.memory_space<vmem>>, vector<1x16xf32>,
      %get3A_1281 = vector.shape_cast %get3A_1280 : vector<1x16xf32> to vector<16xf32>
      %add3A_1282 = arith.constant 512 : i32
      %add3A_1283 = arith.addi %add3A_1282, %add3A_1029 : i32
      %get3A_1284 = arith.index_cast %add3A_1283 : i32 to index
      %get3A_1285 = arith.constant 16 : index
      %get3A_1286 = tpu.vector_load %arg9[%get3A_1284, %get3A_1285] {strides = array<i32>} : memref<640x128xf32, #tpu.memory_space<vmem>>, vector<1x16xf32>,
      %get3A_1287 = vector.shape_cast %get3A_1286 : vector<1x16xf32> to vector<16xf32>
      %mul3A_1288 = arith.mulf %get3A_1281, %get3A_1287 : vector<16xf32>
      %mul3A_1289 = vector.broadcast %squeeze3A_1263 : f32 to vector<16xf32>
      %mul3A_1290 = arith.mulf %mul3A_1289, %mul3A_1288 : vector<16xf32>
      %add3A_1291 = arith.addf %add3A_1277, %mul3A_1290 : vector<16xf32>
      %get3A_1292 = arith.index_cast %add3A_1029 : i32 to index
      %get3A_1293 = arith.constant 32 : index
      %get3A_1294 = tpu.vector_load %arg8[%get3A_1292, %get3A_1293] {strides = array<i32>} : memref<128x128xf32, #tpu.memory_space<vmem>>, vector<1x16xf32>,
      %get3A_1295 = vector.shape_cast %get3A_1294 : vector<1x16xf32> to vector<16xf32>
      %add3A_1296 = arith.constant 512 : i32
      %add3A_1297 = arith.addi %add3A_1296, %add3A_1029 : i32
      %get3A_1298 = arith.index_cast %add3A_1297 : i32 to index
      %get3A_1299 = arith.constant 32 : index
      %get3A_1300 = tpu.vector_load %arg9[%get3A_1298, %get3A_1299] {strides = array<i32>} : memref<640x128xf32, #tpu.memory_space<vmem>>, vector<1x16xf32>,
      %get3A_1301 = vector.shape_cast %get3A_1300 : vector<1x16xf32> to vector<16xf32>
      %mul3A_1302 = arith.mulf %get3A_1295, %get3A_1301 : vector<16xf32>
      %mul3A_1303 = vector.broadcast %squeeze3A_1263 : f32 to vector<16xf32>
      %mul3A_1304 = arith.mulf %mul3A_1303, %mul3A_1302 : vector<16xf32>
      %add3A_1305 = arith.addf %add3A_1291, %mul3A_1304 : vector<16xf32>
      %get3A_1306 = arith.index_cast %add3A_1029 : i32 to index
      %get3A_1307 = arith.constant 48 : index
      %get3A_1308 = tpu.vector_load %arg8[%get3A_1306, %get3A_1307] {strides = array<i32>} : memref<128x128xf32, #tpu.memory_space<vmem>>, vector<1x16xf32>,
      %get3A_1309 = vector.shape_cast %get3A_1308 : vector<1x16xf32> to vector<16xf32>
      %add3A_1310 = arith.constant 512 : i32
      %add3A_1311 = arith.addi %add3A_1310, %add3A_1029 : i32
      %get3A_1312 = arith.index_cast %add3A_1311 : i32 to index
      %get3A_1313 = arith.constant 48 : index
      %get3A_1314 = tpu.vector_load %arg9[%get3A_1312, %get3A_1313] {strides = array<i32>} : memref<640x128xf32, #tpu.memory_space<vmem>>, vector<1x16xf32>,
      %get3A_1315 = vector.shape_cast %get3A_1314 : vector<1x16xf32> to vector<16xf32>
      %mul3A_1316 = arith.mulf %get3A_1309, %get3A_1315 : vector<16xf32>
      %mul3A_1317 = vector.broadcast %squeeze3A_1263 : f32 to vector<16xf32>
      %mul3A_1318 = arith.mulf %mul3A_1317, %mul3A_1316 : vector<16xf32>
      %add3A_1319 = arith.addf %add3A_1305, %mul3A_1318 : vector<16xf32>
      %mul3A_1320 = arith.constant 16 : i32
      %mul3A_1321 = arith.muli %scan3A_110, %mul3A_1320 : i32
      %add3A_1322 = arith.constant 4 : i32
      %add3A_1323 = arith.addi %mul3A_1321, %add3A_1322 : i32
      %slice3A_1324 = vector.extract_strided_slice %get3A_117 {offsets = [4], sizes = [1], strides = [1]} : vector<16xf32> to vector<1xf32>
      %squeeze3A_1325 = vector.extract %slice3A_1324[0] : f32 from vector<1xf32>
      %get3A_1326 = arith.index_cast %add3A_1323 : i32 to index
      %get3A_1327 = arith.constant 0 : index
      %get3A_1328 = tpu.vector_load %arg8[%get3A_1326, %get3A_1327] {strides = array<i32>} : memref<128x128xf32, #tpu.memory_space<vmem>>, vector<1x16xf32>,
      %get3A_1329 = vector.shape_cast %get3A_1328 : vector<1x16xf32> to vector<16xf32>
      %add3A_1330 = arith.constant 0 : i32
      %add3A_1331 = arith.addi %add3A_1330, %add3A_1323 : i32
      %get3A_1332 = arith.index_cast %add3A_1331 : i32 to index
      %get3A_1333 = arith.constant 0 : index
      %get3A_1334 = tpu.vector_load %arg9[%get3A_1332, %get3A_1333] {strides = array<i32>} : memref<640x128xf32, #tpu.memory_space<vmem>>, vector<1x16xf32>,
      %get3A_1335 = vector.shape_cast %get3A_1334 : vector<1x16xf32> to vector<16xf32>
      %mul3A_1336 = arith.mulf %get3A_1329, %get3A_1335 : vector<16xf32>
      %mul3A_1337 = vector.broadcast %squeeze3A_1325 : f32 to vector<16xf32>
      %mul3A_1338 = arith.mulf %mul3A_1337, %mul3A_1336 : vector<16xf32>
      %add3A_1339 = arith.addf %add3A_1319, %mul3A_1338 : vector<16xf32>
      %get3A_1340 = arith.index_cast %add3A_1323 : i32 to index
      %get3A_1341 = arith.constant 16 : index
      %get3A_1342 = tpu.vector_load %arg8[%get3A_1340, %get3A_1341] {strides = array<i32>} : memref<128x128xf32, #tpu.memory_space<vmem>>, vector<1x16xf32>,
      %get3A_1343 = vector.shape_cast %get3A_1342 : vector<1x16xf32> to vector<16xf32>
      %add3A_1344 = arith.constant 0 : i32
      %add3A_1345 = arith.addi %add3A_1344, %add3A_1323 : i32
      %get3A_1346 = arith.index_cast %add3A_1345 : i32 to index
      %get3A_1347 = arith.constant 16 : index
      %get3A_1348 = tpu.vector_load %arg9[%get3A_1346, %get3A_1347] {strides = array<i32>} : memref<640x128xf32, #tpu.memory_space<vmem>>, vector<1x16xf32>,
      %get3A_1349 = vector.shape_cast %get3A_1348 : vector<1x16xf32> to vector<16xf32>
      %mul3A_1350 = arith.mulf %get3A_1343, %get3A_1349 : vector<16xf32>
      %mul3A_1351 = vector.broadcast %squeeze3A_1325 : f32 to vector<16xf32>
      %mul3A_1352 = arith.mulf %mul3A_1351, %mul3A_1350 : vector<16xf32>
      %add3A_1353 = arith.addf %add3A_1339, %mul3A_1352 : vector<16xf32>
      %get3A_1354 = arith.index_cast %add3A_1323 : i32 to index
      %get3A_1355 = arith.constant 32 : index
      %get3A_1356 = tpu.vector_load %arg8[%get3A_1354, %get3A_1355] {strides = array<i32>} : memref<128x128xf32, #tpu.memory_space<vmem>>, vector<1x16xf32>,
      %get3A_1357 = vector.shape_cast %get3A_1356 : vector<1x16xf32> to vector<16xf32>
      %add3A_1358 = arith.constant 0 : i32
      %add3A_1359 = arith.addi %add3A_1358, %add3A_1323 : i32
      %get3A_1360 = arith.index_cast %add3A_1359 : i32 to index
      %get3A_1361 = arith.constant 32 : index
      %get3A_1362 = tpu.vector_load %arg9[%get3A_1360, %get3A_1361] {strides = array<i32>} : memref<640x128xf32, #tpu.memory_space<vmem>>, vector<1x16xf32>,
      %get3A_1363 = vector.shape_cast %get3A_1362 : vector<1x16xf32> to vector<16xf32>
      %mul3A_1364 = arith.mulf %get3A_1357, %get3A_1363 : vector<16xf32>
      %mul3A_1365 = vector.broadcast %squeeze3A_1325 : f32 to vector<16xf32>
      %mul3A_1366 = arith.mulf %mul3A_1365, %mul3A_1364 : vector<16xf32>
      %add3A_1367 = arith.addf %add3A_1353, %mul3A_1366 : vector<16xf32>
      %get3A_1368 = arith.index_cast %add3A_1323 : i32 to index
      %get3A_1369 = arith.constant 48 : index
      %get3A_1370 = tpu.vector_load %arg8[%get3A_1368, %get3A_1369] {strides = array<i32>} : memref<128x128xf32, #tpu.memory_space<vmem>>, vector<1x16xf32>,
      %get3A_1371 = vector.shape_cast %get3A_1370 : vector<1x16xf32> to vector<16xf32>
      %add3A_1372 = arith.constant 0 : i32
      %add3A_1373 = arith.addi %add3A_1372, %add3A_1323 : i32
      %get3A_1374 = arith.index_cast %add3A_1373 : i32 to index
      %get3A_1375 = arith.constant 48 : index
      %get3A_1376 = tpu.vector_load %arg9[%get3A_1374, %get3A_1375] {strides = array<i32>} : memref<640x128xf32, #tpu.memory_space<vmem>>, vector<1x16xf32>,
      %get3A_1377 = vector.shape_cast %get3A_1376 : vector<1x16xf32> to vector<16xf32>
      %mul3A_1378 = arith.mulf %get3A_1371, %get3A_1377 : vector<16xf32>
      %mul3A_1379 = vector.broadcast %squeeze3A_1325 : f32 to vector<16xf32>
      %mul3A_1380 = arith.mulf %mul3A_1379, %mul3A_1378 : vector<16xf32>
      %add3A_1381 = arith.addf %add3A_1367, %mul3A_1380 : vector<16xf32>
      %slice3A_1382 = vector.extract_strided_slice %get3A_124 {offsets = [4], sizes = [1], strides = [1]} : vector<16xf32> to vector<1xf32>
      %squeeze3A_1383 = vector.extract %slice3A_1382[0] : f32 from vector<1xf32>
      %get3A_1384 = arith.index_cast %add3A_1323 : i32 to index
      %get3A_1385 = arith.constant 0 : index
      %get3A_1386 = tpu.vector_load %arg8[%get3A_1384, %get3A_1385] {strides = array<i32>} : memref<128x128xf32, #tpu.memory_space<vmem>>, vector<1x16xf32>,
      %get3A_1387 = vector.shape_cast %get3A_1386 : vector<1x16xf32> to vector<16xf32>
      %add3A_1388 = arith.constant 128 : i32
      %add3A_1389 = arith.addi %add3A_1388, %add3A_1323 : i32
      %get3A_1390 = arith.index_cast %add3A_1389 : i32 to index
      %get3A_1391 = arith.constant 0 : index
      %get3A_1392 = tpu.vector_load %arg9[%get3A_1390, %get3A_1391] {strides = array<i32>} : memref<640x128xf32, #tpu.memory_space<vmem>>, vector<1x16xf32>,
      %get3A_1393 = vector.shape_cast %get3A_1392 : vector<1x16xf32> to vector<16xf32>
      %mul3A_1394 = arith.mulf %get3A_1387, %get3A_1393 : vector<16xf32>
      %mul3A_1395 = vector.broadcast %squeeze3A_1383 : f32 to vector<16xf32>
      %mul3A_1396 = arith.mulf %mul3A_1395, %mul3A_1394 : vector<16xf32>
      %add3A_1397 = arith.addf %add3A_1381, %mul3A_1396 : vector<16xf32>
      %get3A_1398 = arith.index_cast %add3A_1323 : i32 to index
      %get3A_1399 = arith.constant 16 : index
      %get3A_1400 = tpu.vector_load %arg8[%get3A_1398, %get3A_1399] {strides = array<i32>} : memref<128x128xf32, #tpu.memory_space<vmem>>, vector<1x16xf32>,
      %get3A_1401 = vector.shape_cast %get3A_1400 : vector<1x16xf32> to vector<16xf32>
      %add3A_1402 = arith.constant 128 : i32
      %add3A_1403 = arith.addi %add3A_1402, %add3A_1323 : i32
      %get3A_1404 = arith.index_cast %add3A_1403 : i32 to index
      %get3A_1405 = arith.constant 16 : index
      %get3A_1406 = tpu.vector_load %arg9[%get3A_1404, %get3A_1405] {strides = array<i32>} : memref<640x128xf32, #tpu.memory_space<vmem>>, vector<1x16xf32>,
      %get3A_1407 = vector.shape_cast %get3A_1406 : vector<1x16xf32> to vector<16xf32>
      %mul3A_1408 = arith.mulf %get3A_1401, %get3A_1407 : vector<16xf32>
      %mul3A_1409 = vector.broadcast %squeeze3A_1383 : f32 to vector<16xf32>
      %mul3A_1410 = arith.mulf %mul3A_1409, %mul3A_1408 : vector<16xf32>
      %add3A_1411 = arith.addf %add3A_1397, %mul3A_1410 : vector<16xf32>
      %get3A_1412 = arith.index_cast %add3A_1323 : i32 to index
      %get3A_1413 = arith.constant 32 : index
      %get3A_1414 = tpu.vector_load %arg8[%get3A_1412, %get3A_1413] {strides = array<i32>} : memref<128x128xf32, #tpu.memory_space<vmem>>, vector<1x16xf32>,
      %get3A_1415 = vector.shape_cast %get3A_1414 : vector<1x16xf32> to vector<16xf32>
      %add3A_1416 = arith.constant 128 : i32
      %add3A_1417 = arith.addi %add3A_1416, %add3A_1323 : i32
      %get3A_1418 = arith.index_cast %add3A_1417 : i32 to index
      %get3A_1419 = arith.constant 32 : index
      %get3A_1420 = tpu.vector_load %arg9[%get3A_1418, %get3A_1419] {strides = array<i32>} : memref<640x128xf32, #tpu.memory_space<vmem>>, vector<1x16xf32>,
      %get3A_1421 = vector.shape_cast %get3A_1420 : vector<1x16xf32> to vector<16xf32>
      %mul3A_1422 = arith.mulf %get3A_1415, %get3A_1421 : vector<16xf32>
      %mul3A_1423 = vector.broadcast %squeeze3A_1383 : f32 to vector<16xf32>
      %mul3A_1424 = arith.mulf %mul3A_1423, %mul3A_1422 : vector<16xf32>
      %add3A_1425 = arith.addf %add3A_1411, %mul3A_1424 : vector<16xf32>
      %get3A_1426 = arith.index_cast %add3A_1323 : i32 to index
      %get3A_1427 = arith.constant 48 : index
      %get3A_1428 = tpu.vector_load %arg8[%get3A_1426, %get3A_1427] {strides = array<i32>} : memref<128x128xf32, #tpu.memory_space<vmem>>, vector<1x16xf32>,
      %get3A_1429 = vector.shape_cast %get3A_1428 : vector<1x16xf32> to vector<16xf32>
      %add3A_1430 = arith.constant 128 : i32
      %add3A_1431 = arith.addi %add3A_1430, %add3A_1323 : i32
      %get3A_1432 = arith.index_cast %add3A_1431 : i32 to index
      %get3A_1433 = arith.constant 48 : index
      %get3A_1434 = tpu.vector_load %arg9[%get3A_1432, %get3A_1433] {strides = array<i32>} : memref<640x128xf32, #tpu.memory_space<vmem>>, vector<1x16xf32>,
      %get3A_1435 = vector.shape_cast %get3A_1434 : vector<1x16xf32> to vector<16xf32>
      %mul3A_1436 = arith.mulf %get3A_1429, %get3A_1435 : vector<16xf32>
      %mul3A_1437 = vector.broadcast %squeeze3A_1383 : f32 to vector<16xf32>
      %mul3A_1438 = arith.mulf %mul3A_1437, %mul3A_1436 : vector<16xf32>
      %add3A_1439 = arith.addf %add3A_1425, %mul3A_1438 : vector<16xf32>
      %slice3A_1440 = vector.extract_strided_slice %get3A_131 {offsets = [4], sizes = [1], strides = [1]} : vector<16xf32> to vector<1xf32>
      %squeeze3A_1441 = vector.extract %slice3A_1440[0] : f32 from vector<1xf32>
      %get3A_1442 = arith.index_cast %add3A_1323 : i32 to index
      %get3A_1443 = arith.constant 0 : index
      %get3A_1444 = tpu.vector_load %arg8[%get3A_1442, %get3A_1443] {strides = array<i32>} : memref<128x128xf32, #tpu.memory_space<vmem>>, vector<1x16xf32>,
      %get3A_1445 = vector.shape_cast %get3A_1444 : vector<1x16xf32> to vector<16xf32>
      %add3A_1446 = arith.constant 256 : i32
      %add3A_1447 = arith.addi %add3A_1446, %add3A_1323 : i32
      %get3A_1448 = arith.index_cast %add3A_1447 : i32 to index
      %get3A_1449 = arith.constant 0 : index
      %get3A_1450 = tpu.vector_load %arg9[%get3A_1448, %get3A_1449] {strides = array<i32>} : memref<640x128xf32, #tpu.memory_space<vmem>>, vector<1x16xf32>,
      %get3A_1451 = vector.shape_cast %get3A_1450 : vector<1x16xf32> to vector<16xf32>
      %mul3A_1452 = arith.mulf %get3A_1445, %get3A_1451 : vector<16xf32>
      %mul3A_1453 = vector.broadcast %squeeze3A_1441 : f32 to vector<16xf32>
      %mul3A_1454 = arith.mulf %mul3A_1453, %mul3A_1452 : vector<16xf32>
      %add3A_1455 = arith.addf %add3A_1439, %mul3A_1454 : vector<16xf32>
      %get3A_1456 = arith.index_cast %add3A_1323 : i32 to index
      %get3A_1457 = arith.constant 16 : index
      %get3A_1458 = tpu.vector_load %arg8[%get3A_1456, %get3A_1457] {strides = array<i32>} : memref<128x128xf32, #tpu.memory_space<vmem>>, vector<1x16xf32>,
      %get3A_1459 = vector.shape_cast %get3A_1458 : vector<1x16xf32> to vector<16xf32>
      %add3A_1460 = arith.constant 256 : i32
      %add3A_1461 = arith.addi %add3A_1460, %add3A_1323 : i32
      %get3A_1462 = arith.index_cast %add3A_1461 : i32 to index
      %get3A_1463 = arith.constant 16 : index
      %get3A_1464 = tpu.vector_load %arg9[%get3A_1462, %get3A_1463] {strides = array<i32>} : memref<640x128xf32, #tpu.memory_space<vmem>>, vector<1x16xf32>,
      %get3A_1465 = vector.shape_cast %get3A_1464 : vector<1x16xf32> to vector<16xf32>
      %mul3A_1466 = arith.mulf %get3A_1459, %get3A_1465 : vector<16xf32>
      %mul3A_1467 = vector.broadcast %squeeze3A_1441 : f32 to vector<16xf32>
      %mul3A_1468 = arith.mulf %mul3A_1467, %mul3A_1466 : vector<16xf32>
      %add3A_1469 = arith.addf %add3A_1455, %mul3A_1468 : vector<16xf32>
      %get3A_1470 = arith.index_cast %add3A_1323 : i32 to index
      %get3A_1471 = arith.constant 32 : index
      %get3A_1472 = tpu.vector_load %arg8[%get3A_1470, %get3A_1471] {strides = array<i32>} : memref<128x128xf32, #tpu.memory_space<vmem>>, vector<1x16xf32>,
      %get3A_1473 = vector.shape_cast %get3A_1472 : vector<1x16xf32> to vector<16xf32>
      %add3A_1474 = arith.constant 256 : i32
      %add3A_1475 = arith.addi %add3A_1474, %add3A_1323 : i32
      %get3A_1476 = arith.index_cast %add3A_1475 : i32 to index
      %get3A_1477 = arith.constant 32 : index
      %get3A_1478 = tpu.vector_load %arg9[%get3A_1476, %get3A_1477] {strides = array<i32>} : memref<640x128xf32, #tpu.memory_space<vmem>>, vector<1x16xf32>,
      %get3A_1479 = vector.shape_cast %get3A_1478 : vector<1x16xf32> to vector<16xf32>
      %mul3A_1480 = arith.mulf %get3A_1473, %get3A_1479 : vector<16xf32>
      %mul3A_1481 = vector.broadcast %squeeze3A_1441 : f32 to vector<16xf32>
      %mul3A_1482 = arith.mulf %mul3A_1481, %mul3A_1480 : vector<16xf32>
      %add3A_1483 = arith.addf %add3A_1469, %mul3A_1482 : vector<16xf32>
      %get3A_1484 = arith.index_cast %add3A_1323 : i32 to index
      %get3A_1485 = arith.constant 48 : index
      %get3A_1486 = tpu.vector_load %arg8[%get3A_1484, %get3A_1485] {strides = array<i32>} : memref<128x128xf32, #tpu.memory_space<vmem>>, vector<1x16xf32>,
      %get3A_1487 = vector.shape_cast %get3A_1486 : vector<1x16xf32> to vector<16xf32>
      %add3A_1488 = arith.constant 256 : i32
      %add3A_1489 = arith.addi %add3A_1488, %add3A_1323 : i32
      %get3A_1490 = arith.index_cast %add3A_1489 : i32 to index
      %get3A_1491 = arith.constant 48 : index
      %get3A_1492 = tpu.vector_load %arg9[%get3A_1490, %get3A_1491] {strides = array<i32>} : memref<640x128xf32, #tpu.memory_space<vmem>>, vector<1x16xf32>,
      %get3A_1493 = vector.shape_cast %get3A_1492 : vector<1x16xf32> to vector<16xf32>
      %mul3A_1494 = arith.mulf %get3A_1487, %get3A_1493 : vector<16xf32>
      %mul3A_1495 = vector.broadcast %squeeze3A_1441 : f32 to vector<16xf32>
      %mul3A_1496 = arith.mulf %mul3A_1495, %mul3A_1494 : vector<16xf32>
      %add3A_1497 = arith.addf %add3A_1483, %mul3A_1496 : vector<16xf32>
      %slice3A_1498 = vector.extract_strided_slice %get3A_138 {offsets = [4], sizes = [1], strides = [1]} : vector<16xf32> to vector<1xf32>
      %squeeze3A_1499 = vector.extract %slice3A_1498[0] : f32 from vector<1xf32>
      %get3A_1500 = arith.index_cast %add3A_1323 : i32 to index
      %get3A_1501 = arith.constant 0 : index
      %get3A_1502 = tpu.vector_load %arg8[%get3A_1500, %get3A_1501] {strides = array<i32>} : memref<128x128xf32, #tpu.memory_space<vmem>>, vector<1x16xf32>,
      %get3A_1503 = vector.shape_cast %get3A_1502 : vector<1x16xf32> to vector<16xf32>
      %add3A_1504 = arith.constant 384 : i32
      %add3A_1505 = arith.addi %add3A_1504, %add3A_1323 : i32
      %get3A_1506 = arith.index_cast %add3A_1505 : i32 to index
      %get3A_1507 = arith.constant 0 : index
      %get3A_1508 = tpu.vector_load %arg9[%get3A_1506, %get3A_1507] {strides = array<i32>} : memref<640x128xf32, #tpu.memory_space<vmem>>, vector<1x16xf32>,
      %get3A_1509 = vector.shape_cast %get3A_1508 : vector<1x16xf32> to vector<16xf32>
      %mul3A_1510 = arith.mulf %get3A_1503, %get3A_1509 : vector<16xf32>
      %mul3A_1511 = vector.broadcast %squeeze3A_1499 : f32 to vector<16xf32>
      %mul3A_1512 = arith.mulf %mul3A_1511, %mul3A_1510 : vector<16xf32>
      %add3A_1513 = arith.addf %add3A_1497, %mul3A_1512 : vector<16xf32>
      %get3A_1514 = arith.index_cast %add3A_1323 : i32 to index
      %get3A_1515 = arith.constant 16 : index
      %get3A_1516 = tpu.vector_load %arg8[%get3A_1514, %get3A_1515] {strides = array<i32>} : memref<128x128xf32, #tpu.memory_space<vmem>>, vector<1x16xf32>,
      %get3A_1517 = vector.shape_cast %get3A_1516 : vector<1x16xf32> to vector<16xf32>
      %add3A_1518 = arith.constant 384 : i32
      %add3A_1519 = arith.addi %add3A_1518, %add3A_1323 : i32
      %get3A_1520 = arith.index_cast %add3A_1519 : i32 to index
      %get3A_1521 = arith.constant 16 : index
      %get3A_1522 = tpu.vector_load %arg9[%get3A_1520, %get3A_1521] {strides = array<i32>} : memref<640x128xf32, #tpu.memory_space<vmem>>, vector<1x16xf32>,
      %get3A_1523 = vector.shape_cast %get3A_1522 : vector<1x16xf32> to vector<16xf32>
      %mul3A_1524 = arith.mulf %get3A_1517, %get3A_1523 : vector<16xf32>
      %mul3A_1525 = vector.broadcast %squeeze3A_1499 : f32 to vector<16xf32>
      %mul3A_1526 = arith.mulf %mul3A_1525, %mul3A_1524 : vector<16xf32>
      %add3A_1527 = arith.addf %add3A_1513, %mul3A_1526 : vector<16xf32>
      %get3A_1528 = arith.index_cast %add3A_1323 : i32 to index
      %get3A_1529 = arith.constant 32 : index
      %get3A_1530 = tpu.vector_load %arg8[%get3A_1528, %get3A_1529] {strides = array<i32>} : memref<128x128xf32, #tpu.memory_space<vmem>>, vector<1x16xf32>,
      %get3A_1531 = vector.shape_cast %get3A_1530 : vector<1x16xf32> to vector<16xf32>
      %add3A_1532 = arith.constant 384 : i32
      %add3A_1533 = arith.addi %add3A_1532, %add3A_1323 : i32
      %get3A_1534 = arith.index_cast %add3A_1533 : i32 to index
      %get3A_1535 = arith.constant 32 : index
      %get3A_1536 = tpu.vector_load %arg9[%get3A_1534, %get3A_1535] {strides = array<i32>} : memref<640x128xf32, #tpu.memory_space<vmem>>, vector<1x16xf32>,
      %get3A_1537 = vector.shape_cast %get3A_1536 : vector<1x16xf32> to vector<16xf32>
      %mul3A_1538 = arith.mulf %get3A_1531, %get3A_1537 : vector<16xf32>
      %mul3A_1539 = vector.broadcast %squeeze3A_1499 : f32 to vector<16xf32>
      %mul3A_1540 = arith.mulf %mul3A_1539, %mul3A_1538 : vector<16xf32>
      %add3A_1541 = arith.addf %add3A_1527, %mul3A_1540 : vector<16xf32>
      %get3A_1542 = arith.index_cast %add3A_1323 : i32 to index
      %get3A_1543 = arith.constant 48 : index
      %get3A_1544 = tpu.vector_load %arg8[%get3A_1542, %get3A_1543] {strides = array<i32>} : memref<128x128xf32, #tpu.memory_space<vmem>>, vector<1x16xf32>,
      %get3A_1545 = vector.shape_cast %get3A_1544 : vector<1x16xf32> to vector<16xf32>
      %add3A_1546 = arith.constant 384 : i32
      %add3A_1547 = arith.addi %add3A_1546, %add3A_1323 : i32
      %get3A_1548 = arith.index_cast %add3A_1547 : i32 to index
      %get3A_1549 = arith.constant 48 : index
      %get3A_1550 = tpu.vector_load %arg9[%get3A_1548, %get3A_1549] {strides = array<i32>} : memref<640x128xf32, #tpu.memory_space<vmem>>, vector<1x16xf32>,
      %get3A_1551 = vector.shape_cast %get3A_1550 : vector<1x16xf32> to vector<16xf32>
      %mul3A_1552 = arith.mulf %get3A_1545, %get3A_1551 : vector<16xf32>
      %mul3A_1553 = vector.broadcast %squeeze3A_1499 : f32 to vector<16xf32>
      %mul3A_1554 = arith.mulf %mul3A_1553, %mul3A_1552 : vector<16xf32>
      %add3A_1555 = arith.addf %add3A_1541, %mul3A_1554 : vector<16xf32>
      %slice3A_1556 = vector.extract_strided_slice %get3A_145 {offsets = [4], sizes = [1], strides = [1]} : vector<16xf32> to vector<1xf32>
      %squeeze3A_1557 = vector.extract %slice3A_1556[0] : f32 from vector<1xf32>
      %get3A_1558 = arith.index_cast %add3A_1323 : i32 to index
      %get3A_1559 = arith.constant 0 : index
      %get3A_1560 = tpu.vector_load %arg8[%get3A_1558, %get3A_1559] {strides = array<i32>} : memref<128x128xf32, #tpu.memory_space<vmem>>, vector<1x16xf32>,
      %get3A_1561 = vector.shape_cast %get3A_1560 : vector<1x16xf32> to vector<16xf32>
      %add3A_1562 = arith.constant 512 : i32
      %add3A_1563 = arith.addi %add3A_1562, %add3A_1323 : i32
      %get3A_1564 = arith.index_cast %add3A_1563 : i32 to index
      %get3A_1565 = arith.constant 0 : index
      %get3A_1566 = tpu.vector_load %arg9[%get3A_1564, %get3A_1565] {strides = array<i32>} : memref<640x128xf32, #tpu.memory_space<vmem>>, vector<1x16xf32>,
      %get3A_1567 = vector.shape_cast %get3A_1566 : vector<1x16xf32> to vector<16xf32>
      %mul3A_1568 = arith.mulf %get3A_1561, %get3A_1567 : vector<16xf32>
      %mul3A_1569 = vector.broadcast %squeeze3A_1557 : f32 to vector<16xf32>
      %mul3A_1570 = arith.mulf %mul3A_1569, %mul3A_1568 : vector<16xf32>
      %add3A_1571 = arith.addf %add3A_1555, %mul3A_1570 : vector<16xf32>
      %get3A_1572 = arith.index_cast %add3A_1323 : i32 to index
      %get3A_1573 = arith.constant 16 : index
      %get3A_1574 = tpu.vector_load %arg8[%get3A_1572, %get3A_1573] {strides = array<i32>} : memref<128x128xf32, #tpu.memory_space<vmem>>, vector<1x16xf32>,
      %get3A_1575 = vector.shape_cast %get3A_1574 : vector<1x16xf32> to vector<16xf32>
      %add3A_1576 = arith.constant 512 : i32
      %add3A_1577 = arith.addi %add3A_1576, %add3A_1323 : i32
      %get3A_1578 = arith.index_cast %add3A_1577 : i32 to index
      %get3A_1579 = arith.constant 16 : index
      %get3A_1580 = tpu.vector_load %arg9[%get3A_1578, %get3A_1579] {strides = array<i32>} : memref<640x128xf32, #tpu.memory_space<vmem>>, vector<1x16xf32>,
      %get3A_1581 = vector.shape_cast %get3A_1580 : vector<1x16xf32> to vector<16xf32>
      %mul3A_1582 = arith.mulf %get3A_1575, %get3A_1581 : vector<16xf32>
      %mul3A_1583 = vector.broadcast %squeeze3A_1557 : f32 to vector<16xf32>
      %mul3A_1584 = arith.mulf %mul3A_1583, %mul3A_1582 : vector<16xf32>
      %add3A_1585 = arith.addf %add3A_1571, %mul3A_1584 : vector<16xf32>
      %get3A_1586 = arith.index_cast %add3A_1323 : i32 to index
      %get3A_1587 = arith.constant 32 : index
      %get3A_1588 = tpu.vector_load %arg8[%get3A_1586, %get3A_1587] {strides = array<i32>} : memref<128x128xf32, #tpu.memory_space<vmem>>, vector<1x16xf32>,
      %get3A_1589 = vector.shape_cast %get3A_1588 : vector<1x16xf32> to vector<16xf32>
      %add3A_1590 = arith.constant 512 : i32
      %add3A_1591 = arith.addi %add3A_1590, %add3A_1323 : i32
      %get3A_1592 = arith.index_cast %add3A_1591 : i32 to index
      %get3A_1593 = arith.constant 32 : index
      %get3A_1594 = tpu.vector_load %arg9[%get3A_1592, %get3A_1593] {strides = array<i32>} : memref<640x128xf32, #tpu.memory_space<vmem>>, vector<1x16xf32>,
      %get3A_1595 = vector.shape_cast %get3A_1594 : vector<1x16xf32> to vector<16xf32>
      %mul3A_1596 = arith.mulf %get3A_1589, %get3A_1595 : vector<16xf32>
      %mul3A_1597 = vector.broadcast %squeeze3A_1557 : f32 to vector<16xf32>
      %mul3A_1598 = arith.mulf %mul3A_1597, %mul3A_1596 : vector<16xf32>
      %add3A_1599 = arith.addf %add3A_1585, %mul3A_1598 : vector<16xf32>
      %get3A_1600 = arith.index_cast %add3A_1323 : i32 to index
      %get3A_1601 = arith.constant 48 : index
      %get3A_1602 = tpu.vector_load %arg8[%get3A_1600, %get3A_1601] {strides = array<i32>} : memref<128x128xf32, #tpu.memory_space<vmem>>, vector<1x16xf32>,
      %get3A_1603 = vector.shape_cast %get3A_1602 : vector<1x16xf32> to vector<16xf32>
      %add3A_1604 = arith.constant 512 : i32
      %add3A_1605 = arith.addi %add3A_1604, %add3A_1323 : i32
      %get3A_1606 = arith.index_cast %add3A_1605 : i32 to index
      %get3A_1607 = arith.constant 48 : index
      %get3A_1608 = tpu.vector_load %arg9[%get3A_1606, %get3A_1607] {strides = array<i32>} : memref<640x128xf32, #tpu.memory_space<vmem>>, vector<1x16xf32>,
      %get3A_1609 = vector.shape_cast %get3A_1608 : vector<1x16xf32> to vector<16xf32>
      %mul3A_1610 = arith.mulf %get3A_1603, %get3A_1609 : vector<16xf32>
      %mul3A_1611 = vector.broadcast %squeeze3A_1557 : f32 to vector<16xf32>
      %mul3A_1612 = arith.mulf %mul3A_1611, %mul3A_1610 : vector<16xf32>
      %add3A_1613 = arith.addf %add3A_1599, %mul3A_1612 : vector<16xf32>
      %mul3A_1614 = arith.constant 16 : i32
      %mul3A_1615 = arith.muli %scan3A_110, %mul3A_1614 : i32
      %add3A_1616 = arith.constant 5 : i32
      %add3A_1617 = arith.addi %mul3A_1615, %add3A_1616 : i32
      %slice3A_1618 = vector.extract_strided_slice %get3A_117 {offsets = [5], sizes = [1], strides = [1]} : vector<16xf32> to vector<1xf32>
      %squeeze3A_1619 = vector.extract %slice3A_1618[0] : f32 from vector<1xf32>
      %get3A_1620 = arith.index_cast %add3A_1617 : i32 to index
      %get3A_1621 = arith.constant 0 : index
      %get3A_1622 = tpu.vector_load %arg8[%get3A_1620, %get3A_1621] {strides = array<i32>} : memref<128x128xf32, #tpu.memory_space<vmem>>, vector<1x16xf32>,
      %get3A_1623 = vector.shape_cast %get3A_1622 : vector<1x16xf32> to vector<16xf32>
      %add3A_1624 = arith.constant 0 : i32
      %add3A_1625 = arith.addi %add3A_1624, %add3A_1617 : i32
      %get3A_1626 = arith.index_cast %add3A_1625 : i32 to index
      %get3A_1627 = arith.constant 0 : index
      %get3A_1628 = tpu.vector_load %arg9[%get3A_1626, %get3A_1627] {strides = array<i32>} : memref<640x128xf32, #tpu.memory_space<vmem>>, vector<1x16xf32>,
      %get3A_1629 = vector.shape_cast %get3A_1628 : vector<1x16xf32> to vector<16xf32>
      %mul3A_1630 = arith.mulf %get3A_1623, %get3A_1629 : vector<16xf32>
      %mul3A_1631 = vector.broadcast %squeeze3A_1619 : f32 to vector<16xf32>
      %mul3A_1632 = arith.mulf %mul3A_1631, %mul3A_1630 : vector<16xf32>
      %add3A_1633 = arith.addf %add3A_1613, %mul3A_1632 : vector<16xf32>
      %get3A_1634 = arith.index_cast %add3A_1617 : i32 to index
      %get3A_1635 = arith.constant 16 : index
      %get3A_1636 = tpu.vector_load %arg8[%get3A_1634, %get3A_1635] {strides = array<i32>} : memref<128x128xf32, #tpu.memory_space<vmem>>, vector<1x16xf32>,
      %get3A_1637 = vector.shape_cast %get3A_1636 : vector<1x16xf32> to vector<16xf32>
      %add3A_1638 = arith.constant 0 : i32
      %add3A_1639 = arith.addi %add3A_1638, %add3A_1617 : i32
      %get3A_1640 = arith.index_cast %add3A_1639 : i32 to index
      %get3A_1641 = arith.constant 16 : index
      %get3A_1642 = tpu.vector_load %arg9[%get3A_1640, %get3A_1641] {strides = array<i32>} : memref<640x128xf32, #tpu.memory_space<vmem>>, vector<1x16xf32>,
      %get3A_1643 = vector.shape_cast %get3A_1642 : vector<1x16xf32> to vector<16xf32>
      %mul3A_1644 = arith.mulf %get3A_1637, %get3A_1643 : vector<16xf32>
      %mul3A_1645 = vector.broadcast %squeeze3A_1619 : f32 to vector<16xf32>
      %mul3A_1646 = arith.mulf %mul3A_1645, %mul3A_1644 : vector<16xf32>
      %add3A_1647 = arith.addf %add3A_1633, %mul3A_1646 : vector<16xf32>
      %get3A_1648 = arith.index_cast %add3A_1617 : i32 to index
      %get3A_1649 = arith.constant 32 : index
      %get3A_1650 = tpu.vector_load %arg8[%get3A_1648, %get3A_1649] {strides = array<i32>} : memref<128x128xf32, #tpu.memory_space<vmem>>, vector<1x16xf32>,
      %get3A_1651 = vector.shape_cast %get3A_1650 : vector<1x16xf32> to vector<16xf32>
      %add3A_1652 = arith.constant 0 : i32
      %add3A_1653 = arith.addi %add3A_1652, %add3A_1617 : i32
      %get3A_1654 = arith.index_cast %add3A_1653 : i32 to index
      %get3A_1655 = arith.constant 32 : index
      %get3A_1656 = tpu.vector_load %arg9[%get3A_1654, %get3A_1655] {strides = array<i32>} : memref<640x128xf32, #tpu.memory_space<vmem>>, vector<1x16xf32>,
      %get3A_1657 = vector.shape_cast %get3A_1656 : vector<1x16xf32> to vector<16xf32>
      %mul3A_1658 = arith.mulf %get3A_1651, %get3A_1657 : vector<16xf32>
      %mul3A_1659 = vector.broadcast %squeeze3A_1619 : f32 to vector<16xf32>
      %mul3A_1660 = arith.mulf %mul3A_1659, %mul3A_1658 : vector<16xf32>
      %add3A_1661 = arith.addf %add3A_1647, %mul3A_1660 : vector<16xf32>
      %get3A_1662 = arith.index_cast %add3A_1617 : i32 to index
      %get3A_1663 = arith.constant 48 : index
      %get3A_1664 = tpu.vector_load %arg8[%get3A_1662, %get3A_1663] {strides = array<i32>} : memref<128x128xf32, #tpu.memory_space<vmem>>, vector<1x16xf32>,
      %get3A_1665 = vector.shape_cast %get3A_1664 : vector<1x16xf32> to vector<16xf32>
      %add3A_1666 = arith.constant 0 : i32
      %add3A_1667 = arith.addi %add3A_1666, %add3A_1617 : i32
      %get3A_1668 = arith.index_cast %add3A_1667 : i32 to index
      %get3A_1669 = arith.constant 48 : index
      %get3A_1670 = tpu.vector_load %arg9[%get3A_1668, %get3A_1669] {strides = array<i32>} : memref<640x128xf32, #tpu.memory_space<vmem>>, vector<1x16xf32>,
      %get3A_1671 = vector.shape_cast %get3A_1670 : vector<1x16xf32> to vector<16xf32>
      %mul3A_1672 = arith.mulf %get3A_1665, %get3A_1671 : vector<16xf32>
      %mul3A_1673 = vector.broadcast %squeeze3A_1619 : f32 to vector<16xf32>
      %mul3A_1674 = arith.mulf %mul3A_1673, %mul3A_1672 : vector<16xf32>
      %add3A_1675 = arith.addf %add3A_1661, %mul3A_1674 : vector<16xf32>
      %slice3A_1676 = vector.extract_strided_slice %get3A_124 {offsets = [5], sizes = [1], strides = [1]} : vector<16xf32> to vector<1xf32>
      %squeeze3A_1677 = vector.extract %slice3A_1676[0] : f32 from vector<1xf32>
      %get3A_1678 = arith.index_cast %add3A_1617 : i32 to index
      %get3A_1679 = arith.constant 0 : index
      %get3A_1680 = tpu.vector_load %arg8[%get3A_1678, %get3A_1679] {strides = array<i32>} : memref<128x128xf32, #tpu.memory_space<vmem>>, vector<1x16xf32>,
      %get3A_1681 = vector.shape_cast %get3A_1680 : vector<1x16xf32> to vector<16xf32>
      %add3A_1682 = arith.constant 128 : i32
      %add3A_1683 = arith.addi %add3A_1682, %add3A_1617 : i32
      %get3A_1684 = arith.index_cast %add3A_1683 : i32 to index
      %get3A_1685 = arith.constant 0 : index
      %get3A_1686 = tpu.vector_load %arg9[%get3A_1684, %get3A_1685] {strides = array<i32>} : memref<640x128xf32, #tpu.memory_space<vmem>>, vector<1x16xf32>,
      %get3A_1687 = vector.shape_cast %get3A_1686 : vector<1x16xf32> to vector<16xf32>
      %mul3A_1688 = arith.mulf %get3A_1681, %get3A_1687 : vector<16xf32>
      %mul3A_1689 = vector.broadcast %squeeze3A_1677 : f32 to vector<16xf32>
      %mul3A_1690 = arith.mulf %mul3A_1689, %mul3A_1688 : vector<16xf32>
      %add3A_1691 = arith.addf %add3A_1675, %mul3A_1690 : vector<16xf32>
      %get3A_1692 = arith.index_cast %add3A_1617 : i32 to index
      %get3A_1693 = arith.constant 16 : index
      %get3A_1694 = tpu.vector_load %arg8[%get3A_1692, %get3A_1693] {strides = array<i32>} : memref<128x128xf32, #tpu.memory_space<vmem>>, vector<1x16xf32>,
      %get3A_1695 = vector.shape_cast %get3A_1694 : vector<1x16xf32> to vector<16xf32>
      %add3A_1696 = arith.constant 128 : i32
      %add3A_1697 = arith.addi %add3A_1696, %add3A_1617 : i32
      %get3A_1698 = arith.index_cast %add3A_1697 : i32 to index
      %get3A_1699 = arith.constant 16 : index
      %get3A_1700 = tpu.vector_load %arg9[%get3A_1698, %get3A_1699] {strides = array<i32>} : memref<640x128xf32, #tpu.memory_space<vmem>>, vector<1x16xf32>,
      %get3A_1701 = vector.shape_cast %get3A_1700 : vector<1x16xf32> to vector<16xf32>
      %mul3A_1702 = arith.mulf %get3A_1695, %get3A_1701 : vector<16xf32>
      %mul3A_1703 = vector.broadcast %squeeze3A_1677 : f32 to vector<16xf32>
      %mul3A_1704 = arith.mulf %mul3A_1703, %mul3A_1702 : vector<16xf32>
      %add3A_1705 = arith.addf %add3A_1691, %mul3A_1704 : vector<16xf32>
      %get3A_1706 = arith.index_cast %add3A_1617 : i32 to index
      %get3A_1707 = arith.constant 32 : index
      %get3A_1708 = tpu.vector_load %arg8[%get3A_1706, %get3A_1707] {strides = array<i32>} : memref<128x128xf32, #tpu.memory_space<vmem>>, vector<1x16xf32>,
      %get3A_1709 = vector.shape_cast %get3A_1708 : vector<1x16xf32> to vector<16xf32>
      %add3A_1710 = arith.constant 128 : i32
      %add3A_1711 = arith.addi %add3A_1710, %add3A_1617 : i32
      %get3A_1712 = arith.index_cast %add3A_1711 : i32 to index
      %get3A_1713 = arith.constant 32 : index
      %get3A_1714 = tpu.vector_load %arg9[%get3A_1712, %get3A_1713] {strides = array<i32>} : memref<640x128xf32, #tpu.memory_space<vmem>>, vector<1x16xf32>,
      %get3A_1715 = vector.shape_cast %get3A_1714 : vector<1x16xf32> to vector<16xf32>
      %mul3A_1716 = arith.mulf %get3A_1709, %get3A_1715 : vector<16xf32>
      %mul3A_1717 = vector.broadcast %squeeze3A_1677 : f32 to vector<16xf32>
      %mul3A_1718 = arith.mulf %mul3A_1717, %mul3A_1716 : vector<16xf32>
      %add3A_1719 = arith.addf %add3A_1705, %mul3A_1718 : vector<16xf32>
      %get3A_1720 = arith.index_cast %add3A_1617 : i32 to index
      %get3A_1721 = arith.constant 48 : index
      %get3A_1722 = tpu.vector_load %arg8[%get3A_1720, %get3A_1721] {strides = array<i32>} : memref<128x128xf32, #tpu.memory_space<vmem>>, vector<1x16xf32>,
      %get3A_1723 = vector.shape_cast %get3A_1722 : vector<1x16xf32> to vector<16xf32>
      %add3A_1724 = arith.constant 128 : i32
      %add3A_1725 = arith.addi %add3A_1724, %add3A_1617 : i32
      %get3A_1726 = arith.index_cast %add3A_1725 : i32 to index
      %get3A_1727 = arith.constant 48 : index
      %get3A_1728 = tpu.vector_load %arg9[%get3A_1726, %get3A_1727] {strides = array<i32>} : memref<640x128xf32, #tpu.memory_space<vmem>>, vector<1x16xf32>,
      %get3A_1729 = vector.shape_cast %get3A_1728 : vector<1x16xf32> to vector<16xf32>
      %mul3A_1730 = arith.mulf %get3A_1723, %get3A_1729 : vector<16xf32>
      %mul3A_1731 = vector.broadcast %squeeze3A_1677 : f32 to vector<16xf32>
      %mul3A_1732 = arith.mulf %mul3A_1731, %mul3A_1730 : vector<16xf32>
      %add3A_1733 = arith.addf %add3A_1719, %mul3A_1732 : vector<16xf32>
      %slice3A_1734 = vector.extract_strided_slice %get3A_131 {offsets = [5], sizes = [1], strides = [1]} : vector<16xf32> to vector<1xf32>
      %squeeze3A_1735 = vector.extract %slice3A_1734[0] : f32 from vector<1xf32>
      %get3A_1736 = arith.index_cast %add3A_1617 : i32 to index
      %get3A_1737 = arith.constant 0 : index
      %get3A_1738 = tpu.vector_load %arg8[%get3A_1736, %get3A_1737] {strides = array<i32>} : memref<128x128xf32, #tpu.memory_space<vmem>>, vector<1x16xf32>,
      %get3A_1739 = vector.shape_cast %get3A_1738 : vector<1x16xf32> to vector<16xf32>
      %add3A_1740 = arith.constant 256 : i32
      %add3A_1741 = arith.addi %add3A_1740, %add3A_1617 : i32
      %get3A_1742 = arith.index_cast %add3A_1741 : i32 to index
      %get3A_1743 = arith.constant 0 : index
      %get3A_1744 = tpu.vector_load %arg9[%get3A_1742, %get3A_1743] {strides = array<i32>} : memref<640x128xf32, #tpu.memory_space<vmem>>, vector<1x16xf32>,
      %get3A_1745 = vector.shape_cast %get3A_1744 : vector<1x16xf32> to vector<16xf32>
      %mul3A_1746 = arith.mulf %get3A_1739, %get3A_1745 : vector<16xf32>
      %mul3A_1747 = vector.broadcast %squeeze3A_1735 : f32 to vector<16xf32>
      %mul3A_1748 = arith.mulf %mul3A_1747, %mul3A_1746 : vector<16xf32>
      %add3A_1749 = arith.addf %add3A_1733, %mul3A_1748 : vector<16xf32>
      %get3A_1750 = arith.index_cast %add3A_1617 : i32 to index
      %get3A_1751 = arith.constant 16 : index
      %get3A_1752 = tpu.vector_load %arg8[%get3A_1750, %get3A_1751] {strides = array<i32>} : memref<128x128xf32, #tpu.memory_space<vmem>>, vector<1x16xf32>,
      %get3A_1753 = vector.shape_cast %get3A_1752 : vector<1x16xf32> to vector<16xf32>
      %add3A_1754 = arith.constant 256 : i32
      %add3A_1755 = arith.addi %add3A_1754, %add3A_1617 : i32
      %get3A_1756 = arith.index_cast %add3A_1755 : i32 to index
      %get3A_1757 = arith.constant 16 : index
      %get3A_1758 = tpu.vector_load %arg9[%get3A_1756, %get3A_1757] {strides = array<i32>} : memref<640x128xf32, #tpu.memory_space<vmem>>, vector<1x16xf32>,
      %get3A_1759 = vector.shape_cast %get3A_1758 : vector<1x16xf32> to vector<16xf32>
      %mul3A_1760 = arith.mulf %get3A_1753, %get3A_1759 : vector<16xf32>
      %mul3A_1761 = vector.broadcast %squeeze3A_1735 : f32 to vector<16xf32>
      %mul3A_1762 = arith.mulf %mul3A_1761, %mul3A_1760 : vector<16xf32>
      %add3A_1763 = arith.addf %add3A_1749, %mul3A_1762 : vector<16xf32>
      %get3A_1764 = arith.index_cast %add3A_1617 : i32 to index
      %get3A_1765 = arith.constant 32 : index
      %get3A_1766 = tpu.vector_load %arg8[%get3A_1764, %get3A_1765] {strides = array<i32>} : memref<128x128xf32, #tpu.memory_space<vmem>>, vector<1x16xf32>,
      %get3A_1767 = vector.shape_cast %get3A_1766 : vector<1x16xf32> to vector<16xf32>
      %add3A_1768 = arith.constant 256 : i32
      %add3A_1769 = arith.addi %add3A_1768, %add3A_1617 : i32
      %get3A_1770 = arith.index_cast %add3A_1769 : i32 to index
      %get3A_1771 = arith.constant 32 : index
      %get3A_1772 = tpu.vector_load %arg9[%get3A_1770, %get3A_1771] {strides = array<i32>} : memref<640x128xf32, #tpu.memory_space<vmem>>, vector<1x16xf32>,
      %get3A_1773 = vector.shape_cast %get3A_1772 : vector<1x16xf32> to vector<16xf32>
      %mul3A_1774 = arith.mulf %get3A_1767, %get3A_1773 : vector<16xf32>
      %mul3A_1775 = vector.broadcast %squeeze3A_1735 : f32 to vector<16xf32>
      %mul3A_1776 = arith.mulf %mul3A_1775, %mul3A_1774 : vector<16xf32>
      %add3A_1777 = arith.addf %add3A_1763, %mul3A_1776 : vector<16xf32>
      %get3A_1778 = arith.index_cast %add3A_1617 : i32 to index
      %get3A_1779 = arith.constant 48 : index
      %get3A_1780 = tpu.vector_load %arg8[%get3A_1778, %get3A_1779] {strides = array<i32>} : memref<128x128xf32, #tpu.memory_space<vmem>>, vector<1x16xf32>,
      %get3A_1781 = vector.shape_cast %get3A_1780 : vector<1x16xf32> to vector<16xf32>
      %add3A_1782 = arith.constant 256 : i32
      %add3A_1783 = arith.addi %add3A_1782, %add3A_1617 : i32
      %get3A_1784 = arith.index_cast %add3A_1783 : i32 to index
      %get3A_1785 = arith.constant 48 : index
      %get3A_1786 = tpu.vector_load %arg9[%get3A_1784, %get3A_1785] {strides = array<i32>} : memref<640x128xf32, #tpu.memory_space<vmem>>, vector<1x16xf32>,
      %get3A_1787 = vector.shape_cast %get3A_1786 : vector<1x16xf32> to vector<16xf32>
      %mul3A_1788 = arith.mulf %get3A_1781, %get3A_1787 : vector<16xf32>
      %mul3A_1789 = vector.broadcast %squeeze3A_1735 : f32 to vector<16xf32>
      %mul3A_1790 = arith.mulf %mul3A_1789, %mul3A_1788 : vector<16xf32>
      %add3A_1791 = arith.addf %add3A_1777, %mul3A_1790 : vector<16xf32>
      %slice3A_1792 = vector.extract_strided_slice %get3A_138 {offsets = [5], sizes = [1], strides = [1]} : vector<16xf32> to vector<1xf32>
      %squeeze3A_1793 = vector.extract %slice3A_1792[0] : f32 from vector<1xf32>
      %get3A_1794 = arith.index_cast %add3A_1617 : i32 to index
      %get3A_1795 = arith.constant 0 : index
      %get3A_1796 = tpu.vector_load %arg8[%get3A_1794, %get3A_1795] {strides = array<i32>} : memref<128x128xf32, #tpu.memory_space<vmem>>, vector<1x16xf32>,
      %get3A_1797 = vector.shape_cast %get3A_1796 : vector<1x16xf32> to vector<16xf32>
      %add3A_1798 = arith.constant 384 : i32
      %add3A_1799 = arith.addi %add3A_1798, %add3A_1617 : i32
      %get3A_1800 = arith.index_cast %add3A_1799 : i32 to index
      %get3A_1801 = arith.constant 0 : index
      %get3A_1802 = tpu.vector_load %arg9[%get3A_1800, %get3A_1801] {strides = array<i32>} : memref<640x128xf32, #tpu.memory_space<vmem>>, vector<1x16xf32>,
      %get3A_1803 = vector.shape_cast %get3A_1802 : vector<1x16xf32> to vector<16xf32>
      %mul3A_1804 = arith.mulf %get3A_1797, %get3A_1803 : vector<16xf32>
      %mul3A_1805 = vector.broadcast %squeeze3A_1793 : f32 to vector<16xf32>
      %mul3A_1806 = arith.mulf %mul3A_1805, %mul3A_1804 : vector<16xf32>
      %add3A_1807 = arith.addf %add3A_1791, %mul3A_1806 : vector<16xf32>
      %get3A_1808 = arith.index_cast %add3A_1617 : i32 to index
      %get3A_1809 = arith.constant 16 : index
      %get3A_1810 = tpu.vector_load %arg8[%get3A_1808, %get3A_1809] {strides = array<i32>} : memref<128x128xf32, #tpu.memory_space<vmem>>, vector<1x16xf32>,
      %get3A_1811 = vector.shape_cast %get3A_1810 : vector<1x16xf32> to vector<16xf32>
      %add3A_1812 = arith.constant 384 : i32
      %add3A_1813 = arith.addi %add3A_1812, %add3A_1617 : i32
      %get3A_1814 = arith.index_cast %add3A_1813 : i32 to index
      %get3A_1815 = arith.constant 16 : index
      %get3A_1816 = tpu.vector_load %arg9[%get3A_1814, %get3A_1815] {strides = array<i32>} : memref<640x128xf32, #tpu.memory_space<vmem>>, vector<1x16xf32>,
      %get3A_1817 = vector.shape_cast %get3A_1816 : vector<1x16xf32> to vector<16xf32>
      %mul3A_1818 = arith.mulf %get3A_1811, %get3A_1817 : vector<16xf32>
      %mul3A_1819 = vector.broadcast %squeeze3A_1793 : f32 to vector<16xf32>
      %mul3A_1820 = arith.mulf %mul3A_1819, %mul3A_1818 : vector<16xf32>
      %add3A_1821 = arith.addf %add3A_1807, %mul3A_1820 : vector<16xf32>
      %get3A_1822 = arith.index_cast %add3A_1617 : i32 to index
      %get3A_1823 = arith.constant 32 : index
      %get3A_1824 = tpu.vector_load %arg8[%get3A_1822, %get3A_1823] {strides = array<i32>} : memref<128x128xf32, #tpu.memory_space<vmem>>, vector<1x16xf32>,
      %get3A_1825 = vector.shape_cast %get3A_1824 : vector<1x16xf32> to vector<16xf32>
      %add3A_1826 = arith.constant 384 : i32
      %add3A_1827 = arith.addi %add3A_1826, %add3A_1617 : i32
      %get3A_1828 = arith.index_cast %add3A_1827 : i32 to index
      %get3A_1829 = arith.constant 32 : index
      %get3A_1830 = tpu.vector_load %arg9[%get3A_1828, %get3A_1829] {strides = array<i32>} : memref<640x128xf32, #tpu.memory_space<vmem>>, vector<1x16xf32>,
      %get3A_1831 = vector.shape_cast %get3A_1830 : vector<1x16xf32> to vector<16xf32>
      %mul3A_1832 = arith.mulf %get3A_1825, %get3A_1831 : vector<16xf32>
      %mul3A_1833 = vector.broadcast %squeeze3A_1793 : f32 to vector<16xf32>
      %mul3A_1834 = arith.mulf %mul3A_1833, %mul3A_1832 : vector<16xf32>
      %add3A_1835 = arith.addf %add3A_1821, %mul3A_1834 : vector<16xf32>
      %get3A_1836 = arith.index_cast %add3A_1617 : i32 to index
      %get3A_1837 = arith.constant 48 : index
      %get3A_1838 = tpu.vector_load %arg8[%get3A_1836, %get3A_1837] {strides = array<i32>} : memref<128x128xf32, #tpu.memory_space<vmem>>, vector<1x16xf32>,
      %get3A_1839 = vector.shape_cast %get3A_1838 : vector<1x16xf32> to vector<16xf32>
      %add3A_1840 = arith.constant 384 : i32
      %add3A_1841 = arith.addi %add3A_1840, %add3A_1617 : i32
      %get3A_1842 = arith.index_cast %add3A_1841 : i32 to index
      %get3A_1843 = arith.constant 48 : index
      %get3A_1844 = tpu.vector_load %arg9[%get3A_1842, %get3A_1843] {strides = array<i32>} : memref<640x128xf32, #tpu.memory_space<vmem>>, vector<1x16xf32>,
      %get3A_1845 = vector.shape_cast %get3A_1844 : vector<1x16xf32> to vector<16xf32>
      %mul3A_1846 = arith.mulf %get3A_1839, %get3A_1845 : vector<16xf32>
      %mul3A_1847 = vector.broadcast %squeeze3A_1793 : f32 to vector<16xf32>
      %mul3A_1848 = arith.mulf %mul3A_1847, %mul3A_1846 : vector<16xf32>
      %add3A_1849 = arith.addf %add3A_1835, %mul3A_1848 : vector<16xf32>
      %slice3A_1850 = vector.extract_strided_slice %get3A_145 {offsets = [5], sizes = [1], strides = [1]} : vector<16xf32> to vector<1xf32>
      %squeeze3A_1851 = vector.extract %slice3A_1850[0] : f32 from vector<1xf32>
      %get3A_1852 = arith.index_cast %add3A_1617 : i32 to index
      %get3A_1853 = arith.constant 0 : index
      %get3A_1854 = tpu.vector_load %arg8[%get3A_1852, %get3A_1853] {strides = array<i32>} : memref<128x128xf32, #tpu.memory_space<vmem>>, vector<1x16xf32>,
      %get3A_1855 = vector.shape_cast %get3A_1854 : vector<1x16xf32> to vector<16xf32>
      %add3A_1856 = arith.constant 512 : i32
      %add3A_1857 = arith.addi %add3A_1856, %add3A_1617 : i32
      %get3A_1858 = arith.index_cast %add3A_1857 : i32 to index
      %get3A_1859 = arith.constant 0 : index
      %get3A_1860 = tpu.vector_load %arg9[%get3A_1858, %get3A_1859] {strides = array<i32>} : memref<640x128xf32, #tpu.memory_space<vmem>>, vector<1x16xf32>,
      %get3A_1861 = vector.shape_cast %get3A_1860 : vector<1x16xf32> to vector<16xf32>
      %mul3A_1862 = arith.mulf %get3A_1855, %get3A_1861 : vector<16xf32>
      %mul3A_1863 = vector.broadcast %squeeze3A_1851 : f32 to vector<16xf32>
      %mul3A_1864 = arith.mulf %mul3A_1863, %mul3A_1862 : vector<16xf32>
      %add3A_1865 = arith.addf %add3A_1849, %mul3A_1864 : vector<16xf32>
      %get3A_1866 = arith.index_cast %add3A_1617 : i32 to index
      %get3A_1867 = arith.constant 16 : index
      %get3A_1868 = tpu.vector_load %arg8[%get3A_1866, %get3A_1867] {strides = array<i32>} : memref<128x128xf32, #tpu.memory_space<vmem>>, vector<1x16xf32>,
      %get3A_1869 = vector.shape_cast %get3A_1868 : vector<1x16xf32> to vector<16xf32>
      %add3A_1870 = arith.constant 512 : i32
      %add3A_1871 = arith.addi %add3A_1870, %add3A_1617 : i32
      %get3A_1872 = arith.index_cast %add3A_1871 : i32 to index
      %get3A_1873 = arith.constant 16 : index
      %get3A_1874 = tpu.vector_load %arg9[%get3A_1872, %get3A_1873] {strides = array<i32>} : memref<640x128xf32, #tpu.memory_space<vmem>>, vector<1x16xf32>,
      %get3A_1875 = vector.shape_cast %get3A_1874 : vector<1x16xf32> to vector<16xf32>
      %mul3A_1876 = arith.mulf %get3A_1869, %get3A_1875 : vector<16xf32>
      %mul3A_1877 = vector.broadcast %squeeze3A_1851 : f32 to vector<16xf32>
      %mul3A_1878 = arith.mulf %mul3A_1877, %mul3A_1876 : vector<16xf32>
      %add3A_1879 = arith.addf %add3A_1865, %mul3A_1878 : vector<16xf32>
      %get3A_1880 = arith.index_cast %add3A_1617 : i32 to index
      %get3A_1881 = arith.constant 32 : index
      %get3A_1882 = tpu.vector_load %arg8[%get3A_1880, %get3A_1881] {strides = array<i32>} : memref<128x128xf32, #tpu.memory_space<vmem>>, vector<1x16xf32>,
      %get3A_1883 = vector.shape_cast %get3A_1882 : vector<1x16xf32> to vector<16xf32>
      %add3A_1884 = arith.constant 512 : i32
      %add3A_1885 = arith.addi %add3A_1884, %add3A_1617 : i32
      %get3A_1886 = arith.index_cast %add3A_1885 : i32 to index
      %get3A_1887 = arith.constant 32 : index
      %get3A_1888 = tpu.vector_load %arg9[%get3A_1886, %get3A_1887] {strides = array<i32>} : memref<640x128xf32, #tpu.memory_space<vmem>>, vector<1x16xf32>,
      %get3A_1889 = vector.shape_cast %get3A_1888 : vector<1x16xf32> to vector<16xf32>
      %mul3A_1890 = arith.mulf %get3A_1883, %get3A_1889 : vector<16xf32>
      %mul3A_1891 = vector.broadcast %squeeze3A_1851 : f32 to vector<16xf32>
      %mul3A_1892 = arith.mulf %mul3A_1891, %mul3A_1890 : vector<16xf32>
      %add3A_1893 = arith.addf %add3A_1879, %mul3A_1892 : vector<16xf32>
      %get3A_1894 = arith.index_cast %add3A_1617 : i32 to index
      %get3A_1895 = arith.constant 48 : index
      %get3A_1896 = tpu.vector_load %arg8[%get3A_1894, %get3A_1895] {strides = array<i32>} : memref<128x128xf32, #tpu.memory_space<vmem>>, vector<1x16xf32>,
      %get3A_1897 = vector.shape_cast %get3A_1896 : vector<1x16xf32> to vector<16xf32>
      %add3A_1898 = arith.constant 512 : i32
      %add3A_1899 = arith.addi %add3A_1898, %add3A_1617 : i32
      %get3A_1900 = arith.index_cast %add3A_1899 : i32 to index
      %get3A_1901 = arith.constant 48 : index
      %get3A_1902 = tpu.vector_load %arg9[%get3A_1900, %get3A_1901] {strides = array<i32>} : memref<640x128xf32, #tpu.memory_space<vmem>>, vector<1x16xf32>,
      %get3A_1903 = vector.shape_cast %get3A_1902 : vector<1x16xf32> to vector<16xf32>
      %mul3A_1904 = arith.mulf %get3A_1897, %get3A_1903 : vector<16xf32>
      %mul3A_1905 = vector.broadcast %squeeze3A_1851 : f32 to vector<16xf32>
      %mul3A_1906 = arith.mulf %mul3A_1905, %mul3A_1904 : vector<16xf32>
      %add3A_1907 = arith.addf %add3A_1893, %mul3A_1906 : vector<16xf32>
      %mul3A_1908 = arith.constant 16 : i32
      %mul3A_1909 = arith.muli %scan3A_110, %mul3A_1908 : i32
      %add3A_1910 = arith.constant 6 : i32
      %add3A_1911 = arith.addi %mul3A_1909, %add3A_1910 : i32
      %slice3A_1912 = vector.extract_strided_slice %get3A_117 {offsets = [6], sizes = [1], strides = [1]} : vector<16xf32> to vector<1xf32>
      %squeeze3A_1913 = vector.extract %slice3A_1912[0] : f32 from vector<1xf32>
      %get3A_1914 = arith.index_cast %add3A_1911 : i32 to index
      %get3A_1915 = arith.constant 0 : index
      %get3A_1916 = tpu.vector_load %arg8[%get3A_1914, %get3A_1915] {strides = array<i32>} : memref<128x128xf32, #tpu.memory_space<vmem>>, vector<1x16xf32>,
      %get3A_1917 = vector.shape_cast %get3A_1916 : vector<1x16xf32> to vector<16xf32>
      %add3A_1918 = arith.constant 0 : i32
      %add3A_1919 = arith.addi %add3A_1918, %add3A_1911 : i32
      %get3A_1920 = arith.index_cast %add3A_1919 : i32 to index
      %get3A_1921 = arith.constant 0 : index
      %get3A_1922 = tpu.vector_load %arg9[%get3A_1920, %get3A_1921] {strides = array<i32>} : memref<640x128xf32, #tpu.memory_space<vmem>>, vector<1x16xf32>,
      %get3A_1923 = vector.shape_cast %get3A_1922 : vector<1x16xf32> to vector<16xf32>
      %mul3A_1924 = arith.mulf %get3A_1917, %get3A_1923 : vector<16xf32>
      %mul3A_1925 = vector.broadcast %squeeze3A_1913 : f32 to vector<16xf32>
      %mul3A_1926 = arith.mulf %mul3A_1925, %mul3A_1924 : vector<16xf32>
      %add3A_1927 = arith.addf %add3A_1907, %mul3A_1926 : vector<16xf32>
      %get3A_1928 = arith.index_cast %add3A_1911 : i32 to index
      %get3A_1929 = arith.constant 16 : index
      %get3A_1930 = tpu.vector_load %arg8[%get3A_1928, %get3A_1929] {strides = array<i32>} : memref<128x128xf32, #tpu.memory_space<vmem>>, vector<1x16xf32>,
      %get3A_1931 = vector.shape_cast %get3A_1930 : vector<1x16xf32> to vector<16xf32>
      %add3A_1932 = arith.constant 0 : i32
      %add3A_1933 = arith.addi %add3A_1932, %add3A_1911 : i32
      %get3A_1934 = arith.index_cast %add3A_1933 : i32 to index
      %get3A_1935 = arith.constant 16 : index
      %get3A_1936 = tpu.vector_load %arg9[%get3A_1934, %get3A_1935] {strides = array<i32>} : memref<640x128xf32, #tpu.memory_space<vmem>>, vector<1x16xf32>,
      %get3A_1937 = vector.shape_cast %get3A_1936 : vector<1x16xf32> to vector<16xf32>
      %mul3A_1938 = arith.mulf %get3A_1931, %get3A_1937 : vector<16xf32>
      %mul3A_1939 = vector.broadcast %squeeze3A_1913 : f32 to vector<16xf32>
      %mul3A_1940 = arith.mulf %mul3A_1939, %mul3A_1938 : vector<16xf32>
      %add3A_1941 = arith.addf %add3A_1927, %mul3A_1940 : vector<16xf32>
      %get3A_1942 = arith.index_cast %add3A_1911 : i32 to index
      %get3A_1943 = arith.constant 32 : index
      %get3A_1944 = tpu.vector_load %arg8[%get3A_1942, %get3A_1943] {strides = array<i32>} : memref<128x128xf32, #tpu.memory_space<vmem>>, vector<1x16xf32>,
      %get3A_1945 = vector.shape_cast %get3A_1944 : vector<1x16xf32> to vector<16xf32>
      %add3A_1946 = arith.constant 0 : i32
      %add3A_1947 = arith.addi %add3A_1946, %add3A_1911 : i32
      %get3A_1948 = arith.index_cast %add3A_1947 : i32 to index
      %get3A_1949 = arith.constant 32 : index
      %get3A_1950 = tpu.vector_load %arg9[%get3A_1948, %get3A_1949] {strides = array<i32>} : memref<640x128xf32, #tpu.memory_space<vmem>>, vector<1x16xf32>,
      %get3A_1951 = vector.shape_cast %get3A_1950 : vector<1x16xf32> to vector<16xf32>
      %mul3A_1952 = arith.mulf %get3A_1945, %get3A_1951 : vector<16xf32>
      %mul3A_1953 = vector.broadcast %squeeze3A_1913 : f32 to vector<16xf32>
      %mul3A_1954 = arith.mulf %mul3A_1953, %mul3A_1952 : vector<16xf32>
      %add3A_1955 = arith.addf %add3A_1941, %mul3A_1954 : vector<16xf32>
      %get3A_1956 = arith.index_cast %add3A_1911 : i32 to index
      %get3A_1957 = arith.constant 48 : index
      %get3A_1958 = tpu.vector_load %arg8[%get3A_1956, %get3A_1957] {strides = array<i32>} : memref<128x128xf32, #tpu.memory_space<vmem>>, vector<1x16xf32>,
      %get3A_1959 = vector.shape_cast %get3A_1958 : vector<1x16xf32> to vector<16xf32>
      %add3A_1960 = arith.constant 0 : i32
      %add3A_1961 = arith.addi %add3A_1960, %add3A_1911 : i32
      %get3A_1962 = arith.index_cast %add3A_1961 : i32 to index
      %get3A_1963 = arith.constant 48 : index
      %get3A_1964 = tpu.vector_load %arg9[%get3A_1962, %get3A_1963] {strides = array<i32>} : memref<640x128xf32, #tpu.memory_space<vmem>>, vector<1x16xf32>,
      %get3A_1965 = vector.shape_cast %get3A_1964 : vector<1x16xf32> to vector<16xf32>
      %mul3A_1966 = arith.mulf %get3A_1959, %get3A_1965 : vector<16xf32>
      %mul3A_1967 = vector.broadcast %squeeze3A_1913 : f32 to vector<16xf32>
      %mul3A_1968 = arith.mulf %mul3A_1967, %mul3A_1966 : vector<16xf32>
      %add3A_1969 = arith.addf %add3A_1955, %mul3A_1968 : vector<16xf32>
      %slice3A_1970 = vector.extract_strided_slice %get3A_124 {offsets = [6], sizes = [1], strides = [1]} : vector<16xf32> to vector<1xf32>
      %squeeze3A_1971 = vector.extract %slice3A_1970[0] : f32 from vector<1xf32>
      %get3A_1972 = arith.index_cast %add3A_1911 : i32 to index
      %get3A_1973 = arith.constant 0 : index
      %get3A_1974 = tpu.vector_load %arg8[%get3A_1972, %get3A_1973] {strides = array<i32>} : memref<128x128xf32, #tpu.memory_space<vmem>>, vector<1x16xf32>,
      %get3A_1975 = vector.shape_cast %get3A_1974 : vector<1x16xf32> to vector<16xf32>
      %add3A_1976 = arith.constant 128 : i32
      %add3A_1977 = arith.addi %add3A_1976, %add3A_1911 : i32
      %get3A_1978 = arith.index_cast %add3A_1977 : i32 to index
      %get3A_1979 = arith.constant 0 : index
      %get3A_1980 = tpu.vector_load %arg9[%get3A_1978, %get3A_1979] {strides = array<i32>} : memref<640x128xf32, #tpu.memory_space<vmem>>, vector<1x16xf32>,
      %get3A_1981 = vector.shape_cast %get3A_1980 : vector<1x16xf32> to vector<16xf32>
      %mul3A_1982 = arith.mulf %get3A_1975, %get3A_1981 : vector<16xf32>
      %mul3A_1983 = vector.broadcast %squeeze3A_1971 : f32 to vector<16xf32>
      %mul3A_1984 = arith.mulf %mul3A_1983, %mul3A_1982 : vector<16xf32>
      %add3A_1985 = arith.addf %add3A_1969, %mul3A_1984 : vector<16xf32>
      %get3A_1986 = arith.index_cast %add3A_1911 : i32 to index
      %get3A_1987 = arith.constant 16 : index
      %get3A_1988 = tpu.vector_load %arg8[%get3A_1986, %get3A_1987] {strides = array<i32>} : memref<128x128xf32, #tpu.memory_space<vmem>>, vector<1x16xf32>,
      %get3A_1989 = vector.shape_cast %get3A_1988 : vector<1x16xf32> to vector<16xf32>
      %add3A_1990 = arith.constant 128 : i32
      %add3A_1991 = arith.addi %add3A_1990, %add3A_1911 : i32
      %get3A_1992 = arith.index_cast %add3A_1991 : i32 to index
      %get3A_1993 = arith.constant 16 : index
      %get3A_1994 = tpu.vector_load %arg9[%get3A_1992, %get3A_1993] {strides = array<i32>} : memref<640x128xf32, #tpu.memory_space<vmem>>, vector<1x16xf32>,
      %get3A_1995 = vector.shape_cast %get3A_1994 : vector<1x16xf32> to vector<16xf32>
      %mul3A_1996 = arith.mulf %get3A_1989, %get3A_1995 : vector<16xf32>
      %mul3A_1997 = vector.broadcast %squeeze3A_1971 : f32 to vector<16xf32>
      %mul3A_1998 = arith.mulf %mul3A_1997, %mul3A_1996 : vector<16xf32>
      %add3A_1999 = arith.addf %add3A_1985, %mul3A_1998 : vector<16xf32>
      %get3A_2000 = arith.index_cast %add3A_1911 : i32 to index
      %get3A_2001 = arith.constant 32 : index
      %get3A_2002 = tpu.vector_load %arg8[%get3A_2000, %get3A_2001] {strides = array<i32>} : memref<128x128xf32, #tpu.memory_space<vmem>>, vector<1x16xf32>,
      %get3A_2003 = vector.shape_cast %get3A_2002 : vector<1x16xf32> to vector<16xf32>
      %add3A_2004 = arith.constant 128 : i32
      %add3A_2005 = arith.addi %add3A_2004, %add3A_1911 : i32
      %get3A_2006 = arith.index_cast %add3A_2005 : i32 to index
      %get3A_2007 = arith.constant 32 : index
      %get3A_2008 = tpu.vector_load %arg9[%get3A_2006, %get3A_2007] {strides = array<i32>} : memref<640x128xf32, #tpu.memory_space<vmem>>, vector<1x16xf32>,
      %get3A_2009 = vector.shape_cast %get3A_2008 : vector<1x16xf32> to vector<16xf32>
      %mul3A_2010 = arith.mulf %get3A_2003, %get3A_2009 : vector<16xf32>
      %mul3A_2011 = vector.broadcast %squeeze3A_1971 : f32 to vector<16xf32>
      %mul3A_2012 = arith.mulf %mul3A_2011, %mul3A_2010 : vector<16xf32>
      %add3A_2013 = arith.addf %add3A_1999, %mul3A_2012 : vector<16xf32>
      %get3A_2014 = arith.index_cast %add3A_1911 : i32 to index
      %get3A_2015 = arith.constant 48 : index
      %get3A_2016 = tpu.vector_load %arg8[%get3A_2014, %get3A_2015] {strides = array<i32>} : memref<128x128xf32, #tpu.memory_space<vmem>>, vector<1x16xf32>,
      %get3A_2017 = vector.shape_cast %get3A_2016 : vector<1x16xf32> to vector<16xf32>
      %add3A_2018 = arith.constant 128 : i32
      %add3A_2019 = arith.addi %add3A_2018, %add3A_1911 : i32
      %get3A_2020 = arith.index_cast %add3A_2019 : i32 to index
      %get3A_2021 = arith.constant 48 : index
      %get3A_2022 = tpu.vector_load %arg9[%get3A_2020, %get3A_2021] {strides = array<i32>} : memref<640x128xf32, #tpu.memory_space<vmem>>, vector<1x16xf32>,
      %get3A_2023 = vector.shape_cast %get3A_2022 : vector<1x16xf32> to vector<16xf32>
      %mul3A_2024 = arith.mulf %get3A_2017, %get3A_2023 : vector<16xf32>
      %mul3A_2025 = vector.broadcast %squeeze3A_1971 : f32 to vector<16xf32>
      %mul3A_2026 = arith.mulf %mul3A_2025, %mul3A_2024 : vector<16xf32>
      %add3A_2027 = arith.addf %add3A_2013, %mul3A_2026 : vector<16xf32>
      %slice3A_2028 = vector.extract_strided_slice %get3A_131 {offsets = [6], sizes = [1], strides = [1]} : vector<16xf32> to vector<1xf32>
      %squeeze3A_2029 = vector.extract %slice3A_2028[0] : f32 from vector<1xf32>
      %get3A_2030 = arith.index_cast %add3A_1911 : i32 to index
      %get3A_2031 = arith.constant 0 : index
      %get3A_2032 = tpu.vector_load %arg8[%get3A_2030, %get3A_2031] {strides = array<i32>} : memref<128x128xf32, #tpu.memory_space<vmem>>, vector<1x16xf32>,
      %get3A_2033 = vector.shape_cast %get3A_2032 : vector<1x16xf32> to vector<16xf32>
      %add3A_2034 = arith.constant 256 : i32
      %add3A_2035 = arith.addi %add3A_2034, %add3A_1911 : i32
      %get3A_2036 = arith.index_cast %add3A_2035 : i32 to index
      %get3A_2037 = arith.constant 0 : index
      %get3A_2038 = tpu.vector_load %arg9[%get3A_2036, %get3A_2037] {strides = array<i32>} : memref<640x128xf32, #tpu.memory_space<vmem>>, vector<1x16xf32>,
      %get3A_2039 = vector.shape_cast %get3A_2038 : vector<1x16xf32> to vector<16xf32>
      %mul3A_2040 = arith.mulf %get3A_2033, %get3A_2039 : vector<16xf32>
      %mul3A_2041 = vector.broadcast %squeeze3A_2029 : f32 to vector<16xf32>
      %mul3A_2042 = arith.mulf %mul3A_2041, %mul3A_2040 : vector<16xf32>
      %add3A_2043 = arith.addf %add3A_2027, %mul3A_2042 : vector<16xf32>
      %get3A_2044 = arith.index_cast %add3A_1911 : i32 to index
      %get3A_2045 = arith.constant 16 : index
      %get3A_2046 = tpu.vector_load %arg8[%get3A_2044, %get3A_2045] {strides = array<i32>} : memref<128x128xf32, #tpu.memory_space<vmem>>, vector<1x16xf32>,
      %get3A_2047 = vector.shape_cast %get3A_2046 : vector<1x16xf32> to vector<16xf32>
      %add3A_2048 = arith.constant 256 : i32
      %add3A_2049 = arith.addi %add3A_2048, %add3A_1911 : i32
      %get3A_2050 = arith.index_cast %add3A_2049 : i32 to index
      %get3A_2051 = arith.constant 16 : index
      %get3A_2052 = tpu.vector_load %arg9[%get3A_2050, %get3A_2051] {strides = array<i32>} : memref<640x128xf32, #tpu.memory_space<vmem>>, vector<1x16xf32>,
      %get3A_2053 = vector.shape_cast %get3A_2052 : vector<1x16xf32> to vector<16xf32>
      %mul3A_2054 = arith.mulf %get3A_2047, %get3A_2053 : vector<16xf32>
      %mul3A_2055 = vector.broadcast %squeeze3A_2029 : f32 to vector<16xf32>
      %mul3A_2056 = arith.mulf %mul3A_2055, %mul3A_2054 : vector<16xf32>
      %add3A_2057 = arith.addf %add3A_2043, %mul3A_2056 : vector<16xf32>
      %get3A_2058 = arith.index_cast %add3A_1911 : i32 to index
      %get3A_2059 = arith.constant 32 : index
      %get3A_2060 = tpu.vector_load %arg8[%get3A_2058, %get3A_2059] {strides = array<i32>} : memref<128x128xf32, #tpu.memory_space<vmem>>, vector<1x16xf32>,
      %get3A_2061 = vector.shape_cast %get3A_2060 : vector<1x16xf32> to vector<16xf32>
      %add3A_2062 = arith.constant 256 : i32
      %add3A_2063 = arith.addi %add3A_2062, %add3A_1911 : i32
      %get3A_2064 = arith.index_cast %add3A_2063 : i32 to index
      %get3A_2065 = arith.constant 32 : index
      %get3A_2066 = tpu.vector_load %arg9[%get3A_2064, %get3A_2065] {strides = array<i32>} : memref<640x128xf32, #tpu.memory_space<vmem>>, vector<1x16xf32>,
      %get3A_2067 = vector.shape_cast %get3A_2066 : vector<1x16xf32> to vector<16xf32>
      %mul3A_2068 = arith.mulf %get3A_2061, %get3A_2067 : vector<16xf32>
      %mul3A_2069 = vector.broadcast %squeeze3A_2029 : f32 to vector<16xf32>
      %mul3A_2070 = arith.mulf %mul3A_2069, %mul3A_2068 : vector<16xf32>
      %add3A_2071 = arith.addf %add3A_2057, %mul3A_2070 : vector<16xf32>
      %get3A_2072 = arith.index_cast %add3A_1911 : i32 to index
      %get3A_2073 = arith.constant 48 : index
      %get3A_2074 = tpu.vector_load %arg8[%get3A_2072, %get3A_2073] {strides = array<i32>} : memref<128x128xf32, #tpu.memory_space<vmem>>, vector<1x16xf32>,
      %get3A_2075 = vector.shape_cast %get3A_2074 : vector<1x16xf32> to vector<16xf32>
      %add3A_2076 = arith.constant 256 : i32
      %add3A_2077 = arith.addi %add3A_2076, %add3A_1911 : i32
      %get3A_2078 = arith.index_cast %add3A_2077 : i32 to index
      %get3A_2079 = arith.constant 48 : index
      %get3A_2080 = tpu.vector_load %arg9[%get3A_2078, %get3A_2079] {strides = array<i32>} : memref<640x128xf32, #tpu.memory_space<vmem>>, vector<1x16xf32>,
      %get3A_2081 = vector.shape_cast %get3A_2080 : vector<1x16xf32> to vector<16xf32>
      %mul3A_2082 = arith.mulf %get3A_2075, %get3A_2081 : vector<16xf32>
      %mul3A_2083 = vector.broadcast %squeeze3A_2029 : f32 to vector<16xf32>
      %mul3A_2084 = arith.mulf %mul3A_2083, %mul3A_2082 : vector<16xf32>
      %add3A_2085 = arith.addf %add3A_2071, %mul3A_2084 : vector<16xf32>
      %slice3A_2086 = vector.extract_strided_slice %get3A_138 {offsets = [6], sizes = [1], strides = [1]} : vector<16xf32> to vector<1xf32>
      %squeeze3A_2087 = vector.extract %slice3A_2086[0] : f32 from vector<1xf32>
      %get3A_2088 = arith.index_cast %add3A_1911 : i32 to index
      %get3A_2089 = arith.constant 0 : index
      %get3A_2090 = tpu.vector_load %arg8[%get3A_2088, %get3A_2089] {strides = array<i32>} : memref<128x128xf32, #tpu.memory_space<vmem>>, vector<1x16xf32>,
      %get3A_2091 = vector.shape_cast %get3A_2090 : vector<1x16xf32> to vector<16xf32>
      %add3A_2092 = arith.constant 384 : i32
      %add3A_2093 = arith.addi %add3A_2092, %add3A_1911 : i32
      %get3A_2094 = arith.index_cast %add3A_2093 : i32 to index
      %get3A_2095 = arith.constant 0 : index
      %get3A_2096 = tpu.vector_load %arg9[%get3A_2094, %get3A_2095] {strides = array<i32>} : memref<640x128xf32, #tpu.memory_space<vmem>>, vector<1x16xf32>,
      %get3A_2097 = vector.shape_cast %get3A_2096 : vector<1x16xf32> to vector<16xf32>
      %mul3A_2098 = arith.mulf %get3A_2091, %get3A_2097 : vector<16xf32>
      %mul3A_2099 = vector.broadcast %squeeze3A_2087 : f32 to vector<16xf32>
      %mul3A_2100 = arith.mulf %mul3A_2099, %mul3A_2098 : vector<16xf32>
      %add3A_2101 = arith.addf %add3A_2085, %mul3A_2100 : vector<16xf32>
      %get3A_2102 = arith.index_cast %add3A_1911 : i32 to index
      %get3A_2103 = arith.constant 16 : index
      %get3A_2104 = tpu.vector_load %arg8[%get3A_2102, %get3A_2103] {strides = array<i32>} : memref<128x128xf32, #tpu.memory_space<vmem>>, vector<1x16xf32>,
      %get3A_2105 = vector.shape_cast %get3A_2104 : vector<1x16xf32> to vector<16xf32>
      %add3A_2106 = arith.constant 384 : i32
      %add3A_2107 = arith.addi %add3A_2106, %add3A_1911 : i32
      %get3A_2108 = arith.index_cast %add3A_2107 : i32 to index
      %get3A_2109 = arith.constant 16 : index
      %get3A_2110 = tpu.vector_load %arg9[%get3A_2108, %get3A_2109] {strides = array<i32>} : memref<640x128xf32, #tpu.memory_space<vmem>>, vector<1x16xf32>,
      %get3A_2111 = vector.shape_cast %get3A_2110 : vector<1x16xf32> to vector<16xf32>
      %mul3A_2112 = arith.mulf %get3A_2105, %get3A_2111 : vector<16xf32>
      %mul3A_2113 = vector.broadcast %squeeze3A_2087 : f32 to vector<16xf32>
      %mul3A_2114 = arith.mulf %mul3A_2113, %mul3A_2112 : vector<16xf32>
      %add3A_2115 = arith.addf %add3A_2101, %mul3A_2114 : vector<16xf32>
      %get3A_2116 = arith.index_cast %add3A_1911 : i32 to index
      %get3A_2117 = arith.constant 32 : index
      %get3A_2118 = tpu.vector_load %arg8[%get3A_2116, %get3A_2117] {strides = array<i32>} : memref<128x128xf32, #tpu.memory_space<vmem>>, vector<1x16xf32>,
      %get3A_2119 = vector.shape_cast %get3A_2118 : vector<1x16xf32> to vector<16xf32>
      %add3A_2120 = arith.constant 384 : i32
      %add3A_2121 = arith.addi %add3A_2120, %add3A_1911 : i32
      %get3A_2122 = arith.index_cast %add3A_2121 : i32 to index
      %get3A_2123 = arith.constant 32 : index
      %get3A_2124 = tpu.vector_load %arg9[%get3A_2122, %get3A_2123] {strides = array<i32>} : memref<640x128xf32, #tpu.memory_space<vmem>>, vector<1x16xf32>,
      %get3A_2125 = vector.shape_cast %get3A_2124 : vector<1x16xf32> to vector<16xf32>
      %mul3A_2126 = arith.mulf %get3A_2119, %get3A_2125 : vector<16xf32>
      %mul3A_2127 = vector.broadcast %squeeze3A_2087 : f32 to vector<16xf32>
      %mul3A_2128 = arith.mulf %mul3A_2127, %mul3A_2126 : vector<16xf32>
      %add3A_2129 = arith.addf %add3A_2115, %mul3A_2128 : vector<16xf32>
      %get3A_2130 = arith.index_cast %add3A_1911 : i32 to index
      %get3A_2131 = arith.constant 48 : index
      %get3A_2132 = tpu.vector_load %arg8[%get3A_2130, %get3A_2131] {strides = array<i32>} : memref<128x128xf32, #tpu.memory_space<vmem>>, vector<1x16xf32>,
      %get3A_2133 = vector.shape_cast %get3A_2132 : vector<1x16xf32> to vector<16xf32>
      %add3A_2134 = arith.constant 384 : i32
      %add3A_2135 = arith.addi %add3A_2134, %add3A_1911 : i32
      %get3A_2136 = arith.index_cast %add3A_2135 : i32 to index
      %get3A_2137 = arith.constant 48 : index
      %get3A_2138 = tpu.vector_load %arg9[%get3A_2136, %get3A_2137] {strides = array<i32>} : memref<640x128xf32, #tpu.memory_space<vmem>>, vector<1x16xf32>,
      %get3A_2139 = vector.shape_cast %get3A_2138 : vector<1x16xf32> to vector<16xf32>
      %mul3A_2140 = arith.mulf %get3A_2133, %get3A_2139 : vector<16xf32>
      %mul3A_2141 = vector.broadcast %squeeze3A_2087 : f32 to vector<16xf32>
      %mul3A_2142 = arith.mulf %mul3A_2141, %mul3A_2140 : vector<16xf32>
      %add3A_2143 = arith.addf %add3A_2129, %mul3A_2142 : vector<16xf32>
      %slice3A_2144 = vector.extract_strided_slice %get3A_145 {offsets = [6], sizes = [1], strides = [1]} : vector<16xf32> to vector<1xf32>
      %squeeze3A_2145 = vector.extract %slice3A_2144[0] : f32 from vector<1xf32>
      %get3A_2146 = arith.index_cast %add3A_1911 : i32 to index
      %get3A_2147 = arith.constant 0 : index
      %get3A_2148 = tpu.vector_load %arg8[%get3A_2146, %get3A_2147] {strides = array<i32>} : memref<128x128xf32, #tpu.memory_space<vmem>>, vector<1x16xf32>,
      %get3A_2149 = vector.shape_cast %get3A_2148 : vector<1x16xf32> to vector<16xf32>
      %add3A_2150 = arith.constant 512 : i32
      %add3A_2151 = arith.addi %add3A_2150, %add3A_1911 : i32
      %get3A_2152 = arith.index_cast %add3A_2151 : i32 to index
      %get3A_2153 = arith.constant 0 : index
      %get3A_2154 = tpu.vector_load %arg9[%get3A_2152, %get3A_2153] {strides = array<i32>} : memref<640x128xf32, #tpu.memory_space<vmem>>, vector<1x16xf32>,
      %get3A_2155 = vector.shape_cast %get3A_2154 : vector<1x16xf32> to vector<16xf32>
      %mul3A_2156 = arith.mulf %get3A_2149, %get3A_2155 : vector<16xf32>
      %mul3A_2157 = vector.broadcast %squeeze3A_2145 : f32 to vector<16xf32>
      %mul3A_2158 = arith.mulf %mul3A_2157, %mul3A_2156 : vector<16xf32>
      %add3A_2159 = arith.addf %add3A_2143, %mul3A_2158 : vector<16xf32>
      %get3A_2160 = arith.index_cast %add3A_1911 : i32 to index
      %get3A_2161 = arith.constant 16 : index
      %get3A_2162 = tpu.vector_load %arg8[%get3A_2160, %get3A_2161] {strides = array<i32>} : memref<128x128xf32, #tpu.memory_space<vmem>>, vector<1x16xf32>,
      %get3A_2163 = vector.shape_cast %get3A_2162 : vector<1x16xf32> to vector<16xf32>
      %add3A_2164 = arith.constant 512 : i32
      %add3A_2165 = arith.addi %add3A_2164, %add3A_1911 : i32
      %get3A_2166 = arith.index_cast %add3A_2165 : i32 to index
      %get3A_2167 = arith.constant 16 : index
      %get3A_2168 = tpu.vector_load %arg9[%get3A_2166, %get3A_2167] {strides = array<i32>} : memref<640x128xf32, #tpu.memory_space<vmem>>, vector<1x16xf32>,
      %get3A_2169 = vector.shape_cast %get3A_2168 : vector<1x16xf32> to vector<16xf32>
      %mul3A_2170 = arith.mulf %get3A_2163, %get3A_2169 : vector<16xf32>
      %mul3A_2171 = vector.broadcast %squeeze3A_2145 : f32 to vector<16xf32>
      %mul3A_2172 = arith.mulf %mul3A_2171, %mul3A_2170 : vector<16xf32>
      %add3A_2173 = arith.addf %add3A_2159, %mul3A_2172 : vector<16xf32>
      %get3A_2174 = arith.index_cast %add3A_1911 : i32 to index
      %get3A_2175 = arith.constant 32 : index
      %get3A_2176 = tpu.vector_load %arg8[%get3A_2174, %get3A_2175] {strides = array<i32>} : memref<128x128xf32, #tpu.memory_space<vmem>>, vector<1x16xf32>,
      %get3A_2177 = vector.shape_cast %get3A_2176 : vector<1x16xf32> to vector<16xf32>
      %add3A_2178 = arith.constant 512 : i32
      %add3A_2179 = arith.addi %add3A_2178, %add3A_1911 : i32
      %get3A_2180 = arith.index_cast %add3A_2179 : i32 to index
      %get3A_2181 = arith.constant 32 : index
      %get3A_2182 = tpu.vector_load %arg9[%get3A_2180, %get3A_2181] {strides = array<i32>} : memref<640x128xf32, #tpu.memory_space<vmem>>, vector<1x16xf32>,
      %get3A_2183 = vector.shape_cast %get3A_2182 : vector<1x16xf32> to vector<16xf32>
      %mul3A_2184 = arith.mulf %get3A_2177, %get3A_2183 : vector<16xf32>
      %mul3A_2185 = vector.broadcast %squeeze3A_2145 : f32 to vector<16xf32>
      %mul3A_2186 = arith.mulf %mul3A_2185, %mul3A_2184 : vector<16xf32>
      %add3A_2187 = arith.addf %add3A_2173, %mul3A_2186 : vector<16xf32>
      %get3A_2188 = arith.index_cast %add3A_1911 : i32 to index
      %get3A_2189 = arith.constant 48 : index
      %get3A_2190 = tpu.vector_load %arg8[%get3A_2188, %get3A_2189] {strides = array<i32>} : memref<128x128xf32, #tpu.memory_space<vmem>>, vector<1x16xf32>,
      %get3A_2191 = vector.shape_cast %get3A_2190 : vector<1x16xf32> to vector<16xf32>
      %add3A_2192 = arith.constant 512 : i32
      %add3A_2193 = arith.addi %add3A_2192, %add3A_1911 : i32
      %get3A_2194 = arith.index_cast %add3A_2193 : i32 to index
      %get3A_2195 = arith.constant 48 : index
      %get3A_2196 = tpu.vector_load %arg9[%get3A_2194, %get3A_2195] {strides = array<i32>} : memref<640x128xf32, #tpu.memory_space<vmem>>, vector<1x16xf32>,
      %get3A_2197 = vector.shape_cast %get3A_2196 : vector<1x16xf32> to vector<16xf32>
      %mul3A_2198 = arith.mulf %get3A_2191, %get3A_2197 : vector<16xf32>
      %mul3A_2199 = vector.broadcast %squeeze3A_2145 : f32 to vector<16xf32>
      %mul3A_2200 = arith.mulf %mul3A_2199, %mul3A_2198 : vector<16xf32>
      %add3A_2201 = arith.addf %add3A_2187, %mul3A_2200 : vector<16xf32>
      %mul3A_2202 = arith.constant 16 : i32
      %mul3A_2203 = arith.muli %scan3A_110, %mul3A_2202 : i32
      %add3A_2204 = arith.constant 7 : i32
      %add3A_2205 = arith.addi %mul3A_2203, %add3A_2204 : i32
      %slice3A_2206 = vector.extract_strided_slice %get3A_117 {offsets = [7], sizes = [1], strides = [1]} : vector<16xf32> to vector<1xf32>
      %squeeze3A_2207 = vector.extract %slice3A_2206[0] : f32 from vector<1xf32>
      %get3A_2208 = arith.index_cast %add3A_2205 : i32 to index
      %get3A_2209 = arith.constant 0 : index
      %get3A_2210 = tpu.vector_load %arg8[%get3A_2208, %get3A_2209] {strides = array<i32>} : memref<128x128xf32, #tpu.memory_space<vmem>>, vector<1x16xf32>,
      %get3A_2211 = vector.shape_cast %get3A_2210 : vector<1x16xf32> to vector<16xf32>
      %add3A_2212 = arith.constant 0 : i32
      %add3A_2213 = arith.addi %add3A_2212, %add3A_2205 : i32
      %get3A_2214 = arith.index_cast %add3A_2213 : i32 to index
      %get3A_2215 = arith.constant 0 : index
      %get3A_2216 = tpu.vector_load %arg9[%get3A_2214, %get3A_2215] {strides = array<i32>} : memref<640x128xf32, #tpu.memory_space<vmem>>, vector<1x16xf32>,
      %get3A_2217 = vector.shape_cast %get3A_2216 : vector<1x16xf32> to vector<16xf32>
      %mul3A_2218 = arith.mulf %get3A_2211, %get3A_2217 : vector<16xf32>
      %mul3A_2219 = vector.broadcast %squeeze3A_2207 : f32 to vector<16xf32>
      %mul3A_2220 = arith.mulf %mul3A_2219, %mul3A_2218 : vector<16xf32>
      %add3A_2221 = arith.addf %add3A_2201, %mul3A_2220 : vector<16xf32>
      %get3A_2222 = arith.index_cast %add3A_2205 : i32 to index
      %get3A_2223 = arith.constant 16 : index
      %get3A_2224 = tpu.vector_load %arg8[%get3A_2222, %get3A_2223] {strides = array<i32>} : memref<128x128xf32, #tpu.memory_space<vmem>>, vector<1x16xf32>,
      %get3A_2225 = vector.shape_cast %get3A_2224 : vector<1x16xf32> to vector<16xf32>
      %add3A_2226 = arith.constant 0 : i32
      %add3A_2227 = arith.addi %add3A_2226, %add3A_2205 : i32
      %get3A_2228 = arith.index_cast %add3A_2227 : i32 to index
      %get3A_2229 = arith.constant 16 : index
      %get3A_2230 = tpu.vector_load %arg9[%get3A_2228, %get3A_2229] {strides = array<i32>} : memref<640x128xf32, #tpu.memory_space<vmem>>, vector<1x16xf32>,
      %get3A_2231 = vector.shape_cast %get3A_2230 : vector<1x16xf32> to vector<16xf32>
      %mul3A_2232 = arith.mulf %get3A_2225, %get3A_2231 : vector<16xf32>
      %mul3A_2233 = vector.broadcast %squeeze3A_2207 : f32 to vector<16xf32>
      %mul3A_2234 = arith.mulf %mul3A_2233, %mul3A_2232 : vector<16xf32>
      %add3A_2235 = arith.addf %add3A_2221, %mul3A_2234 : vector<16xf32>
      %get3A_2236 = arith.index_cast %add3A_2205 : i32 to index
      %get3A_2237 = arith.constant 32 : index
      %get3A_2238 = tpu.vector_load %arg8[%get3A_2236, %get3A_2237] {strides = array<i32>} : memref<128x128xf32, #tpu.memory_space<vmem>>, vector<1x16xf32>,
      %get3A_2239 = vector.shape_cast %get3A_2238 : vector<1x16xf32> to vector<16xf32>
      %add3A_2240 = arith.constant 0 : i32
      %add3A_2241 = arith.addi %add3A_2240, %add3A_2205 : i32
      %get3A_2242 = arith.index_cast %add3A_2241 : i32 to index
      %get3A_2243 = arith.constant 32 : index
      %get3A_2244 = tpu.vector_load %arg9[%get3A_2242, %get3A_2243] {strides = array<i32>} : memref<640x128xf32, #tpu.memory_space<vmem>>, vector<1x16xf32>,
      %get3A_2245 = vector.shape_cast %get3A_2244 : vector<1x16xf32> to vector<16xf32>
      %mul3A_2246 = arith.mulf %get3A_2239, %get3A_2245 : vector<16xf32>
      %mul3A_2247 = vector.broadcast %squeeze3A_2207 : f32 to vector<16xf32>
      %mul3A_2248 = arith.mulf %mul3A_2247, %mul3A_2246 : vector<16xf32>
      %add3A_2249 = arith.addf %add3A_2235, %mul3A_2248 : vector<16xf32>
      %get3A_2250 = arith.index_cast %add3A_2205 : i32 to index
      %get3A_2251 = arith.constant 48 : index
      %get3A_2252 = tpu.vector_load %arg8[%get3A_2250, %get3A_2251] {strides = array<i32>} : memref<128x128xf32, #tpu.memory_space<vmem>>, vector<1x16xf32>,
      %get3A_2253 = vector.shape_cast %get3A_2252 : vector<1x16xf32> to vector<16xf32>
      %add3A_2254 = arith.constant 0 : i32
      %add3A_2255 = arith.addi %add3A_2254, %add3A_2205 : i32
      %get3A_2256 = arith.index_cast %add3A_2255 : i32 to index
      %get3A_2257 = arith.constant 48 : index
      %get3A_2258 = tpu.vector_load %arg9[%get3A_2256, %get3A_2257] {strides = array<i32>} : memref<640x128xf32, #tpu.memory_space<vmem>>, vector<1x16xf32>,
      %get3A_2259 = vector.shape_cast %get3A_2258 : vector<1x16xf32> to vector<16xf32>
      %mul3A_2260 = arith.mulf %get3A_2253, %get3A_2259 : vector<16xf32>
      %mul3A_2261 = vector.broadcast %squeeze3A_2207 : f32 to vector<16xf32>
      %mul3A_2262 = arith.mulf %mul3A_2261, %mul3A_2260 : vector<16xf32>
      %add3A_2263 = arith.addf %add3A_2249, %mul3A_2262 : vector<16xf32>
      %slice3A_2264 = vector.extract_strided_slice %get3A_124 {offsets = [7], sizes = [1], strides = [1]} : vector<16xf32> to vector<1xf32>
      %squeeze3A_2265 = vector.extract %slice3A_2264[0] : f32 from vector<1xf32>
      %get3A_2266 = arith.index_cast %add3A_2205 : i32 to index
      %get3A_2267 = arith.constant 0 : index
      %get3A_2268 = tpu.vector_load %arg8[%get3A_2266, %get3A_2267] {strides = array<i32>} : memref<128x128xf32, #tpu.memory_space<vmem>>, vector<1x16xf32>,
      %get3A_2269 = vector.shape_cast %get3A_2268 : vector<1x16xf32> to vector<16xf32>
      %add3A_2270 = arith.constant 128 : i32
      %add3A_2271 = arith.addi %add3A_2270, %add3A_2205 : i32
      %get3A_2272 = arith.index_cast %add3A_2271 : i32 to index
      %get3A_2273 = arith.constant 0 : index
      %get3A_2274 = tpu.vector_load %arg9[%get3A_2272, %get3A_2273] {strides = array<i32>} : memref<640x128xf32, #tpu.memory_space<vmem>>, vector<1x16xf32>,
      %get3A_2275 = vector.shape_cast %get3A_2274 : vector<1x16xf32> to vector<16xf32>
      %mul3A_2276 = arith.mulf %get3A_2269, %get3A_2275 : vector<16xf32>
      %mul3A_2277 = vector.broadcast %squeeze3A_2265 : f32 to vector<16xf32>
      %mul3A_2278 = arith.mulf %mul3A_2277, %mul3A_2276 : vector<16xf32>
      %add3A_2279 = arith.addf %add3A_2263, %mul3A_2278 : vector<16xf32>
      %get3A_2280 = arith.index_cast %add3A_2205 : i32 to index
      %get3A_2281 = arith.constant 16 : index
      %get3A_2282 = tpu.vector_load %arg8[%get3A_2280, %get3A_2281] {strides = array<i32>} : memref<128x128xf32, #tpu.memory_space<vmem>>, vector<1x16xf32>,
      %get3A_2283 = vector.shape_cast %get3A_2282 : vector<1x16xf32> to vector<16xf32>
      %add3A_2284 = arith.constant 128 : i32
      %add3A_2285 = arith.addi %add3A_2284, %add3A_2205 : i32
      %get3A_2286 = arith.index_cast %add3A_2285 : i32 to index
      %get3A_2287 = arith.constant 16 : index
      %get3A_2288 = tpu.vector_load %arg9[%get3A_2286, %get3A_2287] {strides = array<i32>} : memref<640x128xf32, #tpu.memory_space<vmem>>, vector<1x16xf32>,
      %get3A_2289 = vector.shape_cast %get3A_2288 : vector<1x16xf32> to vector<16xf32>
      %mul3A_2290 = arith.mulf %get3A_2283, %get3A_2289 : vector<16xf32>
      %mul3A_2291 = vector.broadcast %squeeze3A_2265 : f32 to vector<16xf32>
      %mul3A_2292 = arith.mulf %mul3A_2291, %mul3A_2290 : vector<16xf32>
      %add3A_2293 = arith.addf %add3A_2279, %mul3A_2292 : vector<16xf32>
      %get3A_2294 = arith.index_cast %add3A_2205 : i32 to index
      %get3A_2295 = arith.constant 32 : index
      %get3A_2296 = tpu.vector_load %arg8[%get3A_2294, %get3A_2295] {strides = array<i32>} : memref<128x128xf32, #tpu.memory_space<vmem>>, vector<1x16xf32>,
      %get3A_2297 = vector.shape_cast %get3A_2296 : vector<1x16xf32> to vector<16xf32>
      %add3A_2298 = arith.constant 128 : i32
      %add3A_2299 = arith.addi %add3A_2298, %add3A_2205 : i32
      %get3A_2300 = arith.index_cast %add3A_2299 : i32 to index
      %get3A_2301 = arith.constant 32 : index
      %get3A_2302 = tpu.vector_load %arg9[%get3A_2300, %get3A_2301] {strides = array<i32>} : memref<640x128xf32, #tpu.memory_space<vmem>>, vector<1x16xf32>,
      %get3A_2303 = vector.shape_cast %get3A_2302 : vector<1x16xf32> to vector<16xf32>
      %mul3A_2304 = arith.mulf %get3A_2297, %get3A_2303 : vector<16xf32>
      %mul3A_2305 = vector.broadcast %squeeze3A_2265 : f32 to vector<16xf32>
      %mul3A_2306 = arith.mulf %mul3A_2305, %mul3A_2304 : vector<16xf32>
      %add3A_2307 = arith.addf %add3A_2293, %mul3A_2306 : vector<16xf32>
      %get3A_2308 = arith.index_cast %add3A_2205 : i32 to index
      %get3A_2309 = arith.constant 48 : index
      %get3A_2310 = tpu.vector_load %arg8[%get3A_2308, %get3A_2309] {strides = array<i32>} : memref<128x128xf32, #tpu.memory_space<vmem>>, vector<1x16xf32>,
      %get3A_2311 = vector.shape_cast %get3A_2310 : vector<1x16xf32> to vector<16xf32>
      %add3A_2312 = arith.constant 128 : i32
      %add3A_2313 = arith.addi %add3A_2312, %add3A_2205 : i32
      %get3A_2314 = arith.index_cast %add3A_2313 : i32 to index
      %get3A_2315 = arith.constant 48 : index
      %get3A_2316 = tpu.vector_load %arg9[%get3A_2314, %get3A_2315] {strides = array<i32>} : memref<640x128xf32, #tpu.memory_space<vmem>>, vector<1x16xf32>,
      %get3A_2317 = vector.shape_cast %get3A_2316 : vector<1x16xf32> to vector<16xf32>
      %mul3A_2318 = arith.mulf %get3A_2311, %get3A_2317 : vector<16xf32>
      %mul3A_2319 = vector.broadcast %squeeze3A_2265 : f32 to vector<16xf32>
      %mul3A_2320 = arith.mulf %mul3A_2319, %mul3A_2318 : vector<16xf32>
      %add3A_2321 = arith.addf %add3A_2307, %mul3A_2320 : vector<16xf32>
      %slice3A_2322 = vector.extract_strided_slice %get3A_131 {offsets = [7], sizes = [1], strides = [1]} : vector<16xf32> to vector<1xf32>
      %squeeze3A_2323 = vector.extract %slice3A_2322[0] : f32 from vector<1xf32>
      %get3A_2324 = arith.index_cast %add3A_2205 : i32 to index
      %get3A_2325 = arith.constant 0 : index
      %get3A_2326 = tpu.vector_load %arg8[%get3A_2324, %get3A_2325] {strides = array<i32>} : memref<128x128xf32, #tpu.memory_space<vmem>>, vector<1x16xf32>,
      %get3A_2327 = vector.shape_cast %get3A_2326 : vector<1x16xf32> to vector<16xf32>
      %add3A_2328 = arith.constant 256 : i32
      %add3A_2329 = arith.addi %add3A_2328, %add3A_2205 : i32
      %get3A_2330 = arith.index_cast %add3A_2329 : i32 to index
      %get3A_2331 = arith.constant 0 : index
      %get3A_2332 = tpu.vector_load %arg9[%get3A_2330, %get3A_2331] {strides = array<i32>} : memref<640x128xf32, #tpu.memory_space<vmem>>, vector<1x16xf32>,
      %get3A_2333 = vector.shape_cast %get3A_2332 : vector<1x16xf32> to vector<16xf32>
      %mul3A_2334 = arith.mulf %get3A_2327, %get3A_2333 : vector<16xf32>
      %mul3A_2335 = vector.broadcast %squeeze3A_2323 : f32 to vector<16xf32>
      %mul3A_2336 = arith.mulf %mul3A_2335, %mul3A_2334 : vector<16xf32>
      %add3A_2337 = arith.addf %add3A_2321, %mul3A_2336 : vector<16xf32>
      %get3A_2338 = arith.index_cast %add3A_2205 : i32 to index
      %get3A_2339 = arith.constant 16 : index
      %get3A_2340 = tpu.vector_load %arg8[%get3A_2338, %get3A_2339] {strides = array<i32>} : memref<128x128xf32, #tpu.memory_space<vmem>>, vector<1x16xf32>,
      %get3A_2341 = vector.shape_cast %get3A_2340 : vector<1x16xf32> to vector<16xf32>
      %add3A_2342 = arith.constant 256 : i32
      %add3A_2343 = arith.addi %add3A_2342, %add3A_2205 : i32
      %get3A_2344 = arith.index_cast %add3A_2343 : i32 to index
      %get3A_2345 = arith.constant 16 : index
      %get3A_2346 = tpu.vector_load %arg9[%get3A_2344, %get3A_2345] {strides = array<i32>} : memref<640x128xf32, #tpu.memory_space<vmem>>, vector<1x16xf32>,
      %get3A_2347 = vector.shape_cast %get3A_2346 : vector<1x16xf32> to vector<16xf32>
      %mul3A_2348 = arith.mulf %get3A_2341, %get3A_2347 : vector<16xf32>
      %mul3A_2349 = vector.broadcast %squeeze3A_2323 : f32 to vector<16xf32>
      %mul3A_2350 = arith.mulf %mul3A_2349, %mul3A_2348 : vector<16xf32>
      %add3A_2351 = arith.addf %add3A_2337, %mul3A_2350 : vector<16xf32>
      %get3A_2352 = arith.index_cast %add3A_2205 : i32 to index
      %get3A_2353 = arith.constant 32 : index
      %get3A_2354 = tpu.vector_load %arg8[%get3A_2352, %get3A_2353] {strides = array<i32>} : memref<128x128xf32, #tpu.memory_space<vmem>>, vector<1x16xf32>,
      %get3A_2355 = vector.shape_cast %get3A_2354 : vector<1x16xf32> to vector<16xf32>
      %add3A_2356 = arith.constant 256 : i32
      %add3A_2357 = arith.addi %add3A_2356, %add3A_2205 : i32
      %get3A_2358 = arith.index_cast %add3A_2357 : i32 to index
      %get3A_2359 = arith.constant 32 : index
      %get3A_2360 = tpu.vector_load %arg9[%get3A_2358, %get3A_2359] {strides = array<i32>} : memref<640x128xf32, #tpu.memory_space<vmem>>, vector<1x16xf32>,
      %get3A_2361 = vector.shape_cast %get3A_2360 : vector<1x16xf32> to vector<16xf32>
      %mul3A_2362 = arith.mulf %get3A_2355, %get3A_2361 : vector<16xf32>
      %mul3A_2363 = vector.broadcast %squeeze3A_2323 : f32 to vector<16xf32>
      %mul3A_2364 = arith.mulf %mul3A_2363, %mul3A_2362 : vector<16xf32>
      %add3A_2365 = arith.addf %add3A_2351, %mul3A_2364 : vector<16xf32>
      %get3A_2366 = arith.index_cast %add3A_2205 : i32 to index
      %get3A_2367 = arith.constant 48 : index
      %get3A_2368 = tpu.vector_load %arg8[%get3A_2366, %get3A_2367] {strides = array<i32>} : memref<128x128xf32, #tpu.memory_space<vmem>>, vector<1x16xf32>,
      %get3A_2369 = vector.shape_cast %get3A_2368 : vector<1x16xf32> to vector<16xf32>
      %add3A_2370 = arith.constant 256 : i32
      %add3A_2371 = arith.addi %add3A_2370, %add3A_2205 : i32
      %get3A_2372 = arith.index_cast %add3A_2371 : i32 to index
      %get3A_2373 = arith.constant 48 : index
      %get3A_2374 = tpu.vector_load %arg9[%get3A_2372, %get3A_2373] {strides = array<i32>} : memref<640x128xf32, #tpu.memory_space<vmem>>, vector<1x16xf32>,
      %get3A_2375 = vector.shape_cast %get3A_2374 : vector<1x16xf32> to vector<16xf32>
      %mul3A_2376 = arith.mulf %get3A_2369, %get3A_2375 : vector<16xf32>
      %mul3A_2377 = vector.broadcast %squeeze3A_2323 : f32 to vector<16xf32>
      %mul3A_2378 = arith.mulf %mul3A_2377, %mul3A_2376 : vector<16xf32>
      %add3A_2379 = arith.addf %add3A_2365, %mul3A_2378 : vector<16xf32>
      %slice3A_2380 = vector.extract_strided_slice %get3A_138 {offsets = [7], sizes = [1], strides = [1]} : vector<16xf32> to vector<1xf32>
      %squeeze3A_2381 = vector.extract %slice3A_2380[0] : f32 from vector<1xf32>
      %get3A_2382 = arith.index_cast %add3A_2205 : i32 to index
      %get3A_2383 = arith.constant 0 : index
      %get3A_2384 = tpu.vector_load %arg8[%get3A_2382, %get3A_2383] {strides = array<i32>} : memref<128x128xf32, #tpu.memory_space<vmem>>, vector<1x16xf32>,
      %get3A_2385 = vector.shape_cast %get3A_2384 : vector<1x16xf32> to vector<16xf32>
      %add3A_2386 = arith.constant 384 : i32
      %add3A_2387 = arith.addi %add3A_2386, %add3A_2205 : i32
      %get3A_2388 = arith.index_cast %add3A_2387 : i32 to index
      %get3A_2389 = arith.constant 0 : index
      %get3A_2390 = tpu.vector_load %arg9[%get3A_2388, %get3A_2389] {strides = array<i32>} : memref<640x128xf32, #tpu.memory_space<vmem>>, vector<1x16xf32>,
      %get3A_2391 = vector.shape_cast %get3A_2390 : vector<1x16xf32> to vector<16xf32>
      %mul3A_2392 = arith.mulf %get3A_2385, %get3A_2391 : vector<16xf32>
      %mul3A_2393 = vector.broadcast %squeeze3A_2381 : f32 to vector<16xf32>
      %mul3A_2394 = arith.mulf %mul3A_2393, %mul3A_2392 : vector<16xf32>
      %add3A_2395 = arith.addf %add3A_2379, %mul3A_2394 : vector<16xf32>
      %get3A_2396 = arith.index_cast %add3A_2205 : i32 to index
      %get3A_2397 = arith.constant 16 : index
      %get3A_2398 = tpu.vector_load %arg8[%get3A_2396, %get3A_2397] {strides = array<i32>} : memref<128x128xf32, #tpu.memory_space<vmem>>, vector<1x16xf32>,
      %get3A_2399 = vector.shape_cast %get3A_2398 : vector<1x16xf32> to vector<16xf32>
      %add3A_2400 = arith.constant 384 : i32
      %add3A_2401 = arith.addi %add3A_2400, %add3A_2205 : i32
      %get3A_2402 = arith.index_cast %add3A_2401 : i32 to index
      %get3A_2403 = arith.constant 16 : index
      %get3A_2404 = tpu.vector_load %arg9[%get3A_2402, %get3A_2403] {strides = array<i32>} : memref<640x128xf32, #tpu.memory_space<vmem>>, vector<1x16xf32>,
      %get3A_2405 = vector.shape_cast %get3A_2404 : vector<1x16xf32> to vector<16xf32>
      %mul3A_2406 = arith.mulf %get3A_2399, %get3A_2405 : vector<16xf32>
      %mul3A_2407 = vector.broadcast %squeeze3A_2381 : f32 to vector<16xf32>
      %mul3A_2408 = arith.mulf %mul3A_2407, %mul3A_2406 : vector<16xf32>
      %add3A_2409 = arith.addf %add3A_2395, %mul3A_2408 : vector<16xf32>
      %get3A_2410 = arith.index_cast %add3A_2205 : i32 to index
      %get3A_2411 = arith.constant 32 : index
      %get3A_2412 = tpu.vector_load %arg8[%get3A_2410, %get3A_2411] {strides = array<i32>} : memref<128x128xf32, #tpu.memory_space<vmem>>, vector<1x16xf32>,
      %get3A_2413 = vector.shape_cast %get3A_2412 : vector<1x16xf32> to vector<16xf32>
      %add3A_2414 = arith.constant 384 : i32
      %add3A_2415 = arith.addi %add3A_2414, %add3A_2205 : i32
      %get3A_2416 = arith.index_cast %add3A_2415 : i32 to index
      %get3A_2417 = arith.constant 32 : index
      %get3A_2418 = tpu.vector_load %arg9[%get3A_2416, %get3A_2417] {strides = array<i32>} : memref<640x128xf32, #tpu.memory_space<vmem>>, vector<1x16xf32>,
      %get3A_2419 = vector.shape_cast %get3A_2418 : vector<1x16xf32> to vector<16xf32>
      %mul3A_2420 = arith.mulf %get3A_2413, %get3A_2419 : vector<16xf32>
      %mul3A_2421 = vector.broadcast %squeeze3A_2381 : f32 to vector<16xf32>
      %mul3A_2422 = arith.mulf %mul3A_2421, %mul3A_2420 : vector<16xf32>
      %add3A_2423 = arith.addf %add3A_2409, %mul3A_2422 : vector<16xf32>
      %get3A_2424 = arith.index_cast %add3A_2205 : i32 to index
      %get3A_2425 = arith.constant 48 : index
      %get3A_2426 = tpu.vector_load %arg8[%get3A_2424, %get3A_2425] {strides = array<i32>} : memref<128x128xf32, #tpu.memory_space<vmem>>, vector<1x16xf32>,
      %get3A_2427 = vector.shape_cast %get3A_2426 : vector<1x16xf32> to vector<16xf32>
      %add3A_2428 = arith.constant 384 : i32
      %add3A_2429 = arith.addi %add3A_2428, %add3A_2205 : i32
      %get3A_2430 = arith.index_cast %add3A_2429 : i32 to index
      %get3A_2431 = arith.constant 48 : index
      %get3A_2432 = tpu.vector_load %arg9[%get3A_2430, %get3A_2431] {strides = array<i32>} : memref<640x128xf32, #tpu.memory_space<vmem>>, vector<1x16xf32>,
      %get3A_2433 = vector.shape_cast %get3A_2432 : vector<1x16xf32> to vector<16xf32>
      %mul3A_2434 = arith.mulf %get3A_2427, %get3A_2433 : vector<16xf32>
      %mul3A_2435 = vector.broadcast %squeeze3A_2381 : f32 to vector<16xf32>
      %mul3A_2436 = arith.mulf %mul3A_2435, %mul3A_2434 : vector<16xf32>
      %add3A_2437 = arith.addf %add3A_2423, %mul3A_2436 : vector<16xf32>
      %slice3A_2438 = vector.extract_strided_slice %get3A_145 {offsets = [7], sizes = [1], strides = [1]} : vector<16xf32> to vector<1xf32>
      %squeeze3A_2439 = vector.extract %slice3A_2438[0] : f32 from vector<1xf32>
      %get3A_2440 = arith.index_cast %add3A_2205 : i32 to index
      %get3A_2441 = arith.constant 0 : index
      %get3A_2442 = tpu.vector_load %arg8[%get3A_2440, %get3A_2441] {strides = array<i32>} : memref<128x128xf32, #tpu.memory_space<vmem>>, vector<1x16xf32>,
      %get3A_2443 = vector.shape_cast %get3A_2442 : vector<1x16xf32> to vector<16xf32>
      %add3A_2444 = arith.constant 512 : i32
      %add3A_2445 = arith.addi %add3A_2444, %add3A_2205 : i32
      %get3A_2446 = arith.index_cast %add3A_2445 : i32 to index
      %get3A_2447 = arith.constant 0 : index
      %get3A_2448 = tpu.vector_load %arg9[%get3A_2446, %get3A_2447] {strides = array<i32>} : memref<640x128xf32, #tpu.memory_space<vmem>>, vector<1x16xf32>,
      %get3A_2449 = vector.shape_cast %get3A_2448 : vector<1x16xf32> to vector<16xf32>
      %mul3A_2450 = arith.mulf %get3A_2443, %get3A_2449 : vector<16xf32>
      %mul3A_2451 = vector.broadcast %squeeze3A_2439 : f32 to vector<16xf32>
      %mul3A_2452 = arith.mulf %mul3A_2451, %mul3A_2450 : vector<16xf32>
      %add3A_2453 = arith.addf %add3A_2437, %mul3A_2452 : vector<16xf32>
      %get3A_2454 = arith.index_cast %add3A_2205 : i32 to index
      %get3A_2455 = arith.constant 16 : index
      %get3A_2456 = tpu.vector_load %arg8[%get3A_2454, %get3A_2455] {strides = array<i32>} : memref<128x128xf32, #tpu.memory_space<vmem>>, vector<1x16xf32>,
      %get3A_2457 = vector.shape_cast %get3A_2456 : vector<1x16xf32> to vector<16xf32>
      %add3A_2458 = arith.constant 512 : i32
      %add3A_2459 = arith.addi %add3A_2458, %add3A_2205 : i32
      %get3A_2460 = arith.index_cast %add3A_2459 : i32 to index
      %get3A_2461 = arith.constant 16 : index
      %get3A_2462 = tpu.vector_load %arg9[%get3A_2460, %get3A_2461] {strides = array<i32>} : memref<640x128xf32, #tpu.memory_space<vmem>>, vector<1x16xf32>,
      %get3A_2463 = vector.shape_cast %get3A_2462 : vector<1x16xf32> to vector<16xf32>
      %mul3A_2464 = arith.mulf %get3A_2457, %get3A_2463 : vector<16xf32>
      %mul3A_2465 = vector.broadcast %squeeze3A_2439 : f32 to vector<16xf32>
      %mul3A_2466 = arith.mulf %mul3A_2465, %mul3A_2464 : vector<16xf32>
      %add3A_2467 = arith.addf %add3A_2453, %mul3A_2466 : vector<16xf32>
      %get3A_2468 = arith.index_cast %add3A_2205 : i32 to index
      %get3A_2469 = arith.constant 32 : index
      %get3A_2470 = tpu.vector_load %arg8[%get3A_2468, %get3A_2469] {strides = array<i32>} : memref<128x128xf32, #tpu.memory_space<vmem>>, vector<1x16xf32>,
      %get3A_2471 = vector.shape_cast %get3A_2470 : vector<1x16xf32> to vector<16xf32>
      %add3A_2472 = arith.constant 512 : i32
      %add3A_2473 = arith.addi %add3A_2472, %add3A_2205 : i32
      %get3A_2474 = arith.index_cast %add3A_2473 : i32 to index
      %get3A_2475 = arith.constant 32 : index
      %get3A_2476 = tpu.vector_load %arg9[%get3A_2474, %get3A_2475] {strides = array<i32>} : memref<640x128xf32, #tpu.memory_space<vmem>>, vector<1x16xf32>,
      %get3A_2477 = vector.shape_cast %get3A_2476 : vector<1x16xf32> to vector<16xf32>
      %mul3A_2478 = arith.mulf %get3A_2471, %get3A_2477 : vector<16xf32>
      %mul3A_2479 = vector.broadcast %squeeze3A_2439 : f32 to vector<16xf32>
      %mul3A_2480 = arith.mulf %mul3A_2479, %mul3A_2478 : vector<16xf32>
      %add3A_2481 = arith.addf %add3A_2467, %mul3A_2480 : vector<16xf32>
      %get3A_2482 = arith.index_cast %add3A_2205 : i32 to index
      %get3A_2483 = arith.constant 48 : index
      %get3A_2484 = tpu.vector_load %arg8[%get3A_2482, %get3A_2483] {strides = array<i32>} : memref<128x128xf32, #tpu.memory_space<vmem>>, vector<1x16xf32>,
      %get3A_2485 = vector.shape_cast %get3A_2484 : vector<1x16xf32> to vector<16xf32>
      %add3A_2486 = arith.constant 512 : i32
      %add3A_2487 = arith.addi %add3A_2486, %add3A_2205 : i32
      %get3A_2488 = arith.index_cast %add3A_2487 : i32 to index
      %get3A_2489 = arith.constant 48 : index
      %get3A_2490 = tpu.vector_load %arg9[%get3A_2488, %get3A_2489] {strides = array<i32>} : memref<640x128xf32, #tpu.memory_space<vmem>>, vector<1x16xf32>,
      %get3A_2491 = vector.shape_cast %get3A_2490 : vector<1x16xf32> to vector<16xf32>
      %mul3A_2492 = arith.mulf %get3A_2485, %get3A_2491 : vector<16xf32>
      %mul3A_2493 = vector.broadcast %squeeze3A_2439 : f32 to vector<16xf32>
      %mul3A_2494 = arith.mulf %mul3A_2493, %mul3A_2492 : vector<16xf32>
      %add3A_2495 = arith.addf %add3A_2481, %mul3A_2494 : vector<16xf32>
      %mul3A_2496 = arith.constant 16 : i32
      %mul3A_2497 = arith.muli %scan3A_110, %mul3A_2496 : i32
      %add3A_2498 = arith.constant 8 : i32
      %add3A_2499 = arith.addi %mul3A_2497, %add3A_2498 : i32
      %slice3A_2500 = vector.extract_strided_slice %get3A_117 {offsets = [8], sizes = [1], strides = [1]} : vector<16xf32> to vector<1xf32>
      %squeeze3A_2501 = vector.extract %slice3A_2500[0] : f32 from vector<1xf32>
      %get3A_2502 = arith.index_cast %add3A_2499 : i32 to index
      %get3A_2503 = arith.constant 0 : index
      %get3A_2504 = tpu.vector_load %arg8[%get3A_2502, %get3A_2503] {strides = array<i32>} : memref<128x128xf32, #tpu.memory_space<vmem>>, vector<1x16xf32>,
      %get3A_2505 = vector.shape_cast %get3A_2504 : vector<1x16xf32> to vector<16xf32>
      %add3A_2506 = arith.constant 0 : i32
      %add3A_2507 = arith.addi %add3A_2506, %add3A_2499 : i32
      %get3A_2508 = arith.index_cast %add3A_2507 : i32 to index
      %get3A_2509 = arith.constant 0 : index
      %get3A_2510 = tpu.vector_load %arg9[%get3A_2508, %get3A_2509] {strides = array<i32>} : memref<640x128xf32, #tpu.memory_space<vmem>>, vector<1x16xf32>,
      %get3A_2511 = vector.shape_cast %get3A_2510 : vector<1x16xf32> to vector<16xf32>
      %mul3A_2512 = arith.mulf %get3A_2505, %get3A_2511 : vector<16xf32>
      %mul3A_2513 = vector.broadcast %squeeze3A_2501 : f32 to vector<16xf32>
      %mul3A_2514 = arith.mulf %mul3A_2513, %mul3A_2512 : vector<16xf32>
      %add3A_2515 = arith.addf %add3A_2495, %mul3A_2514 : vector<16xf32>
      %get3A_2516 = arith.index_cast %add3A_2499 : i32 to index
      %get3A_2517 = arith.constant 16 : index
      %get3A_2518 = tpu.vector_load %arg8[%get3A_2516, %get3A_2517] {strides = array<i32>} : memref<128x128xf32, #tpu.memory_space<vmem>>, vector<1x16xf32>,
      %get3A_2519 = vector.shape_cast %get3A_2518 : vector<1x16xf32> to vector<16xf32>
      %add3A_2520 = arith.constant 0 : i32
      %add3A_2521 = arith.addi %add3A_2520, %add3A_2499 : i32
      %get3A_2522 = arith.index_cast %add3A_2521 : i32 to index
      %get3A_2523 = arith.constant 16 : index
      %get3A_2524 = tpu.vector_load %arg9[%get3A_2522, %get3A_2523] {strides = array<i32>} : memref<640x128xf32, #tpu.memory_space<vmem>>, vector<1x16xf32>,
      %get3A_2525 = vector.shape_cast %get3A_2524 : vector<1x16xf32> to vector<16xf32>
      %mul3A_2526 = arith.mulf %get3A_2519, %get3A_2525 : vector<16xf32>
      %mul3A_2527 = vector.broadcast %squeeze3A_2501 : f32 to vector<16xf32>
      %mul3A_2528 = arith.mulf %mul3A_2527, %mul3A_2526 : vector<16xf32>
      %add3A_2529 = arith.addf %add3A_2515, %mul3A_2528 : vector<16xf32>
      %get3A_2530 = arith.index_cast %add3A_2499 : i32 to index
      %get3A_2531 = arith.constant 32 : index
      %get3A_2532 = tpu.vector_load %arg8[%get3A_2530, %get3A_2531] {strides = array<i32>} : memref<128x128xf32, #tpu.memory_space<vmem>>, vector<1x16xf32>,
      %get3A_2533 = vector.shape_cast %get3A_2532 : vector<1x16xf32> to vector<16xf32>
      %add3A_2534 = arith.constant 0 : i32
      %add3A_2535 = arith.addi %add3A_2534, %add3A_2499 : i32
      %get3A_2536 = arith.index_cast %add3A_2535 : i32 to index
      %get3A_2537 = arith.constant 32 : index
      %get3A_2538 = tpu.vector_load %arg9[%get3A_2536, %get3A_2537] {strides = array<i32>} : memref<640x128xf32, #tpu.memory_space<vmem>>, vector<1x16xf32>,
      %get3A_2539 = vector.shape_cast %get3A_2538 : vector<1x16xf32> to vector<16xf32>
      %mul3A_2540 = arith.mulf %get3A_2533, %get3A_2539 : vector<16xf32>
      %mul3A_2541 = vector.broadcast %squeeze3A_2501 : f32 to vector<16xf32>
      %mul3A_2542 = arith.mulf %mul3A_2541, %mul3A_2540 : vector<16xf32>
      %add3A_2543 = arith.addf %add3A_2529, %mul3A_2542 : vector<16xf32>
      %get3A_2544 = arith.index_cast %add3A_2499 : i32 to index
      %get3A_2545 = arith.constant 48 : index
      %get3A_2546 = tpu.vector_load %arg8[%get3A_2544, %get3A_2545] {strides = array<i32>} : memref<128x128xf32, #tpu.memory_space<vmem>>, vector<1x16xf32>,
      %get3A_2547 = vector.shape_cast %get3A_2546 : vector<1x16xf32> to vector<16xf32>
      %add3A_2548 = arith.constant 0 : i32
      %add3A_2549 = arith.addi %add3A_2548, %add3A_2499 : i32
      %get3A_2550 = arith.index_cast %add3A_2549 : i32 to index
      %get3A_2551 = arith.constant 48 : index
      %get3A_2552 = tpu.vector_load %arg9[%get3A_2550, %get3A_2551] {strides = array<i32>} : memref<640x128xf32, #tpu.memory_space<vmem>>, vector<1x16xf32>,
      %get3A_2553 = vector.shape_cast %get3A_2552 : vector<1x16xf32> to vector<16xf32>
      %mul3A_2554 = arith.mulf %get3A_2547, %get3A_2553 : vector<16xf32>
      %mul3A_2555 = vector.broadcast %squeeze3A_2501 : f32 to vector<16xf32>
      %mul3A_2556 = arith.mulf %mul3A_2555, %mul3A_2554 : vector<16xf32>
      %add3A_2557 = arith.addf %add3A_2543, %mul3A_2556 : vector<16xf32>
      %slice3A_2558 = vector.extract_strided_slice %get3A_124 {offsets = [8], sizes = [1], strides = [1]} : vector<16xf32> to vector<1xf32>
      %squeeze3A_2559 = vector.extract %slice3A_2558[0] : f32 from vector<1xf32>
      %get3A_2560 = arith.index_cast %add3A_2499 : i32 to index
      %get3A_2561 = arith.constant 0 : index
      %get3A_2562 = tpu.vector_load %arg8[%get3A_2560, %get3A_2561] {strides = array<i32>} : memref<128x128xf32, #tpu.memory_space<vmem>>, vector<1x16xf32>,
      %get3A_2563 = vector.shape_cast %get3A_2562 : vector<1x16xf32> to vector<16xf32>
      %add3A_2564 = arith.constant 128 : i32
      %add3A_2565 = arith.addi %add3A_2564, %add3A_2499 : i32
      %get3A_2566 = arith.index_cast %add3A_2565 : i32 to index
      %get3A_2567 = arith.constant 0 : index
      %get3A_2568 = tpu.vector_load %arg9[%get3A_2566, %get3A_2567] {strides = array<i32>} : memref<640x128xf32, #tpu.memory_space<vmem>>, vector<1x16xf32>,
      %get3A_2569 = vector.shape_cast %get3A_2568 : vector<1x16xf32> to vector<16xf32>
      %mul3A_2570 = arith.mulf %get3A_2563, %get3A_2569 : vector<16xf32>
      %mul3A_2571 = vector.broadcast %squeeze3A_2559 : f32 to vector<16xf32>
      %mul3A_2572 = arith.mulf %mul3A_2571, %mul3A_2570 : vector<16xf32>
      %add3A_2573 = arith.addf %add3A_2557, %mul3A_2572 : vector<16xf32>
      %get3A_2574 = arith.index_cast %add3A_2499 : i32 to index
      %get3A_2575 = arith.constant 16 : index
      %get3A_2576 = tpu.vector_load %arg8[%get3A_2574, %get3A_2575] {strides = array<i32>} : memref<128x128xf32, #tpu.memory_space<vmem>>, vector<1x16xf32>,
      %get3A_2577 = vector.shape_cast %get3A_2576 : vector<1x16xf32> to vector<16xf32>
      %add3A_2578 = arith.constant 128 : i32
      %add3A_2579 = arith.addi %add3A_2578, %add3A_2499 : i32
      %get3A_2580 = arith.index_cast %add3A_2579 : i32 to index
      %get3A_2581 = arith.constant 16 : index
      %get3A_2582 = tpu.vector_load %arg9[%get3A_2580, %get3A_2581] {strides = array<i32>} : memref<640x128xf32, #tpu.memory_space<vmem>>, vector<1x16xf32>,
      %get3A_2583 = vector.shape_cast %get3A_2582 : vector<1x16xf32> to vector<16xf32>
      %mul3A_2584 = arith.mulf %get3A_2577, %get3A_2583 : vector<16xf32>
      %mul3A_2585 = vector.broadcast %squeeze3A_2559 : f32 to vector<16xf32>
      %mul3A_2586 = arith.mulf %mul3A_2585, %mul3A_2584 : vector<16xf32>
      %add3A_2587 = arith.addf %add3A_2573, %mul3A_2586 : vector<16xf32>
      %get3A_2588 = arith.index_cast %add3A_2499 : i32 to index
      %get3A_2589 = arith.constant 32 : index
      %get3A_2590 = tpu.vector_load %arg8[%get3A_2588, %get3A_2589] {strides = array<i32>} : memref<128x128xf32, #tpu.memory_space<vmem>>, vector<1x16xf32>,
      %get3A_2591 = vector.shape_cast %get3A_2590 : vector<1x16xf32> to vector<16xf32>
      %add3A_2592 = arith.constant 128 : i32
      %add3A_2593 = arith.addi %add3A_2592, %add3A_2499 : i32
      %get3A_2594 = arith.index_cast %add3A_2593 : i32 to index
      %get3A_2595 = arith.constant 32 : index
      %get3A_2596 = tpu.vector_load %arg9[%get3A_2594, %get3A_2595] {strides = array<i32>} : memref<640x128xf32, #tpu.memory_space<vmem>>, vector<1x16xf32>,
      %get3A_2597 = vector.shape_cast %get3A_2596 : vector<1x16xf32> to vector<16xf32>
      %mul3A_2598 = arith.mulf %get3A_2591, %get3A_2597 : vector<16xf32>
      %mul3A_2599 = vector.broadcast %squeeze3A_2559 : f32 to vector<16xf32>
      %mul3A_2600 = arith.mulf %mul3A_2599, %mul3A_2598 : vector<16xf32>
      %add3A_2601 = arith.addf %add3A_2587, %mul3A_2600 : vector<16xf32>
      %get3A_2602 = arith.index_cast %add3A_2499 : i32 to index
      %get3A_2603 = arith.constant 48 : index
      %get3A_2604 = tpu.vector_load %arg8[%get3A_2602, %get3A_2603] {strides = array<i32>} : memref<128x128xf32, #tpu.memory_space<vmem>>, vector<1x16xf32>,
      %get3A_2605 = vector.shape_cast %get3A_2604 : vector<1x16xf32> to vector<16xf32>
      %add3A_2606 = arith.constant 128 : i32
      %add3A_2607 = arith.addi %add3A_2606, %add3A_2499 : i32
      %get3A_2608 = arith.index_cast %add3A_2607 : i32 to index
      %get3A_2609 = arith.constant 48 : index
      %get3A_2610 = tpu.vector_load %arg9[%get3A_2608, %get3A_2609] {strides = array<i32>} : memref<640x128xf32, #tpu.memory_space<vmem>>, vector<1x16xf32>,
      %get3A_2611 = vector.shape_cast %get3A_2610 : vector<1x16xf32> to vector<16xf32>
      %mul3A_2612 = arith.mulf %get3A_2605, %get3A_2611 : vector<16xf32>
      %mul3A_2613 = vector.broadcast %squeeze3A_2559 : f32 to vector<16xf32>
      %mul3A_2614 = arith.mulf %mul3A_2613, %mul3A_2612 : vector<16xf32>
      %add3A_2615 = arith.addf %add3A_2601, %mul3A_2614 : vector<16xf32>
      %slice3A_2616 = vector.extract_strided_slice %get3A_131 {offsets = [8], sizes = [1], strides = [1]} : vector<16xf32> to vector<1xf32>
      %squeeze3A_2617 = vector.extract %slice3A_2616[0] : f32 from vector<1xf32>
      %get3A_2618 = arith.index_cast %add3A_2499 : i32 to index
      %get3A_2619 = arith.constant 0 : index
      %get3A_2620 = tpu.vector_load %arg8[%get3A_2618, %get3A_2619] {strides = array<i32>} : memref<128x128xf32, #tpu.memory_space<vmem>>, vector<1x16xf32>,
      %get3A_2621 = vector.shape_cast %get3A_2620 : vector<1x16xf32> to vector<16xf32>
      %add3A_2622 = arith.constant 256 : i32
      %add3A_2623 = arith.addi %add3A_2622, %add3A_2499 : i32
      %get3A_2624 = arith.index_cast %add3A_2623 : i32 to index
      %get3A_2625 = arith.constant 0 : index
      %get3A_2626 = tpu.vector_load %arg9[%get3A_2624, %get3A_2625] {strides = array<i32>} : memref<640x128xf32, #tpu.memory_space<vmem>>, vector<1x16xf32>,
      %get3A_2627 = vector.shape_cast %get3A_2626 : vector<1x16xf32> to vector<16xf32>
      %mul3A_2628 = arith.mulf %get3A_2621, %get3A_2627 : vector<16xf32>
      %mul3A_2629 = vector.broadcast %squeeze3A_2617 : f32 to vector<16xf32>
      %mul3A_2630 = arith.mulf %mul3A_2629, %mul3A_2628 : vector<16xf32>
      %add3A_2631 = arith.addf %add3A_2615, %mul3A_2630 : vector<16xf32>
      %get3A_2632 = arith.index_cast %add3A_2499 : i32 to index
      %get3A_2633 = arith.constant 16 : index
      %get3A_2634 = tpu.vector_load %arg8[%get3A_2632, %get3A_2633] {strides = array<i32>} : memref<128x128xf32, #tpu.memory_space<vmem>>, vector<1x16xf32>,
      %get3A_2635 = vector.shape_cast %get3A_2634 : vector<1x16xf32> to vector<16xf32>
      %add3A_2636 = arith.constant 256 : i32
      %add3A_2637 = arith.addi %add3A_2636, %add3A_2499 : i32
      %get3A_2638 = arith.index_cast %add3A_2637 : i32 to index
      %get3A_2639 = arith.constant 16 : index
      %get3A_2640 = tpu.vector_load %arg9[%get3A_2638, %get3A_2639] {strides = array<i32>} : memref<640x128xf32, #tpu.memory_space<vmem>>, vector<1x16xf32>,
      %get3A_2641 = vector.shape_cast %get3A_2640 : vector<1x16xf32> to vector<16xf32>
      %mul3A_2642 = arith.mulf %get3A_2635, %get3A_2641 : vector<16xf32>
      %mul3A_2643 = vector.broadcast %squeeze3A_2617 : f32 to vector<16xf32>
      %mul3A_2644 = arith.mulf %mul3A_2643, %mul3A_2642 : vector<16xf32>
      %add3A_2645 = arith.addf %add3A_2631, %mul3A_2644 : vector<16xf32>
      %get3A_2646 = arith.index_cast %add3A_2499 : i32 to index
      %get3A_2647 = arith.constant 32 : index
      %get3A_2648 = tpu.vector_load %arg8[%get3A_2646, %get3A_2647] {strides = array<i32>} : memref<128x128xf32, #tpu.memory_space<vmem>>, vector<1x16xf32>,
      %get3A_2649 = vector.shape_cast %get3A_2648 : vector<1x16xf32> to vector<16xf32>
      %add3A_2650 = arith.constant 256 : i32
      %add3A_2651 = arith.addi %add3A_2650, %add3A_2499 : i32
      %get3A_2652 = arith.index_cast %add3A_2651 : i32 to index
      %get3A_2653 = arith.constant 32 : index
      %get3A_2654 = tpu.vector_load %arg9[%get3A_2652, %get3A_2653] {strides = array<i32>} : memref<640x128xf32, #tpu.memory_space<vmem>>, vector<1x16xf32>,
      %get3A_2655 = vector.shape_cast %get3A_2654 : vector<1x16xf32> to vector<16xf32>
      %mul3A_2656 = arith.mulf %get3A_2649, %get3A_2655 : vector<16xf32>
      %mul3A_2657 = vector.broadcast %squeeze3A_2617 : f32 to vector<16xf32>
      %mul3A_2658 = arith.mulf %mul3A_2657, %mul3A_2656 : vector<16xf32>
      %add3A_2659 = arith.addf %add3A_2645, %mul3A_2658 : vector<16xf32>
      %get3A_2660 = arith.index_cast %add3A_2499 : i32 to index
      %get3A_2661 = arith.constant 48 : index
      %get3A_2662 = tpu.vector_load %arg8[%get3A_2660, %get3A_2661] {strides = array<i32>} : memref<128x128xf32, #tpu.memory_space<vmem>>, vector<1x16xf32>,
      %get3A_2663 = vector.shape_cast %get3A_2662 : vector<1x16xf32> to vector<16xf32>
      %add3A_2664 = arith.constant 256 : i32
      %add3A_2665 = arith.addi %add3A_2664, %add3A_2499 : i32
      %get3A_2666 = arith.index_cast %add3A_2665 : i32 to index
      %get3A_2667 = arith.constant 48 : index
      %get3A_2668 = tpu.vector_load %arg9[%get3A_2666, %get3A_2667] {strides = array<i32>} : memref<640x128xf32, #tpu.memory_space<vmem>>, vector<1x16xf32>,
      %get3A_2669 = vector.shape_cast %get3A_2668 : vector<1x16xf32> to vector<16xf32>
      %mul3A_2670 = arith.mulf %get3A_2663, %get3A_2669 : vector<16xf32>
      %mul3A_2671 = vector.broadcast %squeeze3A_2617 : f32 to vector<16xf32>
      %mul3A_2672 = arith.mulf %mul3A_2671, %mul3A_2670 : vector<16xf32>
      %add3A_2673 = arith.addf %add3A_2659, %mul3A_2672 : vector<16xf32>
      %slice3A_2674 = vector.extract_strided_slice %get3A_138 {offsets = [8], sizes = [1], strides = [1]} : vector<16xf32> to vector<1xf32>
      %squeeze3A_2675 = vector.extract %slice3A_2674[0] : f32 from vector<1xf32>
      %get3A_2676 = arith.index_cast %add3A_2499 : i32 to index
      %get3A_2677 = arith.constant 0 : index
      %get3A_2678 = tpu.vector_load %arg8[%get3A_2676, %get3A_2677] {strides = array<i32>} : memref<128x128xf32, #tpu.memory_space<vmem>>, vector<1x16xf32>,
      %get3A_2679 = vector.shape_cast %get3A_2678 : vector<1x16xf32> to vector<16xf32>
      %add3A_2680 = arith.constant 384 : i32
      %add3A_2681 = arith.addi %add3A_2680, %add3A_2499 : i32
      %get3A_2682 = arith.index_cast %add3A_2681 : i32 to index
      %get3A_2683 = arith.constant 0 : index
      %get3A_2684 = tpu.vector_load %arg9[%get3A_2682, %get3A_2683] {strides = array<i32>} : memref<640x128xf32, #tpu.memory_space<vmem>>, vector<1x16xf32>,
      %get3A_2685 = vector.shape_cast %get3A_2684 : vector<1x16xf32> to vector<16xf32>
      %mul3A_2686 = arith.mulf %get3A_2679, %get3A_2685 : vector<16xf32>
      %mul3A_2687 = vector.broadcast %squeeze3A_2675 : f32 to vector<16xf32>
      %mul3A_2688 = arith.mulf %mul3A_2687, %mul3A_2686 : vector<16xf32>
      %add3A_2689 = arith.addf %add3A_2673, %mul3A_2688 : vector<16xf32>
      %get3A_2690 = arith.index_cast %add3A_2499 : i32 to index
      %get3A_2691 = arith.constant 16 : index
      %get3A_2692 = tpu.vector_load %arg8[%get3A_2690, %get3A_2691] {strides = array<i32>} : memref<128x128xf32, #tpu.memory_space<vmem>>, vector<1x16xf32>,
      %get3A_2693 = vector.shape_cast %get3A_2692 : vector<1x16xf32> to vector<16xf32>
      %add3A_2694 = arith.constant 384 : i32
      %add3A_2695 = arith.addi %add3A_2694, %add3A_2499 : i32
      %get3A_2696 = arith.index_cast %add3A_2695 : i32 to index
      %get3A_2697 = arith.constant 16 : index
      %get3A_2698 = tpu.vector_load %arg9[%get3A_2696, %get3A_2697] {strides = array<i32>} : memref<640x128xf32, #tpu.memory_space<vmem>>, vector<1x16xf32>,
      %get3A_2699 = vector.shape_cast %get3A_2698 : vector<1x16xf32> to vector<16xf32>
      %mul3A_2700 = arith.mulf %get3A_2693, %get3A_2699 : vector<16xf32>
      %mul3A_2701 = vector.broadcast %squeeze3A_2675 : f32 to vector<16xf32>
      %mul3A_2702 = arith.mulf %mul3A_2701, %mul3A_2700 : vector<16xf32>
      %add3A_2703 = arith.addf %add3A_2689, %mul3A_2702 : vector<16xf32>
      %get3A_2704 = arith.index_cast %add3A_2499 : i32 to index
      %get3A_2705 = arith.constant 32 : index
      %get3A_2706 = tpu.vector_load %arg8[%get3A_2704, %get3A_2705] {strides = array<i32>} : memref<128x128xf32, #tpu.memory_space<vmem>>, vector<1x16xf32>,
      %get3A_2707 = vector.shape_cast %get3A_2706 : vector<1x16xf32> to vector<16xf32>
      %add3A_2708 = arith.constant 384 : i32
      %add3A_2709 = arith.addi %add3A_2708, %add3A_2499 : i32
      %get3A_2710 = arith.index_cast %add3A_2709 : i32 to index
      %get3A_2711 = arith.constant 32 : index
      %get3A_2712 = tpu.vector_load %arg9[%get3A_2710, %get3A_2711] {strides = array<i32>} : memref<640x128xf32, #tpu.memory_space<vmem>>, vector<1x16xf32>,
      %get3A_2713 = vector.shape_cast %get3A_2712 : vector<1x16xf32> to vector<16xf32>
      %mul3A_2714 = arith.mulf %get3A_2707, %get3A_2713 : vector<16xf32>
      %mul3A_2715 = vector.broadcast %squeeze3A_2675 : f32 to vector<16xf32>
      %mul3A_2716 = arith.mulf %mul3A_2715, %mul3A_2714 : vector<16xf32>
      %add3A_2717 = arith.addf %add3A_2703, %mul3A_2716 : vector<16xf32>
      %get3A_2718 = arith.index_cast %add3A_2499 : i32 to index
      %get3A_2719 = arith.constant 48 : index
      %get3A_2720 = tpu.vector_load %arg8[%get3A_2718, %get3A_2719] {strides = array<i32>} : memref<128x128xf32, #tpu.memory_space<vmem>>, vector<1x16xf32>,
      %get3A_2721 = vector.shape_cast %get3A_2720 : vector<1x16xf32> to vector<16xf32>
      %add3A_2722 = arith.constant 384 : i32
      %add3A_2723 = arith.addi %add3A_2722, %add3A_2499 : i32
      %get3A_2724 = arith.index_cast %add3A_2723 : i32 to index
      %get3A_2725 = arith.constant 48 : index
      %get3A_2726 = tpu.vector_load %arg9[%get3A_2724, %get3A_2725] {strides = array<i32>} : memref<640x128xf32, #tpu.memory_space<vmem>>, vector<1x16xf32>,
      %get3A_2727 = vector.shape_cast %get3A_2726 : vector<1x16xf32> to vector<16xf32>
      %mul3A_2728 = arith.mulf %get3A_2721, %get3A_2727 : vector<16xf32>
      %mul3A_2729 = vector.broadcast %squeeze3A_2675 : f32 to vector<16xf32>
      %mul3A_2730 = arith.mulf %mul3A_2729, %mul3A_2728 : vector<16xf32>
      %add3A_2731 = arith.addf %add3A_2717, %mul3A_2730 : vector<16xf32>
      %slice3A_2732 = vector.extract_strided_slice %get3A_145 {offsets = [8], sizes = [1], strides = [1]} : vector<16xf32> to vector<1xf32>
      %squeeze3A_2733 = vector.extract %slice3A_2732[0] : f32 from vector<1xf32>
      %get3A_2734 = arith.index_cast %add3A_2499 : i32 to index
      %get3A_2735 = arith.constant 0 : index
      %get3A_2736 = tpu.vector_load %arg8[%get3A_2734, %get3A_2735] {strides = array<i32>} : memref<128x128xf32, #tpu.memory_space<vmem>>, vector<1x16xf32>,
      %get3A_2737 = vector.shape_cast %get3A_2736 : vector<1x16xf32> to vector<16xf32>
      %add3A_2738 = arith.constant 512 : i32
      %add3A_2739 = arith.addi %add3A_2738, %add3A_2499 : i32
      %get3A_2740 = arith.index_cast %add3A_2739 : i32 to index
      %get3A_2741 = arith.constant 0 : index
      %get3A_2742 = tpu.vector_load %arg9[%get3A_2740, %get3A_2741] {strides = array<i32>} : memref<640x128xf32, #tpu.memory_space<vmem>>, vector<1x16xf32>,
      %get3A_2743 = vector.shape_cast %get3A_2742 : vector<1x16xf32> to vector<16xf32>
      %mul3A_2744 = arith.mulf %get3A_2737, %get3A_2743 : vector<16xf32>
      %mul3A_2745 = vector.broadcast %squeeze3A_2733 : f32 to vector<16xf32>
      %mul3A_2746 = arith.mulf %mul3A_2745, %mul3A_2744 : vector<16xf32>
      %add3A_2747 = arith.addf %add3A_2731, %mul3A_2746 : vector<16xf32>
      %get3A_2748 = arith.index_cast %add3A_2499 : i32 to index
      %get3A_2749 = arith.constant 16 : index
      %get3A_2750 = tpu.vector_load %arg8[%get3A_2748, %get3A_2749] {strides = array<i32>} : memref<128x128xf32, #tpu.memory_space<vmem>>, vector<1x16xf32>,
      %get3A_2751 = vector.shape_cast %get3A_2750 : vector<1x16xf32> to vector<16xf32>
      %add3A_2752 = arith.constant 512 : i32
      %add3A_2753 = arith.addi %add3A_2752, %add3A_2499 : i32
      %get3A_2754 = arith.index_cast %add3A_2753 : i32 to index
      %get3A_2755 = arith.constant 16 : index
      %get3A_2756 = tpu.vector_load %arg9[%get3A_2754, %get3A_2755] {strides = array<i32>} : memref<640x128xf32, #tpu.memory_space<vmem>>, vector<1x16xf32>,
      %get3A_2757 = vector.shape_cast %get3A_2756 : vector<1x16xf32> to vector<16xf32>
      %mul3A_2758 = arith.mulf %get3A_2751, %get3A_2757 : vector<16xf32>
      %mul3A_2759 = vector.broadcast %squeeze3A_2733 : f32 to vector<16xf32>
      %mul3A_2760 = arith.mulf %mul3A_2759, %mul3A_2758 : vector<16xf32>
      %add3A_2761 = arith.addf %add3A_2747, %mul3A_2760 : vector<16xf32>
      %get3A_2762 = arith.index_cast %add3A_2499 : i32 to index
      %get3A_2763 = arith.constant 32 : index
      %get3A_2764 = tpu.vector_load %arg8[%get3A_2762, %get3A_2763] {strides = array<i32>} : memref<128x128xf32, #tpu.memory_space<vmem>>, vector<1x16xf32>,
      %get3A_2765 = vector.shape_cast %get3A_2764 : vector<1x16xf32> to vector<16xf32>
      %add3A_2766 = arith.constant 512 : i32
      %add3A_2767 = arith.addi %add3A_2766, %add3A_2499 : i32
      %get3A_2768 = arith.index_cast %add3A_2767 : i32 to index
      %get3A_2769 = arith.constant 32 : index
      %get3A_2770 = tpu.vector_load %arg9[%get3A_2768, %get3A_2769] {strides = array<i32>} : memref<640x128xf32, #tpu.memory_space<vmem>>, vector<1x16xf32>,
      %get3A_2771 = vector.shape_cast %get3A_2770 : vector<1x16xf32> to vector<16xf32>
      %mul3A_2772 = arith.mulf %get3A_2765, %get3A_2771 : vector<16xf32>
      %mul3A_2773 = vector.broadcast %squeeze3A_2733 : f32 to vector<16xf32>
      %mul3A_2774 = arith.mulf %mul3A_2773, %mul3A_2772 : vector<16xf32>
      %add3A_2775 = arith.addf %add3A_2761, %mul3A_2774 : vector<16xf32>
      %get3A_2776 = arith.index_cast %add3A_2499 : i32 to index
      %get3A_2777 = arith.constant 48 : index
      %get3A_2778 = tpu.vector_load %arg8[%get3A_2776, %get3A_2777] {strides = array<i32>} : memref<128x128xf32, #tpu.memory_space<vmem>>, vector<1x16xf32>,
      %get3A_2779 = vector.shape_cast %get3A_2778 : vector<1x16xf32> to vector<16xf32>
      %add3A_2780 = arith.constant 512 : i32
      %add3A_2781 = arith.addi %add3A_2780, %add3A_2499 : i32
      %get3A_2782 = arith.index_cast %add3A_2781 : i32 to index
      %get3A_2783 = arith.constant 48 : index
      %get3A_2784 = tpu.vector_load %arg9[%get3A_2782, %get3A_2783] {strides = array<i32>} : memref<640x128xf32, #tpu.memory_space<vmem>>, vector<1x16xf32>,
      %get3A_2785 = vector.shape_cast %get3A_2784 : vector<1x16xf32> to vector<16xf32>
      %mul3A_2786 = arith.mulf %get3A_2779, %get3A_2785 : vector<16xf32>
      %mul3A_2787 = vector.broadcast %squeeze3A_2733 : f32 to vector<16xf32>
      %mul3A_2788 = arith.mulf %mul3A_2787, %mul3A_2786 : vector<16xf32>
      %add3A_2789 = arith.addf %add3A_2775, %mul3A_2788 : vector<16xf32>
      %mul3A_2790 = arith.constant 16 : i32
      %mul3A_2791 = arith.muli %scan3A_110, %mul3A_2790 : i32
      %add3A_2792 = arith.constant 9 : i32
      %add3A_2793 = arith.addi %mul3A_2791, %add3A_2792 : i32
      %slice3A_2794 = vector.extract_strided_slice %get3A_117 {offsets = [9], sizes = [1], strides = [1]} : vector<16xf32> to vector<1xf32>
      %squeeze3A_2795 = vector.extract %slice3A_2794[0] : f32 from vector<1xf32>
      %get3A_2796 = arith.index_cast %add3A_2793 : i32 to index
      %get3A_2797 = arith.constant 0 : index
      %get3A_2798 = tpu.vector_load %arg8[%get3A_2796, %get3A_2797] {strides = array<i32>} : memref<128x128xf32, #tpu.memory_space<vmem>>, vector<1x16xf32>,
      %get3A_2799 = vector.shape_cast %get3A_2798 : vector<1x16xf32> to vector<16xf32>
      %add3A_2800 = arith.constant 0 : i32
      %add3A_2801 = arith.addi %add3A_2800, %add3A_2793 : i32
      %get3A_2802 = arith.index_cast %add3A_2801 : i32 to index
      %get3A_2803 = arith.constant 0 : index
      %get3A_2804 = tpu.vector_load %arg9[%get3A_2802, %get3A_2803] {strides = array<i32>} : memref<640x128xf32, #tpu.memory_space<vmem>>, vector<1x16xf32>,
      %get3A_2805 = vector.shape_cast %get3A_2804 : vector<1x16xf32> to vector<16xf32>
      %mul3A_2806 = arith.mulf %get3A_2799, %get3A_2805 : vector<16xf32>
      %mul3A_2807 = vector.broadcast %squeeze3A_2795 : f32 to vector<16xf32>
      %mul3A_2808 = arith.mulf %mul3A_2807, %mul3A_2806 : vector<16xf32>
      %add3A_2809 = arith.addf %add3A_2789, %mul3A_2808 : vector<16xf32>
      %get3A_2810 = arith.index_cast %add3A_2793 : i32 to index
      %get3A_2811 = arith.constant 16 : index
      %get3A_2812 = tpu.vector_load %arg8[%get3A_2810, %get3A_2811] {strides = array<i32>} : memref<128x128xf32, #tpu.memory_space<vmem>>, vector<1x16xf32>,
      %get3A_2813 = vector.shape_cast %get3A_2812 : vector<1x16xf32> to vector<16xf32>
      %add3A_2814 = arith.constant 0 : i32
      %add3A_2815 = arith.addi %add3A_2814, %add3A_2793 : i32
      %get3A_2816 = arith.index_cast %add3A_2815 : i32 to index
      %get3A_2817 = arith.constant 16 : index
      %get3A_2818 = tpu.vector_load %arg9[%get3A_2816, %get3A_2817] {strides = array<i32>} : memref<640x128xf32, #tpu.memory_space<vmem>>, vector<1x16xf32>,
      %get3A_2819 = vector.shape_cast %get3A_2818 : vector<1x16xf32> to vector<16xf32>
      %mul3A_2820 = arith.mulf %get3A_2813, %get3A_2819 : vector<16xf32>
      %mul3A_2821 = vector.broadcast %squeeze3A_2795 : f32 to vector<16xf32>
      %mul3A_2822 = arith.mulf %mul3A_2821, %mul3A_2820 : vector<16xf32>
      %add3A_2823 = arith.addf %add3A_2809, %mul3A_2822 : vector<16xf32>
      %get3A_2824 = arith.index_cast %add3A_2793 : i32 to index
      %get3A_2825 = arith.constant 32 : index
      %get3A_2826 = tpu.vector_load %arg8[%get3A_2824, %get3A_2825] {strides = array<i32>} : memref<128x128xf32, #tpu.memory_space<vmem>>, vector<1x16xf32>,
      %get3A_2827 = vector.shape_cast %get3A_2826 : vector<1x16xf32> to vector<16xf32>
      %add3A_2828 = arith.constant 0 : i32
      %add3A_2829 = arith.addi %add3A_2828, %add3A_2793 : i32
      %get3A_2830 = arith.index_cast %add3A_2829 : i32 to index
      %get3A_2831 = arith.constant 32 : index
      %get3A_2832 = tpu.vector_load %arg9[%get3A_2830, %get3A_2831] {strides = array<i32>} : memref<640x128xf32, #tpu.memory_space<vmem>>, vector<1x16xf32>,
      %get3A_2833 = vector.shape_cast %get3A_2832 : vector<1x16xf32> to vector<16xf32>
      %mul3A_2834 = arith.mulf %get3A_2827, %get3A_2833 : vector<16xf32>
      %mul3A_2835 = vector.broadcast %squeeze3A_2795 : f32 to vector<16xf32>
      %mul3A_2836 = arith.mulf %mul3A_2835, %mul3A_2834 : vector<16xf32>
      %add3A_2837 = arith.addf %add3A_2823, %mul3A_2836 : vector<16xf32>
      %get3A_2838 = arith.index_cast %add3A_2793 : i32 to index
      %get3A_2839 = arith.constant 48 : index
      %get3A_2840 = tpu.vector_load %arg8[%get3A_2838, %get3A_2839] {strides = array<i32>} : memref<128x128xf32, #tpu.memory_space<vmem>>, vector<1x16xf32>,
      %get3A_2841 = vector.shape_cast %get3A_2840 : vector<1x16xf32> to vector<16xf32>
      %add3A_2842 = arith.constant 0 : i32
      %add3A_2843 = arith.addi %add3A_2842, %add3A_2793 : i32
      %get3A_2844 = arith.index_cast %add3A_2843 : i32 to index
      %get3A_2845 = arith.constant 48 : index
      %get3A_2846 = tpu.vector_load %arg9[%get3A_2844, %get3A_2845] {strides = array<i32>} : memref<640x128xf32, #tpu.memory_space<vmem>>, vector<1x16xf32>,
      %get3A_2847 = vector.shape_cast %get3A_2846 : vector<1x16xf32> to vector<16xf32>
      %mul3A_2848 = arith.mulf %get3A_2841, %get3A_2847 : vector<16xf32>
      %mul3A_2849 = vector.broadcast %squeeze3A_2795 : f32 to vector<16xf32>
      %mul3A_2850 = arith.mulf %mul3A_2849, %mul3A_2848 : vector<16xf32>
      %add3A_2851 = arith.addf %add3A_2837, %mul3A_2850 : vector<16xf32>
      %slice3A_2852 = vector.extract_strided_slice %get3A_124 {offsets = [9], sizes = [1], strides = [1]} : vector<16xf32> to vector<1xf32>
      %squeeze3A_2853 = vector.extract %slice3A_2852[0] : f32 from vector<1xf32>
      %get3A_2854 = arith.index_cast %add3A_2793 : i32 to index
      %get3A_2855 = arith.constant 0 : index
      %get3A_2856 = tpu.vector_load %arg8[%get3A_2854, %get3A_2855] {strides = array<i32>} : memref<128x128xf32, #tpu.memory_space<vmem>>, vector<1x16xf32>,
      %get3A_2857 = vector.shape_cast %get3A_2856 : vector<1x16xf32> to vector<16xf32>
      %add3A_2858 = arith.constant 128 : i32
      %add3A_2859 = arith.addi %add3A_2858, %add3A_2793 : i32
      %get3A_2860 = arith.index_cast %add3A_2859 : i32 to index
      %get3A_2861 = arith.constant 0 : index
      %get3A_2862 = tpu.vector_load %arg9[%get3A_2860, %get3A_2861] {strides = array<i32>} : memref<640x128xf32, #tpu.memory_space<vmem>>, vector<1x16xf32>,
      %get3A_2863 = vector.shape_cast %get3A_2862 : vector<1x16xf32> to vector<16xf32>
      %mul3A_2864 = arith.mulf %get3A_2857, %get3A_2863 : vector<16xf32>
      %mul3A_2865 = vector.broadcast %squeeze3A_2853 : f32 to vector<16xf32>
      %mul3A_2866 = arith.mulf %mul3A_2865, %mul3A_2864 : vector<16xf32>
      %add3A_2867 = arith.addf %add3A_2851, %mul3A_2866 : vector<16xf32>
      %get3A_2868 = arith.index_cast %add3A_2793 : i32 to index
      %get3A_2869 = arith.constant 16 : index
      %get3A_2870 = tpu.vector_load %arg8[%get3A_2868, %get3A_2869] {strides = array<i32>} : memref<128x128xf32, #tpu.memory_space<vmem>>, vector<1x16xf32>,
      %get3A_2871 = vector.shape_cast %get3A_2870 : vector<1x16xf32> to vector<16xf32>
      %add3A_2872 = arith.constant 128 : i32
      %add3A_2873 = arith.addi %add3A_2872, %add3A_2793 : i32
      %get3A_2874 = arith.index_cast %add3A_2873 : i32 to index
      %get3A_2875 = arith.constant 16 : index
      %get3A_2876 = tpu.vector_load %arg9[%get3A_2874, %get3A_2875] {strides = array<i32>} : memref<640x128xf32, #tpu.memory_space<vmem>>, vector<1x16xf32>,
      %get3A_2877 = vector.shape_cast %get3A_2876 : vector<1x16xf32> to vector<16xf32>
      %mul3A_2878 = arith.mulf %get3A_2871, %get3A_2877 : vector<16xf32>
      %mul3A_2879 = vector.broadcast %squeeze3A_2853 : f32 to vector<16xf32>
      %mul3A_2880 = arith.mulf %mul3A_2879, %mul3A_2878 : vector<16xf32>
      %add3A_2881 = arith.addf %add3A_2867, %mul3A_2880 : vector<16xf32>
      %get3A_2882 = arith.index_cast %add3A_2793 : i32 to index
      %get3A_2883 = arith.constant 32 : index
      %get3A_2884 = tpu.vector_load %arg8[%get3A_2882, %get3A_2883] {strides = array<i32>} : memref<128x128xf32, #tpu.memory_space<vmem>>, vector<1x16xf32>,
      %get3A_2885 = vector.shape_cast %get3A_2884 : vector<1x16xf32> to vector<16xf32>
      %add3A_2886 = arith.constant 128 : i32
      %add3A_2887 = arith.addi %add3A_2886, %add3A_2793 : i32
      %get3A_2888 = arith.index_cast %add3A_2887 : i32 to index
      %get3A_2889 = arith.constant 32 : index
      %get3A_2890 = tpu.vector_load %arg9[%get3A_2888, %get3A_2889] {strides = array<i32>} : memref<640x128xf32, #tpu.memory_space<vmem>>, vector<1x16xf32>,
      %get3A_2891 = vector.shape_cast %get3A_2890 : vector<1x16xf32> to vector<16xf32>
      %mul3A_2892 = arith.mulf %get3A_2885, %get3A_2891 : vector<16xf32>
      %mul3A_2893 = vector.broadcast %squeeze3A_2853 : f32 to vector<16xf32>
      %mul3A_2894 = arith.mulf %mul3A_2893, %mul3A_2892 : vector<16xf32>
      %add3A_2895 = arith.addf %add3A_2881, %mul3A_2894 : vector<16xf32>
      %get3A_2896 = arith.index_cast %add3A_2793 : i32 to index
      %get3A_2897 = arith.constant 48 : index
      %get3A_2898 = tpu.vector_load %arg8[%get3A_2896, %get3A_2897] {strides = array<i32>} : memref<128x128xf32, #tpu.memory_space<vmem>>, vector<1x16xf32>,
      %get3A_2899 = vector.shape_cast %get3A_2898 : vector<1x16xf32> to vector<16xf32>
      %add3A_2900 = arith.constant 128 : i32
      %add3A_2901 = arith.addi %add3A_2900, %add3A_2793 : i32
      %get3A_2902 = arith.index_cast %add3A_2901 : i32 to index
      %get3A_2903 = arith.constant 48 : index
      %get3A_2904 = tpu.vector_load %arg9[%get3A_2902, %get3A_2903] {strides = array<i32>} : memref<640x128xf32, #tpu.memory_space<vmem>>, vector<1x16xf32>,
      %get3A_2905 = vector.shape_cast %get3A_2904 : vector<1x16xf32> to vector<16xf32>
      %mul3A_2906 = arith.mulf %get3A_2899, %get3A_2905 : vector<16xf32>
      %mul3A_2907 = vector.broadcast %squeeze3A_2853 : f32 to vector<16xf32>
      %mul3A_2908 = arith.mulf %mul3A_2907, %mul3A_2906 : vector<16xf32>
      %add3A_2909 = arith.addf %add3A_2895, %mul3A_2908 : vector<16xf32>
      %slice3A_2910 = vector.extract_strided_slice %get3A_131 {offsets = [9], sizes = [1], strides = [1]} : vector<16xf32> to vector<1xf32>
      %squeeze3A_2911 = vector.extract %slice3A_2910[0] : f32 from vector<1xf32>
      %get3A_2912 = arith.index_cast %add3A_2793 : i32 to index
      %get3A_2913 = arith.constant 0 : index
      %get3A_2914 = tpu.vector_load %arg8[%get3A_2912, %get3A_2913] {strides = array<i32>} : memref<128x128xf32, #tpu.memory_space<vmem>>, vector<1x16xf32>,
      %get3A_2915 = vector.shape_cast %get3A_2914 : vector<1x16xf32> to vector<16xf32>
      %add3A_2916 = arith.constant 256 : i32
      %add3A_2917 = arith.addi %add3A_2916, %add3A_2793 : i32
      %get3A_2918 = arith.index_cast %add3A_2917 : i32 to index
      %get3A_2919 = arith.constant 0 : index
      %get3A_2920 = tpu.vector_load %arg9[%get3A_2918, %get3A_2919] {strides = array<i32>} : memref<640x128xf32, #tpu.memory_space<vmem>>, vector<1x16xf32>,
      %get3A_2921 = vector.shape_cast %get3A_2920 : vector<1x16xf32> to vector<16xf32>
      %mul3A_2922 = arith.mulf %get3A_2915, %get3A_2921 : vector<16xf32>
      %mul3A_2923 = vector.broadcast %squeeze3A_2911 : f32 to vector<16xf32>
      %mul3A_2924 = arith.mulf %mul3A_2923, %mul3A_2922 : vector<16xf32>
      %add3A_2925 = arith.addf %add3A_2909, %mul3A_2924 : vector<16xf32>
      %get3A_2926 = arith.index_cast %add3A_2793 : i32 to index
      %get3A_2927 = arith.constant 16 : index
      %get3A_2928 = tpu.vector_load %arg8[%get3A_2926, %get3A_2927] {strides = array<i32>} : memref<128x128xf32, #tpu.memory_space<vmem>>, vector<1x16xf32>,
      %get3A_2929 = vector.shape_cast %get3A_2928 : vector<1x16xf32> to vector<16xf32>
      %add3A_2930 = arith.constant 256 : i32
      %add3A_2931 = arith.addi %add3A_2930, %add3A_2793 : i32
      %get3A_2932 = arith.index_cast %add3A_2931 : i32 to index
      %get3A_2933 = arith.constant 16 : index
      %get3A_2934 = tpu.vector_load %arg9[%get3A_2932, %get3A_2933] {strides = array<i32>} : memref<640x128xf32, #tpu.memory_space<vmem>>, vector<1x16xf32>,
      %get3A_2935 = vector.shape_cast %get3A_2934 : vector<1x16xf32> to vector<16xf32>
      %mul3A_2936 = arith.mulf %get3A_2929, %get3A_2935 : vector<16xf32>
      %mul3A_2937 = vector.broadcast %squeeze3A_2911 : f32 to vector<16xf32>
      %mul3A_2938 = arith.mulf %mul3A_2937, %mul3A_2936 : vector<16xf32>
      %add3A_2939 = arith.addf %add3A_2925, %mul3A_2938 : vector<16xf32>
      %get3A_2940 = arith.index_cast %add3A_2793 : i32 to index
      %get3A_2941 = arith.constant 32 : index
      %get3A_2942 = tpu.vector_load %arg8[%get3A_2940, %get3A_2941] {strides = array<i32>} : memref<128x128xf32, #tpu.memory_space<vmem>>, vector<1x16xf32>,
      %get3A_2943 = vector.shape_cast %get3A_2942 : vector<1x16xf32> to vector<16xf32>
      %add3A_2944 = arith.constant 256 : i32
      %add3A_2945 = arith.addi %add3A_2944, %add3A_2793 : i32
      %get3A_2946 = arith.index_cast %add3A_2945 : i32 to index
      %get3A_2947 = arith.constant 32 : index
      %get3A_2948 = tpu.vector_load %arg9[%get3A_2946, %get3A_2947] {strides = array<i32>} : memref<640x128xf32, #tpu.memory_space<vmem>>, vector<1x16xf32>,
      %get3A_2949 = vector.shape_cast %get3A_2948 : vector<1x16xf32> to vector<16xf32>
      %mul3A_2950 = arith.mulf %get3A_2943, %get3A_2949 : vector<16xf32>
      %mul3A_2951 = vector.broadcast %squeeze3A_2911 : f32 to vector<16xf32>
      %mul3A_2952 = arith.mulf %mul3A_2951, %mul3A_2950 : vector<16xf32>
      %add3A_2953 = arith.addf %add3A_2939, %mul3A_2952 : vector<16xf32>
      %get3A_2954 = arith.index_cast %add3A_2793 : i32 to index
      %get3A_2955 = arith.constant 48 : index
      %get3A_2956 = tpu.vector_load %arg8[%get3A_2954, %get3A_2955] {strides = array<i32>} : memref<128x128xf32, #tpu.memory_space<vmem>>, vector<1x16xf32>,
      %get3A_2957 = vector.shape_cast %get3A_2956 : vector<1x16xf32> to vector<16xf32>
      %add3A_2958 = arith.constant 256 : i32
      %add3A_2959 = arith.addi %add3A_2958, %add3A_2793 : i32
      %get3A_2960 = arith.index_cast %add3A_2959 : i32 to index
      %get3A_2961 = arith.constant 48 : index
      %get3A_2962 = tpu.vector_load %arg9[%get3A_2960, %get3A_2961] {strides = array<i32>} : memref<640x128xf32, #tpu.memory_space<vmem>>, vector<1x16xf32>,
      %get3A_2963 = vector.shape_cast %get3A_2962 : vector<1x16xf32> to vector<16xf32>
      %mul3A_2964 = arith.mulf %get3A_2957, %get3A_2963 : vector<16xf32>
      %mul3A_2965 = vector.broadcast %squeeze3A_2911 : f32 to vector<16xf32>
      %mul3A_2966 = arith.mulf %mul3A_2965, %mul3A_2964 : vector<16xf32>
      %add3A_2967 = arith.addf %add3A_2953, %mul3A_2966 : vector<16xf32>
      %slice3A_2968 = vector.extract_strided_slice %get3A_138 {offsets = [9], sizes = [1], strides = [1]} : vector<16xf32> to vector<1xf32>
      %squeeze3A_2969 = vector.extract %slice3A_2968[0] : f32 from vector<1xf32>
      %get3A_2970 = arith.index_cast %add3A_2793 : i32 to index
      %get3A_2971 = arith.constant 0 : index
      %get3A_2972 = tpu.vector_load %arg8[%get3A_2970, %get3A_2971] {strides = array<i32>} : memref<128x128xf32, #tpu.memory_space<vmem>>, vector<1x16xf32>,
      %get3A_2973 = vector.shape_cast %get3A_2972 : vector<1x16xf32> to vector<16xf32>
      %add3A_2974 = arith.constant 384 : i32
      %add3A_2975 = arith.addi %add3A_2974, %add3A_2793 : i32
      %get3A_2976 = arith.index_cast %add3A_2975 : i32 to index
      %get3A_2977 = arith.constant 0 : index
      %get3A_2978 = tpu.vector_load %arg9[%get3A_2976, %get3A_2977] {strides = array<i32>} : memref<640x128xf32, #tpu.memory_space<vmem>>, vector<1x16xf32>,
      %get3A_2979 = vector.shape_cast %get3A_2978 : vector<1x16xf32> to vector<16xf32>
      %mul3A_2980 = arith.mulf %get3A_2973, %get3A_2979 : vector<16xf32>
      %mul3A_2981 = vector.broadcast %squeeze3A_2969 : f32 to vector<16xf32>
      %mul3A_2982 = arith.mulf %mul3A_2981, %mul3A_2980 : vector<16xf32>
      %add3A_2983 = arith.addf %add3A_2967, %mul3A_2982 : vector<16xf32>
      %get3A_2984 = arith.index_cast %add3A_2793 : i32 to index
      %get3A_2985 = arith.constant 16 : index
      %get3A_2986 = tpu.vector_load %arg8[%get3A_2984, %get3A_2985] {strides = array<i32>} : memref<128x128xf32, #tpu.memory_space<vmem>>, vector<1x16xf32>,
      %get3A_2987 = vector.shape_cast %get3A_2986 : vector<1x16xf32> to vector<16xf32>
      %add3A_2988 = arith.constant 384 : i32
      %add3A_2989 = arith.addi %add3A_2988, %add3A_2793 : i32
      %get3A_2990 = arith.index_cast %add3A_2989 : i32 to index
      %get3A_2991 = arith.constant 16 : index
      %get3A_2992 = tpu.vector_load %arg9[%get3A_2990, %get3A_2991] {strides = array<i32>} : memref<640x128xf32, #tpu.memory_space<vmem>>, vector<1x16xf32>,
      %get3A_2993 = vector.shape_cast %get3A_2992 : vector<1x16xf32> to vector<16xf32>
      %mul3A_2994 = arith.mulf %get3A_2987, %get3A_2993 : vector<16xf32>
      %mul3A_2995 = vector.broadcast %squeeze3A_2969 : f32 to vector<16xf32>
      %mul3A_2996 = arith.mulf %mul3A_2995, %mul3A_2994 : vector<16xf32>
      %add3A_2997 = arith.addf %add3A_2983, %mul3A_2996 : vector<16xf32>
      %get3A_2998 = arith.index_cast %add3A_2793 : i32 to index
      %get3A_2999 = arith.constant 32 : index
      %get3A_3000 = tpu.vector_load %arg8[%get3A_2998, %get3A_2999] {strides = array<i32>} : memref<128x128xf32, #tpu.memory_space<vmem>>, vector<1x16xf32>,
      %get3A_3001 = vector.shape_cast %get3A_3000 : vector<1x16xf32> to vector<16xf32>
      %add3A_3002 = arith.constant 384 : i32
      %add3A_3003 = arith.addi %add3A_3002, %add3A_2793 : i32
      %get3A_3004 = arith.index_cast %add3A_3003 : i32 to index
      %get3A_3005 = arith.constant 32 : index
      %get3A_3006 = tpu.vector_load %arg9[%get3A_3004, %get3A_3005] {strides = array<i32>} : memref<640x128xf32, #tpu.memory_space<vmem>>, vector<1x16xf32>,
      %get3A_3007 = vector.shape_cast %get3A_3006 : vector<1x16xf32> to vector<16xf32>
      %mul3A_3008 = arith.mulf %get3A_3001, %get3A_3007 : vector<16xf32>
      %mul3A_3009 = vector.broadcast %squeeze3A_2969 : f32 to vector<16xf32>
      %mul3A_3010 = arith.mulf %mul3A_3009, %mul3A_3008 : vector<16xf32>
      %add3A_3011 = arith.addf %add3A_2997, %mul3A_3010 : vector<16xf32>
      %get3A_3012 = arith.index_cast %add3A_2793 : i32 to index
      %get3A_3013 = arith.constant 48 : index
      %get3A_3014 = tpu.vector_load %arg8[%get3A_3012, %get3A_3013] {strides = array<i32>} : memref<128x128xf32, #tpu.memory_space<vmem>>, vector<1x16xf32>,
      %get3A_3015 = vector.shape_cast %get3A_3014 : vector<1x16xf32> to vector<16xf32>
      %add3A_3016 = arith.constant 384 : i32
      %add3A_3017 = arith.addi %add3A_3016, %add3A_2793 : i32
      %get3A_3018 = arith.index_cast %add3A_3017 : i32 to index
      %get3A_3019 = arith.constant 48 : index
      %get3A_3020 = tpu.vector_load %arg9[%get3A_3018, %get3A_3019] {strides = array<i32>} : memref<640x128xf32, #tpu.memory_space<vmem>>, vector<1x16xf32>,
      %get3A_3021 = vector.shape_cast %get3A_3020 : vector<1x16xf32> to vector<16xf32>
      %mul3A_3022 = arith.mulf %get3A_3015, %get3A_3021 : vector<16xf32>
      %mul3A_3023 = vector.broadcast %squeeze3A_2969 : f32 to vector<16xf32>
      %mul3A_3024 = arith.mulf %mul3A_3023, %mul3A_3022 : vector<16xf32>
      %add3A_3025 = arith.addf %add3A_3011, %mul3A_3024 : vector<16xf32>
      %slice3A_3026 = vector.extract_strided_slice %get3A_145 {offsets = [9], sizes = [1], strides = [1]} : vector<16xf32> to vector<1xf32>
      %squeeze3A_3027 = vector.extract %slice3A_3026[0] : f32 from vector<1xf32>
      %get3A_3028 = arith.index_cast %add3A_2793 : i32 to index
      %get3A_3029 = arith.constant 0 : index
      %get3A_3030 = tpu.vector_load %arg8[%get3A_3028, %get3A_3029] {strides = array<i32>} : memref<128x128xf32, #tpu.memory_space<vmem>>, vector<1x16xf32>,
      %get3A_3031 = vector.shape_cast %get3A_3030 : vector<1x16xf32> to vector<16xf32>
      %add3A_3032 = arith.constant 512 : i32
      %add3A_3033 = arith.addi %add3A_3032, %add3A_2793 : i32
      %get3A_3034 = arith.index_cast %add3A_3033 : i32 to index
      %get3A_3035 = arith.constant 0 : index
      %get3A_3036 = tpu.vector_load %arg9[%get3A_3034, %get3A_3035] {strides = array<i32>} : memref<640x128xf32, #tpu.memory_space<vmem>>, vector<1x16xf32>,
      %get3A_3037 = vector.shape_cast %get3A_3036 : vector<1x16xf32> to vector<16xf32>
      %mul3A_3038 = arith.mulf %get3A_3031, %get3A_3037 : vector<16xf32>
      %mul3A_3039 = vector.broadcast %squeeze3A_3027 : f32 to vector<16xf32>
      %mul3A_3040 = arith.mulf %mul3A_3039, %mul3A_3038 : vector<16xf32>
      %add3A_3041 = arith.addf %add3A_3025, %mul3A_3040 : vector<16xf32>
      %get3A_3042 = arith.index_cast %add3A_2793 : i32 to index
      %get3A_3043 = arith.constant 16 : index
      %get3A_3044 = tpu.vector_load %arg8[%get3A_3042, %get3A_3043] {strides = array<i32>} : memref<128x128xf32, #tpu.memory_space<vmem>>, vector<1x16xf32>,
      %get3A_3045 = vector.shape_cast %get3A_3044 : vector<1x16xf32> to vector<16xf32>
      %add3A_3046 = arith.constant 512 : i32
      %add3A_3047 = arith.addi %add3A_3046, %add3A_2793 : i32
      %get3A_3048 = arith.index_cast %add3A_3047 : i32 to index
      %get3A_3049 = arith.constant 16 : index
      %get3A_3050 = tpu.vector_load %arg9[%get3A_3048, %get3A_3049] {strides = array<i32>} : memref<640x128xf32, #tpu.memory_space<vmem>>, vector<1x16xf32>,
      %get3A_3051 = vector.shape_cast %get3A_3050 : vector<1x16xf32> to vector<16xf32>
      %mul3A_3052 = arith.mulf %get3A_3045, %get3A_3051 : vector<16xf32>
      %mul3A_3053 = vector.broadcast %squeeze3A_3027 : f32 to vector<16xf32>
      %mul3A_3054 = arith.mulf %mul3A_3053, %mul3A_3052 : vector<16xf32>
      %add3A_3055 = arith.addf %add3A_3041, %mul3A_3054 : vector<16xf32>
      %get3A_3056 = arith.index_cast %add3A_2793 : i32 to index
      %get3A_3057 = arith.constant 32 : index
      %get3A_3058 = tpu.vector_load %arg8[%get3A_3056, %get3A_3057] {strides = array<i32>} : memref<128x128xf32, #tpu.memory_space<vmem>>, vector<1x16xf32>,
      %get3A_3059 = vector.shape_cast %get3A_3058 : vector<1x16xf32> to vector<16xf32>
      %add3A_3060 = arith.constant 512 : i32
      %add3A_3061 = arith.addi %add3A_3060, %add3A_2793 : i32
      %get3A_3062 = arith.index_cast %add3A_3061 : i32 to index
      %get3A_3063 = arith.constant 32 : index
      %get3A_3064 = tpu.vector_load %arg9[%get3A_3062, %get3A_3063] {strides = array<i32>} : memref<640x128xf32, #tpu.memory_space<vmem>>, vector<1x16xf32>,
      %get3A_3065 = vector.shape_cast %get3A_3064 : vector<1x16xf32> to vector<16xf32>
      %mul3A_3066 = arith.mulf %get3A_3059, %get3A_3065 : vector<16xf32>
      %mul3A_3067 = vector.broadcast %squeeze3A_3027 : f32 to vector<16xf32>
      %mul3A_3068 = arith.mulf %mul3A_3067, %mul3A_3066 : vector<16xf32>
      %add3A_3069 = arith.addf %add3A_3055, %mul3A_3068 : vector<16xf32>
      %get3A_3070 = arith.index_cast %add3A_2793 : i32 to index
      %get3A_3071 = arith.constant 48 : index
      %get3A_3072 = tpu.vector_load %arg8[%get3A_3070, %get3A_3071] {strides = array<i32>} : memref<128x128xf32, #tpu.memory_space<vmem>>, vector<1x16xf32>,
      %get3A_3073 = vector.shape_cast %get3A_3072 : vector<1x16xf32> to vector<16xf32>
      %add3A_3074 = arith.constant 512 : i32
      %add3A_3075 = arith.addi %add3A_3074, %add3A_2793 : i32
      %get3A_3076 = arith.index_cast %add3A_3075 : i32 to index
      %get3A_3077 = arith.constant 48 : index
      %get3A_3078 = tpu.vector_load %arg9[%get3A_3076, %get3A_3077] {strides = array<i32>} : memref<640x128xf32, #tpu.memory_space<vmem>>, vector<1x16xf32>,
      %get3A_3079 = vector.shape_cast %get3A_3078 : vector<1x16xf32> to vector<16xf32>
      %mul3A_3080 = arith.mulf %get3A_3073, %get3A_3079 : vector<16xf32>
      %mul3A_3081 = vector.broadcast %squeeze3A_3027 : f32 to vector<16xf32>
      %mul3A_3082 = arith.mulf %mul3A_3081, %mul3A_3080 : vector<16xf32>
      %add3A_3083 = arith.addf %add3A_3069, %mul3A_3082 : vector<16xf32>
      %mul3A_3084 = arith.constant 16 : i32
      %mul3A_3085 = arith.muli %scan3A_110, %mul3A_3084 : i32
      %add3A_3086 = arith.constant 10 : i32
      %add3A_3087 = arith.addi %mul3A_3085, %add3A_3086 : i32
      %slice3A_3088 = vector.extract_strided_slice %get3A_117 {offsets = [10], sizes = [1], strides = [1]} : vector<16xf32> to vector<1xf32>
      %squeeze3A_3089 = vector.extract %slice3A_3088[0] : f32 from vector<1xf32>
      %get3A_3090 = arith.index_cast %add3A_3087 : i32 to index
      %get3A_3091 = arith.constant 0 : index
      %get3A_3092 = tpu.vector_load %arg8[%get3A_3090, %get3A_3091] {strides = array<i32>} : memref<128x128xf32, #tpu.memory_space<vmem>>, vector<1x16xf32>,
      %get3A_3093 = vector.shape_cast %get3A_3092 : vector<1x16xf32> to vector<16xf32>
      %add3A_3094 = arith.constant 0 : i32
      %add3A_3095 = arith.addi %add3A_3094, %add3A_3087 : i32
      %get3A_3096 = arith.index_cast %add3A_3095 : i32 to index
      %get3A_3097 = arith.constant 0 : index
      %get3A_3098 = tpu.vector_load %arg9[%get3A_3096, %get3A_3097] {strides = array<i32>} : memref<640x128xf32, #tpu.memory_space<vmem>>, vector<1x16xf32>,
      %get3A_3099 = vector.shape_cast %get3A_3098 : vector<1x16xf32> to vector<16xf32>
      %mul3A_3100 = arith.mulf %get3A_3093, %get3A_3099 : vector<16xf32>
      %mul3A_3101 = vector.broadcast %squeeze3A_3089 : f32 to vector<16xf32>
      %mul3A_3102 = arith.mulf %mul3A_3101, %mul3A_3100 : vector<16xf32>
      %add3A_3103 = arith.addf %add3A_3083, %mul3A_3102 : vector<16xf32>
      %get3A_3104 = arith.index_cast %add3A_3087 : i32 to index
      %get3A_3105 = arith.constant 16 : index
      %get3A_3106 = tpu.vector_load %arg8[%get3A_3104, %get3A_3105] {strides = array<i32>} : memref<128x128xf32, #tpu.memory_space<vmem>>, vector<1x16xf32>,
      %get3A_3107 = vector.shape_cast %get3A_3106 : vector<1x16xf32> to vector<16xf32>
      %add3A_3108 = arith.constant 0 : i32
      %add3A_3109 = arith.addi %add3A_3108, %add3A_3087 : i32
      %get3A_3110 = arith.index_cast %add3A_3109 : i32 to index
      %get3A_3111 = arith.constant 16 : index
      %get3A_3112 = tpu.vector_load %arg9[%get3A_3110, %get3A_3111] {strides = array<i32>} : memref<640x128xf32, #tpu.memory_space<vmem>>, vector<1x16xf32>,
      %get3A_3113 = vector.shape_cast %get3A_3112 : vector<1x16xf32> to vector<16xf32>
      %mul3A_3114 = arith.mulf %get3A_3107, %get3A_3113 : vector<16xf32>
      %mul3A_3115 = vector.broadcast %squeeze3A_3089 : f32 to vector<16xf32>
      %mul3A_3116 = arith.mulf %mul3A_3115, %mul3A_3114 : vector<16xf32>
      %add3A_3117 = arith.addf %add3A_3103, %mul3A_3116 : vector<16xf32>
      %get3A_3118 = arith.index_cast %add3A_3087 : i32 to index
      %get3A_3119 = arith.constant 32 : index
      %get3A_3120 = tpu.vector_load %arg8[%get3A_3118, %get3A_3119] {strides = array<i32>} : memref<128x128xf32, #tpu.memory_space<vmem>>, vector<1x16xf32>,
      %get3A_3121 = vector.shape_cast %get3A_3120 : vector<1x16xf32> to vector<16xf32>
      %add3A_3122 = arith.constant 0 : i32
      %add3A_3123 = arith.addi %add3A_3122, %add3A_3087 : i32
      %get3A_3124 = arith.index_cast %add3A_3123 : i32 to index
      %get3A_3125 = arith.constant 32 : index
      %get3A_3126 = tpu.vector_load %arg9[%get3A_3124, %get3A_3125] {strides = array<i32>} : memref<640x128xf32, #tpu.memory_space<vmem>>, vector<1x16xf32>,
      %get3A_3127 = vector.shape_cast %get3A_3126 : vector<1x16xf32> to vector<16xf32>
      %mul3A_3128 = arith.mulf %get3A_3121, %get3A_3127 : vector<16xf32>
      %mul3A_3129 = vector.broadcast %squeeze3A_3089 : f32 to vector<16xf32>
      %mul3A_3130 = arith.mulf %mul3A_3129, %mul3A_3128 : vector<16xf32>
      %add3A_3131 = arith.addf %add3A_3117, %mul3A_3130 : vector<16xf32>
      %get3A_3132 = arith.index_cast %add3A_3087 : i32 to index
      %get3A_3133 = arith.constant 48 : index
      %get3A_3134 = tpu.vector_load %arg8[%get3A_3132, %get3A_3133] {strides = array<i32>} : memref<128x128xf32, #tpu.memory_space<vmem>>, vector<1x16xf32>,
      %get3A_3135 = vector.shape_cast %get3A_3134 : vector<1x16xf32> to vector<16xf32>
      %add3A_3136 = arith.constant 0 : i32
      %add3A_3137 = arith.addi %add3A_3136, %add3A_3087 : i32
      %get3A_3138 = arith.index_cast %add3A_3137 : i32 to index
      %get3A_3139 = arith.constant 48 : index
      %get3A_3140 = tpu.vector_load %arg9[%get3A_3138, %get3A_3139] {strides = array<i32>} : memref<640x128xf32, #tpu.memory_space<vmem>>, vector<1x16xf32>,
      %get3A_3141 = vector.shape_cast %get3A_3140 : vector<1x16xf32> to vector<16xf32>
      %mul3A_3142 = arith.mulf %get3A_3135, %get3A_3141 : vector<16xf32>
      %mul3A_3143 = vector.broadcast %squeeze3A_3089 : f32 to vector<16xf32>
      %mul3A_3144 = arith.mulf %mul3A_3143, %mul3A_3142 : vector<16xf32>
      %add3A_3145 = arith.addf %add3A_3131, %mul3A_3144 : vector<16xf32>
      %slice3A_3146 = vector.extract_strided_slice %get3A_124 {offsets = [10], sizes = [1], strides = [1]} : vector<16xf32> to vector<1xf32>
      %squeeze3A_3147 = vector.extract %slice3A_3146[0] : f32 from vector<1xf32>
      %get3A_3148 = arith.index_cast %add3A_3087 : i32 to index
      %get3A_3149 = arith.constant 0 : index
      %get3A_3150 = tpu.vector_load %arg8[%get3A_3148, %get3A_3149] {strides = array<i32>} : memref<128x128xf32, #tpu.memory_space<vmem>>, vector<1x16xf32>,
      %get3A_3151 = vector.shape_cast %get3A_3150 : vector<1x16xf32> to vector<16xf32>
      %add3A_3152 = arith.constant 128 : i32
      %add3A_3153 = arith.addi %add3A_3152, %add3A_3087 : i32
      %get3A_3154 = arith.index_cast %add3A_3153 : i32 to index
      %get3A_3155 = arith.constant 0 : index
      %get3A_3156 = tpu.vector_load %arg9[%get3A_3154, %get3A_3155] {strides = array<i32>} : memref<640x128xf32, #tpu.memory_space<vmem>>, vector<1x16xf32>,
      %get3A_3157 = vector.shape_cast %get3A_3156 : vector<1x16xf32> to vector<16xf32>
      %mul3A_3158 = arith.mulf %get3A_3151, %get3A_3157 : vector<16xf32>
      %mul3A_3159 = vector.broadcast %squeeze3A_3147 : f32 to vector<16xf32>
      %mul3A_3160 = arith.mulf %mul3A_3159, %mul3A_3158 : vector<16xf32>
      %add3A_3161 = arith.addf %add3A_3145, %mul3A_3160 : vector<16xf32>
      %get3A_3162 = arith.index_cast %add3A_3087 : i32 to index
      %get3A_3163 = arith.constant 16 : index
      %get3A_3164 = tpu.vector_load %arg8[%get3A_3162, %get3A_3163] {strides = array<i32>} : memref<128x128xf32, #tpu.memory_space<vmem>>, vector<1x16xf32>,
      %get3A_3165 = vector.shape_cast %get3A_3164 : vector<1x16xf32> to vector<16xf32>
      %add3A_3166 = arith.constant 128 : i32
      %add3A_3167 = arith.addi %add3A_3166, %add3A_3087 : i32
      %get3A_3168 = arith.index_cast %add3A_3167 : i32 to index
      %get3A_3169 = arith.constant 16 : index
      %get3A_3170 = tpu.vector_load %arg9[%get3A_3168, %get3A_3169] {strides = array<i32>} : memref<640x128xf32, #tpu.memory_space<vmem>>, vector<1x16xf32>,
      %get3A_3171 = vector.shape_cast %get3A_3170 : vector<1x16xf32> to vector<16xf32>
      %mul3A_3172 = arith.mulf %get3A_3165, %get3A_3171 : vector<16xf32>
      %mul3A_3173 = vector.broadcast %squeeze3A_3147 : f32 to vector<16xf32>
      %mul3A_3174 = arith.mulf %mul3A_3173, %mul3A_3172 : vector<16xf32>
      %add3A_3175 = arith.addf %add3A_3161, %mul3A_3174 : vector<16xf32>
      %get3A_3176 = arith.index_cast %add3A_3087 : i32 to index
      %get3A_3177 = arith.constant 32 : index
      %get3A_3178 = tpu.vector_load %arg8[%get3A_3176, %get3A_3177] {strides = array<i32>} : memref<128x128xf32, #tpu.memory_space<vmem>>, vector<1x16xf32>,
      %get3A_3179 = vector.shape_cast %get3A_3178 : vector<1x16xf32> to vector<16xf32>
      %add3A_3180 = arith.constant 128 : i32
      %add3A_3181 = arith.addi %add3A_3180, %add3A_3087 : i32
      %get3A_3182 = arith.index_cast %add3A_3181 : i32 to index
      %get3A_3183 = arith.constant 32 : index
      %get3A_3184 = tpu.vector_load %arg9[%get3A_3182, %get3A_3183] {strides = array<i32>} : memref<640x128xf32, #tpu.memory_space<vmem>>, vector<1x16xf32>,
      %get3A_3185 = vector.shape_cast %get3A_3184 : vector<1x16xf32> to vector<16xf32>
      %mul3A_3186 = arith.mulf %get3A_3179, %get3A_3185 : vector<16xf32>
      %mul3A_3187 = vector.broadcast %squeeze3A_3147 : f32 to vector<16xf32>
      %mul3A_3188 = arith.mulf %mul3A_3187, %mul3A_3186 : vector<16xf32>
      %add3A_3189 = arith.addf %add3A_3175, %mul3A_3188 : vector<16xf32>
      %get3A_3190 = arith.index_cast %add3A_3087 : i32 to index
      %get3A_3191 = arith.constant 48 : index
      %get3A_3192 = tpu.vector_load %arg8[%get3A_3190, %get3A_3191] {strides = array<i32>} : memref<128x128xf32, #tpu.memory_space<vmem>>, vector<1x16xf32>,
      %get3A_3193 = vector.shape_cast %get3A_3192 : vector<1x16xf32> to vector<16xf32>
      %add3A_3194 = arith.constant 128 : i32
      %add3A_3195 = arith.addi %add3A_3194, %add3A_3087 : i32
      %get3A_3196 = arith.index_cast %add3A_3195 : i32 to index
      %get3A_3197 = arith.constant 48 : index
      %get3A_3198 = tpu.vector_load %arg9[%get3A_3196, %get3A_3197] {strides = array<i32>} : memref<640x128xf32, #tpu.memory_space<vmem>>, vector<1x16xf32>,
      %get3A_3199 = vector.shape_cast %get3A_3198 : vector<1x16xf32> to vector<16xf32>
      %mul3A_3200 = arith.mulf %get3A_3193, %get3A_3199 : vector<16xf32>
      %mul3A_3201 = vector.broadcast %squeeze3A_3147 : f32 to vector<16xf32>
      %mul3A_3202 = arith.mulf %mul3A_3201, %mul3A_3200 : vector<16xf32>
      %add3A_3203 = arith.addf %add3A_3189, %mul3A_3202 : vector<16xf32>
      %slice3A_3204 = vector.extract_strided_slice %get3A_131 {offsets = [10], sizes = [1], strides = [1]} : vector<16xf32> to vector<1xf32>
      %squeeze3A_3205 = vector.extract %slice3A_3204[0] : f32 from vector<1xf32>
      %get3A_3206 = arith.index_cast %add3A_3087 : i32 to index
      %get3A_3207 = arith.constant 0 : index
      %get3A_3208 = tpu.vector_load %arg8[%get3A_3206, %get3A_3207] {strides = array<i32>} : memref<128x128xf32, #tpu.memory_space<vmem>>, vector<1x16xf32>,
      %get3A_3209 = vector.shape_cast %get3A_3208 : vector<1x16xf32> to vector<16xf32>
      %add3A_3210 = arith.constant 256 : i32
      %add3A_3211 = arith.addi %add3A_3210, %add3A_3087 : i32
      %get3A_3212 = arith.index_cast %add3A_3211 : i32 to index
      %get3A_3213 = arith.constant 0 : index
      %get3A_3214 = tpu.vector_load %arg9[%get3A_3212, %get3A_3213] {strides = array<i32>} : memref<640x128xf32, #tpu.memory_space<vmem>>, vector<1x16xf32>,
      %get3A_3215 = vector.shape_cast %get3A_3214 : vector<1x16xf32> to vector<16xf32>
      %mul3A_3216 = arith.mulf %get3A_3209, %get3A_3215 : vector<16xf32>
      %mul3A_3217 = vector.broadcast %squeeze3A_3205 : f32 to vector<16xf32>
      %mul3A_3218 = arith.mulf %mul3A_3217, %mul3A_3216 : vector<16xf32>
      %add3A_3219 = arith.addf %add3A_3203, %mul3A_3218 : vector<16xf32>
      %get3A_3220 = arith.index_cast %add3A_3087 : i32 to index
      %get3A_3221 = arith.constant 16 : index
      %get3A_3222 = tpu.vector_load %arg8[%get3A_3220, %get3A_3221] {strides = array<i32>} : memref<128x128xf32, #tpu.memory_space<vmem>>, vector<1x16xf32>,
      %get3A_3223 = vector.shape_cast %get3A_3222 : vector<1x16xf32> to vector<16xf32>
      %add3A_3224 = arith.constant 256 : i32
      %add3A_3225 = arith.addi %add3A_3224, %add3A_3087 : i32
      %get3A_3226 = arith.index_cast %add3A_3225 : i32 to index
      %get3A_3227 = arith.constant 16 : index
      %get3A_3228 = tpu.vector_load %arg9[%get3A_3226, %get3A_3227] {strides = array<i32>} : memref<640x128xf32, #tpu.memory_space<vmem>>, vector<1x16xf32>,
      %get3A_3229 = vector.shape_cast %get3A_3228 : vector<1x16xf32> to vector<16xf32>
      %mul3A_3230 = arith.mulf %get3A_3223, %get3A_3229 : vector<16xf32>
      %mul3A_3231 = vector.broadcast %squeeze3A_3205 : f32 to vector<16xf32>
      %mul3A_3232 = arith.mulf %mul3A_3231, %mul3A_3230 : vector<16xf32>
      %add3A_3233 = arith.addf %add3A_3219, %mul3A_3232 : vector<16xf32>
      %get3A_3234 = arith.index_cast %add3A_3087 : i32 to index
      %get3A_3235 = arith.constant 32 : index
      %get3A_3236 = tpu.vector_load %arg8[%get3A_3234, %get3A_3235] {strides = array<i32>} : memref<128x128xf32, #tpu.memory_space<vmem>>, vector<1x16xf32>,
      %get3A_3237 = vector.shape_cast %get3A_3236 : vector<1x16xf32> to vector<16xf32>
      %add3A_3238 = arith.constant 256 : i32
      %add3A_3239 = arith.addi %add3A_3238, %add3A_3087 : i32
      %get3A_3240 = arith.index_cast %add3A_3239 : i32 to index
      %get3A_3241 = arith.constant 32 : index
      %get3A_3242 = tpu.vector_load %arg9[%get3A_3240, %get3A_3241] {strides = array<i32>} : memref<640x128xf32, #tpu.memory_space<vmem>>, vector<1x16xf32>,
      %get3A_3243 = vector.shape_cast %get3A_3242 : vector<1x16xf32> to vector<16xf32>
      %mul3A_3244 = arith.mulf %get3A_3237, %get3A_3243 : vector<16xf32>
      %mul3A_3245 = vector.broadcast %squeeze3A_3205 : f32 to vector<16xf32>
      %mul3A_3246 = arith.mulf %mul3A_3245, %mul3A_3244 : vector<16xf32>
      %add3A_3247 = arith.addf %add3A_3233, %mul3A_3246 : vector<16xf32>
      %get3A_3248 = arith.index_cast %add3A_3087 : i32 to index
      %get3A_3249 = arith.constant 48 : index
      %get3A_3250 = tpu.vector_load %arg8[%get3A_3248, %get3A_3249] {strides = array<i32>} : memref<128x128xf32, #tpu.memory_space<vmem>>, vector<1x16xf32>,
      %get3A_3251 = vector.shape_cast %get3A_3250 : vector<1x16xf32> to vector<16xf32>
      %add3A_3252 = arith.constant 256 : i32
      %add3A_3253 = arith.addi %add3A_3252, %add3A_3087 : i32
      %get3A_3254 = arith.index_cast %add3A_3253 : i32 to index
      %get3A_3255 = arith.constant 48 : index
      %get3A_3256 = tpu.vector_load %arg9[%get3A_3254, %get3A_3255] {strides = array<i32>} : memref<640x128xf32, #tpu.memory_space<vmem>>, vector<1x16xf32>,
      %get3A_3257 = vector.shape_cast %get3A_3256 : vector<1x16xf32> to vector<16xf32>
      %mul3A_3258 = arith.mulf %get3A_3251, %get3A_3257 : vector<16xf32>
      %mul3A_3259 = vector.broadcast %squeeze3A_3205 : f32 to vector<16xf32>
      %mul3A_3260 = arith.mulf %mul3A_3259, %mul3A_3258 : vector<16xf32>
      %add3A_3261 = arith.addf %add3A_3247, %mul3A_3260 : vector<16xf32>
      %slice3A_3262 = vector.extract_strided_slice %get3A_138 {offsets = [10], sizes = [1], strides = [1]} : vector<16xf32> to vector<1xf32>
      %squeeze3A_3263 = vector.extract %slice3A_3262[0] : f32 from vector<1xf32>
      %get3A_3264 = arith.index_cast %add3A_3087 : i32 to index
      %get3A_3265 = arith.constant 0 : index
      %get3A_3266 = tpu.vector_load %arg8[%get3A_3264, %get3A_3265] {strides = array<i32>} : memref<128x128xf32, #tpu.memory_space<vmem>>, vector<1x16xf32>,
      %get3A_3267 = vector.shape_cast %get3A_3266 : vector<1x16xf32> to vector<16xf32>
      %add3A_3268 = arith.constant 384 : i32
      %add3A_3269 = arith.addi %add3A_3268, %add3A_3087 : i32
      %get3A_3270 = arith.index_cast %add3A_3269 : i32 to index
      %get3A_3271 = arith.constant 0 : index
      %get3A_3272 = tpu.vector_load %arg9[%get3A_3270, %get3A_3271] {strides = array<i32>} : memref<640x128xf32, #tpu.memory_space<vmem>>, vector<1x16xf32>,
      %get3A_3273 = vector.shape_cast %get3A_3272 : vector<1x16xf32> to vector<16xf32>
      %mul3A_3274 = arith.mulf %get3A_3267, %get3A_3273 : vector<16xf32>
      %mul3A_3275 = vector.broadcast %squeeze3A_3263 : f32 to vector<16xf32>
      %mul3A_3276 = arith.mulf %mul3A_3275, %mul3A_3274 : vector<16xf32>
      %add3A_3277 = arith.addf %add3A_3261, %mul3A_3276 : vector<16xf32>
      %get3A_3278 = arith.index_cast %add3A_3087 : i32 to index
      %get3A_3279 = arith.constant 16 : index
      %get3A_3280 = tpu.vector_load %arg8[%get3A_3278, %get3A_3279] {strides = array<i32>} : memref<128x128xf32, #tpu.memory_space<vmem>>, vector<1x16xf32>,
      %get3A_3281 = vector.shape_cast %get3A_3280 : vector<1x16xf32> to vector<16xf32>
      %add3A_3282 = arith.constant 384 : i32
      %add3A_3283 = arith.addi %add3A_3282, %add3A_3087 : i32
      %get3A_3284 = arith.index_cast %add3A_3283 : i32 to index
      %get3A_3285 = arith.constant 16 : index
      %get3A_3286 = tpu.vector_load %arg9[%get3A_3284, %get3A_3285] {strides = array<i32>} : memref<640x128xf32, #tpu.memory_space<vmem>>, vector<1x16xf32>,
      %get3A_3287 = vector.shape_cast %get3A_3286 : vector<1x16xf32> to vector<16xf32>
      %mul3A_3288 = arith.mulf %get3A_3281, %get3A_3287 : vector<16xf32>
      %mul3A_3289 = vector.broadcast %squeeze3A_3263 : f32 to vector<16xf32>
      %mul3A_3290 = arith.mulf %mul3A_3289, %mul3A_3288 : vector<16xf32>
      %add3A_3291 = arith.addf %add3A_3277, %mul3A_3290 : vector<16xf32>
      %get3A_3292 = arith.index_cast %add3A_3087 : i32 to index
      %get3A_3293 = arith.constant 32 : index
      %get3A_3294 = tpu.vector_load %arg8[%get3A_3292, %get3A_3293] {strides = array<i32>} : memref<128x128xf32, #tpu.memory_space<vmem>>, vector<1x16xf32>,
      %get3A_3295 = vector.shape_cast %get3A_3294 : vector<1x16xf32> to vector<16xf32>
      %add3A_3296 = arith.constant 384 : i32
      %add3A_3297 = arith.addi %add3A_3296, %add3A_3087 : i32
      %get3A_3298 = arith.index_cast %add3A_3297 : i32 to index
      %get3A_3299 = arith.constant 32 : index
      %get3A_3300 = tpu.vector_load %arg9[%get3A_3298, %get3A_3299] {strides = array<i32>} : memref<640x128xf32, #tpu.memory_space<vmem>>, vector<1x16xf32>,
      %get3A_3301 = vector.shape_cast %get3A_3300 : vector<1x16xf32> to vector<16xf32>
      %mul3A_3302 = arith.mulf %get3A_3295, %get3A_3301 : vector<16xf32>
      %mul3A_3303 = vector.broadcast %squeeze3A_3263 : f32 to vector<16xf32>
      %mul3A_3304 = arith.mulf %mul3A_3303, %mul3A_3302 : vector<16xf32>
      %add3A_3305 = arith.addf %add3A_3291, %mul3A_3304 : vector<16xf32>
      %get3A_3306 = arith.index_cast %add3A_3087 : i32 to index
      %get3A_3307 = arith.constant 48 : index
      %get3A_3308 = tpu.vector_load %arg8[%get3A_3306, %get3A_3307] {strides = array<i32>} : memref<128x128xf32, #tpu.memory_space<vmem>>, vector<1x16xf32>,
      %get3A_3309 = vector.shape_cast %get3A_3308 : vector<1x16xf32> to vector<16xf32>
      %add3A_3310 = arith.constant 384 : i32
      %add3A_3311 = arith.addi %add3A_3310, %add3A_3087 : i32
      %get3A_3312 = arith.index_cast %add3A_3311 : i32 to index
      %get3A_3313 = arith.constant 48 : index
      %get3A_3314 = tpu.vector_load %arg9[%get3A_3312, %get3A_3313] {strides = array<i32>} : memref<640x128xf32, #tpu.memory_space<vmem>>, vector<1x16xf32>,
      %get3A_3315 = vector.shape_cast %get3A_3314 : vector<1x16xf32> to vector<16xf32>
      %mul3A_3316 = arith.mulf %get3A_3309, %get3A_3315 : vector<16xf32>
      %mul3A_3317 = vector.broadcast %squeeze3A_3263 : f32 to vector<16xf32>
      %mul3A_3318 = arith.mulf %mul3A_3317, %mul3A_3316 : vector<16xf32>
      %add3A_3319 = arith.addf %add3A_3305, %mul3A_3318 : vector<16xf32>
      %slice3A_3320 = vector.extract_strided_slice %get3A_145 {offsets = [10], sizes = [1], strides = [1]} : vector<16xf32> to vector<1xf32>
      %squeeze3A_3321 = vector.extract %slice3A_3320[0] : f32 from vector<1xf32>
      %get3A_3322 = arith.index_cast %add3A_3087 : i32 to index
      %get3A_3323 = arith.constant 0 : index
      %get3A_3324 = tpu.vector_load %arg8[%get3A_3322, %get3A_3323] {strides = array<i32>} : memref<128x128xf32, #tpu.memory_space<vmem>>, vector<1x16xf32>,
      %get3A_3325 = vector.shape_cast %get3A_3324 : vector<1x16xf32> to vector<16xf32>
      %add3A_3326 = arith.constant 512 : i32
      %add3A_3327 = arith.addi %add3A_3326, %add3A_3087 : i32
      %get3A_3328 = arith.index_cast %add3A_3327 : i32 to index
      %get3A_3329 = arith.constant 0 : index
      %get3A_3330 = tpu.vector_load %arg9[%get3A_3328, %get3A_3329] {strides = array<i32>} : memref<640x128xf32, #tpu.memory_space<vmem>>, vector<1x16xf32>,
      %get3A_3331 = vector.shape_cast %get3A_3330 : vector<1x16xf32> to vector<16xf32>
      %mul3A_3332 = arith.mulf %get3A_3325, %get3A_3331 : vector<16xf32>
      %mul3A_3333 = vector.broadcast %squeeze3A_3321 : f32 to vector<16xf32>
      %mul3A_3334 = arith.mulf %mul3A_3333, %mul3A_3332 : vector<16xf32>
      %add3A_3335 = arith.addf %add3A_3319, %mul3A_3334 : vector<16xf32>
      %get3A_3336 = arith.index_cast %add3A_3087 : i32 to index
      %get3A_3337 = arith.constant 16 : index
      %get3A_3338 = tpu.vector_load %arg8[%get3A_3336, %get3A_3337] {strides = array<i32>} : memref<128x128xf32, #tpu.memory_space<vmem>>, vector<1x16xf32>,
      %get3A_3339 = vector.shape_cast %get3A_3338 : vector<1x16xf32> to vector<16xf32>
      %add3A_3340 = arith.constant 512 : i32
      %add3A_3341 = arith.addi %add3A_3340, %add3A_3087 : i32
      %get3A_3342 = arith.index_cast %add3A_3341 : i32 to index
      %get3A_3343 = arith.constant 16 : index
      %get3A_3344 = tpu.vector_load %arg9[%get3A_3342, %get3A_3343] {strides = array<i32>} : memref<640x128xf32, #tpu.memory_space<vmem>>, vector<1x16xf32>,
      %get3A_3345 = vector.shape_cast %get3A_3344 : vector<1x16xf32> to vector<16xf32>
      %mul3A_3346 = arith.mulf %get3A_3339, %get3A_3345 : vector<16xf32>
      %mul3A_3347 = vector.broadcast %squeeze3A_3321 : f32 to vector<16xf32>
      %mul3A_3348 = arith.mulf %mul3A_3347, %mul3A_3346 : vector<16xf32>
      %add3A_3349 = arith.addf %add3A_3335, %mul3A_3348 : vector<16xf32>
      %get3A_3350 = arith.index_cast %add3A_3087 : i32 to index
      %get3A_3351 = arith.constant 32 : index
      %get3A_3352 = tpu.vector_load %arg8[%get3A_3350, %get3A_3351] {strides = array<i32>} : memref<128x128xf32, #tpu.memory_space<vmem>>, vector<1x16xf32>,
      %get3A_3353 = vector.shape_cast %get3A_3352 : vector<1x16xf32> to vector<16xf32>
      %add3A_3354 = arith.constant 512 : i32
      %add3A_3355 = arith.addi %add3A_3354, %add3A_3087 : i32
      %get3A_3356 = arith.index_cast %add3A_3355 : i32 to index
      %get3A_3357 = arith.constant 32 : index
      %get3A_3358 = tpu.vector_load %arg9[%get3A_3356, %get3A_3357] {strides = array<i32>} : memref<640x128xf32, #tpu.memory_space<vmem>>, vector<1x16xf32>,
      %get3A_3359 = vector.shape_cast %get3A_3358 : vector<1x16xf32> to vector<16xf32>
      %mul3A_3360 = arith.mulf %get3A_3353, %get3A_3359 : vector<16xf32>
      %mul3A_3361 = vector.broadcast %squeeze3A_3321 : f32 to vector<16xf32>
      %mul3A_3362 = arith.mulf %mul3A_3361, %mul3A_3360 : vector<16xf32>
      %add3A_3363 = arith.addf %add3A_3349, %mul3A_3362 : vector<16xf32>
      %get3A_3364 = arith.index_cast %add3A_3087 : i32 to index
      %get3A_3365 = arith.constant 48 : index
      %get3A_3366 = tpu.vector_load %arg8[%get3A_3364, %get3A_3365] {strides = array<i32>} : memref<128x128xf32, #tpu.memory_space<vmem>>, vector<1x16xf32>,
      %get3A_3367 = vector.shape_cast %get3A_3366 : vector<1x16xf32> to vector<16xf32>
      %add3A_3368 = arith.constant 512 : i32
      %add3A_3369 = arith.addi %add3A_3368, %add3A_3087 : i32
      %get3A_3370 = arith.index_cast %add3A_3369 : i32 to index
      %get3A_3371 = arith.constant 48 : index
      %get3A_3372 = tpu.vector_load %arg9[%get3A_3370, %get3A_3371] {strides = array<i32>} : memref<640x128xf32, #tpu.memory_space<vmem>>, vector<1x16xf32>,
      %get3A_3373 = vector.shape_cast %get3A_3372 : vector<1x16xf32> to vector<16xf32>
      %mul3A_3374 = arith.mulf %get3A_3367, %get3A_3373 : vector<16xf32>
      %mul3A_3375 = vector.broadcast %squeeze3A_3321 : f32 to vector<16xf32>
      %mul3A_3376 = arith.mulf %mul3A_3375, %mul3A_3374 : vector<16xf32>
      %add3A_3377 = arith.addf %add3A_3363, %mul3A_3376 : vector<16xf32>
      %mul3A_3378 = arith.constant 16 : i32
      %mul3A_3379 = arith.muli %scan3A_110, %mul3A_3378 : i32
      %add3A_3380 = arith.constant 11 : i32
      %add3A_3381 = arith.addi %mul3A_3379, %add3A_3380 : i32
      %slice3A_3382 = vector.extract_strided_slice %get3A_117 {offsets = [11], sizes = [1], strides = [1]} : vector<16xf32> to vector<1xf32>
      %squeeze3A_3383 = vector.extract %slice3A_3382[0] : f32 from vector<1xf32>
      %get3A_3384 = arith.index_cast %add3A_3381 : i32 to index
      %get3A_3385 = arith.constant 0 : index
      %get3A_3386 = tpu.vector_load %arg8[%get3A_3384, %get3A_3385] {strides = array<i32>} : memref<128x128xf32, #tpu.memory_space<vmem>>, vector<1x16xf32>,
      %get3A_3387 = vector.shape_cast %get3A_3386 : vector<1x16xf32> to vector<16xf32>
      %add3A_3388 = arith.constant 0 : i32
      %add3A_3389 = arith.addi %add3A_3388, %add3A_3381 : i32
      %get3A_3390 = arith.index_cast %add3A_3389 : i32 to index
      %get3A_3391 = arith.constant 0 : index
      %get3A_3392 = tpu.vector_load %arg9[%get3A_3390, %get3A_3391] {strides = array<i32>} : memref<640x128xf32, #tpu.memory_space<vmem>>, vector<1x16xf32>,
      %get3A_3393 = vector.shape_cast %get3A_3392 : vector<1x16xf32> to vector<16xf32>
      %mul3A_3394 = arith.mulf %get3A_3387, %get3A_3393 : vector<16xf32>
      %mul3A_3395 = vector.broadcast %squeeze3A_3383 : f32 to vector<16xf32>
      %mul3A_3396 = arith.mulf %mul3A_3395, %mul3A_3394 : vector<16xf32>
      %add3A_3397 = arith.addf %add3A_3377, %mul3A_3396 : vector<16xf32>
      %get3A_3398 = arith.index_cast %add3A_3381 : i32 to index
      %get3A_3399 = arith.constant 16 : index
      %get3A_3400 = tpu.vector_load %arg8[%get3A_3398, %get3A_3399] {strides = array<i32>} : memref<128x128xf32, #tpu.memory_space<vmem>>, vector<1x16xf32>,
      %get3A_3401 = vector.shape_cast %get3A_3400 : vector<1x16xf32> to vector<16xf32>
      %add3A_3402 = arith.constant 0 : i32
      %add3A_3403 = arith.addi %add3A_3402, %add3A_3381 : i32
      %get3A_3404 = arith.index_cast %add3A_3403 : i32 to index
      %get3A_3405 = arith.constant 16 : index
      %get3A_3406 = tpu.vector_load %arg9[%get3A_3404, %get3A_3405] {strides = array<i32>} : memref<640x128xf32, #tpu.memory_space<vmem>>, vector<1x16xf32>,
      %get3A_3407 = vector.shape_cast %get3A_3406 : vector<1x16xf32> to vector<16xf32>
      %mul3A_3408 = arith.mulf %get3A_3401, %get3A_3407 : vector<16xf32>
      %mul3A_3409 = vector.broadcast %squeeze3A_3383 : f32 to vector<16xf32>
      %mul3A_3410 = arith.mulf %mul3A_3409, %mul3A_3408 : vector<16xf32>
      %add3A_3411 = arith.addf %add3A_3397, %mul3A_3410 : vector<16xf32>
      %get3A_3412 = arith.index_cast %add3A_3381 : i32 to index
      %get3A_3413 = arith.constant 32 : index
      %get3A_3414 = tpu.vector_load %arg8[%get3A_3412, %get3A_3413] {strides = array<i32>} : memref<128x128xf32, #tpu.memory_space<vmem>>, vector<1x16xf32>,
      %get3A_3415 = vector.shape_cast %get3A_3414 : vector<1x16xf32> to vector<16xf32>
      %add3A_3416 = arith.constant 0 : i32
      %add3A_3417 = arith.addi %add3A_3416, %add3A_3381 : i32
      %get3A_3418 = arith.index_cast %add3A_3417 : i32 to index
      %get3A_3419 = arith.constant 32 : index
      %get3A_3420 = tpu.vector_load %arg9[%get3A_3418, %get3A_3419] {strides = array<i32>} : memref<640x128xf32, #tpu.memory_space<vmem>>, vector<1x16xf32>,
      %get3A_3421 = vector.shape_cast %get3A_3420 : vector<1x16xf32> to vector<16xf32>
      %mul3A_3422 = arith.mulf %get3A_3415, %get3A_3421 : vector<16xf32>
      %mul3A_3423 = vector.broadcast %squeeze3A_3383 : f32 to vector<16xf32>
      %mul3A_3424 = arith.mulf %mul3A_3423, %mul3A_3422 : vector<16xf32>
      %add3A_3425 = arith.addf %add3A_3411, %mul3A_3424 : vector<16xf32>
      %get3A_3426 = arith.index_cast %add3A_3381 : i32 to index
      %get3A_3427 = arith.constant 48 : index
      %get3A_3428 = tpu.vector_load %arg8[%get3A_3426, %get3A_3427] {strides = array<i32>} : memref<128x128xf32, #tpu.memory_space<vmem>>, vector<1x16xf32>,
      %get3A_3429 = vector.shape_cast %get3A_3428 : vector<1x16xf32> to vector<16xf32>
      %add3A_3430 = arith.constant 0 : i32
      %add3A_3431 = arith.addi %add3A_3430, %add3A_3381 : i32
      %get3A_3432 = arith.index_cast %add3A_3431 : i32 to index
      %get3A_3433 = arith.constant 48 : index
      %get3A_3434 = tpu.vector_load %arg9[%get3A_3432, %get3A_3433] {strides = array<i32>} : memref<640x128xf32, #tpu.memory_space<vmem>>, vector<1x16xf32>,
      %get3A_3435 = vector.shape_cast %get3A_3434 : vector<1x16xf32> to vector<16xf32>
      %mul3A_3436 = arith.mulf %get3A_3429, %get3A_3435 : vector<16xf32>
      %mul3A_3437 = vector.broadcast %squeeze3A_3383 : f32 to vector<16xf32>
      %mul3A_3438 = arith.mulf %mul3A_3437, %mul3A_3436 : vector<16xf32>
      %add3A_3439 = arith.addf %add3A_3425, %mul3A_3438 : vector<16xf32>
      %slice3A_3440 = vector.extract_strided_slice %get3A_124 {offsets = [11], sizes = [1], strides = [1]} : vector<16xf32> to vector<1xf32>
      %squeeze3A_3441 = vector.extract %slice3A_3440[0] : f32 from vector<1xf32>
      %get3A_3442 = arith.index_cast %add3A_3381 : i32 to index
      %get3A_3443 = arith.constant 0 : index
      %get3A_3444 = tpu.vector_load %arg8[%get3A_3442, %get3A_3443] {strides = array<i32>} : memref<128x128xf32, #tpu.memory_space<vmem>>, vector<1x16xf32>,
      %get3A_3445 = vector.shape_cast %get3A_3444 : vector<1x16xf32> to vector<16xf32>
      %add3A_3446 = arith.constant 128 : i32
      %add3A_3447 = arith.addi %add3A_3446, %add3A_3381 : i32
      %get3A_3448 = arith.index_cast %add3A_3447 : i32 to index
      %get3A_3449 = arith.constant 0 : index
      %get3A_3450 = tpu.vector_load %arg9[%get3A_3448, %get3A_3449] {strides = array<i32>} : memref<640x128xf32, #tpu.memory_space<vmem>>, vector<1x16xf32>,
      %get3A_3451 = vector.shape_cast %get3A_3450 : vector<1x16xf32> to vector<16xf32>
      %mul3A_3452 = arith.mulf %get3A_3445, %get3A_3451 : vector<16xf32>
      %mul3A_3453 = vector.broadcast %squeeze3A_3441 : f32 to vector<16xf32>
      %mul3A_3454 = arith.mulf %mul3A_3453, %mul3A_3452 : vector<16xf32>
      %add3A_3455 = arith.addf %add3A_3439, %mul3A_3454 : vector<16xf32>
      %get3A_3456 = arith.index_cast %add3A_3381 : i32 to index
      %get3A_3457 = arith.constant 16 : index
      %get3A_3458 = tpu.vector_load %arg8[%get3A_3456, %get3A_3457] {strides = array<i32>} : memref<128x128xf32, #tpu.memory_space<vmem>>, vector<1x16xf32>,
      %get3A_3459 = vector.shape_cast %get3A_3458 : vector<1x16xf32> to vector<16xf32>
      %add3A_3460 = arith.constant 128 : i32
      %add3A_3461 = arith.addi %add3A_3460, %add3A_3381 : i32
      %get3A_3462 = arith.index_cast %add3A_3461 : i32 to index
      %get3A_3463 = arith.constant 16 : index
      %get3A_3464 = tpu.vector_load %arg9[%get3A_3462, %get3A_3463] {strides = array<i32>} : memref<640x128xf32, #tpu.memory_space<vmem>>, vector<1x16xf32>,
      %get3A_3465 = vector.shape_cast %get3A_3464 : vector<1x16xf32> to vector<16xf32>
      %mul3A_3466 = arith.mulf %get3A_3459, %get3A_3465 : vector<16xf32>
      %mul3A_3467 = vector.broadcast %squeeze3A_3441 : f32 to vector<16xf32>
      %mul3A_3468 = arith.mulf %mul3A_3467, %mul3A_3466 : vector<16xf32>
      %add3A_3469 = arith.addf %add3A_3455, %mul3A_3468 : vector<16xf32>
      %get3A_3470 = arith.index_cast %add3A_3381 : i32 to index
      %get3A_3471 = arith.constant 32 : index
      %get3A_3472 = tpu.vector_load %arg8[%get3A_3470, %get3A_3471] {strides = array<i32>} : memref<128x128xf32, #tpu.memory_space<vmem>>, vector<1x16xf32>,
      %get3A_3473 = vector.shape_cast %get3A_3472 : vector<1x16xf32> to vector<16xf32>
      %add3A_3474 = arith.constant 128 : i32
      %add3A_3475 = arith.addi %add3A_3474, %add3A_3381 : i32
      %get3A_3476 = arith.index_cast %add3A_3475 : i32 to index
      %get3A_3477 = arith.constant 32 : index
      %get3A_3478 = tpu.vector_load %arg9[%get3A_3476, %get3A_3477] {strides = array<i32>} : memref<640x128xf32, #tpu.memory_space<vmem>>, vector<1x16xf32>,
      %get3A_3479 = vector.shape_cast %get3A_3478 : vector<1x16xf32> to vector<16xf32>
      %mul3A_3480 = arith.mulf %get3A_3473, %get3A_3479 : vector<16xf32>
      %mul3A_3481 = vector.broadcast %squeeze3A_3441 : f32 to vector<16xf32>
      %mul3A_3482 = arith.mulf %mul3A_3481, %mul3A_3480 : vector<16xf32>
      %add3A_3483 = arith.addf %add3A_3469, %mul3A_3482 : vector<16xf32>
      %get3A_3484 = arith.index_cast %add3A_3381 : i32 to index
      %get3A_3485 = arith.constant 48 : index
      %get3A_3486 = tpu.vector_load %arg8[%get3A_3484, %get3A_3485] {strides = array<i32>} : memref<128x128xf32, #tpu.memory_space<vmem>>, vector<1x16xf32>,
      %get3A_3487 = vector.shape_cast %get3A_3486 : vector<1x16xf32> to vector<16xf32>
      %add3A_3488 = arith.constant 128 : i32
      %add3A_3489 = arith.addi %add3A_3488, %add3A_3381 : i32
      %get3A_3490 = arith.index_cast %add3A_3489 : i32 to index
      %get3A_3491 = arith.constant 48 : index
      %get3A_3492 = tpu.vector_load %arg9[%get3A_3490, %get3A_3491] {strides = array<i32>} : memref<640x128xf32, #tpu.memory_space<vmem>>, vector<1x16xf32>,
      %get3A_3493 = vector.shape_cast %get3A_3492 : vector<1x16xf32> to vector<16xf32>
      %mul3A_3494 = arith.mulf %get3A_3487, %get3A_3493 : vector<16xf32>
      %mul3A_3495 = vector.broadcast %squeeze3A_3441 : f32 to vector<16xf32>
      %mul3A_3496 = arith.mulf %mul3A_3495, %mul3A_3494 : vector<16xf32>
      %add3A_3497 = arith.addf %add3A_3483, %mul3A_3496 : vector<16xf32>
      %slice3A_3498 = vector.extract_strided_slice %get3A_131 {offsets = [11], sizes = [1], strides = [1]} : vector<16xf32> to vector<1xf32>
      %squeeze3A_3499 = vector.extract %slice3A_3498[0] : f32 from vector<1xf32>
      %get3A_3500 = arith.index_cast %add3A_3381 : i32 to index
      %get3A_3501 = arith.constant 0 : index
      %get3A_3502 = tpu.vector_load %arg8[%get3A_3500, %get3A_3501] {strides = array<i32>} : memref<128x128xf32, #tpu.memory_space<vmem>>, vector<1x16xf32>,
      %get3A_3503 = vector.shape_cast %get3A_3502 : vector<1x16xf32> to vector<16xf32>
      %add3A_3504 = arith.constant 256 : i32
      %add3A_3505 = arith.addi %add3A_3504, %add3A_3381 : i32
      %get3A_3506 = arith.index_cast %add3A_3505 : i32 to index
      %get3A_3507 = arith.constant 0 : index
      %get3A_3508 = tpu.vector_load %arg9[%get3A_3506, %get3A_3507] {strides = array<i32>} : memref<640x128xf32, #tpu.memory_space<vmem>>, vector<1x16xf32>,
      %get3A_3509 = vector.shape_cast %get3A_3508 : vector<1x16xf32> to vector<16xf32>
      %mul3A_3510 = arith.mulf %get3A_3503, %get3A_3509 : vector<16xf32>
      %mul3A_3511 = vector.broadcast %squeeze3A_3499 : f32 to vector<16xf32>
      %mul3A_3512 = arith.mulf %mul3A_3511, %mul3A_3510 : vector<16xf32>
      %add3A_3513 = arith.addf %add3A_3497, %mul3A_3512 : vector<16xf32>
      %get3A_3514 = arith.index_cast %add3A_3381 : i32 to index
      %get3A_3515 = arith.constant 16 : index
      %get3A_3516 = tpu.vector_load %arg8[%get3A_3514, %get3A_3515] {strides = array<i32>} : memref<128x128xf32, #tpu.memory_space<vmem>>, vector<1x16xf32>,
      %get3A_3517 = vector.shape_cast %get3A_3516 : vector<1x16xf32> to vector<16xf32>
      %add3A_3518 = arith.constant 256 : i32
      %add3A_3519 = arith.addi %add3A_3518, %add3A_3381 : i32
      %get3A_3520 = arith.index_cast %add3A_3519 : i32 to index
      %get3A_3521 = arith.constant 16 : index
      %get3A_3522 = tpu.vector_load %arg9[%get3A_3520, %get3A_3521] {strides = array<i32>} : memref<640x128xf32, #tpu.memory_space<vmem>>, vector<1x16xf32>,
      %get3A_3523 = vector.shape_cast %get3A_3522 : vector<1x16xf32> to vector<16xf32>
      %mul3A_3524 = arith.mulf %get3A_3517, %get3A_3523 : vector<16xf32>
      %mul3A_3525 = vector.broadcast %squeeze3A_3499 : f32 to vector<16xf32>
      %mul3A_3526 = arith.mulf %mul3A_3525, %mul3A_3524 : vector<16xf32>
      %add3A_3527 = arith.addf %add3A_3513, %mul3A_3526 : vector<16xf32>
      %get3A_3528 = arith.index_cast %add3A_3381 : i32 to index
      %get3A_3529 = arith.constant 32 : index
      %get3A_3530 = tpu.vector_load %arg8[%get3A_3528, %get3A_3529] {strides = array<i32>} : memref<128x128xf32, #tpu.memory_space<vmem>>, vector<1x16xf32>,
      %get3A_3531 = vector.shape_cast %get3A_3530 : vector<1x16xf32> to vector<16xf32>
      %add3A_3532 = arith.constant 256 : i32
      %add3A_3533 = arith.addi %add3A_3532, %add3A_3381 : i32
      %get3A_3534 = arith.index_cast %add3A_3533 : i32 to index
      %get3A_3535 = arith.constant 32 : index
      %get3A_3536 = tpu.vector_load %arg9[%get3A_3534, %get3A_3535] {strides = array<i32>} : memref<640x128xf32, #tpu.memory_space<vmem>>, vector<1x16xf32>,
      %get3A_3537 = vector.shape_cast %get3A_3536 : vector<1x16xf32> to vector<16xf32>
      %mul3A_3538 = arith.mulf %get3A_3531, %get3A_3537 : vector<16xf32>
      %mul3A_3539 = vector.broadcast %squeeze3A_3499 : f32 to vector<16xf32>
      %mul3A_3540 = arith.mulf %mul3A_3539, %mul3A_3538 : vector<16xf32>
      %add3A_3541 = arith.addf %add3A_3527, %mul3A_3540 : vector<16xf32>
      %get3A_3542 = arith.index_cast %add3A_3381 : i32 to index
      %get3A_3543 = arith.constant 48 : index
      %get3A_3544 = tpu.vector_load %arg8[%get3A_3542, %get3A_3543] {strides = array<i32>} : memref<128x128xf32, #tpu.memory_space<vmem>>, vector<1x16xf32>,
      %get3A_3545 = vector.shape_cast %get3A_3544 : vector<1x16xf32> to vector<16xf32>
      %add3A_3546 = arith.constant 256 : i32
      %add3A_3547 = arith.addi %add3A_3546, %add3A_3381 : i32
      %get3A_3548 = arith.index_cast %add3A_3547 : i32 to index
      %get3A_3549 = arith.constant 48 : index
      %get3A_3550 = tpu.vector_load %arg9[%get3A_3548, %get3A_3549] {strides = array<i32>} : memref<640x128xf32, #tpu.memory_space<vmem>>, vector<1x16xf32>,
      %get3A_3551 = vector.shape_cast %get3A_3550 : vector<1x16xf32> to vector<16xf32>
      %mul3A_3552 = arith.mulf %get3A_3545, %get3A_3551 : vector<16xf32>
      %mul3A_3553 = vector.broadcast %squeeze3A_3499 : f32 to vector<16xf32>
      %mul3A_3554 = arith.mulf %mul3A_3553, %mul3A_3552 : vector<16xf32>
      %add3A_3555 = arith.addf %add3A_3541, %mul3A_3554 : vector<16xf32>
      %slice3A_3556 = vector.extract_strided_slice %get3A_138 {offsets = [11], sizes = [1], strides = [1]} : vector<16xf32> to vector<1xf32>
      %squeeze3A_3557 = vector.extract %slice3A_3556[0] : f32 from vector<1xf32>
      %get3A_3558 = arith.index_cast %add3A_3381 : i32 to index
      %get3A_3559 = arith.constant 0 : index
      %get3A_3560 = tpu.vector_load %arg8[%get3A_3558, %get3A_3559] {strides = array<i32>} : memref<128x128xf32, #tpu.memory_space<vmem>>, vector<1x16xf32>,
      %get3A_3561 = vector.shape_cast %get3A_3560 : vector<1x16xf32> to vector<16xf32>
      %add3A_3562 = arith.constant 384 : i32
      %add3A_3563 = arith.addi %add3A_3562, %add3A_3381 : i32
      %get3A_3564 = arith.index_cast %add3A_3563 : i32 to index
      %get3A_3565 = arith.constant 0 : index
      %get3A_3566 = tpu.vector_load %arg9[%get3A_3564, %get3A_3565] {strides = array<i32>} : memref<640x128xf32, #tpu.memory_space<vmem>>, vector<1x16xf32>,
      %get3A_3567 = vector.shape_cast %get3A_3566 : vector<1x16xf32> to vector<16xf32>
      %mul3A_3568 = arith.mulf %get3A_3561, %get3A_3567 : vector<16xf32>
      %mul3A_3569 = vector.broadcast %squeeze3A_3557 : f32 to vector<16xf32>
      %mul3A_3570 = arith.mulf %mul3A_3569, %mul3A_3568 : vector<16xf32>
      %add3A_3571 = arith.addf %add3A_3555, %mul3A_3570 : vector<16xf32>
      %get3A_3572 = arith.index_cast %add3A_3381 : i32 to index
      %get3A_3573 = arith.constant 16 : index
      %get3A_3574 = tpu.vector_load %arg8[%get3A_3572, %get3A_3573] {strides = array<i32>} : memref<128x128xf32, #tpu.memory_space<vmem>>, vector<1x16xf32>,
      %get3A_3575 = vector.shape_cast %get3A_3574 : vector<1x16xf32> to vector<16xf32>
      %add3A_3576 = arith.constant 384 : i32
      %add3A_3577 = arith.addi %add3A_3576, %add3A_3381 : i32
      %get3A_3578 = arith.index_cast %add3A_3577 : i32 to index
      %get3A_3579 = arith.constant 16 : index
      %get3A_3580 = tpu.vector_load %arg9[%get3A_3578, %get3A_3579] {strides = array<i32>} : memref<640x128xf32, #tpu.memory_space<vmem>>, vector<1x16xf32>,
      %get3A_3581 = vector.shape_cast %get3A_3580 : vector<1x16xf32> to vector<16xf32>
      %mul3A_3582 = arith.mulf %get3A_3575, %get3A_3581 : vector<16xf32>
      %mul3A_3583 = vector.broadcast %squeeze3A_3557 : f32 to vector<16xf32>
      %mul3A_3584 = arith.mulf %mul3A_3583, %mul3A_3582 : vector<16xf32>
      %add3A_3585 = arith.addf %add3A_3571, %mul3A_3584 : vector<16xf32>
      %get3A_3586 = arith.index_cast %add3A_3381 : i32 to index
      %get3A_3587 = arith.constant 32 : index
      %get3A_3588 = tpu.vector_load %arg8[%get3A_3586, %get3A_3587] {strides = array<i32>} : memref<128x128xf32, #tpu.memory_space<vmem>>, vector<1x16xf32>,
      %get3A_3589 = vector.shape_cast %get3A_3588 : vector<1x16xf32> to vector<16xf32>
      %add3A_3590 = arith.constant 384 : i32
      %add3A_3591 = arith.addi %add3A_3590, %add3A_3381 : i32
      %get3A_3592 = arith.index_cast %add3A_3591 : i32 to index
      %get3A_3593 = arith.constant 32 : index
      %get3A_3594 = tpu.vector_load %arg9[%get3A_3592, %get3A_3593] {strides = array<i32>} : memref<640x128xf32, #tpu.memory_space<vmem>>, vector<1x16xf32>,
      %get3A_3595 = vector.shape_cast %get3A_3594 : vector<1x16xf32> to vector<16xf32>
      %mul3A_3596 = arith.mulf %get3A_3589, %get3A_3595 : vector<16xf32>
      %mul3A_3597 = vector.broadcast %squeeze3A_3557 : f32 to vector<16xf32>
      %mul3A_3598 = arith.mulf %mul3A_3597, %mul3A_3596 : vector<16xf32>
      %add3A_3599 = arith.addf %add3A_3585, %mul3A_3598 : vector<16xf32>
      %get3A_3600 = arith.index_cast %add3A_3381 : i32 to index
      %get3A_3601 = arith.constant 48 : index
      %get3A_3602 = tpu.vector_load %arg8[%get3A_3600, %get3A_3601] {strides = array<i32>} : memref<128x128xf32, #tpu.memory_space<vmem>>, vector<1x16xf32>,
      %get3A_3603 = vector.shape_cast %get3A_3602 : vector<1x16xf32> to vector<16xf32>
      %add3A_3604 = arith.constant 384 : i32
      %add3A_3605 = arith.addi %add3A_3604, %add3A_3381 : i32
      %get3A_3606 = arith.index_cast %add3A_3605 : i32 to index
      %get3A_3607 = arith.constant 48 : index
      %get3A_3608 = tpu.vector_load %arg9[%get3A_3606, %get3A_3607] {strides = array<i32>} : memref<640x128xf32, #tpu.memory_space<vmem>>, vector<1x16xf32>,
      %get3A_3609 = vector.shape_cast %get3A_3608 : vector<1x16xf32> to vector<16xf32>
      %mul3A_3610 = arith.mulf %get3A_3603, %get3A_3609 : vector<16xf32>
      %mul3A_3611 = vector.broadcast %squeeze3A_3557 : f32 to vector<16xf32>
      %mul3A_3612 = arith.mulf %mul3A_3611, %mul3A_3610 : vector<16xf32>
      %add3A_3613 = arith.addf %add3A_3599, %mul3A_3612 : vector<16xf32>
      %slice3A_3614 = vector.extract_strided_slice %get3A_145 {offsets = [11], sizes = [1], strides = [1]} : vector<16xf32> to vector<1xf32>
      %squeeze3A_3615 = vector.extract %slice3A_3614[0] : f32 from vector<1xf32>
      %get3A_3616 = arith.index_cast %add3A_3381 : i32 to index
      %get3A_3617 = arith.constant 0 : index
      %get3A_3618 = tpu.vector_load %arg8[%get3A_3616, %get3A_3617] {strides = array<i32>} : memref<128x128xf32, #tpu.memory_space<vmem>>, vector<1x16xf32>,
      %get3A_3619 = vector.shape_cast %get3A_3618 : vector<1x16xf32> to vector<16xf32>
      %add3A_3620 = arith.constant 512 : i32
      %add3A_3621 = arith.addi %add3A_3620, %add3A_3381 : i32
      %get3A_3622 = arith.index_cast %add3A_3621 : i32 to index
      %get3A_3623 = arith.constant 0 : index
      %get3A_3624 = tpu.vector_load %arg9[%get3A_3622, %get3A_3623] {strides = array<i32>} : memref<640x128xf32, #tpu.memory_space<vmem>>, vector<1x16xf32>,
      %get3A_3625 = vector.shape_cast %get3A_3624 : vector<1x16xf32> to vector<16xf32>
      %mul3A_3626 = arith.mulf %get3A_3619, %get3A_3625 : vector<16xf32>
      %mul3A_3627 = vector.broadcast %squeeze3A_3615 : f32 to vector<16xf32>
      %mul3A_3628 = arith.mulf %mul3A_3627, %mul3A_3626 : vector<16xf32>
      %add3A_3629 = arith.addf %add3A_3613, %mul3A_3628 : vector<16xf32>
      %get3A_3630 = arith.index_cast %add3A_3381 : i32 to index
      %get3A_3631 = arith.constant 16 : index
      %get3A_3632 = tpu.vector_load %arg8[%get3A_3630, %get3A_3631] {strides = array<i32>} : memref<128x128xf32, #tpu.memory_space<vmem>>, vector<1x16xf32>,
      %get3A_3633 = vector.shape_cast %get3A_3632 : vector<1x16xf32> to vector<16xf32>
      %add3A_3634 = arith.constant 512 : i32
      %add3A_3635 = arith.addi %add3A_3634, %add3A_3381 : i32
      %get3A_3636 = arith.index_cast %add3A_3635 : i32 to index
      %get3A_3637 = arith.constant 16 : index
      %get3A_3638 = tpu.vector_load %arg9[%get3A_3636, %get3A_3637] {strides = array<i32>} : memref<640x128xf32, #tpu.memory_space<vmem>>, vector<1x16xf32>,
      %get3A_3639 = vector.shape_cast %get3A_3638 : vector<1x16xf32> to vector<16xf32>
      %mul3A_3640 = arith.mulf %get3A_3633, %get3A_3639 : vector<16xf32>
      %mul3A_3641 = vector.broadcast %squeeze3A_3615 : f32 to vector<16xf32>
      %mul3A_3642 = arith.mulf %mul3A_3641, %mul3A_3640 : vector<16xf32>
      %add3A_3643 = arith.addf %add3A_3629, %mul3A_3642 : vector<16xf32>
      %get3A_3644 = arith.index_cast %add3A_3381 : i32 to index
      %get3A_3645 = arith.constant 32 : index
      %get3A_3646 = tpu.vector_load %arg8[%get3A_3644, %get3A_3645] {strides = array<i32>} : memref<128x128xf32, #tpu.memory_space<vmem>>, vector<1x16xf32>,
      %get3A_3647 = vector.shape_cast %get3A_3646 : vector<1x16xf32> to vector<16xf32>
      %add3A_3648 = arith.constant 512 : i32
      %add3A_3649 = arith.addi %add3A_3648, %add3A_3381 : i32
      %get3A_3650 = arith.index_cast %add3A_3649 : i32 to index
      %get3A_3651 = arith.constant 32 : index
      %get3A_3652 = tpu.vector_load %arg9[%get3A_3650, %get3A_3651] {strides = array<i32>} : memref<640x128xf32, #tpu.memory_space<vmem>>, vector<1x16xf32>,
      %get3A_3653 = vector.shape_cast %get3A_3652 : vector<1x16xf32> to vector<16xf32>
      %mul3A_3654 = arith.mulf %get3A_3647, %get3A_3653 : vector<16xf32>
      %mul3A_3655 = vector.broadcast %squeeze3A_3615 : f32 to vector<16xf32>
      %mul3A_3656 = arith.mulf %mul3A_3655, %mul3A_3654 : vector<16xf32>
      %add3A_3657 = arith.addf %add3A_3643, %mul3A_3656 : vector<16xf32>
      %get3A_3658 = arith.index_cast %add3A_3381 : i32 to index
      %get3A_3659 = arith.constant 48 : index
      %get3A_3660 = tpu.vector_load %arg8[%get3A_3658, %get3A_3659] {strides = array<i32>} : memref<128x128xf32, #tpu.memory_space<vmem>>, vector<1x16xf32>,
      %get3A_3661 = vector.shape_cast %get3A_3660 : vector<1x16xf32> to vector<16xf32>
      %add3A_3662 = arith.constant 512 : i32
      %add3A_3663 = arith.addi %add3A_3662, %add3A_3381 : i32
      %get3A_3664 = arith.index_cast %add3A_3663 : i32 to index
      %get3A_3665 = arith.constant 48 : index
      %get3A_3666 = tpu.vector_load %arg9[%get3A_3664, %get3A_3665] {strides = array<i32>} : memref<640x128xf32, #tpu.memory_space<vmem>>, vector<1x16xf32>,
      %get3A_3667 = vector.shape_cast %get3A_3666 : vector<1x16xf32> to vector<16xf32>
      %mul3A_3668 = arith.mulf %get3A_3661, %get3A_3667 : vector<16xf32>
      %mul3A_3669 = vector.broadcast %squeeze3A_3615 : f32 to vector<16xf32>
      %mul3A_3670 = arith.mulf %mul3A_3669, %mul3A_3668 : vector<16xf32>
      %add3A_3671 = arith.addf %add3A_3657, %mul3A_3670 : vector<16xf32>
      %mul3A_3672 = arith.constant 16 : i32
      %mul3A_3673 = arith.muli %scan3A_110, %mul3A_3672 : i32
      %add3A_3674 = arith.constant 12 : i32
      %add3A_3675 = arith.addi %mul3A_3673, %add3A_3674 : i32
      %slice3A_3676 = vector.extract_strided_slice %get3A_117 {offsets = [12], sizes = [1], strides = [1]} : vector<16xf32> to vector<1xf32>
      %squeeze3A_3677 = vector.extract %slice3A_3676[0] : f32 from vector<1xf32>
      %get3A_3678 = arith.index_cast %add3A_3675 : i32 to index
      %get3A_3679 = arith.constant 0 : index
      %get3A_3680 = tpu.vector_load %arg8[%get3A_3678, %get3A_3679] {strides = array<i32>} : memref<128x128xf32, #tpu.memory_space<vmem>>, vector<1x16xf32>,
      %get3A_3681 = vector.shape_cast %get3A_3680 : vector<1x16xf32> to vector<16xf32>
      %add3A_3682 = arith.constant 0 : i32
      %add3A_3683 = arith.addi %add3A_3682, %add3A_3675 : i32
      %get3A_3684 = arith.index_cast %add3A_3683 : i32 to index
      %get3A_3685 = arith.constant 0 : index
      %get3A_3686 = tpu.vector_load %arg9[%get3A_3684, %get3A_3685] {strides = array<i32>} : memref<640x128xf32, #tpu.memory_space<vmem>>, vector<1x16xf32>,
      %get3A_3687 = vector.shape_cast %get3A_3686 : vector<1x16xf32> to vector<16xf32>
      %mul3A_3688 = arith.mulf %get3A_3681, %get3A_3687 : vector<16xf32>
      %mul3A_3689 = vector.broadcast %squeeze3A_3677 : f32 to vector<16xf32>
      %mul3A_3690 = arith.mulf %mul3A_3689, %mul3A_3688 : vector<16xf32>
      %add3A_3691 = arith.addf %add3A_3671, %mul3A_3690 : vector<16xf32>
      %get3A_3692 = arith.index_cast %add3A_3675 : i32 to index
      %get3A_3693 = arith.constant 16 : index
      %get3A_3694 = tpu.vector_load %arg8[%get3A_3692, %get3A_3693] {strides = array<i32>} : memref<128x128xf32, #tpu.memory_space<vmem>>, vector<1x16xf32>,
      %get3A_3695 = vector.shape_cast %get3A_3694 : vector<1x16xf32> to vector<16xf32>
      %add3A_3696 = arith.constant 0 : i32
      %add3A_3697 = arith.addi %add3A_3696, %add3A_3675 : i32
      %get3A_3698 = arith.index_cast %add3A_3697 : i32 to index
      %get3A_3699 = arith.constant 16 : index
      %get3A_3700 = tpu.vector_load %arg9[%get3A_3698, %get3A_3699] {strides = array<i32>} : memref<640x128xf32, #tpu.memory_space<vmem>>, vector<1x16xf32>,
      %get3A_3701 = vector.shape_cast %get3A_3700 : vector<1x16xf32> to vector<16xf32>
      %mul3A_3702 = arith.mulf %get3A_3695, %get3A_3701 : vector<16xf32>
      %mul3A_3703 = vector.broadcast %squeeze3A_3677 : f32 to vector<16xf32>
      %mul3A_3704 = arith.mulf %mul3A_3703, %mul3A_3702 : vector<16xf32>
      %add3A_3705 = arith.addf %add3A_3691, %mul3A_3704 : vector<16xf32>
      %get3A_3706 = arith.index_cast %add3A_3675 : i32 to index
      %get3A_3707 = arith.constant 32 : index
      %get3A_3708 = tpu.vector_load %arg8[%get3A_3706, %get3A_3707] {strides = array<i32>} : memref<128x128xf32, #tpu.memory_space<vmem>>, vector<1x16xf32>,
      %get3A_3709 = vector.shape_cast %get3A_3708 : vector<1x16xf32> to vector<16xf32>
      %add3A_3710 = arith.constant 0 : i32
      %add3A_3711 = arith.addi %add3A_3710, %add3A_3675 : i32
      %get3A_3712 = arith.index_cast %add3A_3711 : i32 to index
      %get3A_3713 = arith.constant 32 : index
      %get3A_3714 = tpu.vector_load %arg9[%get3A_3712, %get3A_3713] {strides = array<i32>} : memref<640x128xf32, #tpu.memory_space<vmem>>, vector<1x16xf32>,
      %get3A_3715 = vector.shape_cast %get3A_3714 : vector<1x16xf32> to vector<16xf32>
      %mul3A_3716 = arith.mulf %get3A_3709, %get3A_3715 : vector<16xf32>
      %mul3A_3717 = vector.broadcast %squeeze3A_3677 : f32 to vector<16xf32>
      %mul3A_3718 = arith.mulf %mul3A_3717, %mul3A_3716 : vector<16xf32>
      %add3A_3719 = arith.addf %add3A_3705, %mul3A_3718 : vector<16xf32>
      %get3A_3720 = arith.index_cast %add3A_3675 : i32 to index
      %get3A_3721 = arith.constant 48 : index
      %get3A_3722 = tpu.vector_load %arg8[%get3A_3720, %get3A_3721] {strides = array<i32>} : memref<128x128xf32, #tpu.memory_space<vmem>>, vector<1x16xf32>,
      %get3A_3723 = vector.shape_cast %get3A_3722 : vector<1x16xf32> to vector<16xf32>
      %add3A_3724 = arith.constant 0 : i32
      %add3A_3725 = arith.addi %add3A_3724, %add3A_3675 : i32
      %get3A_3726 = arith.index_cast %add3A_3725 : i32 to index
      %get3A_3727 = arith.constant 48 : index
      %get3A_3728 = tpu.vector_load %arg9[%get3A_3726, %get3A_3727] {strides = array<i32>} : memref<640x128xf32, #tpu.memory_space<vmem>>, vector<1x16xf32>,
      %get3A_3729 = vector.shape_cast %get3A_3728 : vector<1x16xf32> to vector<16xf32>
      %mul3A_3730 = arith.mulf %get3A_3723, %get3A_3729 : vector<16xf32>
      %mul3A_3731 = vector.broadcast %squeeze3A_3677 : f32 to vector<16xf32>
      %mul3A_3732 = arith.mulf %mul3A_3731, %mul3A_3730 : vector<16xf32>
      %add3A_3733 = arith.addf %add3A_3719, %mul3A_3732 : vector<16xf32>
      %slice3A_3734 = vector.extract_strided_slice %get3A_124 {offsets = [12], sizes = [1], strides = [1]} : vector<16xf32> to vector<1xf32>
      %squeeze3A_3735 = vector.extract %slice3A_3734[0] : f32 from vector<1xf32>
      %get3A_3736 = arith.index_cast %add3A_3675 : i32 to index
      %get3A_3737 = arith.constant 0 : index
      %get3A_3738 = tpu.vector_load %arg8[%get3A_3736, %get3A_3737] {strides = array<i32>} : memref<128x128xf32, #tpu.memory_space<vmem>>, vector<1x16xf32>,
      %get3A_3739 = vector.shape_cast %get3A_3738 : vector<1x16xf32> to vector<16xf32>
      %add3A_3740 = arith.constant 128 : i32
      %add3A_3741 = arith.addi %add3A_3740, %add3A_3675 : i32
      %get3A_3742 = arith.index_cast %add3A_3741 : i32 to index
      %get3A_3743 = arith.constant 0 : index
      %get3A_3744 = tpu.vector_load %arg9[%get3A_3742, %get3A_3743] {strides = array<i32>} : memref<640x128xf32, #tpu.memory_space<vmem>>, vector<1x16xf32>,
      %get3A_3745 = vector.shape_cast %get3A_3744 : vector<1x16xf32> to vector<16xf32>
      %mul3A_3746 = arith.mulf %get3A_3739, %get3A_3745 : vector<16xf32>
      %mul3A_3747 = vector.broadcast %squeeze3A_3735 : f32 to vector<16xf32>
      %mul3A_3748 = arith.mulf %mul3A_3747, %mul3A_3746 : vector<16xf32>
      %add3A_3749 = arith.addf %add3A_3733, %mul3A_3748 : vector<16xf32>
      %get3A_3750 = arith.index_cast %add3A_3675 : i32 to index
      %get3A_3751 = arith.constant 16 : index
      %get3A_3752 = tpu.vector_load %arg8[%get3A_3750, %get3A_3751] {strides = array<i32>} : memref<128x128xf32, #tpu.memory_space<vmem>>, vector<1x16xf32>,
      %get3A_3753 = vector.shape_cast %get3A_3752 : vector<1x16xf32> to vector<16xf32>
      %add3A_3754 = arith.constant 128 : i32
      %add3A_3755 = arith.addi %add3A_3754, %add3A_3675 : i32
      %get3A_3756 = arith.index_cast %add3A_3755 : i32 to index
      %get3A_3757 = arith.constant 16 : index
      %get3A_3758 = tpu.vector_load %arg9[%get3A_3756, %get3A_3757] {strides = array<i32>} : memref<640x128xf32, #tpu.memory_space<vmem>>, vector<1x16xf32>,
      %get3A_3759 = vector.shape_cast %get3A_3758 : vector<1x16xf32> to vector<16xf32>
      %mul3A_3760 = arith.mulf %get3A_3753, %get3A_3759 : vector<16xf32>
      %mul3A_3761 = vector.broadcast %squeeze3A_3735 : f32 to vector<16xf32>
      %mul3A_3762 = arith.mulf %mul3A_3761, %mul3A_3760 : vector<16xf32>
      %add3A_3763 = arith.addf %add3A_3749, %mul3A_3762 : vector<16xf32>
      %get3A_3764 = arith.index_cast %add3A_3675 : i32 to index
      %get3A_3765 = arith.constant 32 : index
      %get3A_3766 = tpu.vector_load %arg8[%get3A_3764, %get3A_3765] {strides = array<i32>} : memref<128x128xf32, #tpu.memory_space<vmem>>, vector<1x16xf32>,
      %get3A_3767 = vector.shape_cast %get3A_3766 : vector<1x16xf32> to vector<16xf32>
      %add3A_3768 = arith.constant 128 : i32
      %add3A_3769 = arith.addi %add3A_3768, %add3A_3675 : i32
      %get3A_3770 = arith.index_cast %add3A_3769 : i32 to index
      %get3A_3771 = arith.constant 32 : index
      %get3A_3772 = tpu.vector_load %arg9[%get3A_3770, %get3A_3771] {strides = array<i32>} : memref<640x128xf32, #tpu.memory_space<vmem>>, vector<1x16xf32>,
      %get3A_3773 = vector.shape_cast %get3A_3772 : vector<1x16xf32> to vector<16xf32>
      %mul3A_3774 = arith.mulf %get3A_3767, %get3A_3773 : vector<16xf32>
      %mul3A_3775 = vector.broadcast %squeeze3A_3735 : f32 to vector<16xf32>
      %mul3A_3776 = arith.mulf %mul3A_3775, %mul3A_3774 : vector<16xf32>
      %add3A_3777 = arith.addf %add3A_3763, %mul3A_3776 : vector<16xf32>
      %get3A_3778 = arith.index_cast %add3A_3675 : i32 to index
      %get3A_3779 = arith.constant 48 : index
      %get3A_3780 = tpu.vector_load %arg8[%get3A_3778, %get3A_3779] {strides = array<i32>} : memref<128x128xf32, #tpu.memory_space<vmem>>, vector<1x16xf32>,
      %get3A_3781 = vector.shape_cast %get3A_3780 : vector<1x16xf32> to vector<16xf32>
      %add3A_3782 = arith.constant 128 : i32
      %add3A_3783 = arith.addi %add3A_3782, %add3A_3675 : i32
      %get3A_3784 = arith.index_cast %add3A_3783 : i32 to index
      %get3A_3785 = arith.constant 48 : index
      %get3A_3786 = tpu.vector_load %arg9[%get3A_3784, %get3A_3785] {strides = array<i32>} : memref<640x128xf32, #tpu.memory_space<vmem>>, vector<1x16xf32>,
      %get3A_3787 = vector.shape_cast %get3A_3786 : vector<1x16xf32> to vector<16xf32>
      %mul3A_3788 = arith.mulf %get3A_3781, %get3A_3787 : vector<16xf32>
      %mul3A_3789 = vector.broadcast %squeeze3A_3735 : f32 to vector<16xf32>
      %mul3A_3790 = arith.mulf %mul3A_3789, %mul3A_3788 : vector<16xf32>
      %add3A_3791 = arith.addf %add3A_3777, %mul3A_3790 : vector<16xf32>
      %slice3A_3792 = vector.extract_strided_slice %get3A_131 {offsets = [12], sizes = [1], strides = [1]} : vector<16xf32> to vector<1xf32>
      %squeeze3A_3793 = vector.extract %slice3A_3792[0] : f32 from vector<1xf32>
      %get3A_3794 = arith.index_cast %add3A_3675 : i32 to index
      %get3A_3795 = arith.constant 0 : index
      %get3A_3796 = tpu.vector_load %arg8[%get3A_3794, %get3A_3795] {strides = array<i32>} : memref<128x128xf32, #tpu.memory_space<vmem>>, vector<1x16xf32>,
      %get3A_3797 = vector.shape_cast %get3A_3796 : vector<1x16xf32> to vector<16xf32>
      %add3A_3798 = arith.constant 256 : i32
      %add3A_3799 = arith.addi %add3A_3798, %add3A_3675 : i32
      %get3A_3800 = arith.index_cast %add3A_3799 : i32 to index
      %get3A_3801 = arith.constant 0 : index
      %get3A_3802 = tpu.vector_load %arg9[%get3A_3800, %get3A_3801] {strides = array<i32>} : memref<640x128xf32, #tpu.memory_space<vmem>>, vector<1x16xf32>,
      %get3A_3803 = vector.shape_cast %get3A_3802 : vector<1x16xf32> to vector<16xf32>
      %mul3A_3804 = arith.mulf %get3A_3797, %get3A_3803 : vector<16xf32>
      %mul3A_3805 = vector.broadcast %squeeze3A_3793 : f32 to vector<16xf32>
      %mul3A_3806 = arith.mulf %mul3A_3805, %mul3A_3804 : vector<16xf32>
      %add3A_3807 = arith.addf %add3A_3791, %mul3A_3806 : vector<16xf32>
      %get3A_3808 = arith.index_cast %add3A_3675 : i32 to index
      %get3A_3809 = arith.constant 16 : index
      %get3A_3810 = tpu.vector_load %arg8[%get3A_3808, %get3A_3809] {strides = array<i32>} : memref<128x128xf32, #tpu.memory_space<vmem>>, vector<1x16xf32>,
      %get3A_3811 = vector.shape_cast %get3A_3810 : vector<1x16xf32> to vector<16xf32>
      %add3A_3812 = arith.constant 256 : i32
      %add3A_3813 = arith.addi %add3A_3812, %add3A_3675 : i32
      %get3A_3814 = arith.index_cast %add3A_3813 : i32 to index
      %get3A_3815 = arith.constant 16 : index
      %get3A_3816 = tpu.vector_load %arg9[%get3A_3814, %get3A_3815] {strides = array<i32>} : memref<640x128xf32, #tpu.memory_space<vmem>>, vector<1x16xf32>,
      %get3A_3817 = vector.shape_cast %get3A_3816 : vector<1x16xf32> to vector<16xf32>
      %mul3A_3818 = arith.mulf %get3A_3811, %get3A_3817 : vector<16xf32>
      %mul3A_3819 = vector.broadcast %squeeze3A_3793 : f32 to vector<16xf32>
      %mul3A_3820 = arith.mulf %mul3A_3819, %mul3A_3818 : vector<16xf32>
      %add3A_3821 = arith.addf %add3A_3807, %mul3A_3820 : vector<16xf32>
      %get3A_3822 = arith.index_cast %add3A_3675 : i32 to index
      %get3A_3823 = arith.constant 32 : index
      %get3A_3824 = tpu.vector_load %arg8[%get3A_3822, %get3A_3823] {strides = array<i32>} : memref<128x128xf32, #tpu.memory_space<vmem>>, vector<1x16xf32>,
      %get3A_3825 = vector.shape_cast %get3A_3824 : vector<1x16xf32> to vector<16xf32>
      %add3A_3826 = arith.constant 256 : i32
      %add3A_3827 = arith.addi %add3A_3826, %add3A_3675 : i32
      %get3A_3828 = arith.index_cast %add3A_3827 : i32 to index
      %get3A_3829 = arith.constant 32 : index
      %get3A_3830 = tpu.vector_load %arg9[%get3A_3828, %get3A_3829] {strides = array<i32>} : memref<640x128xf32, #tpu.memory_space<vmem>>, vector<1x16xf32>,
      %get3A_3831 = vector.shape_cast %get3A_3830 : vector<1x16xf32> to vector<16xf32>
      %mul3A_3832 = arith.mulf %get3A_3825, %get3A_3831 : vector<16xf32>
      %mul3A_3833 = vector.broadcast %squeeze3A_3793 : f32 to vector<16xf32>
      %mul3A_3834 = arith.mulf %mul3A_3833, %mul3A_3832 : vector<16xf32>
      %add3A_3835 = arith.addf %add3A_3821, %mul3A_3834 : vector<16xf32>
      %get3A_3836 = arith.index_cast %add3A_3675 : i32 to index
      %get3A_3837 = arith.constant 48 : index
      %get3A_3838 = tpu.vector_load %arg8[%get3A_3836, %get3A_3837] {strides = array<i32>} : memref<128x128xf32, #tpu.memory_space<vmem>>, vector<1x16xf32>,
      %get3A_3839 = vector.shape_cast %get3A_3838 : vector<1x16xf32> to vector<16xf32>
      %add3A_3840 = arith.constant 256 : i32
      %add3A_3841 = arith.addi %add3A_3840, %add3A_3675 : i32
      %get3A_3842 = arith.index_cast %add3A_3841 : i32 to index
      %get3A_3843 = arith.constant 48 : index
      %get3A_3844 = tpu.vector_load %arg9[%get3A_3842, %get3A_3843] {strides = array<i32>} : memref<640x128xf32, #tpu.memory_space<vmem>>, vector<1x16xf32>,
      %get3A_3845 = vector.shape_cast %get3A_3844 : vector<1x16xf32> to vector<16xf32>
      %mul3A_3846 = arith.mulf %get3A_3839, %get3A_3845 : vector<16xf32>
      %mul3A_3847 = vector.broadcast %squeeze3A_3793 : f32 to vector<16xf32>
      %mul3A_3848 = arith.mulf %mul3A_3847, %mul3A_3846 : vector<16xf32>
      %add3A_3849 = arith.addf %add3A_3835, %mul3A_3848 : vector<16xf32>
      %slice3A_3850 = vector.extract_strided_slice %get3A_138 {offsets = [12], sizes = [1], strides = [1]} : vector<16xf32> to vector<1xf32>
      %squeeze3A_3851 = vector.extract %slice3A_3850[0] : f32 from vector<1xf32>
      %get3A_3852 = arith.index_cast %add3A_3675 : i32 to index
      %get3A_3853 = arith.constant 0 : index
      %get3A_3854 = tpu.vector_load %arg8[%get3A_3852, %get3A_3853] {strides = array<i32>} : memref<128x128xf32, #tpu.memory_space<vmem>>, vector<1x16xf32>,
      %get3A_3855 = vector.shape_cast %get3A_3854 : vector<1x16xf32> to vector<16xf32>
      %add3A_3856 = arith.constant 384 : i32
      %add3A_3857 = arith.addi %add3A_3856, %add3A_3675 : i32
      %get3A_3858 = arith.index_cast %add3A_3857 : i32 to index
      %get3A_3859 = arith.constant 0 : index
      %get3A_3860 = tpu.vector_load %arg9[%get3A_3858, %get3A_3859] {strides = array<i32>} : memref<640x128xf32, #tpu.memory_space<vmem>>, vector<1x16xf32>,
      %get3A_3861 = vector.shape_cast %get3A_3860 : vector<1x16xf32> to vector<16xf32>
      %mul3A_3862 = arith.mulf %get3A_3855, %get3A_3861 : vector<16xf32>
      %mul3A_3863 = vector.broadcast %squeeze3A_3851 : f32 to vector<16xf32>
      %mul3A_3864 = arith.mulf %mul3A_3863, %mul3A_3862 : vector<16xf32>
      %add3A_3865 = arith.addf %add3A_3849, %mul3A_3864 : vector<16xf32>
      %get3A_3866 = arith.index_cast %add3A_3675 : i32 to index
      %get3A_3867 = arith.constant 16 : index
      %get3A_3868 = tpu.vector_load %arg8[%get3A_3866, %get3A_3867] {strides = array<i32>} : memref<128x128xf32, #tpu.memory_space<vmem>>, vector<1x16xf32>,
      %get3A_3869 = vector.shape_cast %get3A_3868 : vector<1x16xf32> to vector<16xf32>
      %add3A_3870 = arith.constant 384 : i32
      %add3A_3871 = arith.addi %add3A_3870, %add3A_3675 : i32
      %get3A_3872 = arith.index_cast %add3A_3871 : i32 to index
      %get3A_3873 = arith.constant 16 : index
      %get3A_3874 = tpu.vector_load %arg9[%get3A_3872, %get3A_3873] {strides = array<i32>} : memref<640x128xf32, #tpu.memory_space<vmem>>, vector<1x16xf32>,
      %get3A_3875 = vector.shape_cast %get3A_3874 : vector<1x16xf32> to vector<16xf32>
      %mul3A_3876 = arith.mulf %get3A_3869, %get3A_3875 : vector<16xf32>
      %mul3A_3877 = vector.broadcast %squeeze3A_3851 : f32 to vector<16xf32>
      %mul3A_3878 = arith.mulf %mul3A_3877, %mul3A_3876 : vector<16xf32>
      %add3A_3879 = arith.addf %add3A_3865, %mul3A_3878 : vector<16xf32>
      %get3A_3880 = arith.index_cast %add3A_3675 : i32 to index
      %get3A_3881 = arith.constant 32 : index
      %get3A_3882 = tpu.vector_load %arg8[%get3A_3880, %get3A_3881] {strides = array<i32>} : memref<128x128xf32, #tpu.memory_space<vmem>>, vector<1x16xf32>,
      %get3A_3883 = vector.shape_cast %get3A_3882 : vector<1x16xf32> to vector<16xf32>
      %add3A_3884 = arith.constant 384 : i32
      %add3A_3885 = arith.addi %add3A_3884, %add3A_3675 : i32
      %get3A_3886 = arith.index_cast %add3A_3885 : i32 to index
      %get3A_3887 = arith.constant 32 : index
      %get3A_3888 = tpu.vector_load %arg9[%get3A_3886, %get3A_3887] {strides = array<i32>} : memref<640x128xf32, #tpu.memory_space<vmem>>, vector<1x16xf32>,
      %get3A_3889 = vector.shape_cast %get3A_3888 : vector<1x16xf32> to vector<16xf32>
      %mul3A_3890 = arith.mulf %get3A_3883, %get3A_3889 : vector<16xf32>
      %mul3A_3891 = vector.broadcast %squeeze3A_3851 : f32 to vector<16xf32>
      %mul3A_3892 = arith.mulf %mul3A_3891, %mul3A_3890 : vector<16xf32>
      %add3A_3893 = arith.addf %add3A_3879, %mul3A_3892 : vector<16xf32>
      %get3A_3894 = arith.index_cast %add3A_3675 : i32 to index
      %get3A_3895 = arith.constant 48 : index
      %get3A_3896 = tpu.vector_load %arg8[%get3A_3894, %get3A_3895] {strides = array<i32>} : memref<128x128xf32, #tpu.memory_space<vmem>>, vector<1x16xf32>,
      %get3A_3897 = vector.shape_cast %get3A_3896 : vector<1x16xf32> to vector<16xf32>
      %add3A_3898 = arith.constant 384 : i32
      %add3A_3899 = arith.addi %add3A_3898, %add3A_3675 : i32
      %get3A_3900 = arith.index_cast %add3A_3899 : i32 to index
      %get3A_3901 = arith.constant 48 : index
      %get3A_3902 = tpu.vector_load %arg9[%get3A_3900, %get3A_3901] {strides = array<i32>} : memref<640x128xf32, #tpu.memory_space<vmem>>, vector<1x16xf32>,
      %get3A_3903 = vector.shape_cast %get3A_3902 : vector<1x16xf32> to vector<16xf32>
      %mul3A_3904 = arith.mulf %get3A_3897, %get3A_3903 : vector<16xf32>
      %mul3A_3905 = vector.broadcast %squeeze3A_3851 : f32 to vector<16xf32>
      %mul3A_3906 = arith.mulf %mul3A_3905, %mul3A_3904 : vector<16xf32>
      %add3A_3907 = arith.addf %add3A_3893, %mul3A_3906 : vector<16xf32>
      %slice3A_3908 = vector.extract_strided_slice %get3A_145 {offsets = [12], sizes = [1], strides = [1]} : vector<16xf32> to vector<1xf32>
      %squeeze3A_3909 = vector.extract %slice3A_3908[0] : f32 from vector<1xf32>
      %get3A_3910 = arith.index_cast %add3A_3675 : i32 to index
      %get3A_3911 = arith.constant 0 : index
      %get3A_3912 = tpu.vector_load %arg8[%get3A_3910, %get3A_3911] {strides = array<i32>} : memref<128x128xf32, #tpu.memory_space<vmem>>, vector<1x16xf32>,
      %get3A_3913 = vector.shape_cast %get3A_3912 : vector<1x16xf32> to vector<16xf32>
      %add3A_3914 = arith.constant 512 : i32
      %add3A_3915 = arith.addi %add3A_3914, %add3A_3675 : i32
      %get3A_3916 = arith.index_cast %add3A_3915 : i32 to index
      %get3A_3917 = arith.constant 0 : index
      %get3A_3918 = tpu.vector_load %arg9[%get3A_3916, %get3A_3917] {strides = array<i32>} : memref<640x128xf32, #tpu.memory_space<vmem>>, vector<1x16xf32>,
      %get3A_3919 = vector.shape_cast %get3A_3918 : vector<1x16xf32> to vector<16xf32>
      %mul3A_3920 = arith.mulf %get3A_3913, %get3A_3919 : vector<16xf32>
      %mul3A_3921 = vector.broadcast %squeeze3A_3909 : f32 to vector<16xf32>
      %mul3A_3922 = arith.mulf %mul3A_3921, %mul3A_3920 : vector<16xf32>
      %add3A_3923 = arith.addf %add3A_3907, %mul3A_3922 : vector<16xf32>
      %get3A_3924 = arith.index_cast %add3A_3675 : i32 to index
      %get3A_3925 = arith.constant 16 : index
      %get3A_3926 = tpu.vector_load %arg8[%get3A_3924, %get3A_3925] {strides = array<i32>} : memref<128x128xf32, #tpu.memory_space<vmem>>, vector<1x16xf32>,
      %get3A_3927 = vector.shape_cast %get3A_3926 : vector<1x16xf32> to vector<16xf32>
      %add3A_3928 = arith.constant 512 : i32
      %add3A_3929 = arith.addi %add3A_3928, %add3A_3675 : i32
      %get3A_3930 = arith.index_cast %add3A_3929 : i32 to index
      %get3A_3931 = arith.constant 16 : index
      %get3A_3932 = tpu.vector_load %arg9[%get3A_3930, %get3A_3931] {strides = array<i32>} : memref<640x128xf32, #tpu.memory_space<vmem>>, vector<1x16xf32>,
      %get3A_3933 = vector.shape_cast %get3A_3932 : vector<1x16xf32> to vector<16xf32>
      %mul3A_3934 = arith.mulf %get3A_3927, %get3A_3933 : vector<16xf32>
      %mul3A_3935 = vector.broadcast %squeeze3A_3909 : f32 to vector<16xf32>
      %mul3A_3936 = arith.mulf %mul3A_3935, %mul3A_3934 : vector<16xf32>
      %add3A_3937 = arith.addf %add3A_3923, %mul3A_3936 : vector<16xf32>
      %get3A_3938 = arith.index_cast %add3A_3675 : i32 to index
      %get3A_3939 = arith.constant 32 : index
      %get3A_3940 = tpu.vector_load %arg8[%get3A_3938, %get3A_3939] {strides = array<i32>} : memref<128x128xf32, #tpu.memory_space<vmem>>, vector<1x16xf32>,
      %get3A_3941 = vector.shape_cast %get3A_3940 : vector<1x16xf32> to vector<16xf32>
      %add3A_3942 = arith.constant 512 : i32
      %add3A_3943 = arith.addi %add3A_3942, %add3A_3675 : i32
      %get3A_3944 = arith.index_cast %add3A_3943 : i32 to index
      %get3A_3945 = arith.constant 32 : index
      %get3A_3946 = tpu.vector_load %arg9[%get3A_3944, %get3A_3945] {strides = array<i32>} : memref<640x128xf32, #tpu.memory_space<vmem>>, vector<1x16xf32>,
      %get3A_3947 = vector.shape_cast %get3A_3946 : vector<1x16xf32> to vector<16xf32>
      %mul3A_3948 = arith.mulf %get3A_3941, %get3A_3947 : vector<16xf32>
      %mul3A_3949 = vector.broadcast %squeeze3A_3909 : f32 to vector<16xf32>
      %mul3A_3950 = arith.mulf %mul3A_3949, %mul3A_3948 : vector<16xf32>
      %add3A_3951 = arith.addf %add3A_3937, %mul3A_3950 : vector<16xf32>
      %get3A_3952 = arith.index_cast %add3A_3675 : i32 to index
      %get3A_3953 = arith.constant 48 : index
      %get3A_3954 = tpu.vector_load %arg8[%get3A_3952, %get3A_3953] {strides = array<i32>} : memref<128x128xf32, #tpu.memory_space<vmem>>, vector<1x16xf32>,
      %get3A_3955 = vector.shape_cast %get3A_3954 : vector<1x16xf32> to vector<16xf32>
      %add3A_3956 = arith.constant 512 : i32
      %add3A_3957 = arith.addi %add3A_3956, %add3A_3675 : i32
      %get3A_3958 = arith.index_cast %add3A_3957 : i32 to index
      %get3A_3959 = arith.constant 48 : index
      %get3A_3960 = tpu.vector_load %arg9[%get3A_3958, %get3A_3959] {strides = array<i32>} : memref<640x128xf32, #tpu.memory_space<vmem>>, vector<1x16xf32>,
      %get3A_3961 = vector.shape_cast %get3A_3960 : vector<1x16xf32> to vector<16xf32>
      %mul3A_3962 = arith.mulf %get3A_3955, %get3A_3961 : vector<16xf32>
      %mul3A_3963 = vector.broadcast %squeeze3A_3909 : f32 to vector<16xf32>
      %mul3A_3964 = arith.mulf %mul3A_3963, %mul3A_3962 : vector<16xf32>
      %add3A_3965 = arith.addf %add3A_3951, %mul3A_3964 : vector<16xf32>
      %mul3A_3966 = arith.constant 16 : i32
      %mul3A_3967 = arith.muli %scan3A_110, %mul3A_3966 : i32
      %add3A_3968 = arith.constant 13 : i32
      %add3A_3969 = arith.addi %mul3A_3967, %add3A_3968 : i32
      %slice3A_3970 = vector.extract_strided_slice %get3A_117 {offsets = [13], sizes = [1], strides = [1]} : vector<16xf32> to vector<1xf32>
      %squeeze3A_3971 = vector.extract %slice3A_3970[0] : f32 from vector<1xf32>
      %get3A_3972 = arith.index_cast %add3A_3969 : i32 to index
      %get3A_3973 = arith.constant 0 : index
      %get3A_3974 = tpu.vector_load %arg8[%get3A_3972, %get3A_3973] {strides = array<i32>} : memref<128x128xf32, #tpu.memory_space<vmem>>, vector<1x16xf32>,
      %get3A_3975 = vector.shape_cast %get3A_3974 : vector<1x16xf32> to vector<16xf32>
      %add3A_3976 = arith.constant 0 : i32
      %add3A_3977 = arith.addi %add3A_3976, %add3A_3969 : i32
      %get3A_3978 = arith.index_cast %add3A_3977 : i32 to index
      %get3A_3979 = arith.constant 0 : index
      %get3A_3980 = tpu.vector_load %arg9[%get3A_3978, %get3A_3979] {strides = array<i32>} : memref<640x128xf32, #tpu.memory_space<vmem>>, vector<1x16xf32>,
      %get3A_3981 = vector.shape_cast %get3A_3980 : vector<1x16xf32> to vector<16xf32>
      %mul3A_3982 = arith.mulf %get3A_3975, %get3A_3981 : vector<16xf32>
      %mul3A_3983 = vector.broadcast %squeeze3A_3971 : f32 to vector<16xf32>
      %mul3A_3984 = arith.mulf %mul3A_3983, %mul3A_3982 : vector<16xf32>
      %add3A_3985 = arith.addf %add3A_3965, %mul3A_3984 : vector<16xf32>
      %get3A_3986 = arith.index_cast %add3A_3969 : i32 to index
      %get3A_3987 = arith.constant 16 : index
      %get3A_3988 = tpu.vector_load %arg8[%get3A_3986, %get3A_3987] {strides = array<i32>} : memref<128x128xf32, #tpu.memory_space<vmem>>, vector<1x16xf32>,
      %get3A_3989 = vector.shape_cast %get3A_3988 : vector<1x16xf32> to vector<16xf32>
      %add3A_3990 = arith.constant 0 : i32
      %add3A_3991 = arith.addi %add3A_3990, %add3A_3969 : i32
      %get3A_3992 = arith.index_cast %add3A_3991 : i32 to index
      %get3A_3993 = arith.constant 16 : index
      %get3A_3994 = tpu.vector_load %arg9[%get3A_3992, %get3A_3993] {strides = array<i32>} : memref<640x128xf32, #tpu.memory_space<vmem>>, vector<1x16xf32>,
      %get3A_3995 = vector.shape_cast %get3A_3994 : vector<1x16xf32> to vector<16xf32>
      %mul3A_3996 = arith.mulf %get3A_3989, %get3A_3995 : vector<16xf32>
      %mul3A_3997 = vector.broadcast %squeeze3A_3971 : f32 to vector<16xf32>
      %mul3A_3998 = arith.mulf %mul3A_3997, %mul3A_3996 : vector<16xf32>
      %add3A_3999 = arith.addf %add3A_3985, %mul3A_3998 : vector<16xf32>
      %get3A_4000 = arith.index_cast %add3A_3969 : i32 to index
      %get3A_4001 = arith.constant 32 : index
      %get3A_4002 = tpu.vector_load %arg8[%get3A_4000, %get3A_4001] {strides = array<i32>} : memref<128x128xf32, #tpu.memory_space<vmem>>, vector<1x16xf32>,
      %get3A_4003 = vector.shape_cast %get3A_4002 : vector<1x16xf32> to vector<16xf32>
      %add3A_4004 = arith.constant 0 : i32
      %add3A_4005 = arith.addi %add3A_4004, %add3A_3969 : i32
      %get3A_4006 = arith.index_cast %add3A_4005 : i32 to index
      %get3A_4007 = arith.constant 32 : index
      %get3A_4008 = tpu.vector_load %arg9[%get3A_4006, %get3A_4007] {strides = array<i32>} : memref<640x128xf32, #tpu.memory_space<vmem>>, vector<1x16xf32>,
      %get3A_4009 = vector.shape_cast %get3A_4008 : vector<1x16xf32> to vector<16xf32>
      %mul3A_4010 = arith.mulf %get3A_4003, %get3A_4009 : vector<16xf32>
      %mul3A_4011 = vector.broadcast %squeeze3A_3971 : f32 to vector<16xf32>
      %mul3A_4012 = arith.mulf %mul3A_4011, %mul3A_4010 : vector<16xf32>
      %add3A_4013 = arith.addf %add3A_3999, %mul3A_4012 : vector<16xf32>
      %get3A_4014 = arith.index_cast %add3A_3969 : i32 to index
      %get3A_4015 = arith.constant 48 : index
      %get3A_4016 = tpu.vector_load %arg8[%get3A_4014, %get3A_4015] {strides = array<i32>} : memref<128x128xf32, #tpu.memory_space<vmem>>, vector<1x16xf32>,
      %get3A_4017 = vector.shape_cast %get3A_4016 : vector<1x16xf32> to vector<16xf32>
      %add3A_4018 = arith.constant 0 : i32
      %add3A_4019 = arith.addi %add3A_4018, %add3A_3969 : i32
      %get3A_4020 = arith.index_cast %add3A_4019 : i32 to index
      %get3A_4021 = arith.constant 48 : index
      %get3A_4022 = tpu.vector_load %arg9[%get3A_4020, %get3A_4021] {strides = array<i32>} : memref<640x128xf32, #tpu.memory_space<vmem>>, vector<1x16xf32>,
      %get3A_4023 = vector.shape_cast %get3A_4022 : vector<1x16xf32> to vector<16xf32>
      %mul3A_4024 = arith.mulf %get3A_4017, %get3A_4023 : vector<16xf32>
      %mul3A_4025 = vector.broadcast %squeeze3A_3971 : f32 to vector<16xf32>
      %mul3A_4026 = arith.mulf %mul3A_4025, %mul3A_4024 : vector<16xf32>
      %add3A_4027 = arith.addf %add3A_4013, %mul3A_4026 : vector<16xf32>
      %slice3A_4028 = vector.extract_strided_slice %get3A_124 {offsets = [13], sizes = [1], strides = [1]} : vector<16xf32> to vector<1xf32>
      %squeeze3A_4029 = vector.extract %slice3A_4028[0] : f32 from vector<1xf32>
      %get3A_4030 = arith.index_cast %add3A_3969 : i32 to index
      %get3A_4031 = arith.constant 0 : index
      %get3A_4032 = tpu.vector_load %arg8[%get3A_4030, %get3A_4031] {strides = array<i32>} : memref<128x128xf32, #tpu.memory_space<vmem>>, vector<1x16xf32>,
      %get3A_4033 = vector.shape_cast %get3A_4032 : vector<1x16xf32> to vector<16xf32>
      %add3A_4034 = arith.constant 128 : i32
      %add3A_4035 = arith.addi %add3A_4034, %add3A_3969 : i32
      %get3A_4036 = arith.index_cast %add3A_4035 : i32 to index
      %get3A_4037 = arith.constant 0 : index
      %get3A_4038 = tpu.vector_load %arg9[%get3A_4036, %get3A_4037] {strides = array<i32>} : memref<640x128xf32, #tpu.memory_space<vmem>>, vector<1x16xf32>,
      %get3A_4039 = vector.shape_cast %get3A_4038 : vector<1x16xf32> to vector<16xf32>
      %mul3A_4040 = arith.mulf %get3A_4033, %get3A_4039 : vector<16xf32>
      %mul3A_4041 = vector.broadcast %squeeze3A_4029 : f32 to vector<16xf32>
      %mul3A_4042 = arith.mulf %mul3A_4041, %mul3A_4040 : vector<16xf32>
      %add3A_4043 = arith.addf %add3A_4027, %mul3A_4042 : vector<16xf32>
      %get3A_4044 = arith.index_cast %add3A_3969 : i32 to index
      %get3A_4045 = arith.constant 16 : index
      %get3A_4046 = tpu.vector_load %arg8[%get3A_4044, %get3A_4045] {strides = array<i32>} : memref<128x128xf32, #tpu.memory_space<vmem>>, vector<1x16xf32>,
      %get3A_4047 = vector.shape_cast %get3A_4046 : vector<1x16xf32> to vector<16xf32>
      %add3A_4048 = arith.constant 128 : i32
      %add3A_4049 = arith.addi %add3A_4048, %add3A_3969 : i32
      %get3A_4050 = arith.index_cast %add3A_4049 : i32 to index
      %get3A_4051 = arith.constant 16 : index
      %get3A_4052 = tpu.vector_load %arg9[%get3A_4050, %get3A_4051] {strides = array<i32>} : memref<640x128xf32, #tpu.memory_space<vmem>>, vector<1x16xf32>,
      %get3A_4053 = vector.shape_cast %get3A_4052 : vector<1x16xf32> to vector<16xf32>
      %mul3A_4054 = arith.mulf %get3A_4047, %get3A_4053 : vector<16xf32>
      %mul3A_4055 = vector.broadcast %squeeze3A_4029 : f32 to vector<16xf32>
      %mul3A_4056 = arith.mulf %mul3A_4055, %mul3A_4054 : vector<16xf32>
      %add3A_4057 = arith.addf %add3A_4043, %mul3A_4056 : vector<16xf32>
      %get3A_4058 = arith.index_cast %add3A_3969 : i32 to index
      %get3A_4059 = arith.constant 32 : index
      %get3A_4060 = tpu.vector_load %arg8[%get3A_4058, %get3A_4059] {strides = array<i32>} : memref<128x128xf32, #tpu.memory_space<vmem>>, vector<1x16xf32>,
      %get3A_4061 = vector.shape_cast %get3A_4060 : vector<1x16xf32> to vector<16xf32>
      %add3A_4062 = arith.constant 128 : i32
      %add3A_4063 = arith.addi %add3A_4062, %add3A_3969 : i32
      %get3A_4064 = arith.index_cast %add3A_4063 : i32 to index
      %get3A_4065 = arith.constant 32 : index
      %get3A_4066 = tpu.vector_load %arg9[%get3A_4064, %get3A_4065] {strides = array<i32>} : memref<640x128xf32, #tpu.memory_space<vmem>>, vector<1x16xf32>,
      %get3A_4067 = vector.shape_cast %get3A_4066 : vector<1x16xf32> to vector<16xf32>
      %mul3A_4068 = arith.mulf %get3A_4061, %get3A_4067 : vector<16xf32>
      %mul3A_4069 = vector.broadcast %squeeze3A_4029 : f32 to vector<16xf32>
      %mul3A_4070 = arith.mulf %mul3A_4069, %mul3A_4068 : vector<16xf32>
      %add3A_4071 = arith.addf %add3A_4057, %mul3A_4070 : vector<16xf32>
      %get3A_4072 = arith.index_cast %add3A_3969 : i32 to index
      %get3A_4073 = arith.constant 48 : index
      %get3A_4074 = tpu.vector_load %arg8[%get3A_4072, %get3A_4073] {strides = array<i32>} : memref<128x128xf32, #tpu.memory_space<vmem>>, vector<1x16xf32>,
      %get3A_4075 = vector.shape_cast %get3A_4074 : vector<1x16xf32> to vector<16xf32>
      %add3A_4076 = arith.constant 128 : i32
      %add3A_4077 = arith.addi %add3A_4076, %add3A_3969 : i32
      %get3A_4078 = arith.index_cast %add3A_4077 : i32 to index
      %get3A_4079 = arith.constant 48 : index
      %get3A_4080 = tpu.vector_load %arg9[%get3A_4078, %get3A_4079] {strides = array<i32>} : memref<640x128xf32, #tpu.memory_space<vmem>>, vector<1x16xf32>,
      %get3A_4081 = vector.shape_cast %get3A_4080 : vector<1x16xf32> to vector<16xf32>
      %mul3A_4082 = arith.mulf %get3A_4075, %get3A_4081 : vector<16xf32>
      %mul3A_4083 = vector.broadcast %squeeze3A_4029 : f32 to vector<16xf32>
      %mul3A_4084 = arith.mulf %mul3A_4083, %mul3A_4082 : vector<16xf32>
      %add3A_4085 = arith.addf %add3A_4071, %mul3A_4084 : vector<16xf32>
      %slice3A_4086 = vector.extract_strided_slice %get3A_131 {offsets = [13], sizes = [1], strides = [1]} : vector<16xf32> to vector<1xf32>
      %squeeze3A_4087 = vector.extract %slice3A_4086[0] : f32 from vector<1xf32>
      %get3A_4088 = arith.index_cast %add3A_3969 : i32 to index
      %get3A_4089 = arith.constant 0 : index
      %get3A_4090 = tpu.vector_load %arg8[%get3A_4088, %get3A_4089] {strides = array<i32>} : memref<128x128xf32, #tpu.memory_space<vmem>>, vector<1x16xf32>,
      %get3A_4091 = vector.shape_cast %get3A_4090 : vector<1x16xf32> to vector<16xf32>
      %add3A_4092 = arith.constant 256 : i32
      %add3A_4093 = arith.addi %add3A_4092, %add3A_3969 : i32
      %get3A_4094 = arith.index_cast %add3A_4093 : i32 to index
      %get3A_4095 = arith.constant 0 : index
      %get3A_4096 = tpu.vector_load %arg9[%get3A_4094, %get3A_4095] {strides = array<i32>} : memref<640x128xf32, #tpu.memory_space<vmem>>, vector<1x16xf32>,
      %get3A_4097 = vector.shape_cast %get3A_4096 : vector<1x16xf32> to vector<16xf32>
      %mul3A_4098 = arith.mulf %get3A_4091, %get3A_4097 : vector<16xf32>
      %mul3A_4099 = vector.broadcast %squeeze3A_4087 : f32 to vector<16xf32>
      %mul3A_4100 = arith.mulf %mul3A_4099, %mul3A_4098 : vector<16xf32>
      %add3A_4101 = arith.addf %add3A_4085, %mul3A_4100 : vector<16xf32>
      %get3A_4102 = arith.index_cast %add3A_3969 : i32 to index
      %get3A_4103 = arith.constant 16 : index
      %get3A_4104 = tpu.vector_load %arg8[%get3A_4102, %get3A_4103] {strides = array<i32>} : memref<128x128xf32, #tpu.memory_space<vmem>>, vector<1x16xf32>,
      %get3A_4105 = vector.shape_cast %get3A_4104 : vector<1x16xf32> to vector<16xf32>
      %add3A_4106 = arith.constant 256 : i32
      %add3A_4107 = arith.addi %add3A_4106, %add3A_3969 : i32
      %get3A_4108 = arith.index_cast %add3A_4107 : i32 to index
      %get3A_4109 = arith.constant 16 : index
      %get3A_4110 = tpu.vector_load %arg9[%get3A_4108, %get3A_4109] {strides = array<i32>} : memref<640x128xf32, #tpu.memory_space<vmem>>, vector<1x16xf32>,
      %get3A_4111 = vector.shape_cast %get3A_4110 : vector<1x16xf32> to vector<16xf32>
      %mul3A_4112 = arith.mulf %get3A_4105, %get3A_4111 : vector<16xf32>
      %mul3A_4113 = vector.broadcast %squeeze3A_4087 : f32 to vector<16xf32>
      %mul3A_4114 = arith.mulf %mul3A_4113, %mul3A_4112 : vector<16xf32>
      %add3A_4115 = arith.addf %add3A_4101, %mul3A_4114 : vector<16xf32>
      %get3A_4116 = arith.index_cast %add3A_3969 : i32 to index
      %get3A_4117 = arith.constant 32 : index
      %get3A_4118 = tpu.vector_load %arg8[%get3A_4116, %get3A_4117] {strides = array<i32>} : memref<128x128xf32, #tpu.memory_space<vmem>>, vector<1x16xf32>,
      %get3A_4119 = vector.shape_cast %get3A_4118 : vector<1x16xf32> to vector<16xf32>
      %add3A_4120 = arith.constant 256 : i32
      %add3A_4121 = arith.addi %add3A_4120, %add3A_3969 : i32
      %get3A_4122 = arith.index_cast %add3A_4121 : i32 to index
      %get3A_4123 = arith.constant 32 : index
      %get3A_4124 = tpu.vector_load %arg9[%get3A_4122, %get3A_4123] {strides = array<i32>} : memref<640x128xf32, #tpu.memory_space<vmem>>, vector<1x16xf32>,
      %get3A_4125 = vector.shape_cast %get3A_4124 : vector<1x16xf32> to vector<16xf32>
      %mul3A_4126 = arith.mulf %get3A_4119, %get3A_4125 : vector<16xf32>
      %mul3A_4127 = vector.broadcast %squeeze3A_4087 : f32 to vector<16xf32>
      %mul3A_4128 = arith.mulf %mul3A_4127, %mul3A_4126 : vector<16xf32>
      %add3A_4129 = arith.addf %add3A_4115, %mul3A_4128 : vector<16xf32>
      %get3A_4130 = arith.index_cast %add3A_3969 : i32 to index
      %get3A_4131 = arith.constant 48 : index
      %get3A_4132 = tpu.vector_load %arg8[%get3A_4130, %get3A_4131] {strides = array<i32>} : memref<128x128xf32, #tpu.memory_space<vmem>>, vector<1x16xf32>,
      %get3A_4133 = vector.shape_cast %get3A_4132 : vector<1x16xf32> to vector<16xf32>
      %add3A_4134 = arith.constant 256 : i32
      %add3A_4135 = arith.addi %add3A_4134, %add3A_3969 : i32
      %get3A_4136 = arith.index_cast %add3A_4135 : i32 to index
      %get3A_4137 = arith.constant 48 : index
      %get3A_4138 = tpu.vector_load %arg9[%get3A_4136, %get3A_4137] {strides = array<i32>} : memref<640x128xf32, #tpu.memory_space<vmem>>, vector<1x16xf32>,
      %get3A_4139 = vector.shape_cast %get3A_4138 : vector<1x16xf32> to vector<16xf32>
      %mul3A_4140 = arith.mulf %get3A_4133, %get3A_4139 : vector<16xf32>
      %mul3A_4141 = vector.broadcast %squeeze3A_4087 : f32 to vector<16xf32>
      %mul3A_4142 = arith.mulf %mul3A_4141, %mul3A_4140 : vector<16xf32>
      %add3A_4143 = arith.addf %add3A_4129, %mul3A_4142 : vector<16xf32>
      %slice3A_4144 = vector.extract_strided_slice %get3A_138 {offsets = [13], sizes = [1], strides = [1]} : vector<16xf32> to vector<1xf32>
      %squeeze3A_4145 = vector.extract %slice3A_4144[0] : f32 from vector<1xf32>
      %get3A_4146 = arith.index_cast %add3A_3969 : i32 to index
      %get3A_4147 = arith.constant 0 : index
      %get3A_4148 = tpu.vector_load %arg8[%get3A_4146, %get3A_4147] {strides = array<i32>} : memref<128x128xf32, #tpu.memory_space<vmem>>, vector<1x16xf32>,
      %get3A_4149 = vector.shape_cast %get3A_4148 : vector<1x16xf32> to vector<16xf32>
      %add3A_4150 = arith.constant 384 : i32
      %add3A_4151 = arith.addi %add3A_4150, %add3A_3969 : i32
      %get3A_4152 = arith.index_cast %add3A_4151 : i32 to index
      %get3A_4153 = arith.constant 0 : index
      %get3A_4154 = tpu.vector_load %arg9[%get3A_4152, %get3A_4153] {strides = array<i32>} : memref<640x128xf32, #tpu.memory_space<vmem>>, vector<1x16xf32>,
      %get3A_4155 = vector.shape_cast %get3A_4154 : vector<1x16xf32> to vector<16xf32>
      %mul3A_4156 = arith.mulf %get3A_4149, %get3A_4155 : vector<16xf32>
      %mul3A_4157 = vector.broadcast %squeeze3A_4145 : f32 to vector<16xf32>
      %mul3A_4158 = arith.mulf %mul3A_4157, %mul3A_4156 : vector<16xf32>
      %add3A_4159 = arith.addf %add3A_4143, %mul3A_4158 : vector<16xf32>
      %get3A_4160 = arith.index_cast %add3A_3969 : i32 to index
      %get3A_4161 = arith.constant 16 : index
      %get3A_4162 = tpu.vector_load %arg8[%get3A_4160, %get3A_4161] {strides = array<i32>} : memref<128x128xf32, #tpu.memory_space<vmem>>, vector<1x16xf32>,
      %get3A_4163 = vector.shape_cast %get3A_4162 : vector<1x16xf32> to vector<16xf32>
      %add3A_4164 = arith.constant 384 : i32
      %add3A_4165 = arith.addi %add3A_4164, %add3A_3969 : i32
      %get3A_4166 = arith.index_cast %add3A_4165 : i32 to index
      %get3A_4167 = arith.constant 16 : index
      %get3A_4168 = tpu.vector_load %arg9[%get3A_4166, %get3A_4167] {strides = array<i32>} : memref<640x128xf32, #tpu.memory_space<vmem>>, vector<1x16xf32>,
      %get3A_4169 = vector.shape_cast %get3A_4168 : vector<1x16xf32> to vector<16xf32>
      %mul3A_4170 = arith.mulf %get3A_4163, %get3A_4169 : vector<16xf32>
      %mul3A_4171 = vector.broadcast %squeeze3A_4145 : f32 to vector<16xf32>
      %mul3A_4172 = arith.mulf %mul3A_4171, %mul3A_4170 : vector<16xf32>
      %add3A_4173 = arith.addf %add3A_4159, %mul3A_4172 : vector<16xf32>
      %get3A_4174 = arith.index_cast %add3A_3969 : i32 to index
      %get3A_4175 = arith.constant 32 : index
      %get3A_4176 = tpu.vector_load %arg8[%get3A_4174, %get3A_4175] {strides = array<i32>} : memref<128x128xf32, #tpu.memory_space<vmem>>, vector<1x16xf32>,
      %get3A_4177 = vector.shape_cast %get3A_4176 : vector<1x16xf32> to vector<16xf32>
      %add3A_4178 = arith.constant 384 : i32
      %add3A_4179 = arith.addi %add3A_4178, %add3A_3969 : i32
      %get3A_4180 = arith.index_cast %add3A_4179 : i32 to index
      %get3A_4181 = arith.constant 32 : index
      %get3A_4182 = tpu.vector_load %arg9[%get3A_4180, %get3A_4181] {strides = array<i32>} : memref<640x128xf32, #tpu.memory_space<vmem>>, vector<1x16xf32>,
      %get3A_4183 = vector.shape_cast %get3A_4182 : vector<1x16xf32> to vector<16xf32>
      %mul3A_4184 = arith.mulf %get3A_4177, %get3A_4183 : vector<16xf32>
      %mul3A_4185 = vector.broadcast %squeeze3A_4145 : f32 to vector<16xf32>
      %mul3A_4186 = arith.mulf %mul3A_4185, %mul3A_4184 : vector<16xf32>
      %add3A_4187 = arith.addf %add3A_4173, %mul3A_4186 : vector<16xf32>
      %get3A_4188 = arith.index_cast %add3A_3969 : i32 to index
      %get3A_4189 = arith.constant 48 : index
      %get3A_4190 = tpu.vector_load %arg8[%get3A_4188, %get3A_4189] {strides = array<i32>} : memref<128x128xf32, #tpu.memory_space<vmem>>, vector<1x16xf32>,
      %get3A_4191 = vector.shape_cast %get3A_4190 : vector<1x16xf32> to vector<16xf32>
      %add3A_4192 = arith.constant 384 : i32
      %add3A_4193 = arith.addi %add3A_4192, %add3A_3969 : i32
      %get3A_4194 = arith.index_cast %add3A_4193 : i32 to index
      %get3A_4195 = arith.constant 48 : index
      %get3A_4196 = tpu.vector_load %arg9[%get3A_4194, %get3A_4195] {strides = array<i32>} : memref<640x128xf32, #tpu.memory_space<vmem>>, vector<1x16xf32>,
      %get3A_4197 = vector.shape_cast %get3A_4196 : vector<1x16xf32> to vector<16xf32>
      %mul3A_4198 = arith.mulf %get3A_4191, %get3A_4197 : vector<16xf32>
      %mul3A_4199 = vector.broadcast %squeeze3A_4145 : f32 to vector<16xf32>
      %mul3A_4200 = arith.mulf %mul3A_4199, %mul3A_4198 : vector<16xf32>
      %add3A_4201 = arith.addf %add3A_4187, %mul3A_4200 : vector<16xf32>
      %slice3A_4202 = vector.extract_strided_slice %get3A_145 {offsets = [13], sizes = [1], strides = [1]} : vector<16xf32> to vector<1xf32>
      %squeeze3A_4203 = vector.extract %slice3A_4202[0] : f32 from vector<1xf32>
      %get3A_4204 = arith.index_cast %add3A_3969 : i32 to index
      %get3A_4205 = arith.constant 0 : index
      %get3A_4206 = tpu.vector_load %arg8[%get3A_4204, %get3A_4205] {strides = array<i32>} : memref<128x128xf32, #tpu.memory_space<vmem>>, vector<1x16xf32>,
      %get3A_4207 = vector.shape_cast %get3A_4206 : vector<1x16xf32> to vector<16xf32>
      %add3A_4208 = arith.constant 512 : i32
      %add3A_4209 = arith.addi %add3A_4208, %add3A_3969 : i32
      %get3A_4210 = arith.index_cast %add3A_4209 : i32 to index
      %get3A_4211 = arith.constant 0 : index
      %get3A_4212 = tpu.vector_load %arg9[%get3A_4210, %get3A_4211] {strides = array<i32>} : memref<640x128xf32, #tpu.memory_space<vmem>>, vector<1x16xf32>,
      %get3A_4213 = vector.shape_cast %get3A_4212 : vector<1x16xf32> to vector<16xf32>
      %mul3A_4214 = arith.mulf %get3A_4207, %get3A_4213 : vector<16xf32>
      %mul3A_4215 = vector.broadcast %squeeze3A_4203 : f32 to vector<16xf32>
      %mul3A_4216 = arith.mulf %mul3A_4215, %mul3A_4214 : vector<16xf32>
      %add3A_4217 = arith.addf %add3A_4201, %mul3A_4216 : vector<16xf32>
      %get3A_4218 = arith.index_cast %add3A_3969 : i32 to index
      %get3A_4219 = arith.constant 16 : index
      %get3A_4220 = tpu.vector_load %arg8[%get3A_4218, %get3A_4219] {strides = array<i32>} : memref<128x128xf32, #tpu.memory_space<vmem>>, vector<1x16xf32>,
      %get3A_4221 = vector.shape_cast %get3A_4220 : vector<1x16xf32> to vector<16xf32>
      %add3A_4222 = arith.constant 512 : i32
      %add3A_4223 = arith.addi %add3A_4222, %add3A_3969 : i32
      %get3A_4224 = arith.index_cast %add3A_4223 : i32 to index
      %get3A_4225 = arith.constant 16 : index
      %get3A_4226 = tpu.vector_load %arg9[%get3A_4224, %get3A_4225] {strides = array<i32>} : memref<640x128xf32, #tpu.memory_space<vmem>>, vector<1x16xf32>,
      %get3A_4227 = vector.shape_cast %get3A_4226 : vector<1x16xf32> to vector<16xf32>
      %mul3A_4228 = arith.mulf %get3A_4221, %get3A_4227 : vector<16xf32>
      %mul3A_4229 = vector.broadcast %squeeze3A_4203 : f32 to vector<16xf32>
      %mul3A_4230 = arith.mulf %mul3A_4229, %mul3A_4228 : vector<16xf32>
      %add3A_4231 = arith.addf %add3A_4217, %mul3A_4230 : vector<16xf32>
      %get3A_4232 = arith.index_cast %add3A_3969 : i32 to index
      %get3A_4233 = arith.constant 32 : index
      %get3A_4234 = tpu.vector_load %arg8[%get3A_4232, %get3A_4233] {strides = array<i32>} : memref<128x128xf32, #tpu.memory_space<vmem>>, vector<1x16xf32>,
      %get3A_4235 = vector.shape_cast %get3A_4234 : vector<1x16xf32> to vector<16xf32>
      %add3A_4236 = arith.constant 512 : i32
      %add3A_4237 = arith.addi %add3A_4236, %add3A_3969 : i32
      %get3A_4238 = arith.index_cast %add3A_4237 : i32 to index
      %get3A_4239 = arith.constant 32 : index
      %get3A_4240 = tpu.vector_load %arg9[%get3A_4238, %get3A_4239] {strides = array<i32>} : memref<640x128xf32, #tpu.memory_space<vmem>>, vector<1x16xf32>,
      %get3A_4241 = vector.shape_cast %get3A_4240 : vector<1x16xf32> to vector<16xf32>
      %mul3A_4242 = arith.mulf %get3A_4235, %get3A_4241 : vector<16xf32>
      %mul3A_4243 = vector.broadcast %squeeze3A_4203 : f32 to vector<16xf32>
      %mul3A_4244 = arith.mulf %mul3A_4243, %mul3A_4242 : vector<16xf32>
      %add3A_4245 = arith.addf %add3A_4231, %mul3A_4244 : vector<16xf32>
      %get3A_4246 = arith.index_cast %add3A_3969 : i32 to index
      %get3A_4247 = arith.constant 48 : index
      %get3A_4248 = tpu.vector_load %arg8[%get3A_4246, %get3A_4247] {strides = array<i32>} : memref<128x128xf32, #tpu.memory_space<vmem>>, vector<1x16xf32>,
      %get3A_4249 = vector.shape_cast %get3A_4248 : vector<1x16xf32> to vector<16xf32>
      %add3A_4250 = arith.constant 512 : i32
      %add3A_4251 = arith.addi %add3A_4250, %add3A_3969 : i32
      %get3A_4252 = arith.index_cast %add3A_4251 : i32 to index
      %get3A_4253 = arith.constant 48 : index
      %get3A_4254 = tpu.vector_load %arg9[%get3A_4252, %get3A_4253] {strides = array<i32>} : memref<640x128xf32, #tpu.memory_space<vmem>>, vector<1x16xf32>,
      %get3A_4255 = vector.shape_cast %get3A_4254 : vector<1x16xf32> to vector<16xf32>
      %mul3A_4256 = arith.mulf %get3A_4249, %get3A_4255 : vector<16xf32>
      %mul3A_4257 = vector.broadcast %squeeze3A_4203 : f32 to vector<16xf32>
      %mul3A_4258 = arith.mulf %mul3A_4257, %mul3A_4256 : vector<16xf32>
      %add3A_4259 = arith.addf %add3A_4245, %mul3A_4258 : vector<16xf32>
      %mul3A_4260 = arith.constant 16 : i32
      %mul3A_4261 = arith.muli %scan3A_110, %mul3A_4260 : i32
      %add3A_4262 = arith.constant 14 : i32
      %add3A_4263 = arith.addi %mul3A_4261, %add3A_4262 : i32
      %slice3A_4264 = vector.extract_strided_slice %get3A_117 {offsets = [14], sizes = [1], strides = [1]} : vector<16xf32> to vector<1xf32>
      %squeeze3A_4265 = vector.extract %slice3A_4264[0] : f32 from vector<1xf32>
      %get3A_4266 = arith.index_cast %add3A_4263 : i32 to index
      %get3A_4267 = arith.constant 0 : index
      %get3A_4268 = tpu.vector_load %arg8[%get3A_4266, %get3A_4267] {strides = array<i32>} : memref<128x128xf32, #tpu.memory_space<vmem>>, vector<1x16xf32>,
      %get3A_4269 = vector.shape_cast %get3A_4268 : vector<1x16xf32> to vector<16xf32>
      %add3A_4270 = arith.constant 0 : i32
      %add3A_4271 = arith.addi %add3A_4270, %add3A_4263 : i32
      %get3A_4272 = arith.index_cast %add3A_4271 : i32 to index
      %get3A_4273 = arith.constant 0 : index
      %get3A_4274 = tpu.vector_load %arg9[%get3A_4272, %get3A_4273] {strides = array<i32>} : memref<640x128xf32, #tpu.memory_space<vmem>>, vector<1x16xf32>,
      %get3A_4275 = vector.shape_cast %get3A_4274 : vector<1x16xf32> to vector<16xf32>
      %mul3A_4276 = arith.mulf %get3A_4269, %get3A_4275 : vector<16xf32>
      %mul3A_4277 = vector.broadcast %squeeze3A_4265 : f32 to vector<16xf32>
      %mul3A_4278 = arith.mulf %mul3A_4277, %mul3A_4276 : vector<16xf32>
      %add3A_4279 = arith.addf %add3A_4259, %mul3A_4278 : vector<16xf32>
      %get3A_4280 = arith.index_cast %add3A_4263 : i32 to index
      %get3A_4281 = arith.constant 16 : index
      %get3A_4282 = tpu.vector_load %arg8[%get3A_4280, %get3A_4281] {strides = array<i32>} : memref<128x128xf32, #tpu.memory_space<vmem>>, vector<1x16xf32>,
      %get3A_4283 = vector.shape_cast %get3A_4282 : vector<1x16xf32> to vector<16xf32>
      %add3A_4284 = arith.constant 0 : i32
      %add3A_4285 = arith.addi %add3A_4284, %add3A_4263 : i32
      %get3A_4286 = arith.index_cast %add3A_4285 : i32 to index
      %get3A_4287 = arith.constant 16 : index
      %get3A_4288 = tpu.vector_load %arg9[%get3A_4286, %get3A_4287] {strides = array<i32>} : memref<640x128xf32, #tpu.memory_space<vmem>>, vector<1x16xf32>,
      %get3A_4289 = vector.shape_cast %get3A_4288 : vector<1x16xf32> to vector<16xf32>
      %mul3A_4290 = arith.mulf %get3A_4283, %get3A_4289 : vector<16xf32>
      %mul3A_4291 = vector.broadcast %squeeze3A_4265 : f32 to vector<16xf32>
      %mul3A_4292 = arith.mulf %mul3A_4291, %mul3A_4290 : vector<16xf32>
      %add3A_4293 = arith.addf %add3A_4279, %mul3A_4292 : vector<16xf32>
      %get3A_4294 = arith.index_cast %add3A_4263 : i32 to index
      %get3A_4295 = arith.constant 32 : index
      %get3A_4296 = tpu.vector_load %arg8[%get3A_4294, %get3A_4295] {strides = array<i32>} : memref<128x128xf32, #tpu.memory_space<vmem>>, vector<1x16xf32>,
      %get3A_4297 = vector.shape_cast %get3A_4296 : vector<1x16xf32> to vector<16xf32>
      %add3A_4298 = arith.constant 0 : i32
      %add3A_4299 = arith.addi %add3A_4298, %add3A_4263 : i32
      %get3A_4300 = arith.index_cast %add3A_4299 : i32 to index
      %get3A_4301 = arith.constant 32 : index
      %get3A_4302 = tpu.vector_load %arg9[%get3A_4300, %get3A_4301] {strides = array<i32>} : memref<640x128xf32, #tpu.memory_space<vmem>>, vector<1x16xf32>,
      %get3A_4303 = vector.shape_cast %get3A_4302 : vector<1x16xf32> to vector<16xf32>
      %mul3A_4304 = arith.mulf %get3A_4297, %get3A_4303 : vector<16xf32>
      %mul3A_4305 = vector.broadcast %squeeze3A_4265 : f32 to vector<16xf32>
      %mul3A_4306 = arith.mulf %mul3A_4305, %mul3A_4304 : vector<16xf32>
      %add3A_4307 = arith.addf %add3A_4293, %mul3A_4306 : vector<16xf32>
      %get3A_4308 = arith.index_cast %add3A_4263 : i32 to index
      %get3A_4309 = arith.constant 48 : index
      %get3A_4310 = tpu.vector_load %arg8[%get3A_4308, %get3A_4309] {strides = array<i32>} : memref<128x128xf32, #tpu.memory_space<vmem>>, vector<1x16xf32>,
      %get3A_4311 = vector.shape_cast %get3A_4310 : vector<1x16xf32> to vector<16xf32>
      %add3A_4312 = arith.constant 0 : i32
      %add3A_4313 = arith.addi %add3A_4312, %add3A_4263 : i32
      %get3A_4314 = arith.index_cast %add3A_4313 : i32 to index
      %get3A_4315 = arith.constant 48 : index
      %get3A_4316 = tpu.vector_load %arg9[%get3A_4314, %get3A_4315] {strides = array<i32>} : memref<640x128xf32, #tpu.memory_space<vmem>>, vector<1x16xf32>,
      %get3A_4317 = vector.shape_cast %get3A_4316 : vector<1x16xf32> to vector<16xf32>
      %mul3A_4318 = arith.mulf %get3A_4311, %get3A_4317 : vector<16xf32>
      %mul3A_4319 = vector.broadcast %squeeze3A_4265 : f32 to vector<16xf32>
      %mul3A_4320 = arith.mulf %mul3A_4319, %mul3A_4318 : vector<16xf32>
      %add3A_4321 = arith.addf %add3A_4307, %mul3A_4320 : vector<16xf32>
      %slice3A_4322 = vector.extract_strided_slice %get3A_124 {offsets = [14], sizes = [1], strides = [1]} : vector<16xf32> to vector<1xf32>
      %squeeze3A_4323 = vector.extract %slice3A_4322[0] : f32 from vector<1xf32>
      %get3A_4324 = arith.index_cast %add3A_4263 : i32 to index
      %get3A_4325 = arith.constant 0 : index
      %get3A_4326 = tpu.vector_load %arg8[%get3A_4324, %get3A_4325] {strides = array<i32>} : memref<128x128xf32, #tpu.memory_space<vmem>>, vector<1x16xf32>,
      %get3A_4327 = vector.shape_cast %get3A_4326 : vector<1x16xf32> to vector<16xf32>
      %add3A_4328 = arith.constant 128 : i32
      %add3A_4329 = arith.addi %add3A_4328, %add3A_4263 : i32
      %get3A_4330 = arith.index_cast %add3A_4329 : i32 to index
      %get3A_4331 = arith.constant 0 : index
      %get3A_4332 = tpu.vector_load %arg9[%get3A_4330, %get3A_4331] {strides = array<i32>} : memref<640x128xf32, #tpu.memory_space<vmem>>, vector<1x16xf32>,
      %get3A_4333 = vector.shape_cast %get3A_4332 : vector<1x16xf32> to vector<16xf32>
      %mul3A_4334 = arith.mulf %get3A_4327, %get3A_4333 : vector<16xf32>
      %mul3A_4335 = vector.broadcast %squeeze3A_4323 : f32 to vector<16xf32>
      %mul3A_4336 = arith.mulf %mul3A_4335, %mul3A_4334 : vector<16xf32>
      %add3A_4337 = arith.addf %add3A_4321, %mul3A_4336 : vector<16xf32>
      %get3A_4338 = arith.index_cast %add3A_4263 : i32 to index
      %get3A_4339 = arith.constant 16 : index
      %get3A_4340 = tpu.vector_load %arg8[%get3A_4338, %get3A_4339] {strides = array<i32>} : memref<128x128xf32, #tpu.memory_space<vmem>>, vector<1x16xf32>,
      %get3A_4341 = vector.shape_cast %get3A_4340 : vector<1x16xf32> to vector<16xf32>
      %add3A_4342 = arith.constant 128 : i32
      %add3A_4343 = arith.addi %add3A_4342, %add3A_4263 : i32
      %get3A_4344 = arith.index_cast %add3A_4343 : i32 to index
      %get3A_4345 = arith.constant 16 : index
      %get3A_4346 = tpu.vector_load %arg9[%get3A_4344, %get3A_4345] {strides = array<i32>} : memref<640x128xf32, #tpu.memory_space<vmem>>, vector<1x16xf32>,
      %get3A_4347 = vector.shape_cast %get3A_4346 : vector<1x16xf32> to vector<16xf32>
      %mul3A_4348 = arith.mulf %get3A_4341, %get3A_4347 : vector<16xf32>
      %mul3A_4349 = vector.broadcast %squeeze3A_4323 : f32 to vector<16xf32>
      %mul3A_4350 = arith.mulf %mul3A_4349, %mul3A_4348 : vector<16xf32>
      %add3A_4351 = arith.addf %add3A_4337, %mul3A_4350 : vector<16xf32>
      %get3A_4352 = arith.index_cast %add3A_4263 : i32 to index
      %get3A_4353 = arith.constant 32 : index
      %get3A_4354 = tpu.vector_load %arg8[%get3A_4352, %get3A_4353] {strides = array<i32>} : memref<128x128xf32, #tpu.memory_space<vmem>>, vector<1x16xf32>,
      %get3A_4355 = vector.shape_cast %get3A_4354 : vector<1x16xf32> to vector<16xf32>
      %add3A_4356 = arith.constant 128 : i32
      %add3A_4357 = arith.addi %add3A_4356, %add3A_4263 : i32
      %get3A_4358 = arith.index_cast %add3A_4357 : i32 to index
      %get3A_4359 = arith.constant 32 : index
      %get3A_4360 = tpu.vector_load %arg9[%get3A_4358, %get3A_4359] {strides = array<i32>} : memref<640x128xf32, #tpu.memory_space<vmem>>, vector<1x16xf32>,
      %get3A_4361 = vector.shape_cast %get3A_4360 : vector<1x16xf32> to vector<16xf32>
      %mul3A_4362 = arith.mulf %get3A_4355, %get3A_4361 : vector<16xf32>
      %mul3A_4363 = vector.broadcast %squeeze3A_4323 : f32 to vector<16xf32>
      %mul3A_4364 = arith.mulf %mul3A_4363, %mul3A_4362 : vector<16xf32>
      %add3A_4365 = arith.addf %add3A_4351, %mul3A_4364 : vector<16xf32>
      %get3A_4366 = arith.index_cast %add3A_4263 : i32 to index
      %get3A_4367 = arith.constant 48 : index
      %get3A_4368 = tpu.vector_load %arg8[%get3A_4366, %get3A_4367] {strides = array<i32>} : memref<128x128xf32, #tpu.memory_space<vmem>>, vector<1x16xf32>,
      %get3A_4369 = vector.shape_cast %get3A_4368 : vector<1x16xf32> to vector<16xf32>
      %add3A_4370 = arith.constant 128 : i32
      %add3A_4371 = arith.addi %add3A_4370, %add3A_4263 : i32
      %get3A_4372 = arith.index_cast %add3A_4371 : i32 to index
      %get3A_4373 = arith.constant 48 : index
      %get3A_4374 = tpu.vector_load %arg9[%get3A_4372, %get3A_4373] {strides = array<i32>} : memref<640x128xf32, #tpu.memory_space<vmem>>, vector<1x16xf32>,
      %get3A_4375 = vector.shape_cast %get3A_4374 : vector<1x16xf32> to vector<16xf32>
      %mul3A_4376 = arith.mulf %get3A_4369, %get3A_4375 : vector<16xf32>
      %mul3A_4377 = vector.broadcast %squeeze3A_4323 : f32 to vector<16xf32>
      %mul3A_4378 = arith.mulf %mul3A_4377, %mul3A_4376 : vector<16xf32>
      %add3A_4379 = arith.addf %add3A_4365, %mul3A_4378 : vector<16xf32>
      %slice3A_4380 = vector.extract_strided_slice %get3A_131 {offsets = [14], sizes = [1], strides = [1]} : vector<16xf32> to vector<1xf32>
      %squeeze3A_4381 = vector.extract %slice3A_4380[0] : f32 from vector<1xf32>
      %get3A_4382 = arith.index_cast %add3A_4263 : i32 to index
      %get3A_4383 = arith.constant 0 : index
      %get3A_4384 = tpu.vector_load %arg8[%get3A_4382, %get3A_4383] {strides = array<i32>} : memref<128x128xf32, #tpu.memory_space<vmem>>, vector<1x16xf32>,
      %get3A_4385 = vector.shape_cast %get3A_4384 : vector<1x16xf32> to vector<16xf32>
      %add3A_4386 = arith.constant 256 : i32
      %add3A_4387 = arith.addi %add3A_4386, %add3A_4263 : i32
      %get3A_4388 = arith.index_cast %add3A_4387 : i32 to index
      %get3A_4389 = arith.constant 0 : index
      %get3A_4390 = tpu.vector_load %arg9[%get3A_4388, %get3A_4389] {strides = array<i32>} : memref<640x128xf32, #tpu.memory_space<vmem>>, vector<1x16xf32>,
      %get3A_4391 = vector.shape_cast %get3A_4390 : vector<1x16xf32> to vector<16xf32>
      %mul3A_4392 = arith.mulf %get3A_4385, %get3A_4391 : vector<16xf32>
      %mul3A_4393 = vector.broadcast %squeeze3A_4381 : f32 to vector<16xf32>
      %mul3A_4394 = arith.mulf %mul3A_4393, %mul3A_4392 : vector<16xf32>
      %add3A_4395 = arith.addf %add3A_4379, %mul3A_4394 : vector<16xf32>
      %get3A_4396 = arith.index_cast %add3A_4263 : i32 to index
      %get3A_4397 = arith.constant 16 : index
      %get3A_4398 = tpu.vector_load %arg8[%get3A_4396, %get3A_4397] {strides = array<i32>} : memref<128x128xf32, #tpu.memory_space<vmem>>, vector<1x16xf32>,
      %get3A_4399 = vector.shape_cast %get3A_4398 : vector<1x16xf32> to vector<16xf32>
      %add3A_4400 = arith.constant 256 : i32
      %add3A_4401 = arith.addi %add3A_4400, %add3A_4263 : i32
      %get3A_4402 = arith.index_cast %add3A_4401 : i32 to index
      %get3A_4403 = arith.constant 16 : index
      %get3A_4404 = tpu.vector_load %arg9[%get3A_4402, %get3A_4403] {strides = array<i32>} : memref<640x128xf32, #tpu.memory_space<vmem>>, vector<1x16xf32>,
      %get3A_4405 = vector.shape_cast %get3A_4404 : vector<1x16xf32> to vector<16xf32>
      %mul3A_4406 = arith.mulf %get3A_4399, %get3A_4405 : vector<16xf32>
      %mul3A_4407 = vector.broadcast %squeeze3A_4381 : f32 to vector<16xf32>
      %mul3A_4408 = arith.mulf %mul3A_4407, %mul3A_4406 : vector<16xf32>
      %add3A_4409 = arith.addf %add3A_4395, %mul3A_4408 : vector<16xf32>
      %get3A_4410 = arith.index_cast %add3A_4263 : i32 to index
      %get3A_4411 = arith.constant 32 : index
      %get3A_4412 = tpu.vector_load %arg8[%get3A_4410, %get3A_4411] {strides = array<i32>} : memref<128x128xf32, #tpu.memory_space<vmem>>, vector<1x16xf32>,
      %get3A_4413 = vector.shape_cast %get3A_4412 : vector<1x16xf32> to vector<16xf32>
      %add3A_4414 = arith.constant 256 : i32
      %add3A_4415 = arith.addi %add3A_4414, %add3A_4263 : i32
      %get3A_4416 = arith.index_cast %add3A_4415 : i32 to index
      %get3A_4417 = arith.constant 32 : index
      %get3A_4418 = tpu.vector_load %arg9[%get3A_4416, %get3A_4417] {strides = array<i32>} : memref<640x128xf32, #tpu.memory_space<vmem>>, vector<1x16xf32>,
      %get3A_4419 = vector.shape_cast %get3A_4418 : vector<1x16xf32> to vector<16xf32>
      %mul3A_4420 = arith.mulf %get3A_4413, %get3A_4419 : vector<16xf32>
      %mul3A_4421 = vector.broadcast %squeeze3A_4381 : f32 to vector<16xf32>
      %mul3A_4422 = arith.mulf %mul3A_4421, %mul3A_4420 : vector<16xf32>
      %add3A_4423 = arith.addf %add3A_4409, %mul3A_4422 : vector<16xf32>
      %get3A_4424 = arith.index_cast %add3A_4263 : i32 to index
      %get3A_4425 = arith.constant 48 : index
      %get3A_4426 = tpu.vector_load %arg8[%get3A_4424, %get3A_4425] {strides = array<i32>} : memref<128x128xf32, #tpu.memory_space<vmem>>, vector<1x16xf32>,
      %get3A_4427 = vector.shape_cast %get3A_4426 : vector<1x16xf32> to vector<16xf32>
      %add3A_4428 = arith.constant 256 : i32
      %add3A_4429 = arith.addi %add3A_4428, %add3A_4263 : i32
      %get3A_4430 = arith.index_cast %add3A_4429 : i32 to index
      %get3A_4431 = arith.constant 48 : index
      %get3A_4432 = tpu.vector_load %arg9[%get3A_4430, %get3A_4431] {strides = array<i32>} : memref<640x128xf32, #tpu.memory_space<vmem>>, vector<1x16xf32>,
      %get3A_4433 = vector.shape_cast %get3A_4432 : vector<1x16xf32> to vector<16xf32>
      %mul3A_4434 = arith.mulf %get3A_4427, %get3A_4433 : vector<16xf32>
      %mul3A_4435 = vector.broadcast %squeeze3A_4381 : f32 to vector<16xf32>
      %mul3A_4436 = arith.mulf %mul3A_4435, %mul3A_4434 : vector<16xf32>
      %add3A_4437 = arith.addf %add3A_4423, %mul3A_4436 : vector<16xf32>
      %slice3A_4438 = vector.extract_strided_slice %get3A_138 {offsets = [14], sizes = [1], strides = [1]} : vector<16xf32> to vector<1xf32>
      %squeeze3A_4439 = vector.extract %slice3A_4438[0] : f32 from vector<1xf32>
      %get3A_4440 = arith.index_cast %add3A_4263 : i32 to index
      %get3A_4441 = arith.constant 0 : index
      %get3A_4442 = tpu.vector_load %arg8[%get3A_4440, %get3A_4441] {strides = array<i32>} : memref<128x128xf32, #tpu.memory_space<vmem>>, vector<1x16xf32>,
      %get3A_4443 = vector.shape_cast %get3A_4442 : vector<1x16xf32> to vector<16xf32>
      %add3A_4444 = arith.constant 384 : i32
      %add3A_4445 = arith.addi %add3A_4444, %add3A_4263 : i32
      %get3A_4446 = arith.index_cast %add3A_4445 : i32 to index
      %get3A_4447 = arith.constant 0 : index
      %get3A_4448 = tpu.vector_load %arg9[%get3A_4446, %get3A_4447] {strides = array<i32>} : memref<640x128xf32, #tpu.memory_space<vmem>>, vector<1x16xf32>,
      %get3A_4449 = vector.shape_cast %get3A_4448 : vector<1x16xf32> to vector<16xf32>
      %mul3A_4450 = arith.mulf %get3A_4443, %get3A_4449 : vector<16xf32>
      %mul3A_4451 = vector.broadcast %squeeze3A_4439 : f32 to vector<16xf32>
      %mul3A_4452 = arith.mulf %mul3A_4451, %mul3A_4450 : vector<16xf32>
      %add3A_4453 = arith.addf %add3A_4437, %mul3A_4452 : vector<16xf32>
      %get3A_4454 = arith.index_cast %add3A_4263 : i32 to index
      %get3A_4455 = arith.constant 16 : index
      %get3A_4456 = tpu.vector_load %arg8[%get3A_4454, %get3A_4455] {strides = array<i32>} : memref<128x128xf32, #tpu.memory_space<vmem>>, vector<1x16xf32>,
      %get3A_4457 = vector.shape_cast %get3A_4456 : vector<1x16xf32> to vector<16xf32>
      %add3A_4458 = arith.constant 384 : i32
      %add3A_4459 = arith.addi %add3A_4458, %add3A_4263 : i32
      %get3A_4460 = arith.index_cast %add3A_4459 : i32 to index
      %get3A_4461 = arith.constant 16 : index
      %get3A_4462 = tpu.vector_load %arg9[%get3A_4460, %get3A_4461] {strides = array<i32>} : memref<640x128xf32, #tpu.memory_space<vmem>>, vector<1x16xf32>,
      %get3A_4463 = vector.shape_cast %get3A_4462 : vector<1x16xf32> to vector<16xf32>
      %mul3A_4464 = arith.mulf %get3A_4457, %get3A_4463 : vector<16xf32>
      %mul3A_4465 = vector.broadcast %squeeze3A_4439 : f32 to vector<16xf32>
      %mul3A_4466 = arith.mulf %mul3A_4465, %mul3A_4464 : vector<16xf32>
      %add3A_4467 = arith.addf %add3A_4453, %mul3A_4466 : vector<16xf32>
      %get3A_4468 = arith.index_cast %add3A_4263 : i32 to index
      %get3A_4469 = arith.constant 32 : index
      %get3A_4470 = tpu.vector_load %arg8[%get3A_4468, %get3A_4469] {strides = array<i32>} : memref<128x128xf32, #tpu.memory_space<vmem>>, vector<1x16xf32>,
      %get3A_4471 = vector.shape_cast %get3A_4470 : vector<1x16xf32> to vector<16xf32>
      %add3A_4472 = arith.constant 384 : i32
      %add3A_4473 = arith.addi %add3A_4472, %add3A_4263 : i32
      %get3A_4474 = arith.index_cast %add3A_4473 : i32 to index
      %get3A_4475 = arith.constant 32 : index
      %get3A_4476 = tpu.vector_load %arg9[%get3A_4474, %get3A_4475] {strides = array<i32>} : memref<640x128xf32, #tpu.memory_space<vmem>>, vector<1x16xf32>,
      %get3A_4477 = vector.shape_cast %get3A_4476 : vector<1x16xf32> to vector<16xf32>
      %mul3A_4478 = arith.mulf %get3A_4471, %get3A_4477 : vector<16xf32>
      %mul3A_4479 = vector.broadcast %squeeze3A_4439 : f32 to vector<16xf32>
      %mul3A_4480 = arith.mulf %mul3A_4479, %mul3A_4478 : vector<16xf32>
      %add3A_4481 = arith.addf %add3A_4467, %mul3A_4480 : vector<16xf32>
      %get3A_4482 = arith.index_cast %add3A_4263 : i32 to index
      %get3A_4483 = arith.constant 48 : index
      %get3A_4484 = tpu.vector_load %arg8[%get3A_4482, %get3A_4483] {strides = array<i32>} : memref<128x128xf32, #tpu.memory_space<vmem>>, vector<1x16xf32>,
      %get3A_4485 = vector.shape_cast %get3A_4484 : vector<1x16xf32> to vector<16xf32>
      %add3A_4486 = arith.constant 384 : i32
      %add3A_4487 = arith.addi %add3A_4486, %add3A_4263 : i32
      %get3A_4488 = arith.index_cast %add3A_4487 : i32 to index
      %get3A_4489 = arith.constant 48 : index
      %get3A_4490 = tpu.vector_load %arg9[%get3A_4488, %get3A_4489] {strides = array<i32>} : memref<640x128xf32, #tpu.memory_space<vmem>>, vector<1x16xf32>,
      %get3A_4491 = vector.shape_cast %get3A_4490 : vector<1x16xf32> to vector<16xf32>
      %mul3A_4492 = arith.mulf %get3A_4485, %get3A_4491 : vector<16xf32>
      %mul3A_4493 = vector.broadcast %squeeze3A_4439 : f32 to vector<16xf32>
      %mul3A_4494 = arith.mulf %mul3A_4493, %mul3A_4492 : vector<16xf32>
      %add3A_4495 = arith.addf %add3A_4481, %mul3A_4494 : vector<16xf32>
      %slice3A_4496 = vector.extract_strided_slice %get3A_145 {offsets = [14], sizes = [1], strides = [1]} : vector<16xf32> to vector<1xf32>
      %squeeze3A_4497 = vector.extract %slice3A_4496[0] : f32 from vector<1xf32>
      %get3A_4498 = arith.index_cast %add3A_4263 : i32 to index
      %get3A_4499 = arith.constant 0 : index
      %get3A_4500 = tpu.vector_load %arg8[%get3A_4498, %get3A_4499] {strides = array<i32>} : memref<128x128xf32, #tpu.memory_space<vmem>>, vector<1x16xf32>,
      %get3A_4501 = vector.shape_cast %get3A_4500 : vector<1x16xf32> to vector<16xf32>
      %add3A_4502 = arith.constant 512 : i32
      %add3A_4503 = arith.addi %add3A_4502, %add3A_4263 : i32
      %get3A_4504 = arith.index_cast %add3A_4503 : i32 to index
      %get3A_4505 = arith.constant 0 : index
      %get3A_4506 = tpu.vector_load %arg9[%get3A_4504, %get3A_4505] {strides = array<i32>} : memref<640x128xf32, #tpu.memory_space<vmem>>, vector<1x16xf32>,
      %get3A_4507 = vector.shape_cast %get3A_4506 : vector<1x16xf32> to vector<16xf32>
      %mul3A_4508 = arith.mulf %get3A_4501, %get3A_4507 : vector<16xf32>
      %mul3A_4509 = vector.broadcast %squeeze3A_4497 : f32 to vector<16xf32>
      %mul3A_4510 = arith.mulf %mul3A_4509, %mul3A_4508 : vector<16xf32>
      %add3A_4511 = arith.addf %add3A_4495, %mul3A_4510 : vector<16xf32>
      %get3A_4512 = arith.index_cast %add3A_4263 : i32 to index
      %get3A_4513 = arith.constant 16 : index
      %get3A_4514 = tpu.vector_load %arg8[%get3A_4512, %get3A_4513] {strides = array<i32>} : memref<128x128xf32, #tpu.memory_space<vmem>>, vector<1x16xf32>,
      %get3A_4515 = vector.shape_cast %get3A_4514 : vector<1x16xf32> to vector<16xf32>
      %add3A_4516 = arith.constant 512 : i32
      %add3A_4517 = arith.addi %add3A_4516, %add3A_4263 : i32
      %get3A_4518 = arith.index_cast %add3A_4517 : i32 to index
      %get3A_4519 = arith.constant 16 : index
      %get3A_4520 = tpu.vector_load %arg9[%get3A_4518, %get3A_4519] {strides = array<i32>} : memref<640x128xf32, #tpu.memory_space<vmem>>, vector<1x16xf32>,
      %get3A_4521 = vector.shape_cast %get3A_4520 : vector<1x16xf32> to vector<16xf32>
      %mul3A_4522 = arith.mulf %get3A_4515, %get3A_4521 : vector<16xf32>
      %mul3A_4523 = vector.broadcast %squeeze3A_4497 : f32 to vector<16xf32>
      %mul3A_4524 = arith.mulf %mul3A_4523, %mul3A_4522 : vector<16xf32>
      %add3A_4525 = arith.addf %add3A_4511, %mul3A_4524 : vector<16xf32>
      %get3A_4526 = arith.index_cast %add3A_4263 : i32 to index
      %get3A_4527 = arith.constant 32 : index
      %get3A_4528 = tpu.vector_load %arg8[%get3A_4526, %get3A_4527] {strides = array<i32>} : memref<128x128xf32, #tpu.memory_space<vmem>>, vector<1x16xf32>,
      %get3A_4529 = vector.shape_cast %get3A_4528 : vector<1x16xf32> to vector<16xf32>
      %add3A_4530 = arith.constant 512 : i32
      %add3A_4531 = arith.addi %add3A_4530, %add3A_4263 : i32
      %get3A_4532 = arith.index_cast %add3A_4531 : i32 to index
      %get3A_4533 = arith.constant 32 : index
      %get3A_4534 = tpu.vector_load %arg9[%get3A_4532, %get3A_4533] {strides = array<i32>} : memref<640x128xf32, #tpu.memory_space<vmem>>, vector<1x16xf32>,
      %get3A_4535 = vector.shape_cast %get3A_4534 : vector<1x16xf32> to vector<16xf32>
      %mul3A_4536 = arith.mulf %get3A_4529, %get3A_4535 : vector<16xf32>
      %mul3A_4537 = vector.broadcast %squeeze3A_4497 : f32 to vector<16xf32>
      %mul3A_4538 = arith.mulf %mul3A_4537, %mul3A_4536 : vector<16xf32>
      %add3A_4539 = arith.addf %add3A_4525, %mul3A_4538 : vector<16xf32>
      %get3A_4540 = arith.index_cast %add3A_4263 : i32 to index
      %get3A_4541 = arith.constant 48 : index
      %get3A_4542 = tpu.vector_load %arg8[%get3A_4540, %get3A_4541] {strides = array<i32>} : memref<128x128xf32, #tpu.memory_space<vmem>>, vector<1x16xf32>,
      %get3A_4543 = vector.shape_cast %get3A_4542 : vector<1x16xf32> to vector<16xf32>
      %add3A_4544 = arith.constant 512 : i32
      %add3A_4545 = arith.addi %add3A_4544, %add3A_4263 : i32
      %get3A_4546 = arith.index_cast %add3A_4545 : i32 to index
      %get3A_4547 = arith.constant 48 : index
      %get3A_4548 = tpu.vector_load %arg9[%get3A_4546, %get3A_4547] {strides = array<i32>} : memref<640x128xf32, #tpu.memory_space<vmem>>, vector<1x16xf32>,
      %get3A_4549 = vector.shape_cast %get3A_4548 : vector<1x16xf32> to vector<16xf32>
      %mul3A_4550 = arith.mulf %get3A_4543, %get3A_4549 : vector<16xf32>
      %mul3A_4551 = vector.broadcast %squeeze3A_4497 : f32 to vector<16xf32>
      %mul3A_4552 = arith.mulf %mul3A_4551, %mul3A_4550 : vector<16xf32>
      %add3A_4553 = arith.addf %add3A_4539, %mul3A_4552 : vector<16xf32>
      %mul3A_4554 = arith.constant 16 : i32
      %mul3A_4555 = arith.muli %scan3A_110, %mul3A_4554 : i32
      %add3A_4556 = arith.constant 15 : i32
      %add3A_4557 = arith.addi %mul3A_4555, %add3A_4556 : i32
      %slice3A_4558 = vector.extract_strided_slice %get3A_117 {offsets = [15], sizes = [1], strides = [1]} : vector<16xf32> to vector<1xf32>
      %squeeze3A_4559 = vector.extract %slice3A_4558[0] : f32 from vector<1xf32>
      %get3A_4560 = arith.index_cast %add3A_4557 : i32 to index
      %get3A_4561 = arith.constant 0 : index
      %get3A_4562 = tpu.vector_load %arg8[%get3A_4560, %get3A_4561] {strides = array<i32>} : memref<128x128xf32, #tpu.memory_space<vmem>>, vector<1x16xf32>,
      %get3A_4563 = vector.shape_cast %get3A_4562 : vector<1x16xf32> to vector<16xf32>
      %add3A_4564 = arith.constant 0 : i32
      %add3A_4565 = arith.addi %add3A_4564, %add3A_4557 : i32
      %get3A_4566 = arith.index_cast %add3A_4565 : i32 to index
      %get3A_4567 = arith.constant 0 : index
      %get3A_4568 = tpu.vector_load %arg9[%get3A_4566, %get3A_4567] {strides = array<i32>} : memref<640x128xf32, #tpu.memory_space<vmem>>, vector<1x16xf32>,
      %get3A_4569 = vector.shape_cast %get3A_4568 : vector<1x16xf32> to vector<16xf32>
      %mul3A_4570 = arith.mulf %get3A_4563, %get3A_4569 : vector<16xf32>
      %mul3A_4571 = vector.broadcast %squeeze3A_4559 : f32 to vector<16xf32>
      %mul3A_4572 = arith.mulf %mul3A_4571, %mul3A_4570 : vector<16xf32>
      %add3A_4573 = arith.addf %add3A_4553, %mul3A_4572 : vector<16xf32>
      %get3A_4574 = arith.index_cast %add3A_4557 : i32 to index
      %get3A_4575 = arith.constant 16 : index
      %get3A_4576 = tpu.vector_load %arg8[%get3A_4574, %get3A_4575] {strides = array<i32>} : memref<128x128xf32, #tpu.memory_space<vmem>>, vector<1x16xf32>,
      %get3A_4577 = vector.shape_cast %get3A_4576 : vector<1x16xf32> to vector<16xf32>
      %add3A_4578 = arith.constant 0 : i32
      %add3A_4579 = arith.addi %add3A_4578, %add3A_4557 : i32
      %get3A_4580 = arith.index_cast %add3A_4579 : i32 to index
      %get3A_4581 = arith.constant 16 : index
      %get3A_4582 = tpu.vector_load %arg9[%get3A_4580, %get3A_4581] {strides = array<i32>} : memref<640x128xf32, #tpu.memory_space<vmem>>, vector<1x16xf32>,
      %get3A_4583 = vector.shape_cast %get3A_4582 : vector<1x16xf32> to vector<16xf32>
      %mul3A_4584 = arith.mulf %get3A_4577, %get3A_4583 : vector<16xf32>
      %mul3A_4585 = vector.broadcast %squeeze3A_4559 : f32 to vector<16xf32>
      %mul3A_4586 = arith.mulf %mul3A_4585, %mul3A_4584 : vector<16xf32>
      %add3A_4587 = arith.addf %add3A_4573, %mul3A_4586 : vector<16xf32>
      %get3A_4588 = arith.index_cast %add3A_4557 : i32 to index
      %get3A_4589 = arith.constant 32 : index
      %get3A_4590 = tpu.vector_load %arg8[%get3A_4588, %get3A_4589] {strides = array<i32>} : memref<128x128xf32, #tpu.memory_space<vmem>>, vector<1x16xf32>,
      %get3A_4591 = vector.shape_cast %get3A_4590 : vector<1x16xf32> to vector<16xf32>
      %add3A_4592 = arith.constant 0 : i32
      %add3A_4593 = arith.addi %add3A_4592, %add3A_4557 : i32
      %get3A_4594 = arith.index_cast %add3A_4593 : i32 to index
      %get3A_4595 = arith.constant 32 : index
      %get3A_4596 = tpu.vector_load %arg9[%get3A_4594, %get3A_4595] {strides = array<i32>} : memref<640x128xf32, #tpu.memory_space<vmem>>, vector<1x16xf32>,
      %get3A_4597 = vector.shape_cast %get3A_4596 : vector<1x16xf32> to vector<16xf32>
      %mul3A_4598 = arith.mulf %get3A_4591, %get3A_4597 : vector<16xf32>
      %mul3A_4599 = vector.broadcast %squeeze3A_4559 : f32 to vector<16xf32>
      %mul3A_4600 = arith.mulf %mul3A_4599, %mul3A_4598 : vector<16xf32>
      %add3A_4601 = arith.addf %add3A_4587, %mul3A_4600 : vector<16xf32>
      %get3A_4602 = arith.index_cast %add3A_4557 : i32 to index
      %get3A_4603 = arith.constant 48 : index
      %get3A_4604 = tpu.vector_load %arg8[%get3A_4602, %get3A_4603] {strides = array<i32>} : memref<128x128xf32, #tpu.memory_space<vmem>>, vector<1x16xf32>,
      %get3A_4605 = vector.shape_cast %get3A_4604 : vector<1x16xf32> to vector<16xf32>
      %add3A_4606 = arith.constant 0 : i32
      %add3A_4607 = arith.addi %add3A_4606, %add3A_4557 : i32
      %get3A_4608 = arith.index_cast %add3A_4607 : i32 to index
      %get3A_4609 = arith.constant 48 : index
      %get3A_4610 = tpu.vector_load %arg9[%get3A_4608, %get3A_4609] {strides = array<i32>} : memref<640x128xf32, #tpu.memory_space<vmem>>, vector<1x16xf32>,
      %get3A_4611 = vector.shape_cast %get3A_4610 : vector<1x16xf32> to vector<16xf32>
      %mul3A_4612 = arith.mulf %get3A_4605, %get3A_4611 : vector<16xf32>
      %mul3A_4613 = vector.broadcast %squeeze3A_4559 : f32 to vector<16xf32>
      %mul3A_4614 = arith.mulf %mul3A_4613, %mul3A_4612 : vector<16xf32>
      %add3A_4615 = arith.addf %add3A_4601, %mul3A_4614 : vector<16xf32>
      %slice3A_4616 = vector.extract_strided_slice %get3A_124 {offsets = [15], sizes = [1], strides = [1]} : vector<16xf32> to vector<1xf32>
      %squeeze3A_4617 = vector.extract %slice3A_4616[0] : f32 from vector<1xf32>
      %get3A_4618 = arith.index_cast %add3A_4557 : i32 to index
      %get3A_4619 = arith.constant 0 : index
      %get3A_4620 = tpu.vector_load %arg8[%get3A_4618, %get3A_4619] {strides = array<i32>} : memref<128x128xf32, #tpu.memory_space<vmem>>, vector<1x16xf32>,
      %get3A_4621 = vector.shape_cast %get3A_4620 : vector<1x16xf32> to vector<16xf32>
      %add3A_4622 = arith.constant 128 : i32
      %add3A_4623 = arith.addi %add3A_4622, %add3A_4557 : i32
      %get3A_4624 = arith.index_cast %add3A_4623 : i32 to index
      %get3A_4625 = arith.constant 0 : index
      %get3A_4626 = tpu.vector_load %arg9[%get3A_4624, %get3A_4625] {strides = array<i32>} : memref<640x128xf32, #tpu.memory_space<vmem>>, vector<1x16xf32>,
      %get3A_4627 = vector.shape_cast %get3A_4626 : vector<1x16xf32> to vector<16xf32>
      %mul3A_4628 = arith.mulf %get3A_4621, %get3A_4627 : vector<16xf32>
      %mul3A_4629 = vector.broadcast %squeeze3A_4617 : f32 to vector<16xf32>
      %mul3A_4630 = arith.mulf %mul3A_4629, %mul3A_4628 : vector<16xf32>
      %add3A_4631 = arith.addf %add3A_4615, %mul3A_4630 : vector<16xf32>
      %get3A_4632 = arith.index_cast %add3A_4557 : i32 to index
      %get3A_4633 = arith.constant 16 : index
      %get3A_4634 = tpu.vector_load %arg8[%get3A_4632, %get3A_4633] {strides = array<i32>} : memref<128x128xf32, #tpu.memory_space<vmem>>, vector<1x16xf32>,
      %get3A_4635 = vector.shape_cast %get3A_4634 : vector<1x16xf32> to vector<16xf32>
      %add3A_4636 = arith.constant 128 : i32
      %add3A_4637 = arith.addi %add3A_4636, %add3A_4557 : i32
      %get3A_4638 = arith.index_cast %add3A_4637 : i32 to index
      %get3A_4639 = arith.constant 16 : index
      %get3A_4640 = tpu.vector_load %arg9[%get3A_4638, %get3A_4639] {strides = array<i32>} : memref<640x128xf32, #tpu.memory_space<vmem>>, vector<1x16xf32>,
      %get3A_4641 = vector.shape_cast %get3A_4640 : vector<1x16xf32> to vector<16xf32>
      %mul3A_4642 = arith.mulf %get3A_4635, %get3A_4641 : vector<16xf32>
      %mul3A_4643 = vector.broadcast %squeeze3A_4617 : f32 to vector<16xf32>
      %mul3A_4644 = arith.mulf %mul3A_4643, %mul3A_4642 : vector<16xf32>
      %add3A_4645 = arith.addf %add3A_4631, %mul3A_4644 : vector<16xf32>
      %get3A_4646 = arith.index_cast %add3A_4557 : i32 to index
      %get3A_4647 = arith.constant 32 : index
      %get3A_4648 = tpu.vector_load %arg8[%get3A_4646, %get3A_4647] {strides = array<i32>} : memref<128x128xf32, #tpu.memory_space<vmem>>, vector<1x16xf32>,
      %get3A_4649 = vector.shape_cast %get3A_4648 : vector<1x16xf32> to vector<16xf32>
      %add3A_4650 = arith.constant 128 : i32
      %add3A_4651 = arith.addi %add3A_4650, %add3A_4557 : i32
      %get3A_4652 = arith.index_cast %add3A_4651 : i32 to index
      %get3A_4653 = arith.constant 32 : index
      %get3A_4654 = tpu.vector_load %arg9[%get3A_4652, %get3A_4653] {strides = array<i32>} : memref<640x128xf32, #tpu.memory_space<vmem>>, vector<1x16xf32>,
      %get3A_4655 = vector.shape_cast %get3A_4654 : vector<1x16xf32> to vector<16xf32>
      %mul3A_4656 = arith.mulf %get3A_4649, %get3A_4655 : vector<16xf32>
      %mul3A_4657 = vector.broadcast %squeeze3A_4617 : f32 to vector<16xf32>
      %mul3A_4658 = arith.mulf %mul3A_4657, %mul3A_4656 : vector<16xf32>
      %add3A_4659 = arith.addf %add3A_4645, %mul3A_4658 : vector<16xf32>
      %get3A_4660 = arith.index_cast %add3A_4557 : i32 to index
      %get3A_4661 = arith.constant 48 : index
      %get3A_4662 = tpu.vector_load %arg8[%get3A_4660, %get3A_4661] {strides = array<i32>} : memref<128x128xf32, #tpu.memory_space<vmem>>, vector<1x16xf32>,
      %get3A_4663 = vector.shape_cast %get3A_4662 : vector<1x16xf32> to vector<16xf32>
      %add3A_4664 = arith.constant 128 : i32
      %add3A_4665 = arith.addi %add3A_4664, %add3A_4557 : i32
      %get3A_4666 = arith.index_cast %add3A_4665 : i32 to index
      %get3A_4667 = arith.constant 48 : index
      %get3A_4668 = tpu.vector_load %arg9[%get3A_4666, %get3A_4667] {strides = array<i32>} : memref<640x128xf32, #tpu.memory_space<vmem>>, vector<1x16xf32>,
      %get3A_4669 = vector.shape_cast %get3A_4668 : vector<1x16xf32> to vector<16xf32>
      %mul3A_4670 = arith.mulf %get3A_4663, %get3A_4669 : vector<16xf32>
      %mul3A_4671 = vector.broadcast %squeeze3A_4617 : f32 to vector<16xf32>
      %mul3A_4672 = arith.mulf %mul3A_4671, %mul3A_4670 : vector<16xf32>
      %add3A_4673 = arith.addf %add3A_4659, %mul3A_4672 : vector<16xf32>
      %slice3A_4674 = vector.extract_strided_slice %get3A_131 {offsets = [15], sizes = [1], strides = [1]} : vector<16xf32> to vector<1xf32>
      %squeeze3A_4675 = vector.extract %slice3A_4674[0] : f32 from vector<1xf32>
      %get3A_4676 = arith.index_cast %add3A_4557 : i32 to index
      %get3A_4677 = arith.constant 0 : index
      %get3A_4678 = tpu.vector_load %arg8[%get3A_4676, %get3A_4677] {strides = array<i32>} : memref<128x128xf32, #tpu.memory_space<vmem>>, vector<1x16xf32>,
      %get3A_4679 = vector.shape_cast %get3A_4678 : vector<1x16xf32> to vector<16xf32>
      %add3A_4680 = arith.constant 256 : i32
      %add3A_4681 = arith.addi %add3A_4680, %add3A_4557 : i32
      %get3A_4682 = arith.index_cast %add3A_4681 : i32 to index
      %get3A_4683 = arith.constant 0 : index
      %get3A_4684 = tpu.vector_load %arg9[%get3A_4682, %get3A_4683] {strides = array<i32>} : memref<640x128xf32, #tpu.memory_space<vmem>>, vector<1x16xf32>,
      %get3A_4685 = vector.shape_cast %get3A_4684 : vector<1x16xf32> to vector<16xf32>
      %mul3A_4686 = arith.mulf %get3A_4679, %get3A_4685 : vector<16xf32>
      %mul3A_4687 = vector.broadcast %squeeze3A_4675 : f32 to vector<16xf32>
      %mul3A_4688 = arith.mulf %mul3A_4687, %mul3A_4686 : vector<16xf32>
      %add3A_4689 = arith.addf %add3A_4673, %mul3A_4688 : vector<16xf32>
      %get3A_4690 = arith.index_cast %add3A_4557 : i32 to index
      %get3A_4691 = arith.constant 16 : index
      %get3A_4692 = tpu.vector_load %arg8[%get3A_4690, %get3A_4691] {strides = array<i32>} : memref<128x128xf32, #tpu.memory_space<vmem>>, vector<1x16xf32>,
      %get3A_4693 = vector.shape_cast %get3A_4692 : vector<1x16xf32> to vector<16xf32>
      %add3A_4694 = arith.constant 256 : i32
      %add3A_4695 = arith.addi %add3A_4694, %add3A_4557 : i32
      %get3A_4696 = arith.index_cast %add3A_4695 : i32 to index
      %get3A_4697 = arith.constant 16 : index
      %get3A_4698 = tpu.vector_load %arg9[%get3A_4696, %get3A_4697] {strides = array<i32>} : memref<640x128xf32, #tpu.memory_space<vmem>>, vector<1x16xf32>,
      %get3A_4699 = vector.shape_cast %get3A_4698 : vector<1x16xf32> to vector<16xf32>
      %mul3A_4700 = arith.mulf %get3A_4693, %get3A_4699 : vector<16xf32>
      %mul3A_4701 = vector.broadcast %squeeze3A_4675 : f32 to vector<16xf32>
      %mul3A_4702 = arith.mulf %mul3A_4701, %mul3A_4700 : vector<16xf32>
      %add3A_4703 = arith.addf %add3A_4689, %mul3A_4702 : vector<16xf32>
      %get3A_4704 = arith.index_cast %add3A_4557 : i32 to index
      %get3A_4705 = arith.constant 32 : index
      %get3A_4706 = tpu.vector_load %arg8[%get3A_4704, %get3A_4705] {strides = array<i32>} : memref<128x128xf32, #tpu.memory_space<vmem>>, vector<1x16xf32>,
      %get3A_4707 = vector.shape_cast %get3A_4706 : vector<1x16xf32> to vector<16xf32>
      %add3A_4708 = arith.constant 256 : i32
      %add3A_4709 = arith.addi %add3A_4708, %add3A_4557 : i32
      %get3A_4710 = arith.index_cast %add3A_4709 : i32 to index
      %get3A_4711 = arith.constant 32 : index
      %get3A_4712 = tpu.vector_load %arg9[%get3A_4710, %get3A_4711] {strides = array<i32>} : memref<640x128xf32, #tpu.memory_space<vmem>>, vector<1x16xf32>,
      %get3A_4713 = vector.shape_cast %get3A_4712 : vector<1x16xf32> to vector<16xf32>
      %mul3A_4714 = arith.mulf %get3A_4707, %get3A_4713 : vector<16xf32>
      %mul3A_4715 = vector.broadcast %squeeze3A_4675 : f32 to vector<16xf32>
      %mul3A_4716 = arith.mulf %mul3A_4715, %mul3A_4714 : vector<16xf32>
      %add3A_4717 = arith.addf %add3A_4703, %mul3A_4716 : vector<16xf32>
      %get3A_4718 = arith.index_cast %add3A_4557 : i32 to index
      %get3A_4719 = arith.constant 48 : index
      %get3A_4720 = tpu.vector_load %arg8[%get3A_4718, %get3A_4719] {strides = array<i32>} : memref<128x128xf32, #tpu.memory_space<vmem>>, vector<1x16xf32>,
      %get3A_4721 = vector.shape_cast %get3A_4720 : vector<1x16xf32> to vector<16xf32>
      %add3A_4722 = arith.constant 256 : i32
      %add3A_4723 = arith.addi %add3A_4722, %add3A_4557 : i32
      %get3A_4724 = arith.index_cast %add3A_4723 : i32 to index
      %get3A_4725 = arith.constant 48 : index
      %get3A_4726 = tpu.vector_load %arg9[%get3A_4724, %get3A_4725] {strides = array<i32>} : memref<640x128xf32, #tpu.memory_space<vmem>>, vector<1x16xf32>,
      %get3A_4727 = vector.shape_cast %get3A_4726 : vector<1x16xf32> to vector<16xf32>
      %mul3A_4728 = arith.mulf %get3A_4721, %get3A_4727 : vector<16xf32>
      %mul3A_4729 = vector.broadcast %squeeze3A_4675 : f32 to vector<16xf32>
      %mul3A_4730 = arith.mulf %mul3A_4729, %mul3A_4728 : vector<16xf32>
      %add3A_4731 = arith.addf %add3A_4717, %mul3A_4730 : vector<16xf32>
      %slice3A_4732 = vector.extract_strided_slice %get3A_138 {offsets = [15], sizes = [1], strides = [1]} : vector<16xf32> to vector<1xf32>
      %squeeze3A_4733 = vector.extract %slice3A_4732[0] : f32 from vector<1xf32>
      %get3A_4734 = arith.index_cast %add3A_4557 : i32 to index
      %get3A_4735 = arith.constant 0 : index
      %get3A_4736 = tpu.vector_load %arg8[%get3A_4734, %get3A_4735] {strides = array<i32>} : memref<128x128xf32, #tpu.memory_space<vmem>>, vector<1x16xf32>,
      %get3A_4737 = vector.shape_cast %get3A_4736 : vector<1x16xf32> to vector<16xf32>
      %add3A_4738 = arith.constant 384 : i32
      %add3A_4739 = arith.addi %add3A_4738, %add3A_4557 : i32
      %get3A_4740 = arith.index_cast %add3A_4739 : i32 to index
      %get3A_4741 = arith.constant 0 : index
      %get3A_4742 = tpu.vector_load %arg9[%get3A_4740, %get3A_4741] {strides = array<i32>} : memref<640x128xf32, #tpu.memory_space<vmem>>, vector<1x16xf32>,
      %get3A_4743 = vector.shape_cast %get3A_4742 : vector<1x16xf32> to vector<16xf32>
      %mul3A_4744 = arith.mulf %get3A_4737, %get3A_4743 : vector<16xf32>
      %mul3A_4745 = vector.broadcast %squeeze3A_4733 : f32 to vector<16xf32>
      %mul3A_4746 = arith.mulf %mul3A_4745, %mul3A_4744 : vector<16xf32>
      %add3A_4747 = arith.addf %add3A_4731, %mul3A_4746 : vector<16xf32>
      %get3A_4748 = arith.index_cast %add3A_4557 : i32 to index
      %get3A_4749 = arith.constant 16 : index
      %get3A_4750 = tpu.vector_load %arg8[%get3A_4748, %get3A_4749] {strides = array<i32>} : memref<128x128xf32, #tpu.memory_space<vmem>>, vector<1x16xf32>,
      %get3A_4751 = vector.shape_cast %get3A_4750 : vector<1x16xf32> to vector<16xf32>
      %add3A_4752 = arith.constant 384 : i32
      %add3A_4753 = arith.addi %add3A_4752, %add3A_4557 : i32
      %get3A_4754 = arith.index_cast %add3A_4753 : i32 to index
      %get3A_4755 = arith.constant 16 : index
      %get3A_4756 = tpu.vector_load %arg9[%get3A_4754, %get3A_4755] {strides = array<i32>} : memref<640x128xf32, #tpu.memory_space<vmem>>, vector<1x16xf32>,
      %get3A_4757 = vector.shape_cast %get3A_4756 : vector<1x16xf32> to vector<16xf32>
      %mul3A_4758 = arith.mulf %get3A_4751, %get3A_4757 : vector<16xf32>
      %mul3A_4759 = vector.broadcast %squeeze3A_4733 : f32 to vector<16xf32>
      %mul3A_4760 = arith.mulf %mul3A_4759, %mul3A_4758 : vector<16xf32>
      %add3A_4761 = arith.addf %add3A_4747, %mul3A_4760 : vector<16xf32>
      %get3A_4762 = arith.index_cast %add3A_4557 : i32 to index
      %get3A_4763 = arith.constant 32 : index
      %get3A_4764 = tpu.vector_load %arg8[%get3A_4762, %get3A_4763] {strides = array<i32>} : memref<128x128xf32, #tpu.memory_space<vmem>>, vector<1x16xf32>,
      %get3A_4765 = vector.shape_cast %get3A_4764 : vector<1x16xf32> to vector<16xf32>
      %add3A_4766 = arith.constant 384 : i32
      %add3A_4767 = arith.addi %add3A_4766, %add3A_4557 : i32
      %get3A_4768 = arith.index_cast %add3A_4767 : i32 to index
      %get3A_4769 = arith.constant 32 : index
      %get3A_4770 = tpu.vector_load %arg9[%get3A_4768, %get3A_4769] {strides = array<i32>} : memref<640x128xf32, #tpu.memory_space<vmem>>, vector<1x16xf32>,
      %get3A_4771 = vector.shape_cast %get3A_4770 : vector<1x16xf32> to vector<16xf32>
      %mul3A_4772 = arith.mulf %get3A_4765, %get3A_4771 : vector<16xf32>
      %mul3A_4773 = vector.broadcast %squeeze3A_4733 : f32 to vector<16xf32>
      %mul3A_4774 = arith.mulf %mul3A_4773, %mul3A_4772 : vector<16xf32>
      %add3A_4775 = arith.addf %add3A_4761, %mul3A_4774 : vector<16xf32>
      %get3A_4776 = arith.index_cast %add3A_4557 : i32 to index
      %get3A_4777 = arith.constant 48 : index
      %get3A_4778 = tpu.vector_load %arg8[%get3A_4776, %get3A_4777] {strides = array<i32>} : memref<128x128xf32, #tpu.memory_space<vmem>>, vector<1x16xf32>,
      %get3A_4779 = vector.shape_cast %get3A_4778 : vector<1x16xf32> to vector<16xf32>
      %add3A_4780 = arith.constant 384 : i32
      %add3A_4781 = arith.addi %add3A_4780, %add3A_4557 : i32
      %get3A_4782 = arith.index_cast %add3A_4781 : i32 to index
      %get3A_4783 = arith.constant 48 : index
      %get3A_4784 = tpu.vector_load %arg9[%get3A_4782, %get3A_4783] {strides = array<i32>} : memref<640x128xf32, #tpu.memory_space<vmem>>, vector<1x16xf32>,
      %get3A_4785 = vector.shape_cast %get3A_4784 : vector<1x16xf32> to vector<16xf32>
      %mul3A_4786 = arith.mulf %get3A_4779, %get3A_4785 : vector<16xf32>
      %mul3A_4787 = vector.broadcast %squeeze3A_4733 : f32 to vector<16xf32>
      %mul3A_4788 = arith.mulf %mul3A_4787, %mul3A_4786 : vector<16xf32>
      %add3A_4789 = arith.addf %add3A_4775, %mul3A_4788 : vector<16xf32>
      %slice3A_4790 = vector.extract_strided_slice %get3A_145 {offsets = [15], sizes = [1], strides = [1]} : vector<16xf32> to vector<1xf32>
      %squeeze3A_4791 = vector.extract %slice3A_4790[0] : f32 from vector<1xf32>
      %get3A_4792 = arith.index_cast %add3A_4557 : i32 to index
      %get3A_4793 = arith.constant 0 : index
      %get3A_4794 = tpu.vector_load %arg8[%get3A_4792, %get3A_4793] {strides = array<i32>} : memref<128x128xf32, #tpu.memory_space<vmem>>, vector<1x16xf32>,
      %get3A_4795 = vector.shape_cast %get3A_4794 : vector<1x16xf32> to vector<16xf32>
      %add3A_4796 = arith.constant 512 : i32
      %add3A_4797 = arith.addi %add3A_4796, %add3A_4557 : i32
      %get3A_4798 = arith.index_cast %add3A_4797 : i32 to index
      %get3A_4799 = arith.constant 0 : index
      %get3A_4800 = tpu.vector_load %arg9[%get3A_4798, %get3A_4799] {strides = array<i32>} : memref<640x128xf32, #tpu.memory_space<vmem>>, vector<1x16xf32>,
      %get3A_4801 = vector.shape_cast %get3A_4800 : vector<1x16xf32> to vector<16xf32>
      %mul3A_4802 = arith.mulf %get3A_4795, %get3A_4801 : vector<16xf32>
      %mul3A_4803 = vector.broadcast %squeeze3A_4791 : f32 to vector<16xf32>
      %mul3A_4804 = arith.mulf %mul3A_4803, %mul3A_4802 : vector<16xf32>
      %add3A_4805 = arith.addf %add3A_4789, %mul3A_4804 : vector<16xf32>
      %get3A_4806 = arith.index_cast %add3A_4557 : i32 to index
      %get3A_4807 = arith.constant 16 : index
      %get3A_4808 = tpu.vector_load %arg8[%get3A_4806, %get3A_4807] {strides = array<i32>} : memref<128x128xf32, #tpu.memory_space<vmem>>, vector<1x16xf32>,
      %get3A_4809 = vector.shape_cast %get3A_4808 : vector<1x16xf32> to vector<16xf32>
      %add3A_4810 = arith.constant 512 : i32
      %add3A_4811 = arith.addi %add3A_4810, %add3A_4557 : i32
      %get3A_4812 = arith.index_cast %add3A_4811 : i32 to index
      %get3A_4813 = arith.constant 16 : index
      %get3A_4814 = tpu.vector_load %arg9[%get3A_4812, %get3A_4813] {strides = array<i32>} : memref<640x128xf32, #tpu.memory_space<vmem>>, vector<1x16xf32>,
      %get3A_4815 = vector.shape_cast %get3A_4814 : vector<1x16xf32> to vector<16xf32>
      %mul3A_4816 = arith.mulf %get3A_4809, %get3A_4815 : vector<16xf32>
      %mul3A_4817 = vector.broadcast %squeeze3A_4791 : f32 to vector<16xf32>
      %mul3A_4818 = arith.mulf %mul3A_4817, %mul3A_4816 : vector<16xf32>
      %add3A_4819 = arith.addf %add3A_4805, %mul3A_4818 : vector<16xf32>
      %get3A_4820 = arith.index_cast %add3A_4557 : i32 to index
      %get3A_4821 = arith.constant 32 : index
      %get3A_4822 = tpu.vector_load %arg8[%get3A_4820, %get3A_4821] {strides = array<i32>} : memref<128x128xf32, #tpu.memory_space<vmem>>, vector<1x16xf32>,
      %get3A_4823 = vector.shape_cast %get3A_4822 : vector<1x16xf32> to vector<16xf32>
      %add3A_4824 = arith.constant 512 : i32
      %add3A_4825 = arith.addi %add3A_4824, %add3A_4557 : i32
      %get3A_4826 = arith.index_cast %add3A_4825 : i32 to index
      %get3A_4827 = arith.constant 32 : index
      %get3A_4828 = tpu.vector_load %arg9[%get3A_4826, %get3A_4827] {strides = array<i32>} : memref<640x128xf32, #tpu.memory_space<vmem>>, vector<1x16xf32>,
      %get3A_4829 = vector.shape_cast %get3A_4828 : vector<1x16xf32> to vector<16xf32>
      %mul3A_4830 = arith.mulf %get3A_4823, %get3A_4829 : vector<16xf32>
      %mul3A_4831 = vector.broadcast %squeeze3A_4791 : f32 to vector<16xf32>
      %mul3A_4832 = arith.mulf %mul3A_4831, %mul3A_4830 : vector<16xf32>
      %add3A_4833 = arith.addf %add3A_4819, %mul3A_4832 : vector<16xf32>
      %get3A_4834 = arith.index_cast %add3A_4557 : i32 to index
      %get3A_4835 = arith.constant 48 : index
      %get3A_4836 = tpu.vector_load %arg8[%get3A_4834, %get3A_4835] {strides = array<i32>} : memref<128x128xf32, #tpu.memory_space<vmem>>, vector<1x16xf32>,
      %get3A_4837 = vector.shape_cast %get3A_4836 : vector<1x16xf32> to vector<16xf32>
      %add3A_4838 = arith.constant 512 : i32
      %add3A_4839 = arith.addi %add3A_4838, %add3A_4557 : i32
      %get3A_4840 = arith.index_cast %add3A_4839 : i32 to index
      %get3A_4841 = arith.constant 48 : index
      %get3A_4842 = tpu.vector_load %arg9[%get3A_4840, %get3A_4841] {strides = array<i32>} : memref<640x128xf32, #tpu.memory_space<vmem>>, vector<1x16xf32>,
      %get3A_4843 = vector.shape_cast %get3A_4842 : vector<1x16xf32> to vector<16xf32>
      %mul3A_4844 = arith.mulf %get3A_4837, %get3A_4843 : vector<16xf32>
      %mul3A_4845 = vector.broadcast %squeeze3A_4791 : f32 to vector<16xf32>
      %mul3A_4846 = arith.mulf %mul3A_4845, %mul3A_4844 : vector<16xf32>
      %add3A_4847 = arith.addf %add3A_4833, %mul3A_4846 : vector<16xf32>
      scf.yield %add3A_4847 : vector<16xf32>
    }
    %scan3A_106 = arith.constant 8 : i32
    %swap3A = arith.constant 0 : index
    %swap3A_107 = tpu.vector_load %arg10[%swap3A] {strides = array<i32>} : memref<16xf32, #tpu.memory_space<vmem>>, vector<16xf32>,
    %swap3A_108 = vector.shape_cast %swap3A_107 : vector<16xf32> to vector<16xf32>
    %swap3A_109 = vector.shape_cast %scan3A_105 : vector<16xf32> to vector<16xf32>
    tpu.vector_store %arg10[%swap3A], %swap3A_109 {strides = array<i32>} : memref<16xf32, #tpu.memory_space<vmem>>, vector<16xf32>,
    "tpu.region"() ({
      %run_scoped3A = tpu.sem_alloc : memref<!tpu.dma_semaphore, #tpu.memory_space<semaphore_mem>>
      %dma_start3A_110 = arith.constant 0 : i32
      %dma_start3A_111 = tpu.memref_slice %arg5[%add3A, %dma_start3A_110] : memref<32x16xf32, #tpu.memory_space<hbm>> -> memref<1x16xf32, #tpu.memory_space<hbm>>
      %dma_start3A_112 = tpu.memref_squeeze %dma_start3A_111 : memref<1x16xf32, #tpu.memory_space<hbm>> -> memref<16xf32, #tpu.memory_space<hbm>>
      %dma_start3A_113 = arith.constant 0 : i32
      %dma_start3A_114 = tpu.memref_slice %arg5[%add3A, %dma_start3A_113] : memref<32x16xf32, #tpu.memory_space<hbm>> -> memref<1x16xf32, #tpu.memory_space<hbm>>
      %dma_start3A_115 = tpu.memref_squeeze %dma_start3A_114 : memref<1x16xf32, #tpu.memory_space<hbm>> -> memref<16xf32, #tpu.memory_space<hbm>>
      tpu.enqueue_dma source(%arg10 : memref<16xf32, #tpu.memory_space<vmem>>) target(%dma_start3A_115 : memref<16xf32, #tpu.memory_space<hbm>>) target_semaphore(%run_scoped3A : memref<!tpu.dma_semaphore, #tpu.memory_space<semaphore_mem>>)
      %dma_wait3A_116 = arith.constant 0 : i32
      %dma_wait3A_117 = tpu.memref_slice %arg5[%add3A, %dma_wait3A_116] : memref<32x16xf32, #tpu.memory_space<hbm>> -> memref<1x16xf32, #tpu.memory_space<hbm>>
      %dma_wait3A_118 = tpu.memref_squeeze %dma_wait3A_117 : memref<1x16xf32, #tpu.memory_space<hbm>> -> memref<16xf32, #tpu.memory_space<hbm>>
      %dma_wait3A_119 = arith.constant 0 : i32
      %dma_wait3A_120 = tpu.memref_slice %arg5[%add3A, %dma_wait3A_119] : memref<32x16xf32, #tpu.memory_space<hbm>> -> memref<1x16xf32, #tpu.memory_space<hbm>>
      %dma_wait3A_121 = tpu.memref_squeeze %dma_wait3A_120 : memref<1x16xf32, #tpu.memory_space<hbm>> -> memref<16xf32, #tpu.memory_space<hbm>>
      tpu.wait_dma2 semaphore(%run_scoped3A : memref<!tpu.dma_semaphore, #tpu.memory_space<semaphore_mem>>) src(%arg10 : memref<16xf32, #tpu.memory_space<vmem>>) dst(%dma_wait3A_121 : memref<16xf32, #tpu.memory_space<hbm>>)
      tpu.yield
    }) : () -> ()
    return
  }
}

module attributes {stable_mosaic.version = 14 : i64} {
  func.func @_feat_kernel(%arg0: i32, %arg1: memref<4096x64xbf16, #tpu.memory_space<vmem>>, %arg2: memref<1x8x128xi32, #tpu.memory_space<vmem>>, %arg3: memref<1x8x128xf32, #tpu.memory_space<vmem>>, %arg4: memref<1x1xf32, #tpu.memory_space<smem>>) attributes {dimension_semantics = [#tpu.dimension_semantics<arbitrary>], iteration_bounds = array<i64: 32>, scalar_prefetch = 0 : i64, scratch_operands = 0 : i64, tpu.core_type = #tpu.core_type<tc>, window_params = [{pipeline_mode = #tpu.pipeline_mode<synchronous>, transform_indices = @transform_0, window_bounds = array<i64: 4096, 64>}, {transform_indices = @transform_1, window_bounds = array<i64: 1, 8, 128>}, {transform_indices = @transform_2, window_bounds = array<i64: 1, 8, 128>}, {transform_indices = @transform_3, window_bounds = array<i64: 1, 1>}]} {
    %get3A = arith.constant 0 : index
    %get3A_0 = arith.constant 0 : index
    %get3A_1 = vector.load %arg1[%get3A, %get3A_0] : memref<4096x64xbf16, #tpu.memory_space<vmem>>, vector<4096x64xbf16>
    %mul3A = arith.constant 128 : i32
    %mul3A_2 = arith.muli %arg0, %mul3A : i32
    %get3A_3 = arith.index_cast %mul3A_2 : i32 to index
    %get3A_4 = arith.constant 0 : index
    %get3A_5 = vector.load %arg1[%get3A_3, %get3A_4] : memref<4096x64xbf16, #tpu.memory_space<vmem>>, vector<128x64xbf16>
    %dot_general3A = arith.constant dense<0.000000e+00> : vector<4096x128xf32>
    %dot_general3A_6 = tpu.matmul %get3A_1, %get3A_5, %dot_general3A {dimension_numbers = #tpu.dot_dimension_numbers<[1], [1], [0], [0], [0, 0, 1, 0], [], []>, transpose_lhs_hint = false} : vector<4096x64xbf16>, vector<128x64xbf16>, vector<4096x128xf32> -> vector<4096x128xf32>
    %iota3A = tpu.iota {dimensions = array<i32: 0>} : vector<4096x128xi32>
    %iota3A_7 = tpu.iota {dimensions = array<i32: 1>} : vector<4096x128xi32>
    %mul3A_8 = arith.constant 128 : i32
    %mul3A_9 = arith.muli %arg0, %mul3A_8 : i32
    %add3A = vector.broadcast %mul3A_9 : i32 to vector<4096x128xi32>
    %add3A_10 = arith.addi %iota3A_7, %add3A : vector<4096x128xi32>
    %eq3A = arith.cmpi eq, %iota3A, %add3A_10 : vector<4096x128xi32>
    %add3A_11 = arith.constant 2.000000e+00 : f32
    %add3A_12 = vector.broadcast %add3A_11 : f32 to vector<4096x128xf32>
    %add3A_13 = arith.addf %dot_general3A_6, %add3A_12 : vector<4096x128xf32>
    %add3A_14 = arith.constant 4.000000e+00 : f32
    %add3A_15 = vector.broadcast %add3A_14 : f32 to vector<4096x128xf32>
    %add3A_16 = arith.addf %dot_general3A_6, %add3A_15 : vector<4096x128xf32>
    %select_n3A = arith.select %eq3A, %add3A_13, %add3A_16 : vector<4096x128xi1>, vector<4096x128xf32>
    %bitcast_convert_type3A = tpu.bitcast %select_n3A : vector<4096x128xf32> -> vector<4096x128xi32>
    %and3A = arith.constant -4096 : i32
    %and3A_17 = vector.broadcast %and3A : i32 to vector<4096x128xi32>
    %and3A_18 = arith.andi %bitcast_convert_type3A, %and3A_17 : vector<4096x128xi32>
    %sub3A = arith.constant 4095 : i32
    %sub3A_19 = vector.broadcast %sub3A : i32 to vector<4096x128xi32>
    %sub3A_20 = arith.subi %sub3A_19, %iota3A : vector<4096x128xi32>
    %or3A = arith.ori %and3A_18, %sub3A_20 : vector<4096x128xi32>
    %reshape3A = vector.shape_cast %or3A : vector<4096x128xi32> to vector<128x32x128xi32>
    %reduce_max3A = arith.constant dense<-2147483648> : vector<128x128xi32>
    %reduce_max3A_21 = vector.multi_reduction <maxsi>, %reshape3A, %reduce_max3A [1] : vector<128x32x128xi32> to vector<128x128xi32>
    %broadcast_in_dim3A = vector.shape_cast %reduce_max3A_21 : vector<128x128xi32> to vector<128x1x128xi32>
    %lt3A = vector.broadcast %broadcast_in_dim3A : vector<128x1x128xi32> to vector<128x32x128xi32>
    %lt3A_22 = arith.cmpi slt, %reshape3A, %lt3A : vector<128x32x128xi32>
    %jit3A = arith.constant -2147483648 : i32
    %broadcast_in_dim3A_23 = vector.broadcast %jit3A : i32 to vector<128x32x128xi32>
    %select_n3A_24 = arith.select %lt3A_22, %reshape3A, %broadcast_in_dim3A_23 : vector<128x32x128xi1>, vector<128x32x128xi32>
    %reduce_max3A_25 = arith.constant dense<-2147483648> : vector<128x128xi32>
    %reduce_max3A_26 = vector.multi_reduction <maxsi>, %select_n3A_24, %reduce_max3A_25 [1] : vector<128x32x128xi32> to vector<128x128xi32>
    %concatenate3A = tpu.concatenate %reduce_max3A_21, %reduce_max3A_26 in 0 : vector<128x128xi32>, vector<128x128xi32> -> vector<256x128xi32>
    %reduce_max3A_27 = arith.constant dense<-2147483648> : vector<128xi32>
    %reduce_max3A_28 = vector.multi_reduction <maxsi>, %concatenate3A, %reduce_max3A_27 [0] : vector<256x128xi32> to vector<128xi32>
    %broadcast_in_dim3A_29 = vector.shape_cast %reduce_max3A_28 : vector<128xi32> to vector<1x128xi32>
    %and3A_30 = arith.constant 4095 : i32
    %and3A_31 = vector.broadcast %and3A_30 : i32 to vector<1x128xi32>
    %and3A_32 = arith.andi %broadcast_in_dim3A_29, %and3A_31 : vector<1x128xi32>
    %sub3A_33 = arith.constant 4095 : i32
    %sub3A_34 = vector.broadcast %sub3A_33 : i32 to vector<1x128xi32>
    %sub3A_35 = arith.subi %sub3A_34, %and3A_32 : vector<1x128xi32>
    %and3A_36 = arith.constant -4096 : i32
    %and3A_37 = vector.broadcast %and3A_36 : i32 to vector<1x128xi32>
    %and3A_38 = arith.andi %broadcast_in_dim3A_29, %and3A_37 : vector<1x128xi32>
    %bitcast_convert_type3A_39 = tpu.bitcast %and3A_38 : vector<1x128xi32> -> vector<1x128xf32>
    %sub3A_40 = arith.constant 4.000000e+00 : f32
    %sub3A_41 = vector.broadcast %sub3A_40 : f32 to vector<1x128xf32>
    %sub3A_42 = arith.subf %bitcast_convert_type3A_39, %sub3A_41 : vector<1x128xf32>
    %max3A = arith.constant 0.000000e+00 : f32
    %max3A_43 = vector.broadcast %max3A : f32 to vector<1x128xf32>
    %max3A_44 = arith.maximumf %sub3A_42, %max3A_43 : vector<1x128xf32>
    %ge3A = arith.constant 6.000000e-01 : f32
    %ge3A_45 = vector.broadcast %ge3A : f32 to vector<1x128xf32>
    %ge3A_46 = arith.cmpf oge, %sub3A_42, %ge3A_45 : vector<1x128xf32>
    %convert_element_type3A = arith.extui %ge3A_46 : vector<1x128xi1> to vector<1x128xi32>
    %convert_element_type3A_47 = arith.sitofp %convert_element_type3A : vector<1x128xi32> to vector<1x128xf32>
    %mul3A_48 = arith.mulf %max3A_44, %convert_element_type3A_47 : vector<1x128xf32>
    %lt3A_49 = vector.broadcast %broadcast_in_dim3A_29 : vector<1x128xi32> to vector<256x128xi32>
    %lt3A_50 = arith.cmpi slt, %concatenate3A, %lt3A_49 : vector<256x128xi32>
    %jit3A_51 = arith.constant -2147483648 : i32
    %broadcast_in_dim3A_52 = vector.broadcast %jit3A_51 : i32 to vector<256x128xi32>
    %select_n3A_53 = arith.select %lt3A_50, %concatenate3A, %broadcast_in_dim3A_52 : vector<256x128xi1>, vector<256x128xi32>
    %reduce_max3A_54 = arith.constant dense<-2147483648> : vector<128xi32>
    %reduce_max3A_55 = vector.multi_reduction <maxsi>, %select_n3A_53, %reduce_max3A_54 [0] : vector<256x128xi32> to vector<128xi32>
    %broadcast_in_dim3A_56 = vector.shape_cast %reduce_max3A_55 : vector<128xi32> to vector<1x128xi32>
    %and3A_57 = arith.constant 4095 : i32
    %and3A_58 = vector.broadcast %and3A_57 : i32 to vector<1x128xi32>
    %and3A_59 = arith.andi %broadcast_in_dim3A_56, %and3A_58 : vector<1x128xi32>
    %sub3A_60 = arith.constant 4095 : i32
    %sub3A_61 = vector.broadcast %sub3A_60 : i32 to vector<1x128xi32>
    %sub3A_62 = arith.subi %sub3A_61, %and3A_59 : vector<1x128xi32>
    %and3A_63 = arith.constant -4096 : i32
    %and3A_64 = vector.broadcast %and3A_63 : i32 to vector<1x128xi32>
    %and3A_65 = arith.andi %broadcast_in_dim3A_56, %and3A_64 : vector<1x128xi32>
    %bitcast_convert_type3A_66 = tpu.bitcast %and3A_65 : vector<1x128xi32> -> vector<1x128xf32>
    %sub3A_67 = arith.constant 4.000000e+00 : f32
    %sub3A_68 = vector.broadcast %sub3A_67 : f32 to vector<1x128xf32>
    %sub3A_69 = arith.subf %bitcast_convert_type3A_66, %sub3A_68 : vector<1x128xf32>
    %max3A_70 = arith.constant 0.000000e+00 : f32
    %max3A_71 = vector.broadcast %max3A_70 : f32 to vector<1x128xf32>
    %max3A_72 = arith.maximumf %sub3A_69, %max3A_71 : vector<1x128xf32>
    %ge3A_73 = arith.constant 6.000000e-01 : f32
    %ge3A_74 = vector.broadcast %ge3A_73 : f32 to vector<1x128xf32>
    %ge3A_75 = arith.cmpf oge, %sub3A_69, %ge3A_74 : vector<1x128xf32>
    %convert_element_type3A_76 = arith.extui %ge3A_75 : vector<1x128xi1> to vector<1x128xi32>
    %convert_element_type3A_77 = arith.sitofp %convert_element_type3A_76 : vector<1x128xi32> to vector<1x128xf32>
    %mul3A_78 = arith.mulf %max3A_72, %convert_element_type3A_77 : vector<1x128xf32>
    %lt3A_79 = vector.broadcast %broadcast_in_dim3A_56 : vector<1x128xi32> to vector<256x128xi32>
    %lt3A_80 = arith.cmpi slt, %concatenate3A, %lt3A_79 : vector<256x128xi32>
    %jit3A_81 = arith.constant -2147483648 : i32
    %broadcast_in_dim3A_82 = vector.broadcast %jit3A_81 : i32 to vector<256x128xi32>
    %select_n3A_83 = arith.select %lt3A_80, %concatenate3A, %broadcast_in_dim3A_82 : vector<256x128xi1>, vector<256x128xi32>
    %reduce_max3A_84 = arith.constant dense<-2147483648> : vector<128xi32>
    %reduce_max3A_85 = vector.multi_reduction <maxsi>, %select_n3A_83, %reduce_max3A_84 [0] : vector<256x128xi32> to vector<128xi32>
    %broadcast_in_dim3A_86 = vector.shape_cast %reduce_max3A_85 : vector<128xi32> to vector<1x128xi32>
    %and3A_87 = arith.constant 4095 : i32
    %and3A_88 = vector.broadcast %and3A_87 : i32 to vector<1x128xi32>
    %and3A_89 = arith.andi %broadcast_in_dim3A_86, %and3A_88 : vector<1x128xi32>
    %sub3A_90 = arith.constant 4095 : i32
    %sub3A_91 = vector.broadcast %sub3A_90 : i32 to vector<1x128xi32>
    %sub3A_92 = arith.subi %sub3A_91, %and3A_89 : vector<1x128xi32>
    %and3A_93 = arith.constant -4096 : i32
    %and3A_94 = vector.broadcast %and3A_93 : i32 to vector<1x128xi32>
    %and3A_95 = arith.andi %broadcast_in_dim3A_86, %and3A_94 : vector<1x128xi32>
    %bitcast_convert_type3A_96 = tpu.bitcast %and3A_95 : vector<1x128xi32> -> vector<1x128xf32>
    %sub3A_97 = arith.constant 4.000000e+00 : f32
    %sub3A_98 = vector.broadcast %sub3A_97 : f32 to vector<1x128xf32>
    %sub3A_99 = arith.subf %bitcast_convert_type3A_96, %sub3A_98 : vector<1x128xf32>
    %max3A_100 = arith.constant 0.000000e+00 : f32
    %max3A_101 = vector.broadcast %max3A_100 : f32 to vector<1x128xf32>
    %max3A_102 = arith.maximumf %sub3A_99, %max3A_101 : vector<1x128xf32>
    %ge3A_103 = arith.constant 6.000000e-01 : f32
    %ge3A_104 = vector.broadcast %ge3A_103 : f32 to vector<1x128xf32>
    %ge3A_105 = arith.cmpf oge, %sub3A_99, %ge3A_104 : vector<1x128xf32>
    %convert_element_type3A_106 = arith.extui %ge3A_105 : vector<1x128xi1> to vector<1x128xi32>
    %convert_element_type3A_107 = arith.sitofp %convert_element_type3A_106 : vector<1x128xi32> to vector<1x128xf32>
    %mul3A_108 = arith.mulf %max3A_102, %convert_element_type3A_107 : vector<1x128xf32>
    %lt3A_109 = vector.broadcast %broadcast_in_dim3A_86 : vector<1x128xi32> to vector<256x128xi32>
    %lt3A_110 = arith.cmpi slt, %concatenate3A, %lt3A_109 : vector<256x128xi32>
    %jit3A_111 = arith.constant -2147483648 : i32
    %broadcast_in_dim3A_112 = vector.broadcast %jit3A_111 : i32 to vector<256x128xi32>
    %select_n3A_113 = arith.select %lt3A_110, %concatenate3A, %broadcast_in_dim3A_112 : vector<256x128xi1>, vector<256x128xi32>
    %reduce_max3A_114 = arith.constant dense<-2147483648> : vector<128xi32>
    %reduce_max3A_115 = vector.multi_reduction <maxsi>, %select_n3A_113, %reduce_max3A_114 [0] : vector<256x128xi32> to vector<128xi32>
    %broadcast_in_dim3A_116 = vector.shape_cast %reduce_max3A_115 : vector<128xi32> to vector<1x128xi32>
    %and3A_117 = arith.constant 4095 : i32
    %and3A_118 = vector.broadcast %and3A_117 : i32 to vector<1x128xi32>
    %and3A_119 = arith.andi %broadcast_in_dim3A_116, %and3A_118 : vector<1x128xi32>
    %sub3A_120 = arith.constant 4095 : i32
    %sub3A_121 = vector.broadcast %sub3A_120 : i32 to vector<1x128xi32>
    %sub3A_122 = arith.subi %sub3A_121, %and3A_119 : vector<1x128xi32>
    %and3A_123 = arith.constant -4096 : i32
    %and3A_124 = vector.broadcast %and3A_123 : i32 to vector<1x128xi32>
    %and3A_125 = arith.andi %broadcast_in_dim3A_116, %and3A_124 : vector<1x128xi32>
    %bitcast_convert_type3A_126 = tpu.bitcast %and3A_125 : vector<1x128xi32> -> vector<1x128xf32>
    %sub3A_127 = arith.constant 4.000000e+00 : f32
    %sub3A_128 = vector.broadcast %sub3A_127 : f32 to vector<1x128xf32>
    %sub3A_129 = arith.subf %bitcast_convert_type3A_126, %sub3A_128 : vector<1x128xf32>
    %max3A_130 = arith.constant 0.000000e+00 : f32
    %max3A_131 = vector.broadcast %max3A_130 : f32 to vector<1x128xf32>
    %max3A_132 = arith.maximumf %sub3A_129, %max3A_131 : vector<1x128xf32>
    %ge3A_133 = arith.constant 6.000000e-01 : f32
    %ge3A_134 = vector.broadcast %ge3A_133 : f32 to vector<1x128xf32>
    %ge3A_135 = arith.cmpf oge, %sub3A_129, %ge3A_134 : vector<1x128xf32>
    %convert_element_type3A_136 = arith.extui %ge3A_135 : vector<1x128xi1> to vector<1x128xi32>
    %convert_element_type3A_137 = arith.sitofp %convert_element_type3A_136 : vector<1x128xi32> to vector<1x128xf32>
    %mul3A_138 = arith.mulf %max3A_132, %convert_element_type3A_137 : vector<1x128xf32>
    %lt3A_139 = vector.broadcast %broadcast_in_dim3A_116 : vector<1x128xi32> to vector<256x128xi32>
    %lt3A_140 = arith.cmpi slt, %concatenate3A, %lt3A_139 : vector<256x128xi32>
    %jit3A_141 = arith.constant -2147483648 : i32
    %broadcast_in_dim3A_142 = vector.broadcast %jit3A_141 : i32 to vector<256x128xi32>
    %select_n3A_143 = arith.select %lt3A_140, %concatenate3A, %broadcast_in_dim3A_142 : vector<256x128xi1>, vector<256x128xi32>
    %reduce_max3A_144 = arith.constant dense<-2147483648> : vector<128xi32>
    %reduce_max3A_145 = vector.multi_reduction <maxsi>, %select_n3A_143, %reduce_max3A_144 [0] : vector<256x128xi32> to vector<128xi32>
    %broadcast_in_dim3A_146 = vector.shape_cast %reduce_max3A_145 : vector<128xi32> to vector<1x128xi32>
    %and3A_147 = arith.constant 4095 : i32
    %and3A_148 = vector.broadcast %and3A_147 : i32 to vector<1x128xi32>
    %and3A_149 = arith.andi %broadcast_in_dim3A_146, %and3A_148 : vector<1x128xi32>
    %sub3A_150 = arith.constant 4095 : i32
    %sub3A_151 = vector.broadcast %sub3A_150 : i32 to vector<1x128xi32>
    %sub3A_152 = arith.subi %sub3A_151, %and3A_149 : vector<1x128xi32>
    %and3A_153 = arith.constant -4096 : i32
    %and3A_154 = vector.broadcast %and3A_153 : i32 to vector<1x128xi32>
    %and3A_155 = arith.andi %broadcast_in_dim3A_146, %and3A_154 : vector<1x128xi32>
    %bitcast_convert_type3A_156 = tpu.bitcast %and3A_155 : vector<1x128xi32> -> vector<1x128xf32>
    %sub3A_157 = arith.constant 4.000000e+00 : f32
    %sub3A_158 = vector.broadcast %sub3A_157 : f32 to vector<1x128xf32>
    %sub3A_159 = arith.subf %bitcast_convert_type3A_156, %sub3A_158 : vector<1x128xf32>
    %max3A_160 = arith.constant 0.000000e+00 : f32
    %max3A_161 = vector.broadcast %max3A_160 : f32 to vector<1x128xf32>
    %max3A_162 = arith.maximumf %sub3A_159, %max3A_161 : vector<1x128xf32>
    %ge3A_163 = arith.constant 6.000000e-01 : f32
    %ge3A_164 = vector.broadcast %ge3A_163 : f32 to vector<1x128xf32>
    %ge3A_165 = arith.cmpf oge, %sub3A_159, %ge3A_164 : vector<1x128xf32>
    %convert_element_type3A_166 = arith.extui %ge3A_165 : vector<1x128xi1> to vector<1x128xi32>
    %convert_element_type3A_167 = arith.sitofp %convert_element_type3A_166 : vector<1x128xi32> to vector<1x128xf32>
    %mul3A_168 = arith.mulf %max3A_162, %convert_element_type3A_167 : vector<1x128xf32>
    %concatenate3A_169 = tpu.concatenate %sub3A_35, %sub3A_62, %sub3A_92, %sub3A_122, %sub3A_152 in 0 : vector<1x128xi32>, vector<1x128xi32>, vector<1x128xi32>, vector<1x128xi32>, vector<1x128xi32> -> vector<5x128xi32>
    %concatenate3A_170 = tpu.concatenate %mul3A_48, %mul3A_78, %mul3A_108, %mul3A_138, %mul3A_168 in 0 : vector<1x128xf32>, vector<1x128xf32>, vector<1x128xf32>, vector<1x128xf32>, vector<1x128xf32> -> vector<5x128xf32>
    %reduce_sum3A = arith.constant dense<0.000000e+00> : vector<128xf32>
    %reduce_sum3A_171 = vector.multi_reduction <add>, %concatenate3A_170, %reduce_sum3A [0] : vector<5x128xf32> to vector<128xf32>
    %broadcast_in_dim3A_172 = vector.shape_cast %reduce_sum3A_171 : vector<128xf32> to vector<1x128xf32>
    %le3A = arith.constant 0.000000e+00 : f32
    %le3A_173 = vector.broadcast %le3A : f32 to vector<1x128xf32>
    %le3A_174 = arith.cmpf ole, %broadcast_in_dim3A_172, %le3A_173 : vector<1x128xf32>
    %max3A_175 = arith.constant 9.99999996E-13 : f32
    %max3A_176 = vector.broadcast %max3A_175 : f32 to vector<1x128xf32>
    %max3A_177 = arith.maximumf %broadcast_in_dim3A_172, %max3A_176 : vector<1x128xf32>
    %div3A = vector.broadcast %max3A_177 : vector<1x128xf32> to vector<5x128xf32>
    %div3A_178 = arith.divf %concatenate3A_170, %div3A : vector<5x128xf32>
    %jit3A_179 = arith.constant 2.000000e-01 : f32
    %broadcast_in_dim3A_180 = vector.shape_cast %le3A_174 : vector<1x128xi1> to vector<1x128xi1>
    %broadcast_in_dim3A_181 = vector.broadcast %broadcast_in_dim3A_180 : vector<1x128xi1> to vector<5x128xi1>
    %broadcast_in_dim3A_182 = vector.broadcast %jit3A_179 : f32 to vector<5x128xf32>
    %select_n3A_183 = arith.select %broadcast_in_dim3A_181, %broadcast_in_dim3A_182, %div3A_178 : vector<5x128xi1>, vector<5x128xf32>
    %swap3A = arith.constant 0 : index
    %swap3A_184 = arith.constant 0 : index
    %swap3A_185 = arith.constant 0 : index
    %swap3A_186 = vector.load %arg2[%swap3A, %swap3A_184, %swap3A_185] : memref<1x8x128xi32, #tpu.memory_space<vmem>>, vector<1x5x128xi32>
    %swap3A_187 = vector.shape_cast %swap3A_186 : vector<1x5x128xi32> to vector<5x128xi32>
    %swap3A_188 = vector.shape_cast %concatenate3A_169 : vector<5x128xi32> to vector<1x5x128xi32>
    tpu.vector_store %arg2[%swap3A, %swap3A_184, %swap3A_185], %swap3A_188 {strides = array<i32>} : memref<1x8x128xi32, #tpu.memory_space<vmem>>, vector<1x5x128xi32>,
    %broadcast_in_dim3A_189 = arith.constant 0 : i32
    %broadcast_in_dim3A_190 = vector.broadcast %broadcast_in_dim3A_189 : i32 to vector<3x128xi32>
    %swap3A_191 = arith.constant 0 : index
    %swap3A_192 = arith.constant 5 : index
    %swap3A_193 = arith.constant 0 : index
    %swap3A_194 = vector.load %arg2[%swap3A_191, %swap3A_192, %swap3A_193] : memref<1x8x128xi32, #tpu.memory_space<vmem>>, vector<1x3x128xi32>
    %swap3A_195 = vector.shape_cast %swap3A_194 : vector<1x3x128xi32> to vector<3x128xi32>
    %swap3A_196 = vector.shape_cast %broadcast_in_dim3A_190 : vector<3x128xi32> to vector<1x3x128xi32>
    tpu.vector_store %arg2[%swap3A_191, %swap3A_192, %swap3A_193], %swap3A_196 {strides = array<i32>} : memref<1x8x128xi32, #tpu.memory_space<vmem>>, vector<1x3x128xi32>,
    %swap3A_197 = arith.constant 0 : index
    %swap3A_198 = arith.constant 0 : index
    %swap3A_199 = arith.constant 0 : index
    %swap3A_200 = vector.load %arg3[%swap3A_197, %swap3A_198, %swap3A_199] : memref<1x8x128xf32, #tpu.memory_space<vmem>>, vector<1x5x128xf32>
    %swap3A_201 = vector.shape_cast %swap3A_200 : vector<1x5x128xf32> to vector<5x128xf32>
    %swap3A_202 = vector.shape_cast %select_n3A_183 : vector<5x128xf32> to vector<1x5x128xf32>
    tpu.vector_store %arg3[%swap3A_197, %swap3A_198, %swap3A_199], %swap3A_202 {strides = array<i32>} : memref<1x8x128xf32, #tpu.memory_space<vmem>>, vector<1x5x128xf32>,
    %broadcast_in_dim3A_203 = arith.constant 0.000000e+00 : f32
    %broadcast_in_dim3A_204 = vector.broadcast %broadcast_in_dim3A_203 : f32 to vector<3x128xf32>
    %swap3A_205 = arith.constant 0 : index
    %swap3A_206 = arith.constant 5 : index
    %swap3A_207 = arith.constant 0 : index
    %swap3A_208 = vector.load %arg3[%swap3A_205, %swap3A_206, %swap3A_207] : memref<1x8x128xf32, #tpu.memory_space<vmem>>, vector<1x3x128xf32>
    %swap3A_209 = vector.shape_cast %swap3A_208 : vector<1x3x128xf32> to vector<3x128xf32>
    %swap3A_210 = vector.shape_cast %broadcast_in_dim3A_204 : vector<3x128xf32> to vector<1x3x128xf32>
    tpu.vector_store %arg3[%swap3A_205, %swap3A_206, %swap3A_207], %swap3A_210 {strides = array<i32>} : memref<1x8x128xf32, #tpu.memory_space<vmem>>, vector<1x3x128xf32>,
    %reduce_sum3A_211 = vector.shape_cast %select_n3A_183 : vector<5x128xf32> to vector<1x5x128xf32>
    %reduce_sum3A_212 = arith.constant dense<0.000000e+00> : vector<1xf32>
    %reduce_sum3A_213 = vector.multi_reduction <add>, %reduce_sum3A_211, %reduce_sum3A_212 [1, 2] : vector<1x5x128xf32> to vector<1xf32>
    %reduce_sum3A_214 = vector.shape_cast %reduce_sum3A_213 : vector<1xf32> to vector<1x1x1xf32>
    %reduce_sum3A_215 = vector.extract %reduce_sum3A_214[0, 0, 0] : f32 from vector<1x1x1xf32>
    %eq3A_216 = arith.constant 0 : i32
    %eq3A_217 = arith.cmpi eq, %arg0, %eq3A_216 : i32
    %convert_element_type3A_218 = arith.extui %eq3A_217 : i1 to i32
    %cond3A = arith.constant 0 : i32
    %cond3A_219 = arith.cmpi ne, %convert_element_type3A_218, %cond3A : i32
    scf.if %cond3A_219 {
      %swap3A_227 = arith.constant 0.000000e+00 : f32
      %swap3A_228 = arith.constant 0 : index
      %swap3A_229 = arith.constant 0 : index
      %swap3A_230 = memref.load %arg4[%swap3A_228, %swap3A_229] : memref<1x1xf32, #tpu.memory_space<smem>>
      memref.store %swap3A_227, %arg4[%swap3A_228, %swap3A_229] : memref<1x1xf32, #tpu.memory_space<smem>>
    } else {
    }
    %get3A_220 = arith.constant 0 : index
    %get3A_221 = arith.constant 0 : index
    %get3A_222 = memref.load %arg4[%get3A_220, %get3A_221] : memref<1x1xf32, #tpu.memory_space<smem>>
    %add3A_223 = arith.addf %get3A_222, %reduce_sum3A_215 : f32
    %swap3A_224 = arith.constant 0 : index
    %swap3A_225 = arith.constant 0 : index
    %swap3A_226 = memref.load %arg4[%swap3A_224, %swap3A_225] : memref<1x1xf32, #tpu.memory_space<smem>>
    memref.store %add3A_223, %arg4[%swap3A_224, %swap3A_225] : memref<1x1xf32, #tpu.memory_space<smem>>
    return
  }
  func.func @transform_0(%arg0: i32) -> (i32, i32) {
    %c0_i32 = arith.constant 0 : i32
    %c0_i32_0 = arith.constant 0 : i32
    %c0_i32_1 = arith.constant 0 : i32
    return %c0_i32, %c0_i32_0 : i32, i32
  }
  func.func @transform_1(%arg0: i32) -> (i32, i32, i32) {
    %c0_i32 = arith.constant 0 : i32
    %c0_i32_0 = arith.constant 0 : i32
    %c0_i32_1 = arith.constant 0 : i32
    return %arg0, %c0_i32, %c0_i32_0 : i32, i32, i32
  }
  func.func @transform_2(%arg0: i32) -> (i32, i32, i32) {
    %c0_i32 = arith.constant 0 : i32
    %c0_i32_0 = arith.constant 0 : i32
    %c0_i32_1 = arith.constant 0 : i32
    return %arg0, %c0_i32, %c0_i32_0 : i32, i32, i32
  }
  func.func @transform_3(%arg0: i32) -> (i32, i32) {
    %c0_i32 = arith.constant 0 : i32
    %c0_i32_0 = arith.constant 0 : i32
    %c0_i32_1 = arith.constant 0 : i32
    return %c0_i32, %c0_i32_0 : i32, i32
  }
}

module attributes {stable_mosaic.version = 14 : i64} {
  func.func @_norm_kernel(%arg0: memref<4096x64xf32, #tpu.memory_space<vmem>>, %arg1: memref<4096x64xf32, #tpu.memory_space<vmem>>, %arg2: memref<4096x64xbf16, #tpu.memory_space<vmem>>, %arg3: memref<4096x128xf32, #tpu.memory_space<vmem>>, %arg4: memref<1x1xf32, #tpu.memory_space<smem>>, %arg5: memref<1x1xf32, #tpu.memory_space<smem>>) attributes {dimension_semantics = [], scalar_prefetch = 0 : i64, scratch_operands = 0 : i64, tpu.core_type = #tpu.core_type<tc>} {
    %get3A = arith.constant 0 : index
    %get3A_0 = arith.constant 0 : index
    %get3A_1 = vector.load %arg0[%get3A, %get3A_0] : memref<4096x64xf32, #tpu.memory_space<vmem>>, vector<4096x64xf32>
    %get3A_2 = arith.constant 0 : index
    %get3A_3 = arith.constant 0 : index
    %get3A_4 = vector.load %arg1[%get3A_2, %get3A_3] : memref<4096x64xf32, #tpu.memory_space<vmem>>, vector<4096x64xf32>
    %mul3A = arith.mulf %get3A_1, %get3A_1 : vector<4096x64xf32>
    %reduce_sum3A = arith.constant dense<0.000000e+00> : vector<4096xf32>
    %reduce_sum3A_5 = vector.multi_reduction <add>, %mul3A, %reduce_sum3A [1] : vector<4096x64xf32> to vector<4096xf32>
    %broadcast_in_dim3A = vector.shape_cast %reduce_sum3A_5 : vector<4096xf32> to vector<4096x1xf32>
    %sqrt3A = math.sqrt %broadcast_in_dim3A : vector<4096x1xf32>
    %mul3A_6 = arith.mulf %get3A_4, %get3A_4 : vector<4096x64xf32>
    %reduce_sum3A_7 = arith.constant dense<0.000000e+00> : vector<4096xf32>
    %reduce_sum3A_8 = vector.multi_reduction <add>, %mul3A_6, %reduce_sum3A_7 [1] : vector<4096x64xf32> to vector<4096xf32>
    %broadcast_in_dim3A_9 = vector.shape_cast %reduce_sum3A_8 : vector<4096xf32> to vector<4096x1xf32>
    %sqrt3A_10 = math.sqrt %broadcast_in_dim3A_9 : vector<4096x1xf32>
    %add3A = arith.constant 9.99999996E-13 : f32
    %add3A_11 = vector.broadcast %add3A : f32 to vector<4096x1xf32>
    %add3A_12 = arith.addf %sqrt3A, %add3A_11 : vector<4096x1xf32>
    %div3A = vector.broadcast %add3A_12 : vector<4096x1xf32> to vector<4096x64xf32>
    %div3A_13 = arith.divf %get3A_1, %div3A : vector<4096x64xf32>
    %add3A_14 = arith.constant 9.99999996E-13 : f32
    %add3A_15 = vector.broadcast %add3A_14 : f32 to vector<4096x1xf32>
    %add3A_16 = arith.addf %sqrt3A_10, %add3A_15 : vector<4096x1xf32>
    %div3A_17 = vector.broadcast %add3A_16 : vector<4096x1xf32> to vector<4096x64xf32>
    %div3A_18 = arith.divf %get3A_4, %div3A_17 : vector<4096x64xf32>
    %convert_element_type3A = arith.truncf %div3A_13 : vector<4096x64xf32> to vector<4096x64xbf16>
    %swap3A = arith.constant 0 : index
    %swap3A_19 = arith.constant 0 : index
    %swap3A_20 = vector.load %arg2[%swap3A, %swap3A_19] : memref<4096x64xbf16, #tpu.memory_space<vmem>>, vector<4096x64xbf16>
    tpu.vector_store %arg2[%swap3A, %swap3A_19], %convert_element_type3A {strides = array<i32>} : memref<4096x64xbf16, #tpu.memory_space<vmem>>, vector<4096x64xbf16>,
    %broadcast_in_dim3A_21 = arith.constant 0.000000e+00 : f32
    %broadcast_in_dim3A_22 = vector.broadcast %broadcast_in_dim3A_21 : f32 to vector<4096x64xf32>
    %concatenate3A = tpu.concatenate %div3A_18, %broadcast_in_dim3A_22 in 1 : vector<4096x64xf32>, vector<4096x64xf32> -> vector<4096x128xf32>
    %swap3A_23 = arith.constant 0 : index
    %swap3A_24 = arith.constant 0 : index
    %swap3A_25 = vector.load %arg3[%swap3A_23, %swap3A_24] : memref<4096x128xf32, #tpu.memory_space<vmem>>, vector<4096x128xf32>
    tpu.vector_store %arg3[%swap3A_23, %swap3A_24], %concatenate3A {strides = array<i32>} : memref<4096x128xf32, #tpu.memory_space<vmem>>, vector<4096x128xf32>,
    %mul3A_26 = arith.mulf %div3A_13, %div3A_18 : vector<4096x64xf32>
    %reduce_sum3A_27 = arith.constant dense<0.000000e+00> : vector<4096xf32>
    %reduce_sum3A_28 = vector.multi_reduction <add>, %mul3A_26, %reduce_sum3A_27 [1] : vector<4096x64xf32> to vector<4096xf32>
    %sub3A = arith.constant 1.000000e+00 : f32
    %sub3A_29 = vector.broadcast %sub3A : f32 to vector<4096xf32>
    %sub3A_30 = arith.subf %sub3A_29, %reduce_sum3A_28 : vector<4096xf32>
    %reduce_sum3A_31 = vector.shape_cast %sub3A_30 : vector<4096xf32> to vector<1x4096xf32>
    %reduce_sum3A_32 = arith.constant dense<0.000000e+00> : vector<1xf32>
    %reduce_sum3A_33 = vector.multi_reduction <add>, %reduce_sum3A_31, %reduce_sum3A_32 [1] : vector<1x4096xf32> to vector<1xf32>
    %reduce_sum3A_34 = vector.shape_cast %reduce_sum3A_33 : vector<1xf32> to vector<1x1xf32>
    %reduce_sum3A_35 = vector.extract %reduce_sum3A_34[0, 0] : f32 from vector<1x1xf32>
    %swap3A_36 = arith.constant 0 : index
    %swap3A_37 = arith.constant 0 : index
    %swap3A_38 = memref.load %arg4[%swap3A_36, %swap3A_37] : memref<1x1xf32, #tpu.memory_space<smem>>
    memref.store %reduce_sum3A_35, %arg4[%swap3A_36, %swap3A_37] : memref<1x1xf32, #tpu.memory_space<smem>>
    %squeeze3A = vector.shape_cast %sqrt3A : vector<4096x1xf32> to vector<4096xf32>
    %max3A = arith.constant 9.99999996E-13 : f32
    %max3A_39 = vector.broadcast %max3A : f32 to vector<4096xf32>
    %max3A_40 = arith.maximumf %squeeze3A, %max3A_39 : vector<4096xf32>
    %squeeze3A_41 = vector.shape_cast %sqrt3A_10 : vector<4096x1xf32> to vector<4096xf32>
    %max3A_42 = arith.constant 9.99999996E-13 : f32
    %max3A_43 = vector.broadcast %max3A_42 : f32 to vector<4096xf32>
    %max3A_44 = arith.maximumf %squeeze3A_41, %max3A_43 : vector<4096xf32>
    %log3A = math.log %max3A_44 : vector<4096xf32>
    %log3A_45 = math.log %max3A_40 : vector<4096xf32>
    %sub3A_46 = arith.subf %log3A, %log3A_45 : vector<4096xf32>
    %abs3A = math.absf %sub3A_46 : vector<4096xf32>
    %lt3A = arith.constant 2.000000e-01 : f32
    %lt3A_47 = vector.broadcast %lt3A : f32 to vector<4096xf32>
    %lt3A_48 = arith.cmpf olt, %abs3A, %lt3A_47 : vector<4096xf32>
    %mul3A_49 = arith.constant 5.000000e-01 : f32
    %mul3A_50 = vector.broadcast %mul3A_49 : f32 to vector<4096xf32>
    %mul3A_51 = arith.mulf %mul3A_50, %sub3A_46 : vector<4096xf32>
    %mul3A_52 = arith.mulf %mul3A_51, %sub3A_46 : vector<4096xf32>
    %sub3A_53 = arith.constant 1.000000e-01 : f32
    %sub3A_54 = vector.broadcast %sub3A_53 : f32 to vector<4096xf32>
    %sub3A_55 = arith.subf %abs3A, %sub3A_54 : vector<4096xf32>
    %mul3A_56 = arith.constant 2.000000e-01 : f32
    %mul3A_57 = vector.broadcast %mul3A_56 : f32 to vector<4096xf32>
    %mul3A_58 = arith.mulf %mul3A_57, %sub3A_55 : vector<4096xf32>
    %select_n3A = arith.select %lt3A_48, %mul3A_52, %mul3A_58 : vector<4096xi1>, vector<4096xf32>
    %reduce_sum3A_59 = vector.shape_cast %select_n3A : vector<4096xf32> to vector<1x4096xf32>
    %reduce_sum3A_60 = arith.constant dense<0.000000e+00> : vector<1xf32>
    %reduce_sum3A_61 = vector.multi_reduction <add>, %reduce_sum3A_59, %reduce_sum3A_60 [1] : vector<1x4096xf32> to vector<1xf32>
    %reduce_sum3A_62 = vector.shape_cast %reduce_sum3A_61 : vector<1xf32> to vector<1x1xf32>
    %reduce_sum3A_63 = vector.extract %reduce_sum3A_62[0, 0] : f32 from vector<1x1xf32>
    %swap3A_64 = arith.constant 0 : index
    %swap3A_65 = arith.constant 0 : index
    %swap3A_66 = memref.load %arg5[%swap3A_64, %swap3A_65] : memref<1x1xf32, #tpu.memory_space<smem>>
    memref.store %reduce_sum3A_63, %arg5[%swap3A_64, %swap3A_65] : memref<1x1xf32, #tpu.memory_space<smem>>
    return
  }
}

module attributes {stable_mosaic.version = 14 : i64} {
  func.func @_entropy_kernel(%arg0: i32, %arg1: memref<1000x1024xf32, #tpu.memory_space<vmem>>, %arg2: memref<1x1024xf32, #tpu.memory_space<vmem>>) attributes {dimension_semantics = [#tpu.dimension_semantics<arbitrary>], iteration_bounds = array<i64: 4>, scalar_prefetch = 0 : i64, scratch_operands = 0 : i64, tpu.core_type = #tpu.core_type<tc>, window_params = [{transform_indices = @transform_0, window_bounds = array<i64: 1000, 1024>}, {transform_indices = @transform_1, window_bounds = array<i64: 1, 1024>}]} {
    %get3A = arith.constant 0 : index
    %get3A_0 = arith.constant 0 : index
    %get3A_1 = vector.load %arg1[%get3A, %get3A_0] : memref<1000x1024xf32, #tpu.memory_space<vmem>>, vector<1000x1024xf32>
    %reduce_max3A = arith.constant dense<0xFF800000> : vector<1024xf32>
    %reduce_max3A_2 = vector.multi_reduction <maximumf>, %get3A_1, %reduce_max3A [0] : vector<1000x1024xf32> to vector<1024xf32>
    %broadcast_in_dim3A = vector.shape_cast %reduce_max3A_2 : vector<1024xf32> to vector<1x1024xf32>
    %sub3A = vector.broadcast %broadcast_in_dim3A : vector<1x1024xf32> to vector<1000x1024xf32>
    %sub3A_3 = arith.subf %get3A_1, %sub3A : vector<1000x1024xf32>
    %exp3A = math.exp %sub3A_3 : vector<1000x1024xf32>
    %reduce_sum3A = arith.constant dense<0.000000e+00> : vector<1024xf32>
    %reduce_sum3A_4 = vector.multi_reduction <add>, %exp3A, %reduce_sum3A [0] : vector<1000x1024xf32> to vector<1024xf32>
    %broadcast_in_dim3A_5 = vector.shape_cast %reduce_sum3A_4 : vector<1024xf32> to vector<1x1024xf32>
    %log3A = math.log %broadcast_in_dim3A_5 : vector<1x1024xf32>
    %add3A = arith.addf %broadcast_in_dim3A, %log3A : vector<1x1024xf32>
    %div3A = vector.broadcast %broadcast_in_dim3A_5 : vector<1x1024xf32> to vector<1000x1024xf32>
    %div3A_6 = arith.divf %exp3A, %div3A : vector<1000x1024xf32>
    %mul3A = arith.mulf %div3A_6, %get3A_1 : vector<1000x1024xf32>
    %reduce_sum3A_7 = arith.constant dense<0.000000e+00> : vector<1024xf32>
    %reduce_sum3A_8 = vector.multi_reduction <add>, %mul3A, %reduce_sum3A_7 [0] : vector<1000x1024xf32> to vector<1024xf32>
    %broadcast_in_dim3A_9 = vector.shape_cast %reduce_sum3A_8 : vector<1024xf32> to vector<1x1024xf32>
    %sub3A_10 = arith.subf %add3A, %broadcast_in_dim3A_9 : vector<1x1024xf32>
    %swap3A = arith.constant 0 : index
    %swap3A_11 = arith.constant 0 : index
    %swap3A_12 = vector.load %arg2[%swap3A, %swap3A_11] : memref<1x1024xf32, #tpu.memory_space<vmem>>, vector<1x1024xf32>
    tpu.vector_store %arg2[%swap3A, %swap3A_11], %sub3A_10 {strides = array<i32>} : memref<1x1024xf32, #tpu.memory_space<vmem>>, vector<1x1024xf32>,
    return
  }
  func.func @transform_0(%arg0: i32) -> (i32, i32) {
    %c0_i32 = arith.constant 0 : i32
    %c0_i32_0 = arith.constant 0 : i32
    return %c0_i32, %arg0 : i32, i32
  }
  func.func @transform_1(%arg0: i32) -> (i32, i32) {
    %c0_i32 = arith.constant 0 : i32
    %c0_i32_0 = arith.constant 0 : i32
    return %c0_i32, %arg0 : i32, i32
  }
}

module attributes {stable_mosaic.version = 14 : i64} {
  func.func @_kd_kernel(%arg0: i32, %arg1: memref<1000x1024xf32, #tpu.memory_space<vmem>>, %arg2: memref<1000x1024xf32, #tpu.memory_space<vmem>>, %arg3: memref<1x1x1024xi32, #tpu.memory_space<vmem>>, %arg4: memref<1x4096xf32, #tpu.memory_space<vmem>>, %arg5: memref<1x1xf32, #tpu.memory_space<smem>>, %arg6: memref<1x1xf32, #tpu.memory_space<smem>>) attributes {dimension_semantics = [#tpu.dimension_semantics<arbitrary>], iteration_bounds = array<i64: 4>, scalar_prefetch = 0 : i64, scratch_operands = 0 : i64, tpu.core_type = #tpu.core_type<tc>, window_params = [{transform_indices = @transform_0, window_bounds = array<i64: 1000, 1024>}, {transform_indices = @transform_1, window_bounds = array<i64: 1000, 1024>}, {transform_indices = @transform_2, window_bounds = array<i64: 1, 1, 1024>}, {pipeline_mode = #tpu.pipeline_mode<synchronous>, transform_indices = @transform_3, window_bounds = array<i64: 1, 4096>}, {transform_indices = @transform_4, window_bounds = array<i64: 1, 1>}, {transform_indices = @transform_5, window_bounds = array<i64: 1, 1>}]} {
    %get3A = arith.constant 0 : index
    %get3A_0 = arith.constant 0 : index
    %get3A_1 = vector.load %arg1[%get3A, %get3A_0] : memref<1000x1024xf32, #tpu.memory_space<vmem>>, vector<1000x1024xf32>
    %get3A_2 = arith.constant 0 : index
    %get3A_3 = arith.constant 0 : index
    %get3A_4 = vector.load %arg2[%get3A_2, %get3A_3] : memref<1000x1024xf32, #tpu.memory_space<vmem>>, vector<1000x1024xf32>
    %get3A_5 = arith.constant 0 : index
    %get3A_6 = arith.constant 0 : index
    %get3A_7 = vector.load %arg4[%get3A_5, %get3A_6] : memref<1x4096xf32, #tpu.memory_space<vmem>>, vector<1x4096xf32>
    %reduce_sum3A = vector.shape_cast %get3A_7 : vector<1x4096xf32> to vector<1x1x4096xf32>
    %reduce_sum3A_8 = arith.constant dense<0.000000e+00> : vector<1xf32>
    %reduce_sum3A_9 = vector.multi_reduction <add>, %reduce_sum3A, %reduce_sum3A_8 [1, 2] : vector<1x1x4096xf32> to vector<1xf32>
    %reduce_sum3A_10 = vector.shape_cast %reduce_sum3A_9 : vector<1xf32> to vector<1x1x1xf32>
    %reduce_sum3A_11 = vector.extract %reduce_sum3A_10[0, 0, 0] : f32 from vector<1x1x1xf32>
    %div3A = arith.constant 4.096000e+03 : f32
    %div3A_12 = arith.divf %reduce_sum3A_11, %div3A : f32
    %mul3A = arith.constant -2.000000e+00 : f32
    %mul3A_13 = vector.broadcast %mul3A : f32 to vector<1x4096xf32>
    %mul3A_14 = arith.mulf %mul3A_13, %get3A_7 : vector<1x4096xf32>
    %exp3A = math.exp %mul3A_14 : vector<1x4096xf32>
    %reduce_max3A = vector.shape_cast %exp3A : vector<1x4096xf32> to vector<1x1x4096xf32>
    %reduce_max3A_15 = arith.constant dense<0xFF800000> : vector<1xf32>
    %reduce_max3A_16 = vector.multi_reduction <maximumf>, %reduce_max3A, %reduce_max3A_15 [1, 2] : vector<1x1x4096xf32> to vector<1xf32>
    %reduce_max3A_17 = vector.shape_cast %reduce_max3A_16 : vector<1xf32> to vector<1x1x1xf32>
    %reduce_max3A_18 = vector.extract %reduce_max3A_17[0, 0, 0] : f32 from vector<1x1x1xf32>
    %mul3A_19 = arith.constant 1024 : i32
    %mul3A_20 = arith.muli %arg0, %mul3A_19 : i32
    %get3A_21 = arith.constant 0 : index
    %get3A_22 = arith.index_cast %mul3A_20 : i32 to index
    %get3A_23 = vector.load %arg4[%get3A_21, %get3A_22] : memref<1x4096xf32, #tpu.memory_space<vmem>>, vector<1x1024xf32>
    %mul3A_24 = arith.constant -2.000000e+00 : f32
    %mul3A_25 = vector.broadcast %mul3A_24 : f32 to vector<1x1024xf32>
    %mul3A_26 = arith.mulf %mul3A_25, %get3A_23 : vector<1x1024xf32>
    %exp3A_27 = math.exp %mul3A_26 : vector<1x1024xf32>
    %add3A = arith.constant 9.99999996E-13 : f32
    %add3A_28 = arith.addf %reduce_max3A_18, %add3A : f32
    %div3A_29 = vector.broadcast %add3A_28 : f32 to vector<1x1024xf32>
    %div3A_30 = arith.divf %exp3A_27, %div3A_29 : vector<1x1024xf32>
    %sub3A = vector.broadcast %div3A_12 : f32 to vector<1x1024xf32>
    %sub3A_31 = arith.subf %get3A_23, %sub3A : vector<1x1024xf32>
    %mul3A_32 = arith.constant 2.000000e+00 : f32
    %mul3A_33 = vector.broadcast %mul3A_32 : f32 to vector<1x1024xf32>
    %mul3A_34 = arith.mulf %mul3A_33, %sub3A_31 : vector<1x1024xf32>
    %logistic3A = arith.negf %mul3A_34 : vector<1x1024xf32>
    %logistic3A_35 = math.exp %logistic3A : vector<1x1024xf32>
    %logistic3A_36 = arith.constant 1.000000e+00 : f32
    %logistic3A_37 = vector.broadcast %logistic3A_36 : f32 to vector<1x1024xf32>
    %logistic3A_38 = arith.addf %logistic3A_37, %logistic3A_35 : vector<1x1024xf32>
    %logistic3A_39 = arith.divf %logistic3A_37, %logistic3A_38 : vector<1x1024xf32>
    %mul3A_40 = arith.constant 3.000000e+00 : f32
    %mul3A_41 = vector.broadcast %mul3A_40 : f32 to vector<1x1024xf32>
    %mul3A_42 = arith.mulf %mul3A_41, %logistic3A_39 : vector<1x1024xf32>
    %add3A_43 = arith.constant 1.000000e+00 : f32
    %add3A_44 = vector.broadcast %add3A_43 : f32 to vector<1x1024xf32>
    %add3A_45 = arith.addf %add3A_44, %mul3A_42 : vector<1x1024xf32>
    %reduce_max3A_46 = arith.constant dense<0xFF800000> : vector<1024xf32>
    %reduce_max3A_47 = vector.multi_reduction <maximumf>, %get3A_1, %reduce_max3A_46 [0] : vector<1000x1024xf32> to vector<1024xf32>
    %broadcast_in_dim3A = vector.shape_cast %reduce_max3A_47 : vector<1024xf32> to vector<1x1024xf32>
    %sub3A_48 = vector.broadcast %broadcast_in_dim3A : vector<1x1024xf32> to vector<1000x1024xf32>
    %sub3A_49 = arith.subf %get3A_1, %sub3A_48 : vector<1000x1024xf32>
    %exp3A_50 = math.exp %sub3A_49 : vector<1000x1024xf32>
    %reduce_sum3A_51 = arith.constant dense<0.000000e+00> : vector<1024xf32>
    %reduce_sum3A_52 = vector.multi_reduction <add>, %exp3A_50, %reduce_sum3A_51 [0] : vector<1000x1024xf32> to vector<1024xf32>
    %broadcast_in_dim3A_53 = vector.shape_cast %reduce_sum3A_52 : vector<1024xf32> to vector<1x1024xf32>
    %log3A = math.log %broadcast_in_dim3A_53 : vector<1x1024xf32>
    %add3A_54 = arith.addf %broadcast_in_dim3A, %log3A : vector<1x1024xf32>
    %get3A_55 = arith.constant 0 : index
    %get3A_56 = arith.constant 0 : index
    %get3A_57 = arith.constant 0 : index
    %get3A_58 = vector.load %arg3[%get3A_55, %get3A_56, %get3A_57] : memref<1x1x1024xi32, #tpu.memory_space<vmem>>, vector<1x1x1024xi32>
    %get3A_59 = vector.shape_cast %get3A_58 : vector<1x1x1024xi32> to vector<1024xi32>
    %reshape3A = vector.shape_cast %get3A_59 : vector<1024xi32> to vector<1x1024xi32>
    %iota3A = tpu.iota {dimensions = array<i32: 0>} : vector<1000x1024xi32>
    %eq3A = vector.broadcast %reshape3A : vector<1x1024xi32> to vector<1000x1024xi32>
    %eq3A_60 = arith.cmpi eq, %iota3A, %eq3A : vector<1000x1024xi32>
    %sub3A_61 = vector.broadcast %add3A_54 : vector<1x1024xf32> to vector<1000x1024xf32>
    %sub3A_62 = arith.subf %get3A_1, %sub3A_61 : vector<1000x1024xf32>
    %jit3A = arith.constant 0.000000e+00 : f32
    %broadcast_in_dim3A_63 = vector.broadcast %jit3A : f32 to vector<1000x1024xf32>
    %select_n3A = arith.select %eq3A_60, %sub3A_62, %broadcast_in_dim3A_63 : vector<1000x1024xi1>, vector<1000x1024xf32>
    %reduce_sum3A_64 = arith.constant dense<0.000000e+00> : vector<1024xf32>
    %reduce_sum3A_65 = vector.multi_reduction <add>, %select_n3A, %reduce_sum3A_64 [0] : vector<1000x1024xf32> to vector<1024xf32>
    %reduce_sum3A_66 = vector.shape_cast %reduce_sum3A_65 : vector<1024xf32> to vector<1x1024xf32>
    %reduce_sum3A_67 = arith.constant dense<0.000000e+00> : vector<1xf32>
    %reduce_sum3A_68 = vector.multi_reduction <add>, %reduce_sum3A_66, %reduce_sum3A_67 [1] : vector<1x1024xf32> to vector<1xf32>
    %reduce_sum3A_69 = vector.shape_cast %reduce_sum3A_68 : vector<1xf32> to vector<1x1xf32>
    %reduce_sum3A_70 = vector.extract %reduce_sum3A_69[0, 0] : f32 from vector<1x1xf32>
    %neg3A = arith.constant 0.000000e+00 : f32
    %neg3A_71 = arith.subf %neg3A, %reduce_sum3A_70 : f32
    %div3A_72 = arith.constant 1.000000e+00 : f32
    %div3A_73 = vector.broadcast %div3A_72 : f32 to vector<1x1024xf32>
    %div3A_74 = arith.divf %div3A_73, %add3A_45 : vector<1x1024xf32>
    %mul3A_75 = vector.broadcast %div3A_74 : vector<1x1024xf32> to vector<1000x1024xf32>
    %mul3A_76 = arith.mulf %get3A_4, %mul3A_75 : vector<1000x1024xf32>
    %mul3A_77 = vector.broadcast %div3A_74 : vector<1x1024xf32> to vector<1000x1024xf32>
    %mul3A_78 = arith.mulf %get3A_1, %mul3A_77 : vector<1000x1024xf32>
    %reduce_max3A_79 = arith.constant dense<0xFF800000> : vector<1024xf32>
    %reduce_max3A_80 = vector.multi_reduction <maximumf>, %mul3A_76, %reduce_max3A_79 [0] : vector<1000x1024xf32> to vector<1024xf32>
    %broadcast_in_dim3A_81 = vector.shape_cast %reduce_max3A_80 : vector<1024xf32> to vector<1x1024xf32>
    %sub3A_82 = vector.broadcast %broadcast_in_dim3A_81 : vector<1x1024xf32> to vector<1000x1024xf32>
    %sub3A_83 = arith.subf %mul3A_76, %sub3A_82 : vector<1000x1024xf32>
    %exp3A_84 = math.exp %sub3A_83 : vector<1000x1024xf32>
    %reduce_sum3A_85 = arith.constant dense<0.000000e+00> : vector<1024xf32>
    %reduce_sum3A_86 = vector.multi_reduction <add>, %exp3A_84, %reduce_sum3A_85 [0] : vector<1000x1024xf32> to vector<1024xf32>
    %broadcast_in_dim3A_87 = vector.shape_cast %reduce_sum3A_86 : vector<1024xf32> to vector<1x1024xf32>
    %log3A_88 = math.log %broadcast_in_dim3A_87 : vector<1x1024xf32>
    %add3A_89 = arith.addf %broadcast_in_dim3A_81, %log3A_88 : vector<1x1024xf32>
    %reduce_max3A_90 = arith.constant dense<0xFF800000> : vector<1024xf32>
    %reduce_max3A_91 = vector.multi_reduction <maximumf>, %mul3A_78, %reduce_max3A_90 [0] : vector<1000x1024xf32> to vector<1024xf32>
    %broadcast_in_dim3A_92 = vector.shape_cast %reduce_max3A_91 : vector<1024xf32> to vector<1x1024xf32>
    %sub3A_93 = vector.broadcast %broadcast_in_dim3A_92 : vector<1x1024xf32> to vector<1000x1024xf32>
    %sub3A_94 = arith.subf %mul3A_78, %sub3A_93 : vector<1000x1024xf32>
    %exp3A_95 = math.exp %sub3A_94 : vector<1000x1024xf32>
    %reduce_sum3A_96 = arith.constant dense<0.000000e+00> : vector<1024xf32>
    %reduce_sum3A_97 = vector.multi_reduction <add>, %exp3A_95, %reduce_sum3A_96 [0] : vector<1000x1024xf32> to vector<1024xf32>
    %broadcast_in_dim3A_98 = vector.shape_cast %reduce_sum3A_97 : vector<1024xf32> to vector<1x1024xf32>
    %log3A_99 = math.log %broadcast_in_dim3A_98 : vector<1x1024xf32>
    %add3A_100 = arith.addf %broadcast_in_dim3A_92, %log3A_99 : vector<1x1024xf32>
    %sub3A_101 = arith.subf %get3A_4, %get3A_1 : vector<1000x1024xf32>
    %mul3A_102 = arith.mulf %exp3A_84, %sub3A_101 : vector<1000x1024xf32>
    %reduce_sum3A_103 = arith.constant dense<0.000000e+00> : vector<1024xf32>
    %reduce_sum3A_104 = vector.multi_reduction <add>, %mul3A_102, %reduce_sum3A_103 [0] : vector<1000x1024xf32> to vector<1024xf32>
    %broadcast_in_dim3A_105 = vector.shape_cast %reduce_sum3A_104 : vector<1024xf32> to vector<1x1024xf32>
    %div3A_106 = arith.divf %broadcast_in_dim3A_105, %broadcast_in_dim3A_87 : vector<1x1024xf32>
    %mul3A_107 = arith.mulf %div3A_74, %div3A_106 : vector<1x1024xf32>
    %sub3A_108 = arith.subf %mul3A_107, %add3A_89 : vector<1x1024xf32>
    %add3A_109 = arith.addf %sub3A_108, %add3A_100 : vector<1x1024xf32>
    %mul3A_110 = arith.mulf %div3A_30, %add3A_109 : vector<1x1024xf32>
    %mul3A_111 = arith.mulf %mul3A_110, %add3A_45 : vector<1x1024xf32>
    %mul3A_112 = arith.mulf %mul3A_111, %add3A_45 : vector<1x1024xf32>
    %reduce_sum3A_113 = vector.shape_cast %mul3A_112 : vector<1x1024xf32> to vector<1x1x1024xf32>
    %reduce_sum3A_114 = arith.constant dense<0.000000e+00> : vector<1xf32>
    %reduce_sum3A_115 = vector.multi_reduction <add>, %reduce_sum3A_113, %reduce_sum3A_114 [1, 2] : vector<1x1x1024xf32> to vector<1xf32>
    %reduce_sum3A_116 = vector.shape_cast %reduce_sum3A_115 : vector<1xf32> to vector<1x1x1xf32>
    %reduce_sum3A_117 = vector.extract %reduce_sum3A_116[0, 0, 0] : f32 from vector<1x1x1xf32>
    %eq3A_118 = arith.constant 0 : i32
    %eq3A_119 = arith.cmpi eq, %arg0, %eq3A_118 : i32
    %convert_element_type3A = arith.extui %eq3A_119 : i1 to i32
    %cond3A = arith.constant 0 : i32
    %cond3A_120 = arith.cmpi ne, %convert_element_type3A, %cond3A : i32
    scf.if %cond3A_120 {
      %swap3A_134 = arith.constant 0.000000e+00 : f32
      %swap3A_135 = arith.constant 0 : index
      %swap3A_136 = arith.constant 0 : index
      %swap3A_137 = memref.load %arg5[%swap3A_135, %swap3A_136] : memref<1x1xf32, #tpu.memory_space<smem>>
      memref.store %swap3A_134, %arg5[%swap3A_135, %swap3A_136] : memref<1x1xf32, #tpu.memory_space<smem>>
      %swap3A_138 = arith.constant 0.000000e+00 : f32
      %swap3A_139 = arith.constant 0 : index
      %swap3A_140 = arith.constant 0 : index
      %swap3A_141 = memref.load %arg6[%swap3A_139, %swap3A_140] : memref<1x1xf32, #tpu.memory_space<smem>>
      memref.store %swap3A_138, %arg6[%swap3A_139, %swap3A_140] : memref<1x1xf32, #tpu.memory_space<smem>>
    } else {
    }
    %get3A_121 = arith.constant 0 : index
    %get3A_122 = arith.constant 0 : index
    %get3A_123 = memref.load %arg5[%get3A_121, %get3A_122] : memref<1x1xf32, #tpu.memory_space<smem>>
    %add3A_124 = arith.addf %get3A_123, %neg3A_71 : f32
    %swap3A = arith.constant 0 : index
    %swap3A_125 = arith.constant 0 : index
    %swap3A_126 = memref.load %arg5[%swap3A, %swap3A_125] : memref<1x1xf32, #tpu.memory_space<smem>>
    memref.store %add3A_124, %arg5[%swap3A, %swap3A_125] : memref<1x1xf32, #tpu.memory_space<smem>>
    %get3A_127 = arith.constant 0 : index
    %get3A_128 = arith.constant 0 : index
    %get3A_129 = memref.load %arg6[%get3A_127, %get3A_128] : memref<1x1xf32, #tpu.memory_space<smem>>
    %add3A_130 = arith.addf %get3A_129, %reduce_sum3A_117 : f32
    %swap3A_131 = arith.constant 0 : index
    %swap3A_132 = arith.constant 0 : index
    %swap3A_133 = memref.load %arg6[%swap3A_131, %swap3A_132] : memref<1x1xf32, #tpu.memory_space<smem>>
    memref.store %add3A_130, %arg6[%swap3A_131, %swap3A_132] : memref<1x1xf32, #tpu.memory_space<smem>>
    return
  }
  func.func @transform_0(%arg0: i32) -> (i32, i32) {
    %c0_i32 = arith.constant 0 : i32
    %c0_i32_0 = arith.constant 0 : i32
    return %c0_i32, %arg0 : i32, i32
  }
  func.func @transform_1(%arg0: i32) -> (i32, i32) {
    %c0_i32 = arith.constant 0 : i32
    %c0_i32_0 = arith.constant 0 : i32
    return %c0_i32, %arg0 : i32, i32
  }
  func.func @transform_2(%arg0: i32) -> (i32, i32, i32) {
    %c0_i32 = arith.constant 0 : i32
    %c0_i32_0 = arith.constant 0 : i32
    %c0_i32_1 = arith.constant 0 : i32
    return %arg0, %c0_i32, %c0_i32_0 : i32, i32, i32
  }
  func.func @transform_3(%arg0: i32) -> (i32, i32) {
    %c0_i32 = arith.constant 0 : i32
    %c0_i32_0 = arith.constant 0 : i32
    %c0_i32_1 = arith.constant 0 : i32
    return %c0_i32, %c0_i32_0 : i32, i32
  }
  func.func @transform_4(%arg0: i32) -> (i32, i32) {
    %c0_i32 = arith.constant 0 : i32
    %c0_i32_0 = arith.constant 0 : i32
    %c0_i32_1 = arith.constant 0 : i32
    return %c0_i32, %c0_i32_0 : i32, i32
  }
  func.func @transform_5(%arg0: i32) -> (i32, i32) {
    %c0_i32 = arith.constant 0 : i32
    %c0_i32_0 = arith.constant 0 : i32
    %c0_i32_1 = arith.constant 0 : i32
    return %c0_i32, %c0_i32_0 : i32, i32
  }
}

</mosaic_0001>

<sc_bundles>
// kernel: _run.7.cloned.1.call-start
scs
__scs_entry_jumppad:
0x0: {  	(pc) =	sbr.rel $0x88, $3  }
0x1: {  	(tag) =	ssettag $0x0;
	lr =	simm.s32 $0x1  }
0x2: {  	[smem:$0x3F9A] =	sst lr;
	_ =	strace $0xD0000000  }
0x3: {  	_ = 	snop  }
0x4: {  	_ = 	snop  }
0x5: {  	_ = 	snop  }
0x6: {  	_ = 	snop  }
0x7: {  	_ = 	snop  }
__scs_overlays_trampoline_lowered:
0x8: {  	[smem:$0x3FA9] =	sst s0  }
0x9: {  	[smem:$0x3FAA] =	sst s1  }
0xa: {  	[smem:$0x3FAB] =	sst s2  }
0xb: {  	[smem:$0x3FAC] =	sst s3  }
0xc: {  	[smem:$0x3FAD] =	sst s4  }
0xd: {  	[smem:$0x3FAE] =	sst s5  }
0xe: {  	[smem:$0x3FAF] =	sst s6  }
0xf: {  	[smem:$0x3FB0] =	sst s7  }
0x10: {  	[smem:$0x3FB1] =	sst s8  }
0x11: {  	[smem:$0x3FB2] =	sst s9;
	s0 =	simm.s32 @!p0 $0x0  }
0x12: {  	s1 =	sld [smem:$0x3F98];
	s0 =	simm.s32 @p0 $0x1  }
0x13: {  	[smem:$0x3FB3] =	sst s0;
	s0 =	simm.s32 @!p1 $0x0  }
0x14: {  	s2 =	sld [smem:$0x3F97];
	s0 =	simm.s32 @p1 $0x1  }
0x15: {  	[smem:$0x3FB4] =	sst s0;
	s0 =	simm.s32 @!p2 $0x0  }
0x16: {  	s3 =	sld [smem:$0x3FDB];
	s0 =	simm.s32 @p2 $0x1  }
0x17: {  	s4 =	simm.s32 $0x1BF5;
	[smem:$0x3FB6] =	sst s0  }
0x18: {  	s0 =	sld [smem:$0x3F99];
	_ =	swait.ge [sflag:s4], $0x0  }
0x19: {  	s7 =	sld [smem:$0x3F9A]  }
0x1a: {  	s8 =	sadd.s32 $0xFFFFE003, lr  }
0x1b: {  	s9 =	sadd.s32 $0xFFFFFEF7, lr;
	s5 =	simm.s32 $0xFFFFFFFF;
	p2 =	slt.u32 s8, $0xFFFFF086  }
0x1c: {  	p1 =	slt.u32 s9, $0xF7A;
	s5 =	simm.s32 @!p2 $0x0  }
0x1d: {  	s5 =	simm.s32 @p1 $0x1;
	p0 =	seq.s32 s7, s2  }
0x1e: {  	s7 =	smul.u32 @!p0 $0xF7A, s2;
	p2 =	seq.s32 @!p0 s5, $0x0  }
0x1f: {  	s9 =	smul.u32 $0xF7A, s1;
	s8 =	simm.s32 @!p0 $0x1BF5;
	p2 =	por !p2, p0  }
0x20: {  	[sflag:s8] =	ssyncset.s32 @!p0 $0xFFFFF086;
	s6 =	sadd.s32 @!p0 s3, s7;
	s7 =	simm.s32 @!p0 $0x108  }
0x21: {  	s3 =	sadd.s32 s3, s9;
	s6 =	sadd.s32 @!p0 $0x88, s6;
	s7 =	simm.s32 @p2 $0x1082  }
0x22: {  	[simem:s7], [sflag:s8] =	dma.local @!p0 [hbm:s6], $0xF7A  }
0x23: {  	s9 =	sor.u32 $0xD0000000, s2;
	s6 =	simm.s32 $0x108;
	_ =	swait.ge @!p0 [sflag:s8], $0x0  }
0x24: {  	s3 =	sadd.s32 $0x88, s3;
	s6 =	simm.s32 @!p1 $0x1082;
	[sflag:s4] =	ssyncset.s32 $0xFFFFF086  }
0x25: {  	[simem:s6], [sflag:s4] =	dma.local [hbm:s3], $0xF7A  }
0x26: {  	[smem:$0x3F9A] =	sst s1;
	(tag) =	ssettag s2;
	_ =	strace s9  }
0x27: {  	s1 =	sld [smem:$0x3FAA]  }
0x28: {  	s2 =	sld [smem:$0x3FAB]  }
0x29: {  	s4 =	sld [smem:$0x3FAD]  }
0x2a: {  	p0 =	seq.s32 s5, $0x0;
	s5 =	sld [smem:$0x3FAE]  }
0x2b: {  	s6 =	sld [smem:$0x3FAF]  }
0x2c: {  	s7 =	sld [smem:$0x3FB0]  }
0x2d: {  	s3 =	simm.s32 $0x108;
	s8 =	sld [smem:$0x3FB1]  }
0x2e: {  	s3 =	simm.s32 @!p0 $0x1082;
	s9 =	sld [smem:$0x3FB2]  }
0x2f: {  	lr =	sadd.s32 s0, s3;
	s0 =	sld [smem:$0x3FA9]  }
0x30: {  	s3 =	sld [smem:$0x3FAC]  }
0x31: {  	[smem:$0x3FB5] =	sst s10  }
0x32: {  	s10 =	sld [smem:$0x3FB3];
	_ =	sdelay $0x3  }
0x33: {  	p0 =	seq.s32 s10, $0x1;
	s10 =	sld [smem:$0x3FB5];
	_ =	sdelay $0x3  }
0x34: {  	[smem:$0x3FB5] =	sst s10  }
0x35: {  	s10 =	sld [smem:$0x3FB4];
	_ =	sdelay $0x3  }
0x36: {  	p1 =	seq.s32 s10, $0x1;
	s10 =	sld [smem:$0x3FB5];
	_ =	sdelay $0x3  }
0x37: {  	[smem:$0x3FB5] =	sst s10  }
0x38: {  	s10 =	sld [smem:$0x3FB6]  }
0x39: {  	_ = 	snop;
	(pc) =	sbr.ind lr, $3  }
0x3a: {  	_ = 	snop  }
0x3b: {  	_ = 	snop  }
0x3c: {  	p2 =	seq.s32 s10, $0x1;
	s10 =	sld [smem:$0x3FB5]  }
0x3d: {  	_ =	shalt  }
0x3e: {  	_ =	shalt  }
0x3f: {  	_ =	shalt  }
0x40: {  	_ =	shalt  }
0x41: {  	_ =	shalt  }
0x42: {  	_ =	shalt  }
0x43: {  	_ =	shalt  }
0x44: {  	_ =	shalt  }
0x45: {  	_ =	shalt  }
0x46: {  	_ =	shalt  }
0x47: {  	_ =	shalt  }
0x48: {  	_ =	shalt  }
0x49: {  	_ =	shalt  }
0x4a: {  	_ =	shalt  }
0x4b: {  	_ =	shalt  }
0x4c: {  	_ =	shalt  }
0x4d: {  	_ =	shalt  }
0x4e: {  	_ =	shalt  }
0x4f: {  	_ =	shalt  }
0x50: {  	_ =	shalt  }
0x51: {  	_ =	shalt  }
0x52: {  	_ =	shalt  }
0x53: {  	_ =	shalt  }
0x54: {  	_ =	shalt  }
0x55: {  	_ =	shalt  }
0x56: {  	_ =	shalt  }
0x57: {  	_ =	shalt  }
0x58: {  	_ =	shalt  }
0x59: {  	_ =	shalt  }
0x5a: {  	_ =	shalt  }
0x5b: {  	_ =	shalt  }
0x5c: {  	_ =	shalt  }
0x5d: {  	_ =	shalt  }
0x5e: {  	_ =	shalt  }
0x5f: {  	_ =	shalt  }
0x60: {  	_ =	shalt  }
0x61: {  	_ =	shalt  }
0x62: {  	_ =	shalt  }
0x63: {  	_ =	shalt  }
0x64: {  	_ =	shalt  }
0x65: {  	_ =	shalt  }
0x66: {  	_ =	shalt  }
0x67: {  	_ =	shalt  }
0x68: {  	_ =	shalt  }
0x69: {  	_ =	shalt  }
0x6a: {  	_ =	shalt  }
0x6b: {  	_ =	shalt  }
0x6c: {  	_ =	shalt  }
0x6d: {  	_ =	shalt  }
0x6e: {  	_ =	shalt  }
0x6f: {  	_ =	shalt  }
0x70: {  	_ =	shalt  }
0x71: {  	_ =	shalt  }
0x72: {  	_ =	shalt  }
0x73: {  	_ =	shalt  }
0x74: {  	_ =	shalt  }
0x75: {  	_ =	shalt  }
0x76: {  	_ =	shalt  }
0x77: {  	_ =	shalt  }
0x78: {  	_ =	shalt  }
0x79: {  	_ =	shalt  }
0x7a: {  	_ =	shalt  }
0x7b: {  	_ =	shalt  }
0x7c: {  	_ =	shalt  }
0x7d: {  	_ =	shalt  }
0x7e: {  	_ =	shalt  }
0x7f: {  	_ =	shalt  }
0x80: {  	_ =	shalt  }
0x81: {  	_ =	shalt  }
0x82: {  	_ =	shalt  }
0x83: {  	_ =	shalt  }
0x84: {  	_ =	shalt  }
0x85: {  	_ =	shalt  }
0x86: {  	_ =	shalt  }
0x87: {  	_ =	shalt  }
.Lfunc_end0:
.L_simem_size_0:
called_computation_lowered:
.L_overlay_start_0:
0x88: {  	s2 =	sld [smem:$0x3FD9]  }
0x89: {  	s3 =	sld [smem:$0x3FFE];
	_ =	sdelay $0x1  }
0x8a: {  	s1 =	srdreg.scid  }
0x8b: {  	s0 =	sand.u32 $0x1, s1  }
0x8c: {  	s16 =	sshll.u32 s0, $0xA;
	s2 =	sadd.s32 s3, s2  }
0x8d: {  	s2 =	sadd.s32 s2, s16  }
0x8e: {  	[smem:$0x3FC1] =	sst s2  }
0x8f: {  	_ = 	snop  }
0x90: {  	(tm) =	ssettm $0x1  }
0x91: {  	s17 =	sld [smem:$0x3FFB];
	_ =	sdelay $0x3  }
0x92: {  	_ =	strace s17  }
0x93: {  	s2 =	sld [smem:$0x3FFC];
	_ =	sdelay $0x3  }
0x94: {  	_ =	strace s2  }
0x95: {  	s2 =	sld [smem:$0x3FFD];
	_ =	sdelay $0x3  }
0x96: {  	_ =	strace s2  }
0x97: {  	_ =	strace $0x8FFFFFFF  }
0x98: {  	s18 =	sld [smem:$0x3FDB];
	_ =	sdelay $0x1  }
0x99: {  	s19 =	simm.s32 $_scs_section_size  }
0x9a: {  	s4 =	simm.s32 $_size__tile_overlayer_lowered;
	s5 =	simm.s32 $_tile_overlayer_lowered  }
0x9b: {  	s22 =	simm.s32 $0x1BFF;
	s21 =	sshll.u32 s5, $0x1;
	s2 =	sadd.s32 s19, s18  }
0x9c: {  	s6 =	simm.s32 $0x0;
	s20 =	sshll.u32 s4, $0x1;
	s4 =	sadd.s32 s21, s2  }
0x9d: {  	[timem:s6], [sflag:s22] =	dma.local [hbm:s4], s20  }
0x9e: {  	_ =	swait.ge [sflag:s22], s20  }
0x9f: {  	s3 =	ssub.s32 $0x0, s20;
	[sflag:s22] =	ssyncset.done $0x0  }
0xa0: {  	[sflag:s22] =	ssyncadd.s32 s3;
	_ =	sdelay $0x1  }
0xa1: {  	s23 =	simm.s32 $0x1B8B  }
0xa2: {  	_ =	swait.ge [sflag:s23], $0x1  }
0xa3: {  	[sflag:s23] =	ssyncset.done $0x0  }
0xa4: {  	s25 =	simm.s32 $0x1B8E;
	s24 =	sld [smem:$0x3FFE];
	[sflag:s23] =	ssyncadd.s32 $0xFFFFFFFF  }
0xa5: {  	s26 =	simm.s32 $execute0_lowered;
	[smem:$0x3FD2] =	sst s25  }
0xa6: {  	s4 =	sshll.u32 s26, $0x1;
	_ =	strace $0x80000046;
	[dreg:$0x1] =	wrdreg $0xFFFFFFFF  }
0xa7: {  	s28 =	simm.s32 $_size_execute0_lowered;
	s2 =	sadd.s32 s2, s4;
	[dreg:$0x0] =	wrdreg $0x0  }
0xa8: {  	s4 =	sshll.u32 s28, $0x1;
	[dreg:$0x2] =	wrdreg s2  }
0xa9: {  	[dreg:$0x3] =	wrdreg s4  }
0xaa: {  	[dreg:$0x4] =	wrdreg $0xC0  }
0xab: {  	_ =	task [dreg:s6], $0x5FFFF  }
0xac: {  	[dreg:$0x1] =	wrdreg $0xFFFFFFFF  }
0xad: {  	[dreg:$0x0] =	wrdreg $0x60  }
0xae: {  	[dreg:$0x2] =	wrdreg s24  }
0xaf: {  	[dreg:$0x3] =	wrdreg $0x9  }
0xb0: {  	_ =	task.clear_ibuf [dreg:s6], $0x4FFFF;
	_ =	strace $0x90000046  }
0xb1: {  	s29 =	simm.s32 $0x9;
	_ =	strace $0x80000048  }
0xb2: {  	_ =	swait.ge [sflag:s29], $0x1  }
0xb3: {  	[sflag:s29] =	ssyncadd.s32 $0xFFFFFFFF  }
0xb4: {  	_ =	strace $0x90000048  }
0xb5: {  	_ =	sfence  }
0xb6: {  	s30 =	sld [smem:$0x0];
	_ =	sdelay $0x2  }
0xb7: {  	s31 =	sshll.u32 s1, $0xD;
	s1 =	sshrl.u32 s1, $0x2  }
0xb8: {  	s3 =	sand.u32 $0x4000, s31;
	s1 =	sadd.s32 s1, s30  }
0xb9: {  	s0 =	sor.u32 s3, s0;
	s1 =	sshll.u32 s1, $0x11  }
0xba: {  	s0 =	sor.u32 s1, s0  }
0xbb: {  	s0 =	sadd.s32 $0x8F2B, s0  }
0xbc: {  	[sflag:s0] =	ssyncadd.remote.s32 $0x1  }
0xbd: {  	_ =	sfence.sel $0xFFFF  }
0xbe: {  	[dreg:$0x0] =	wrdreg $0xFFFFFFFF;
	(pc) =	sbr.abs _section_cstart, $3  }
0xbf: {  	[dreg:$0x1] =	wrdreg $0xFFFFFFFF  }
0xc0: {  	_ =	task.clear_ibuf [dreg:s6], $0x2FFFF;
	_ =	strace $0x9FFFFFFF  }
0xc1: {  	(tm) =	ssettm $0x7FFFFFFF  }
tec
execute0_lowered:
.L_overlay_start_1:
0x0: {  	(tag) =	ssettag $0x1  }
0x1: {  	s4 =	rddreg [dreg:$0x0]  }
0x2: {  	s0 =	rddreg [dreg:$0x1];
	s2 =	simm.s32 $0x0  }
0x3: {  	s3 =	srdreg.scid;
	s1 =	stileid.u32;
	s10 =	simm.s32 $0x400  }
0x4: {  	s11 =	simm.s32 $0x800;
	s12 =	simm.s32 $0x80;
	s13 =	simm.s32 $0x4800  }
0x5: {  	s14 =	simm.s32 $0x1;
	s15 =	simm.s32 $0x8800;
	s16 =	simm.s32 $0x100  }
0x6: {  	s17 =	simm.s32 $0xC800;
	s18 =	simm.s32 $0x180;
	s19 =	simm.s32 $0x10800  }
0x7: {  	s20 =	simm.s32 $0x200;
	s21 =	simm.s32 $0x14800;
	s22 =	simm.s32 $0x18800  }
0x8: {  	s23 =	simm.s32 $0x0;
	s5 =	sand.u32 $0x1, s3;
	s6 =	sshll.u32 s1, $0x1  }
0x9: {  	[smem:$0x7FF] =	sst s2;
	s3 =	sadd.s32 $0x1400, s4;
	s6 =	sor.u32 s5, s6  }
0xa: {  	_ =	strace $0x80000047;
	s5 =	ssub.s32 $0x2, s5;
	s7 =	sshll.u32 s6, $0x7  }
0xb: {  	s8 =	sshll.u32 s6, $0x4;
	s9 =	sshrl.u32 s5, $0x1;
	s6 =	sshll.u32 s6, $0xB  }
0xc: {  	s7 =	sadd.s32 s7, s4;
	s8 =	sadd.s32 s8, s4;
	s9 =	ssub.s32 s5, s9  }
0xd: {  	s6 =	sadd.s32 s3, s6;
	s4 =	sadd.s32 $0x11600, s7;
	s5 =	sadd.s32 $0x12600, s7  }
0xe: {  	s7 =	sadd.s32 $0x13600, s8;
	s8 =	smax.u32 s9, $0x1;
	s9 =	simm.s32 $0x2  }
.LBB2_1:
0xf: {  	[tilespmem:s2], [sflag:$0x2] =	stream.linear.gather [hbm4b:s4+s2], $0x400, $0x38;
	[tilespmem:$0x18880] =	vst v63  }
0x10: {  	_ =	swait.ge [sflag:s9], $0x400  }
0x11: {  	[sflag:s9] =	ssyncset.done $0x0  }
0x12: {  	[sflag:s9] =	ssyncadd.s32 $0xFFFFFC00  }
0x13: {  	[tilespmem:s10], [sflag:$0x2] =	stream.linear.gather [hbm4b:s5+s2], $0x400, $0x38;
	[tilespmem:$0x18880] =	vst v63  }
0x14: {  	_ =	swait.ge [sflag:s9], $0x400  }
0x15: {  	[sflag:s9] =	ssyncset.done $0x0  }
0x16: {  	[sflag:s9] =	ssyncadd.s32 $0xFFFFFC00  }
0x17: {  	[tilespmem:s11], [sflag:$0x2] =	stream.linear.gather [hbm4b:s6+s2], $0x4000, $0x38;
	[tilespmem:$0x18880] =	vst v63  }
0x18: {  	_ =	swait.ge [sflag:s9], $0x4000  }
0x19: {  	[sflag:s9] =	ssyncset.done $0x0  }
0x1a: {  	[sflag:s9] =	ssyncadd.s32 $0xFFFFC000  }
0x1b: {  	[tilespmem:s13], [sflag:$0x1] =	stream.indirect.gather [hbm4b:s3+s12], $0x80, s2, s12, $0xb8;
	[tilespmem:$0x18880] =	vst v63  }
0x1c: {  	_ =	swait.ge [sflag:s14], $0x4000  }
0x1d: {  	[sflag:s14] =	ssyncset.done $0x0  }
0x1e: {  	[sflag:s14] =	ssyncadd.s32 $0xFFFFC000  }
0x1f: {  	[tilespmem:s15], [sflag:$0x1] =	stream.indirect.gather [hbm4b:s3+s12], $0x80, s12, s12, $0xb8;
	[tilespmem:$0x18880] =	vst v63  }
0x20: {  	_ =	swait.ge [sflag:s14], $0x4000  }
0x21: {  	[sflag:s14] =	ssyncset.done $0x0  }
0x22: {  	[sflag:s14] =	ssyncadd.s32 $0xFFFFC000  }
0x23: {  	[tilespmem:s17], [sflag:$0x1] =	stream.indirect.gather [hbm4b:s3+s12], $0x80, s16, s12, $0xb8;
	[tilespmem:$0x18880] =	vst v63  }
0x24: {  	_ =	swait.ge [sflag:s14], $0x4000  }
0x25: {  	[sflag:s14] =	ssyncset.done $0x0  }
0x26: {  	[sflag:s14] =	ssyncadd.s32 $0xFFFFC000  }
0x27: {  	[tilespmem:s19], [sflag:$0x1] =	stream.indirect.gather [hbm4b:s3+s12], $0x80, s18, s12, $0xb8;
	[tilespmem:$0x18880] =	vst v63  }
0x28: {  	_ =	swait.ge [sflag:s14], $0x4000  }
0x29: {  	[sflag:s14] =	ssyncset.done $0x0  }
0x2a: {  	[sflag:s14] =	ssyncadd.s32 $0xFFFFC000  }
0x2b: {  	[tilespmem:s21], [sflag:$0x1] =	stream.indirect.gather [hbm4b:s3+s12], $0x80, s20, s12, $0xb8;
	[tilespmem:$0x18880] =	vst v63  }
0x2c: {  	_ =	swait.ge [sflag:s14], $0x4000  }
0x2d: {  	[sflag:s14] =	ssyncset.done $0x0  }
0x2e: {  	v1 =	vimm.f32 $0.0e+00;
	s24 =	simm.s32 $0x0;
	[sflag:s14] =	ssyncadd.s32 $0xFFFFC000  }
.LBB2_2:
0x2f: {  	s26 =	sshll.u32 s24, $0x4  }
0x30: {  	s25 =	sshll.u32 s24, $0xB;
	v4 =	vld [tilespmem:s26+$0x400]  }
0x31: {  	v5 =	vld [tilespmem:s25+$0x800]  }
0x32: {  	v0 =	vld [tilespmem:s25+$0x4800]  }
0x33: {  	v6 =	vld [tilespmem:s25+$0x810]  }
0x34: {  	v2 =	vld [tilespmem:s25+$0x4810]  }
0x35: {  	v7 =	vld [tilespmem:s25+$0x820]  }
0x36: {  	v3 =	vld [tilespmem:s25+$0x4820]  }
0x37: {  	v8 =	vld [tilespmem:s25+$0x830];
	v9 =	vmul.f32 v0, v5;
	v10 =	vbroadcast v4, $0x0  }
0x38: {  	v11 =	vld [tilespmem:s25+$0x4830]  }
0x39: {  	v12 =	vld [tilespmem:s25+$0x8800];
	v2 =	vmul.f32 v2, v6;
	v9 =	vmul.f32 v9, v10  }
0x3a: {  	v0 =	vld [tilespmem:s26+$0x480]  }
0x3b: {  	v3 =	vmul.f32 v3, v7;
	v2 =	vmul.f32 v2, v10;
	v1 =	vadd.f32 v9, v1  }
0x3c: {  	v63 =	vld [tilespmem:s25+$0x8810]  }
0x3d: {  	v62 =	vmul.f32 v11, v8;
	v1 =	vadd.f32 v2, v1;
	v2 =	vmul.f32 v3, v10  }
0x3e: {  	v16 =	vld [tilespmem:s25+$0x8820];
	v17 =	vmul.f32 v12, v5  }
0x3f: {  	v18 =	vbroadcast v0, $0x0;
	v3 =	vmul.f32 v62, v10;
	v2 =	vadd.f32 v2, v1  }
0x40: {  	v13 =	vld [tilespmem:s25+$0x8830]  }
0x41: {  	v20 =	vld [tilespmem:s25+$0xC800];
	v19 =	vmul.f32 v63, v6;
	v2 =	vadd.f32 v3, v2;
	v3 =	vmul.f32 v17, v18  }
0x42: {  	v1 =	vld [tilespmem:s26+$0x500]  }
0x43: {  	v9 =	vmul.f32 v16, v7;
	v2 =	vadd.f32 v3, v2;
	v3 =	vmul.f32 v19, v18  }
0x44: {  	v22 =	vld [tilespmem:s25+$0xC810]  }
0x45: {  	v21 =	vmul.f32 v13, v8;
	v2 =	vadd.f32 v3, v2;
	v3 =	vmul.f32 v9, v18  }
0x46: {  	v24 =	vld [tilespmem:s25+$0xC820];
	v11 =	vmul.f32 v20, v5  }
0x47: {  	v23 =	vmul.f32 v21, v18;
	v25 =	vbroadcast v1, $0x0;
	v3 =	vadd.f32 v3, v2  }
0x48: {  	v14 =	vld [tilespmem:s25+$0xC830]  }
0x49: {  	v28 =	vld [tilespmem:s25+$0x10800];
	v27 =	vmul.f32 v22, v6;
	v26 =	vmul.f32 v11, v25;
	v3 =	vadd.f32 v23, v3  }
0x4a: {  	v2 =	vld [tilespmem:s26+$0x580]  }
0x4b: {  	v10 =	vmul.f32 v24, v7;
	v29 =	vmul.f32 v27, v25;
	v3 =	vadd.f32 v26, v3  }
0x4c: {  	v31 =	vld [tilespmem:s25+$0x10810]  }
0x4d: {  	v30 =	vmul.f32 v14, v8;
	v32 =	vmul.f32 v10, v25;
	v3 =	vadd.f32 v29, v3  }
0x4e: {  	v34 =	vld [tilespmem:s25+$0x10820];
	v35 =	vmul.f32 v28, v5  }
0x4f: {  	v33 =	vmul.f32 v30, v25;
	v36 =	vbroadcast v2, $0x0;
	v9 =	vadd.f32 v32, v3  }
0x50: {  	v15 =	vld [tilespmem:s25+$0x10830]  }
0x51: {  	v39 =	vld [tilespmem:s25+$0x14800];
	v38 =	vmul.f32 v31, v6;
	v37 =	vmul.f32 v35, v36;
	v9 =	vadd.f32 v33, v9  }
0x52: {  	v3 =	vld [tilespmem:s26+$0x600]  }
0x53: {  	v11 =	vmul.f32 v34, v7;
	v40 =	vmul.f32 v38, v36;
	v9 =	vadd.f32 v37, v9  }
0x54: {  	v42 =	vld [tilespmem:s25+$0x14810]  }
0x55: {  	v41 =	vmul.f32 v15, v8;
	v43 =	vmul.f32 v11, v36;
	v9 =	vadd.f32 v40, v9  }
0x56: {  	v45 =	vld [tilespmem:s25+$0x14820];
	v5 =	vmul.f32 v39, v5  }
0x57: {  	v44 =	vmul.f32 v41, v36;
	v46 =	vbroadcast v3, $0x0;
	v9 =	vadd.f32 v43, v9  }
0x58: {  	v47 =	vld [tilespmem:s25+$0x14830]  }
0x59: {  	v48 =	vld [tilespmem:s25+$0x4880];
	v6 =	vmul.f32 v42, v6;
	v5 =	vmul.f32 v5, v46;
	v9 =	vadd.f32 v44, v9  }
0x5a: {  	v14 =	vld [tilespmem:s25+$0x880]  }
0x5b: {  	v49 =	vld [tilespmem:s25+$0x4890];
	v7 =	vmul.f32 v45, v7;
	v6 =	vmul.f32 v6, v46;
	v5 =	vadd.f32 v5, v9  }
0x5c: {  	v15 =	vld [tilespmem:s25+$0x890]  }
0x5d: {  	v51 =	vld [tilespmem:s25+$0x48A0];
	v8 =	vmul.f32 v47, v8;
	v50 =	vmul.f32 v7, v46;
	v5 =	vadd.f32 v6, v5  }
0x5e: {  	v12 =	vld [tilespmem:s25+$0x8A0];
	v53 =	vbroadcast v4, $0x1  }
0x5f: {  	v54 =	vld [tilespmem:s25+$0x48B0];
	v52 =	vmul.f32 v48, v14;
	v8 =	vmul.f32 v8, v46;
	v5 =	vadd.f32 v50, v5  }
0x60: {  	v10 =	vld [tilespmem:s25+$0x8B0]  }
0x61: {  	v56 =	vld [tilespmem:s25+$0x8880];
	v55 =	vmul.f32 v49, v15;
	v6 =	vmul.f32 v52, v53;
	v5 =	vadd.f32 v8, v5;
	_ =	sdelay $0x1  }
0x62: {  	v57 =	vmul.f32 v55, v53;
	v7 =	vmul.f32 v51, v12;
	v5 =	vadd.f32 v6, v5  }
0x63: {  	v59 =	vld [tilespmem:s25+$0x8890]  }
0x64: {  	v58 =	vmul.f32 v54, v10;
	v60 =	vmul.f32 v7, v53;
	v5 =	vadd.f32 v57, v5  }
0x65: {  	v63 =	vmul.f32 v56, v14;
	v62 =	vld [tilespmem:s25+$0x88A0]  }
0x66: {  	v16 =	vbroadcast v0, $0x1;
	v61 =	vmul.f32 v58, v53;
	v5 =	vadd.f32 v60, v5  }
0x67: {  	v17 =	vld [tilespmem:s25+$0x88B0]  }
0x68: {  	v18 =	vmul.f32 v59, v15;
	v6 =	vmul.f32 v63, v16;
	v5 =	vadd.f32 v61, v5  }
0x69: {  	v19 =	vld [tilespmem:s25+$0xC880]  }
0x6a: {  	v21 =	vmul.f32 v62, v12;
	v20 =	vmul.f32 v18, v16;
	v5 =	vadd.f32 v6, v5  }
0x6b: {  	v23 =	vld [tilespmem:s25+$0xC890]  }
0x6c: {  	v24 =	vmul.f32 v21, v16;
	v22 =	vmul.f32 v17, v10;
	v5 =	vadd.f32 v20, v5  }
0x6d: {  	v28 =	vbroadcast v1, $0x1;
	v26 =	vld [tilespmem:s25+$0xC8A0]  }
0x6e: {  	v27 =	vmul.f32 v19, v14;
	v25 =	vmul.f32 v22, v16;
	v5 =	vadd.f32 v24, v5  }
0x6f: {  	v29 =	vld [tilespmem:s25+$0xC8B0]  }
0x70: {  	v31 =	vld [tilespmem:s25+$0x10880];
	v30 =	vmul.f32 v23, v15;
	v6 =	vmul.f32 v27, v28;
	v5 =	vadd.f32 v25, v5;
	_ =	sdelay $0x1  }
0x71: {  	v32 =	vmul.f32 v30, v28;
	v33 =	vmul.f32 v26, v12;
	v5 =	vadd.f32 v6, v5  }
0x72: {  	v35 =	vld [tilespmem:s25+$0x10890]  }
0x73: {  	v34 =	vmul.f32 v29, v10;
	v36 =	vmul.f32 v33, v28;
	v5 =	vadd.f32 v32, v5  }
0x74: {  	v39 =	vmul.f32 v31, v14;
	v38 =	vld [tilespmem:s25+$0x108A0]  }
0x75: {  	v41 =	vld [tilespmem:s25+$0x108B0];
	v37 =	vmul.f32 v34, v28;
	v40 =	vbroadcast v2, $0x1;
	v5 =	vadd.f32 v36, v5;
	_ =	sdelay $0x1  }
0x76: {  	v42 =	vmul.f32 v35, v15;
	v6 =	vmul.f32 v39, v40;
	v5 =	vadd.f32 v37, v5  }
0x77: {  	v43 =	vld [tilespmem:s25+$0x14880]  }
0x78: {  	v45 =	vmul.f32 v38, v12;
	v44 =	vmul.f32 v42, v40;
	v5 =	vadd.f32 v6, v5  }
0x79: {  	v47 =	vld [tilespmem:s25+$0x14890];
	v46 =	vmul.f32 v41, v10  }
0x7a: {  	v48 =	vmul.f32 v45, v40;
	v5 =	vadd.f32 v44, v5  }
0x7b: {  	v49 =	vmul.f32 v46, v40;
	v50 =	vld [tilespmem:s25+$0x148A0]  }
0x7c: {  	v51 =	vmul.f32 v43, v14;
	v52 =	vbroadcast v3, $0x1;
	v5 =	vadd.f32 v48, v5  }
0x7d: {  	v53 =	vld [tilespmem:s25+$0x148B0]  }
0x7e: {  	v55 =	vld [tilespmem:s25+$0x4900];
	v54 =	vmul.f32 v47, v15;
	v6 =	vmul.f32 v51, v52;
	v5 =	vadd.f32 v49, v5  }
0x7f: {  	v14 =	vld [tilespmem:s25+$0x900]  }
0x80: {  	v58 =	vld [tilespmem:s25+$0x4910];
	v56 =	vmul.f32 v54, v52;
	v57 =	vmul.f32 v50, v12;
	v5 =	vadd.f32 v6, v5  }
0x81: {  	v15 =	vld [tilespmem:s25+$0x910]  }
0x82: {  	v10 =	vmul.f32 v53, v10;
	v12 =	vld [tilespmem:s25+$0x920];
	v59 =	vmul.f32 v57, v52;
	v5 =	vadd.f32 v56, v5  }
0x83: {  	v62 =	vbroadcast v4, $0x2;
	v60 =	vld [tilespmem:s25+$0x4920]  }
0x84: {  	v63 =	vld [tilespmem:s25+$0x4930];
	v9 =	vmul.f32 v10, v52;
	v61 =	vmul.f32 v55, v14;
	v5 =	vadd.f32 v59, v5  }
0x85: {  	v10 =	vld [tilespmem:s25+$0x930]  }
0x86: {  	v8 =	vmul.f32 v58, v15;
	v16 =	vld [tilespmem:s25+$0x8900];
	v6 =	vmul.f32 v61, v62;
	v5 =	vadd.f32 v9, v5;
	_ =	sdelay $0x1  }
0x87: {  	v17 =	vmul.f32 v8, v62;
	v7 =	vmul.f32 v60, v12;
	v5 =	vadd.f32 v6, v5  }
0x88: {  	v19 =	vld [tilespmem:s25+$0x8910]  }
0x89: {  	v18 =	vmul.f32 v63, v10;
	v20 =	vmul.f32 v7, v62;
	v5 =	vadd.f32 v17, v5  }
0x8a: {  	v22 =	vld [tilespmem:s25+$0x8920];
	v23 =	vmul.f32 v16, v14  }
0x8b: {  	v21 =	vmul.f32 v18, v62;
	v24 =	vbroadcast v0, $0x2;
	v5 =	vadd.f32 v20, v5  }
0x8c: {  	v25 =	vld [tilespmem:s25+$0x8930]  }
0x8d: {  	v26 =	vmul.f32 v19, v15;
	v27 =	vld [tilespmem:s25+$0xC900];
	v6 =	vmul.f32 v23, v24;
	v5 =	vadd.f32 v21, v5;
	_ =	sdelay $0x1  }
0x8e: {  	v29 =	vmul.f32 v22, v12;
	v28 =	vmul.f32 v26, v24;
	v5 =	vadd.f32 v6, v5  }
0x8f: {  	v31 =	vld [tilespmem:s25+$0xC910]  }
0x90: {  	v32 =	vmul.f32 v29, v24;
	v30 =	vmul.f32 v25, v10;
	v5 =	vadd.f32 v28, v5  }
0x91: {  	v34 =	vld [tilespmem:s25+$0xC920];
	v35 =	vmul.f32 v27, v14  }
0x92: {  	v36 =	vbroadcast v1, $0x2;
	v33 =	vmul.f32 v30, v24;
	v5 =	vadd.f32 v32, v5  }
0x93: {  	v37 =	vld [tilespmem:s25+$0xC930]  }
0x94: {  	v38 =	vmul.f32 v31, v15;
	v39 =	vld [tilespmem:s25+$0x10900];
	v6 =	vmul.f32 v35, v36;
	v5 =	vadd.f32 v33, v5;
	_ =	sdelay $0x1  }
0x95: {  	v41 =	vmul.f32 v34, v12;
	v40 =	vmul.f32 v38, v36;
	v5 =	vadd.f32 v6, v5  }
0x96: {  	v43 =	vld [tilespmem:s25+$0x10910]  }
0x97: {  	v44 =	vmul.f32 v41, v36;
	v42 =	vmul.f32 v37, v10;
	v5 =	vadd.f32 v40, v5  }
0x98: {  	v46 =	vld [tilespmem:s25+$0x10920];
	v47 =	vmul.f32 v39, v14  }
0x99: {  	v48 =	vbroadcast v2, $0x2;
	v45 =	vmul.f32 v42, v36;
	v5 =	vadd.f32 v44, v5  }
0x9a: {  	v49 =	vld [tilespmem:s25+$0x10930]  }
0x9b: {  	v50 =	vmul.f32 v43, v15;
	v6 =	vmul.f32 v47, v48;
	v5 =	vadd.f32 v45, v5  }
0x9c: {  	v51 =	vld [tilespmem:s25+$0x14900]  }
0x9d: {  	v53 =	vmul.f32 v46, v12;
	v52 =	vmul.f32 v50, v48;
	v5 =	vadd.f32 v6, v5  }
0x9e: {  	v55 =	vld [tilespmem:s25+$0x14910]  }
0x9f: {  	v56 =	vmul.f32 v53, v48;
	v54 =	vmul.f32 v49, v10;
	v5 =	vadd.f32 v52, v5  }
0xa0: {  	v58 =	vld [tilespmem:s25+$0x14920];
	v60 =	vbroadcast v3, $0x2  }
0xa1: {  	v59 =	vmul.f32 v51, v14;
	v57 =	vmul.f32 v54, v48;
	v5 =	vadd.f32 v56, v5  }
0xa2: {  	v61 =	vld [tilespmem:s25+$0x14930]  }
0xa3: {  	v63 =	vld [tilespmem:s25+$0x4980];
	v62 =	vmul.f32 v55, v15;
	v6 =	vmul.f32 v59, v60;
	v5 =	vadd.f32 v57, v5  }
0xa4: {  	v14 =	vld [tilespmem:s25+$0x980]  }
0xa5: {  	v18 =	vld [tilespmem:s25+$0x4990];
	v16 =	vmul.f32 v62, v60;
	v17 =	vmul.f32 v58, v12;
	v5 =	vadd.f32 v6, v5  }
0xa6: {  	v15 =	vld [tilespmem:s25+$0x990]  }
0xa7: {  	v10 =	vmul.f32 v61, v10;
	v12 =	vld [tilespmem:s25+$0x9A0];
	v19 =	vmul.f32 v17, v60;
	v5 =	vadd.f32 v16, v5  }
0xa8: {  	v22 =	vbroadcast v4, $0x3;
	v20 =	vld [tilespmem:s25+$0x49A0]  }
0xa9: {  	v9 =	vmul.f32 v10, v60;
	v10 =	vld [tilespmem:s25+$0x9B0];
	v21 =	vmul.f32 v63, v14;
	v5 =	vadd.f32 v19, v5  }
0xaa: {  	v23 =	vld [tilespmem:s25+$0x49B0]  }
0xab: {  	v8 =	vmul.f32 v18, v15;
	v24 =	vld [tilespmem:s25+$0x8980];
	v6 =	vmul.f32 v21, v22;
	v5 =	vadd.f32 v9, v5;
	_ =	sdelay $0x1  }
0xac: {  	v25 =	vmul.f32 v8, v22;
	v7 =	vmul.f32 v20, v12;
	v5 =	vadd.f32 v6, v5  }
0xad: {  	v27 =	vld [tilespmem:s25+$0x8990]  }
0xae: {  	v26 =	vmul.f32 v23, v10;
	v28 =	vmul.f32 v7, v22;
	v5 =	vadd.f32 v25, v5  }
0xaf: {  	v30 =	vld [tilespmem:s25+$0x89A0];
	v31 =	vmul.f32 v24, v14  }
0xb0: {  	v29 =	vmul.f32 v26, v22;
	v32 =	vbroadcast v0, $0x3;
	v5 =	vadd.f32 v28, v5  }
0xb1: {  	v33 =	vld [tilespmem:s25+$0x89B0]  }
0xb2: {  	v34 =	vmul.f32 v27, v15;
	v35 =	vld [tilespmem:s25+$0xC980];
	v6 =	vmul.f32 v31, v32;
	v5 =	vadd.f32 v29, v5;
	_ =	sdelay $0x1  }
0xb3: {  	v37 =	vmul.f32 v30, v12;
	v36 =	vmul.f32 v34, v32;
	v5 =	vadd.f32 v6, v5  }
0xb4: {  	v39 =	vld [tilespmem:s25+$0xC990]  }
0xb5: {  	v40 =	vmul.f32 v37, v32;
	v38 =	vmul.f32 v33, v10;
	v5 =	vadd.f32 v36, v5  }
0xb6: {  	v42 =	vld [tilespmem:s25+$0xC9A0];
	v43 =	vmul.f32 v35, v14  }
0xb7: {  	v44 =	vbroadcast v1, $0x3;
	v41 =	vmul.f32 v38, v32;
	v5 =	vadd.f32 v40, v5  }
0xb8: {  	v45 =	vld [tilespmem:s25+$0xC9B0]  }
0xb9: {  	v46 =	vmul.f32 v39, v15;
	v47 =	vld [tilespmem:s25+$0x10980];
	v6 =	vmul.f32 v43, v44;
	v5 =	vadd.f32 v41, v5;
	_ =	sdelay $0x1  }
0xba: {  	v49 =	vmul.f32 v42, v12;
	v48 =	vmul.f32 v46, v44;
	v5 =	vadd.f32 v6, v5  }
0xbb: {  	v51 =	vld [tilespmem:s25+$0x10990]  }
0xbc: {  	v52 =	vmul.f32 v49, v44;
	v50 =	vmul.f32 v45, v10;
	v5 =	vadd.f32 v48, v5  }
0xbd: {  	v54 =	vld [tilespmem:s25+$0x109A0];
	v55 =	vmul.f32 v47, v14  }
0xbe: {  	v56 =	vbroadcast v2, $0x3;
	v53 =	vmul.f32 v50, v44;
	v5 =	vadd.f32 v52, v5  }
0xbf: {  	v57 =	vld [tilespmem:s25+$0x109B0]  }
0xc0: {  	v58 =	vmul.f32 v51, v15;
	v6 =	vmul.f32 v55, v56;
	v5 =	vadd.f32 v53, v5  }
0xc1: {  	v59 =	vld [tilespmem:s25+$0x14980]  }
0xc2: {  	v61 =	vmul.f32 v54, v12;
	v60 =	vmul.f32 v58, v56;
	v5 =	vadd.f32 v6, v5  }
0xc3: {  	v63 =	vld [tilespmem:s25+$0x14990]  }
0xc4: {  	v16 =	vmul.f32 v61, v56;
	v62 =	vmul.f32 v57, v10;
	v5 =	vadd.f32 v60, v5  }
0xc5: {  	v18 =	vld [tilespmem:s25+$0x149A0];
	v20 =	vbroadcast v3, $0x3  }
0xc6: {  	v19 =	vmul.f32 v59, v14;
	v17 =	vmul.f32 v62, v56;
	v5 =	vadd.f32 v16, v5  }
0xc7: {  	v21 =	vld [tilespmem:s25+$0x149B0]  }
0xc8: {  	v23 =	vld [tilespmem:s25+$0x4A00];
	v22 =	vmul.f32 v63, v15;
	v6 =	vmul.f32 v19, v20;
	v5 =	vadd.f32 v17, v5  }
0xc9: {  	v14 =	vld [tilespmem:s25+$0xA00]  }
0xca: {  	v26 =	vld [tilespmem:s25+$0x4A10];
	v24 =	vmul.f32 v22, v20;
	v25 =	vmul.f32 v18, v12;
	v5 =	vadd.f32 v6, v5  }
0xcb: {  	v15 =	vld [tilespmem:s25+$0xA10]  }
0xcc: {  	v10 =	vmul.f32 v21, v10;
	v12 =	vld [tilespmem:s25+$0xA20];
	v27 =	vmul.f32 v25, v20;
	v5 =	vadd.f32 v24, v5  }
0xcd: {  	v30 =	vbroadcast v4, $0x4;
	v28 =	vld [tilespmem:s25+$0x4A20]  }
0xce: {  	v9 =	vmul.f32 v10, v20;
	v10 =	vld [tilespmem:s25+$0xA30];
	v29 =	vmul.f32 v23, v14;
	v5 =	vadd.f32 v27, v5  }
0xcf: {  	v31 =	vld [tilespmem:s25+$0x4A30]  }
0xd0: {  	v8 =	vmul.f32 v26, v15;
	v32 =	vld [tilespmem:s25+$0x8A00];
	v6 =	vmul.f32 v29, v30;
	v5 =	vadd.f32 v9, v5;
	_ =	sdelay $0x1  }
0xd1: {  	v33 =	vmul.f32 v8, v30;
	v7 =	vmul.f32 v28, v12;
	v5 =	vadd.f32 v6, v5  }
0xd2: {  	v35 =	vld [tilespmem:s25+$0x8A10]  }
0xd3: {  	v34 =	vmul.f32 v31, v10;
	v36 =	vmul.f32 v7, v30;
	v5 =	vadd.f32 v33, v5  }
0xd4: {  	v38 =	vld [tilespmem:s25+$0x8A20];
	v39 =	vmul.f32 v32, v14  }
0xd5: {  	v37 =	vmul.f32 v34, v30;
	v40 =	vbroadcast v0, $0x4;
	v5 =	vadd.f32 v36, v5  }
0xd6: {  	v41 =	vld [tilespmem:s25+$0x8A30]  }
0xd7: {  	v42 =	vmul.f32 v35, v15;
	v43 =	vld [tilespmem:s25+$0xCA00];
	v6 =	vmul.f32 v39, v40;
	v5 =	vadd.f32 v37, v5;
	_ =	sdelay $0x1  }
0xd8: {  	v45 =	vmul.f32 v38, v12;
	v44 =	vmul.f32 v42, v40;
	v5 =	vadd.f32 v6, v5  }
0xd9: {  	v47 =	vld [tilespmem:s25+$0xCA10]  }
0xda: {  	v48 =	vmul.f32 v45, v40;
	v46 =	vmul.f32 v41, v10;
	v5 =	vadd.f32 v44, v5  }
0xdb: {  	v50 =	vld [tilespmem:s25+$0xCA20];
	v51 =	vmul.f32 v43, v14  }
0xdc: {  	v52 =	vbroadcast v1, $0x4;
	v49 =	vmul.f32 v46, v40;
	v5 =	vadd.f32 v48, v5  }
0xdd: {  	v53 =	vld [tilespmem:s25+$0xCA30]  }
0xde: {  	v54 =	vmul.f32 v47, v15;
	v55 =	vld [tilespmem:s25+$0x10A00];
	v6 =	vmul.f32 v51, v52;
	v5 =	vadd.f32 v49, v5;
	_ =	sdelay $0x1  }
0xdf: {  	v57 =	vmul.f32 v50, v12;
	v56 =	vmul.f32 v54, v52;
	v5 =	vadd.f32 v6, v5  }
0xe0: {  	v59 =	vld [tilespmem:s25+$0x10A10]  }
0xe1: {  	v60 =	vmul.f32 v57, v52;
	v58 =	vmul.f32 v53, v10;
	v5 =	vadd.f32 v56, v5  }
0xe2: {  	v62 =	vld [tilespmem:s25+$0x10A20];
	v63 =	vmul.f32 v55, v14  }
0xe3: {  	v16 =	vbroadcast v2, $0x4;
	v61 =	vmul.f32 v58, v52;
	v5 =	vadd.f32 v60, v5  }
0xe4: {  	v17 =	vld [tilespmem:s25+$0x10A30]  }
0xe5: {  	v18 =	vmul.f32 v59, v15;
	v6 =	vmul.f32 v63, v16;
	v5 =	vadd.f32 v61, v5  }
0xe6: {  	v19 =	vld [tilespmem:s25+$0x14A00]  }
0xe7: {  	v21 =	vmul.f32 v62, v12;
	v20 =	vmul.f32 v18, v16;
	v5 =	vadd.f32 v6, v5  }
0xe8: {  	v23 =	vld [tilespmem:s25+$0x14A10]  }
0xe9: {  	v24 =	vmul.f32 v21, v16;
	v22 =	vmul.f32 v17, v10;
	v5 =	vadd.f32 v20, v5  }
0xea: {  	v26 =	vld [tilespmem:s25+$0x14A20];
	v28 =	vbroadcast v3, $0x4  }
0xeb: {  	v27 =	vmul.f32 v19, v14;
	v25 =	vmul.f32 v22, v16;
	v5 =	vadd.f32 v24, v5  }
0xec: {  	v29 =	vld [tilespmem:s25+$0x14A30]  }
0xed: {  	v31 =	vld [tilespmem:s25+$0x4A80];
	v30 =	vmul.f32 v23, v15;
	v6 =	vmul.f32 v27, v28;
	v5 =	vadd.f32 v25, v5  }
0xee: {  	v14 =	vld [tilespmem:s25+$0xA80]  }
0xef: {  	v34 =	vld [tilespmem:s25+$0x4A90];
	v32 =	vmul.f32 v30, v28;
	v33 =	vmul.f32 v26, v12;
	v5 =	vadd.f32 v6, v5  }
0xf0: {  	v15 =	vld [tilespmem:s25+$0xA90]  }
0xf1: {  	v10 =	vmul.f32 v29, v10;
	v12 =	vld [tilespmem:s25+$0xAA0];
	v35 =	vmul.f32 v33, v28;
	v5 =	vadd.f32 v32, v5  }
0xf2: {  	v38 =	vbroadcast v4, $0x5;
	v36 =	vld [tilespmem:s25+$0x4AA0]  }
0xf3: {  	v9 =	vmul.f32 v10, v28;
	v10 =	vld [tilespmem:s25+$0xAB0];
	v37 =	vmul.f32 v31, v14;
	v5 =	vadd.f32 v35, v5  }
0xf4: {  	v39 =	vld [tilespmem:s25+$0x4AB0]  }
0xf5: {  	v8 =	vmul.f32 v34, v15;
	v40 =	vld [tilespmem:s25+$0x8A80];
	v6 =	vmul.f32 v37, v38;
	v5 =	vadd.f32 v9, v5;
	_ =	sdelay $0x1  }
0xf6: {  	v41 =	vmul.f32 v8, v38;
	v7 =	vmul.f32 v36, v12;
	v5 =	vadd.f32 v6, v5  }
0xf7: {  	v43 =	vld [tilespmem:s25+$0x8A90]  }
0xf8: {  	v42 =	vmul.f32 v39, v10;
	v44 =	vmul.f32 v7, v38;
	v5 =	vadd.f32 v41, v5  }
0xf9: {  	v46 =	vld [tilespmem:s25+$0x8AA0];
	v47 =	vmul.f32 v40, v14  }
0xfa: {  	v45 =	vmul.f32 v42, v38;
	v48 =	vbroadcast v0, $0x5;
	v5 =	vadd.f32 v44, v5  }
0xfb: {  	v49 =	vld [tilespmem:s25+$0x8AB0]  }
0xfc: {  	v50 =	vmul.f32 v43, v15;
	v51 =	vld [tilespmem:s25+$0xCA80];
	v6 =	vmul.f32 v47, v48;
	v5 =	vadd.f32 v45, v5;
	_ =	sdelay $0x1  }
0xfd: {  	v53 =	vmul.f32 v46, v12;
	v52 =	vmul.f32 v50, v48;
	v5 =	vadd.f32 v6, v5  }
0xfe: {  	v55 =	vld [tilespmem:s25+$0xCA90]  }
0xff: {  	v56 =	vmul.f32 v53, v48;
	v54 =	vmul.f32 v49, v10;
	v5 =	vadd.f32 v52, v5  }
0x100: {  	v58 =	vld [tilespmem:s25+$0xCAA0];
	v59 =	vmul.f32 v51, v14  }
0x101: {  	v60 =	vbroadcast v1, $0x5;
	v57 =	vmul.f32 v54, v48;
	v5 =	vadd.f32 v56, v5  }
0x102: {  	v61 =	vld [tilespmem:s25+$0xCAB0]  }
0x103: {  	v62 =	vmul.f32 v55, v15;
	v63 =	vld [tilespmem:s25+$0x10A80];
	v6 =	vmul.f32 v59, v60;
	v5 =	vadd.f32 v57, v5;
	_ =	sdelay $0x1  }
0x104: {  	v17 =	vmul.f32 v58, v12;
	v16 =	vmul.f32 v62, v60;
	v5 =	vadd.f32 v6, v5  }
0x105: {  	v19 =	vld [tilespmem:s25+$0x10A90]  }
0x106: {  	v20 =	vmul.f32 v17, v60;
	v18 =	vmul.f32 v61, v10;
	v5 =	vadd.f32 v16, v5  }
0x107: {  	v22 =	vld [tilespmem:s25+$0x10AA0];
	v23 =	vmul.f32 v63, v14  }
0x108: {  	v24 =	vbroadcast v2, $0x5;
	v21 =	vmul.f32 v18, v60;
	v5 =	vadd.f32 v20, v5  }
0x109: {  	v25 =	vld [tilespmem:s25+$0x10AB0]  }
0x10a: {  	v26 =	vmul.f32 v19, v15;
	v6 =	vmul.f32 v23, v24;
	v5 =	vadd.f32 v21, v5  }
0x10b: {  	v27 =	vld [tilespmem:s25+$0x14A80]  }
0x10c: {  	v29 =	vmul.f32 v22, v12;
	v28 =	vmul.f32 v26, v24;
	v5 =	vadd.f32 v6, v5  }
0x10d: {  	v31 =	vld [tilespmem:s25+$0x14A90]  }
0x10e: {  	v32 =	vmul.f32 v29, v24;
	v30 =	vmul.f32 v25, v10;
	v5 =	vadd.f32 v28, v5  }
0x10f: {  	v34 =	vld [tilespmem:s25+$0x14AA0];
	v36 =	vbroadcast v3, $0x5  }
0x110: {  	v35 =	vmul.f32 v27, v14;
	v33 =	vmul.f32 v30, v24;
	v5 =	vadd.f32 v32, v5  }
0x111: {  	v37 =	vld [tilespmem:s25+$0x14AB0]  }
0x112: {  	v39 =	vld [tilespmem:s25+$0x4B00];
	v38 =	vmul.f32 v31, v15;
	v6 =	vmul.f32 v35, v36;
	v5 =	vadd.f32 v33, v5  }
0x113: {  	v14 =	vld [tilespmem:s25+$0xB00]  }
0x114: {  	v42 =	vld [tilespmem:s25+$0x4B10];
	v40 =	vmul.f32 v38, v36;
	v41 =	vmul.f32 v34, v12;
	v5 =	vadd.f32 v6, v5  }
0x115: {  	v15 =	vld [tilespmem:s25+$0xB10]  }
0x116: {  	v10 =	vmul.f32 v37, v10;
	v12 =	vld [tilespmem:s25+$0xB20];
	v43 =	vmul.f32 v41, v36;
	v5 =	vadd.f32 v40, v5  }
0x117: {  	v46 =	vbroadcast v4, $0x6;
	v44 =	vld [tilespmem:s25+$0x4B20]  }
0x118: {  	v9 =	vmul.f32 v10, v36;
	v10 =	vld [tilespmem:s25+$0xB30];
	v45 =	vmul.f32 v39, v14;
	v5 =	vadd.f32 v43, v5  }
0x119: {  	v47 =	vld [tilespmem:s25+$0x4B30]  }
0x11a: {  	v8 =	vmul.f32 v42, v15;
	v48 =	vld [tilespmem:s25+$0x8B00];
	v6 =	vmul.f32 v45, v46;
	v5 =	vadd.f32 v9, v5;
	_ =	sdelay $0x1  }
0x11b: {  	v49 =	vmul.f32 v8, v46;
	v7 =	vmul.f32 v44, v12;
	v5 =	vadd.f32 v6, v5  }
0x11c: {  	v51 =	vld [tilespmem:s25+$0x8B10]  }
0x11d: {  	v50 =	vmul.f32 v47, v10;
	v52 =	vmul.f32 v7, v46;
	v5 =	vadd.f32 v49, v5  }
0x11e: {  	v54 =	vld [tilespmem:s25+$0x8B20];
	v55 =	vmul.f32 v48, v14  }
0x11f: {  	v53 =	vmul.f32 v50, v46;
	v56 =	vbroadcast v0, $0x6;
	v5 =	vadd.f32 v52, v5  }
0x120: {  	v57 =	vld [tilespmem:s25+$0x8B30]  }
0x121: {  	v58 =	vmul.f32 v51, v15;
	v59 =	vld [tilespmem:s25+$0xCB00];
	v6 =	vmul.f32 v55, v56;
	v5 =	vadd.f32 v53, v5;
	_ =	sdelay $0x1  }
0x122: {  	v61 =	vmul.f32 v54, v12;
	v60 =	vmul.f32 v58, v56;
	v5 =	vadd.f32 v6, v5  }
0x123: {  	v63 =	vld [tilespmem:s25+$0xCB10]  }
0x124: {  	v16 =	vmul.f32 v61, v56;
	v62 =	vmul.f32 v57, v10;
	v5 =	vadd.f32 v60, v5  }
0x125: {  	v18 =	vld [tilespmem:s25+$0xCB20];
	v19 =	vmul.f32 v59, v14  }
0x126: {  	v20 =	vbroadcast v1, $0x6;
	v17 =	vmul.f32 v62, v56;
	v5 =	vadd.f32 v16, v5  }
0x127: {  	v21 =	vld [tilespmem:s25+$0xCB30]  }
0x128: {  	v22 =	vmul.f32 v63, v15;
	v23 =	vld [tilespmem:s25+$0x10B00];
	v6 =	vmul.f32 v19, v20;
	v5 =	vadd.f32 v17, v5;
	_ =	sdelay $0x1  }
0x129: {  	v25 =	vmul.f32 v18, v12;
	v24 =	vmul.f32 v22, v20;
	v5 =	vadd.f32 v6, v5  }
0x12a: {  	v27 =	vld [tilespmem:s25+$0x10B10]  }
0x12b: {  	v28 =	vmul.f32 v25, v20;
	v26 =	vmul.f32 v21, v10;
	v5 =	vadd.f32 v24, v5  }
0x12c: {  	v30 =	vld [tilespmem:s25+$0x10B20];
	v31 =	vmul.f32 v23, v14  }
0x12d: {  	v32 =	vbroadcast v2, $0x6;
	v29 =	vmul.f32 v26, v20;
	v5 =	vadd.f32 v28, v5  }
0x12e: {  	v33 =	vld [tilespmem:s25+$0x10B30]  }
0x12f: {  	v34 =	vmul.f32 v27, v15;
	v6 =	vmul.f32 v31, v32;
	v5 =	vadd.f32 v29, v5  }
0x130: {  	v35 =	vld [tilespmem:s25+$0x14B00]  }
0x131: {  	v37 =	vmul.f32 v30, v12;
	v36 =	vmul.f32 v34, v32;
	v5 =	vadd.f32 v6, v5  }
0x132: {  	v39 =	vld [tilespmem:s25+$0x14B10]  }
0x133: {  	v40 =	vmul.f32 v37, v32;
	v38 =	vmul.f32 v33, v10;
	v5 =	vadd.f32 v36, v5  }
0x134: {  	v42 =	vld [tilespmem:s25+$0x14B20];
	v44 =	vbroadcast v3, $0x6  }
0x135: {  	v43 =	vmul.f32 v35, v14;
	v41 =	vmul.f32 v38, v32;
	v5 =	vadd.f32 v40, v5  }
0x136: {  	v45 =	vld [tilespmem:s25+$0x14B30]  }
0x137: {  	v47 =	vld [tilespmem:s25+$0x4B80];
	v46 =	vmul.f32 v39, v15;
	v6 =	vmul.f32 v43, v44;
	v5 =	vadd.f32 v41, v5  }
0x138: {  	v14 =	vld [tilespmem:s25+$0xB80]  }
0x139: {  	v50 =	vld [tilespmem:s25+$0x4B90];
	v48 =	vmul.f32 v46, v44;
	v49 =	vmul.f32 v42, v12;
	v5 =	vadd.f32 v6, v5  }
0x13a: {  	v15 =	vld [tilespmem:s25+$0xB90]  }
0x13b: {  	v10 =	vmul.f32 v45, v10;
	v12 =	vld [tilespmem:s25+$0xBA0];
	v51 =	vmul.f32 v49, v44;
	v5 =	vadd.f32 v48, v5  }
0x13c: {  	v54 =	vbroadcast v4, $0x7;
	v52 =	vld [tilespmem:s25+$0x4BA0]  }
0x13d: {  	v9 =	vmul.f32 v10, v44;
	v10 =	vld [tilespmem:s25+$0xBB0];
	v53 =	vmul.f32 v47, v14;
	v5 =	vadd.f32 v51, v5  }
0x13e: {  	v55 =	vld [tilespmem:s25+$0x4BB0]  }
0x13f: {  	v8 =	vmul.f32 v50, v15;
	v56 =	vld [tilespmem:s25+$0x8B80];
	v6 =	vmul.f32 v53, v54;
	v5 =	vadd.f32 v9, v5;
	_ =	sdelay $0x1  }
0x140: {  	v57 =	vmul.f32 v8, v54;
	v7 =	vmul.f32 v52, v12;
	v5 =	vadd.f32 v6, v5  }
0x141: {  	v59 =	vld [tilespmem:s25+$0x8B90]  }
0x142: {  	v58 =	vmul.f32 v55, v10;
	v60 =	vmul.f32 v7, v54;
	v5 =	vadd.f32 v57, v5  }
0x143: {  	v62 =	vld [tilespmem:s25+$0x8BA0];
	v63 =	vmul.f32 v56, v14  }
0x144: {  	v61 =	vmul.f32 v58, v54;
	v16 =	vbroadcast v0, $0x7;
	v5 =	vadd.f32 v60, v5  }
0x145: {  	v17 =	vld [tilespmem:s25+$0x8BB0]  }
0x146: {  	v18 =	vmul.f32 v59, v15;
	v19 =	vld [tilespmem:s25+$0xCB80];
	v6 =	vmul.f32 v63, v16;
	v5 =	vadd.f32 v61, v5;
	_ =	sdelay $0x1  }
0x147: {  	v21 =	vmul.f32 v62, v12;
	v20 =	vmul.f32 v18, v16;
	v5 =	vadd.f32 v6, v5  }
0x148: {  	v23 =	vld [tilespmem:s25+$0xCB90]  }
0x149: {  	v24 =	vmul.f32 v21, v16;
	v22 =	vmul.f32 v17, v10;
	v5 =	vadd.f32 v20, v5  }
0x14a: {  	v26 =	vld [tilespmem:s25+$0xCBA0];
	v27 =	vmul.f32 v19, v14  }
0x14b: {  	v28 =	vbroadcast v1, $0x7;
	v25 =	vmul.f32 v22, v16;
	v5 =	vadd.f32 v24, v5  }
0x14c: {  	v29 =	vld [tilespmem:s25+$0xCBB0]  }
0x14d: {  	v30 =	vmul.f32 v23, v15;
	v31 =	vld [tilespmem:s25+$0x10B80];
	v6 =	vmul.f32 v27, v28;
	v5 =	vadd.f32 v25, v5;
	_ =	sdelay $0x1  }
0x14e: {  	v33 =	vmul.f32 v26, v12;
	v32 =	vmul.f32 v30, v28;
	v5 =	vadd.f32 v6, v5  }
0x14f: {  	v35 =	vld [tilespmem:s25+$0x10B90]  }
0x150: {  	v36 =	vmul.f32 v33, v28;
	v34 =	vmul.f32 v29, v10;
	v5 =	vadd.f32 v32, v5  }
0x151: {  	v38 =	vld [tilespmem:s25+$0x10BA0];
	v39 =	vmul.f32 v31, v14  }
0x152: {  	v40 =	vbroadcast v2, $0x7;
	v37 =	vmul.f32 v34, v28;
	v5 =	vadd.f32 v36, v5  }
0x153: {  	v41 =	vld [tilespmem:s25+$0x10BB0]  }
0x154: {  	v42 =	vmul.f32 v35, v15;
	v6 =	vmul.f32 v39, v40;
	v5 =	vadd.f32 v37, v5  }
0x155: {  	v43 =	vld [tilespmem:s25+$0x14B80]  }
0x156: {  	v45 =	vmul.f32 v38, v12;
	v44 =	vmul.f32 v42, v40;
	v5 =	vadd.f32 v6, v5  }
0x157: {  	v47 =	vld [tilespmem:s25+$0x14B90]  }
0x158: {  	v48 =	vmul.f32 v45, v40;
	v46 =	vmul.f32 v41, v10;
	v5 =	vadd.f32 v44, v5  }
0x159: {  	v50 =	vld [tilespmem:s25+$0x14BA0];
	v52 =	vbroadcast v3, $0x7  }
0x15a: {  	v51 =	vmul.f32 v43, v14;
	v49 =	vmul.f32 v46, v40;
	v5 =	vadd.f32 v48, v5  }
0x15b: {  	v53 =	vld [tilespmem:s25+$0x14BB0]  }
0x15c: {  	v55 =	vld [tilespmem:s25+$0x4C00];
	v54 =	vmul.f32 v47, v15;
	v6 =	vmul.f32 v51, v52;
	v5 =	vadd.f32 v49, v5  }
0x15d: {  	v14 =	vld [tilespmem:s25+$0xC00]  }
0x15e: {  	v58 =	vld [tilespmem:s25+$0x4C10];
	v56 =	vmul.f32 v54, v52;
	v57 =	vmul.f32 v50, v12;
	v5 =	vadd.f32 v6, v5  }
0x15f: {  	v15 =	vld [tilespmem:s25+$0xC10]  }
0x160: {  	v10 =	vmul.f32 v53, v10;
	v12 =	vld [tilespmem:s25+$0xC20];
	v59 =	vmul.f32 v57, v52;
	v5 =	vadd.f32 v56, v5  }
0x161: {  	v62 =	vbroadcast v4, $0x8;
	v60 =	vld [tilespmem:s25+$0x4C20]  }
0x162: {  	v9 =	vmul.f32 v10, v52;
	v10 =	vld [tilespmem:s25+$0xC30];
	v61 =	vmul.f32 v55, v14;
	v5 =	vadd.f32 v59, v5  }
0x163: {  	v63 =	vld [tilespmem:s25+$0x4C30]  }
0x164: {  	v8 =	vmul.f32 v58, v15;
	v16 =	vld [tilespmem:s25+$0x8C00];
	v6 =	vmul.f32 v61, v62;
	v5 =	vadd.f32 v9, v5;
	_ =	sdelay $0x1  }
0x165: {  	v17 =	vmul.f32 v8, v62;
	v7 =	vmul.f32 v60, v12;
	v5 =	vadd.f32 v6, v5  }
0x166: {  	v19 =	vld [tilespmem:s25+$0x8C10]  }
0x167: {  	v18 =	vmul.f32 v63, v10;
	v20 =	vmul.f32 v7, v62;
	v5 =	vadd.f32 v17, v5  }
0x168: {  	v22 =	vld [tilespmem:s25+$0x8C20];
	v23 =	vmul.f32 v16, v14  }
0x169: {  	v21 =	vmul.f32 v18, v62;
	v24 =	vbroadcast v0, $0x8;
	v5 =	vadd.f32 v20, v5  }
0x16a: {  	v25 =	vld [tilespmem:s25+$0x8C30]  }
0x16b: {  	v26 =	vmul.f32 v19, v15;
	v27 =	vld [tilespmem:s25+$0xCC00];
	v6 =	vmul.f32 v23, v24;
	v5 =	vadd.f32 v21, v5;
	_ =	sdelay $0x1  }
0x16c: {  	v29 =	vmul.f32 v22, v12;
	v28 =	vmul.f32 v26, v24;
	v5 =	vadd.f32 v6, v5  }
0x16d: {  	v31 =	vld [tilespmem:s25+$0xCC10]  }
0x16e: {  	v32 =	vmul.f32 v29, v24;
	v30 =	vmul.f32 v25, v10;
	v5 =	vadd.f32 v28, v5  }
0x16f: {  	v34 =	vld [tilespmem:s25+$0xCC20];
	v35 =	vmul.f32 v27, v14  }
0x170: {  	v36 =	vbroadcast v1, $0x8;
	v33 =	vmul.f32 v30, v24;
	v5 =	vadd.f32 v32, v5  }
0x171: {  	v37 =	vld [tilespmem:s25+$0xCC30]  }
0x172: {  	v38 =	vmul.f32 v31, v15;
	v39 =	vld [tilespmem:s25+$0x10C00];
	v6 =	vmul.f32 v35, v36;
	v5 =	vadd.f32 v33, v5;
	_ =	sdelay $0x1  }
0x173: {  	v41 =	vmul.f32 v34, v12;
	v40 =	vmul.f32 v38, v36;
	v5 =	vadd.f32 v6, v5  }
0x174: {  	v43 =	vld [tilespmem:s25+$0x10C10]  }
0x175: {  	v44 =	vmul.f32 v41, v36;
	v42 =	vmul.f32 v37, v10;
	v5 =	vadd.f32 v40, v5  }
0x176: {  	v46 =	vld [tilespmem:s25+$0x10C20];
	v47 =	vmul.f32 v39, v14  }
0x177: {  	v48 =	vbroadcast v2, $0x8;
	v45 =	vmul.f32 v42, v36;
	v5 =	vadd.f32 v44, v5  }
0x178: {  	v49 =	vld [tilespmem:s25+$0x10C30]  }
0x179: {  	v50 =	vmul.f32 v43, v15;
	v6 =	vmul.f32 v47, v48;
	v5 =	vadd.f32 v45, v5  }
0x17a: {  	v51 =	vld [tilespmem:s25+$0x14C00]  }
0x17b: {  	v53 =	vmul.f32 v46, v12;
	v52 =	vmul.f32 v50, v48;
	v5 =	vadd.f32 v6, v5  }
0x17c: {  	v55 =	vld [tilespmem:s25+$0x14C10]  }
0x17d: {  	v56 =	vmul.f32 v53, v48;
	v54 =	vmul.f32 v49, v10;
	v5 =	vadd.f32 v52, v5  }
0x17e: {  	v58 =	vld [tilespmem:s25+$0x14C20];
	v60 =	vbroadcast v3, $0x8  }
0x17f: {  	v59 =	vmul.f32 v51, v14;
	v57 =	vmul.f32 v54, v48;
	v5 =	vadd.f32 v56, v5  }
0x180: {  	v61 =	vld [tilespmem:s25+$0x14C30]  }
0x181: {  	v63 =	vld [tilespmem:s25+$0x4C80];
	v62 =	vmul.f32 v55, v15;
	v6 =	vmul.f32 v59, v60;
	v5 =	vadd.f32 v57, v5  }
0x182: {  	v14 =	vld [tilespmem:s25+$0xC80]  }
0x183: {  	v18 =	vld [tilespmem:s25+$0x4C90];
	v16 =	vmul.f32 v62, v60;
	v17 =	vmul.f32 v58, v12;
	v5 =	vadd.f32 v6, v5  }
0x184: {  	v15 =	vld [tilespmem:s25+$0xC90]  }
0x185: {  	v10 =	vmul.f32 v61, v10;
	v12 =	vld [tilespmem:s25+$0xCA0];
	v19 =	vmul.f32 v17, v60;
	v5 =	vadd.f32 v16, v5  }
0x186: {  	v22 =	vbroadcast v4, $0x9;
	v20 =	vld [tilespmem:s25+$0x4CA0]  }
0x187: {  	v9 =	vmul.f32 v10, v60;
	v10 =	vld [tilespmem:s25+$0xCB0];
	v21 =	vmul.f32 v63, v14;
	v5 =	vadd.f32 v19, v5  }
0x188: {  	v23 =	vld [tilespmem:s25+$0x4CB0]  }
0x189: {  	v8 =	vmul.f32 v18, v15;
	v24 =	vld [tilespmem:s25+$0x8C80];
	v6 =	vmul.f32 v21, v22;
	v5 =	vadd.f32 v9, v5;
	_ =	sdelay $0x1  }
0x18a: {  	v25 =	vmul.f32 v8, v22;
	v7 =	vmul.f32 v20, v12;
	v5 =	vadd.f32 v6, v5  }
0x18b: {  	v27 =	vld [tilespmem:s25+$0x8C90]  }
0x18c: {  	v26 =	vmul.f32 v23, v10;
	v28 =	vmul.f32 v7, v22;
	v5 =	vadd.f32 v25, v5  }
0x18d: {  	v30 =	vld [tilespmem:s25+$0x8CA0];
	v31 =	vmul.f32 v24, v14  }
0x18e: {  	v29 =	vmul.f32 v26, v22;
	v32 =	vbroadcast v0, $0x9;
	v5 =	vadd.f32 v28, v5  }
0x18f: {  	v33 =	vld [tilespmem:s25+$0x8CB0]  }
0x190: {  	v34 =	vmul.f32 v27, v15;
	v35 =	vld [tilespmem:s25+$0xCC80];
	v6 =	vmul.f32 v31, v32;
	v5 =	vadd.f32 v29, v5;
	_ =	sdelay $0x1  }
0x191: {  	v37 =	vmul.f32 v30, v12;
	v36 =	vmul.f32 v34, v32;
	v5 =	vadd.f32 v6, v5  }
0x192: {  	v39 =	vld [tilespmem:s25+$0xCC90]  }
0x193: {  	v40 =	vmul.f32 v37, v32;
	v38 =	vmul.f32 v33, v10;
	v5 =	vadd.f32 v36, v5  }
0x194: {  	v42 =	vld [tilespmem:s25+$0xCCA0];
	v43 =	vmul.f32 v35, v14  }
0x195: {  	v44 =	vbroadcast v1, $0x9;
	v41 =	vmul.f32 v38, v32;
	v5 =	vadd.f32 v40, v5  }
0x196: {  	v45 =	vld [tilespmem:s25+$0xCCB0]  }
0x197: {  	v46 =	vmul.f32 v39, v15;
	v47 =	vld [tilespmem:s25+$0x10C80];
	v6 =	vmul.f32 v43, v44;
	v5 =	vadd.f32 v41, v5;
	_ =	sdelay $0x1  }
0x198: {  	v49 =	vmul.f32 v42, v12;
	v48 =	vmul.f32 v46, v44;
	v5 =	vadd.f32 v6, v5  }
0x199: {  	v51 =	vld [tilespmem:s25+$0x10C90]  }
0x19a: {  	v52 =	vmul.f32 v49, v44;
	v50 =	vmul.f32 v45, v10;
	v5 =	vadd.f32 v48, v5  }
0x19b: {  	v54 =	vld [tilespmem:s25+$0x10CA0];
	v55 =	vmul.f32 v47, v14  }
0x19c: {  	v56 =	vbroadcast v2, $0x9;
	v53 =	vmul.f32 v50, v44;
	v5 =	vadd.f32 v52, v5  }
0x19d: {  	v57 =	vld [tilespmem:s25+$0x10CB0]  }
0x19e: {  	v58 =	vmul.f32 v51, v15;
	v6 =	vmul.f32 v55, v56;
	v5 =	vadd.f32 v53, v5  }
0x19f: {  	v59 =	vld [tilespmem:s25+$0x14C80]  }
0x1a0: {  	v61 =	vmul.f32 v54, v12;
	v60 =	vmul.f32 v58, v56;
	v5 =	vadd.f32 v6, v5  }
0x1a1: {  	v63 =	vld [tilespmem:s25+$0x14C90]  }
0x1a2: {  	v16 =	vmul.f32 v61, v56;
	v62 =	vmul.f32 v57, v10;
	v5 =	vadd.f32 v60, v5  }
0x1a3: {  	v18 =	vld [tilespmem:s25+$0x14CA0];
	v20 =	vbroadcast v3, $0x9  }
0x1a4: {  	v19 =	vmul.f32 v59, v14;
	v17 =	vmul.f32 v62, v56;
	v5 =	vadd.f32 v16, v5  }
0x1a5: {  	v21 =	vld [tilespmem:s25+$0x14CB0]  }
0x1a6: {  	v23 =	vld [tilespmem:s25+$0x4D00];
	v22 =	vmul.f32 v63, v15;
	v6 =	vmul.f32 v19, v20;
	v5 =	vadd.f32 v17, v5  }
0x1a7: {  	v14 =	vld [tilespmem:s25+$0xD00]  }
0x1a8: {  	v26 =	vld [tilespmem:s25+$0x4D10];
	v24 =	vmul.f32 v22, v20;
	v25 =	vmul.f32 v18, v12;
	v5 =	vadd.f32 v6, v5  }
0x1a9: {  	v15 =	vld [tilespmem:s25+$0xD10]  }
0x1aa: {  	v10 =	vmul.f32 v21, v10;
	v12 =	vld [tilespmem:s25+$0xD20];
	v27 =	vmul.f32 v25, v20;
	v5 =	vadd.f32 v24, v5  }
0x1ab: {  	v30 =	vbroadcast v4, $0xA;
	v28 =	vld [tilespmem:s25+$0x4D20]  }
0x1ac: {  	v9 =	vmul.f32 v10, v20;
	v10 =	vld [tilespmem:s25+$0xD30];
	v29 =	vmul.f32 v23, v14;
	v5 =	vadd.f32 v27, v5  }
0x1ad: {  	v31 =	vld [tilespmem:s25+$0x4D30]  }
0x1ae: {  	v8 =	vmul.f32 v26, v15;
	v32 =	vld [tilespmem:s25+$0x8D00];
	v6 =	vmul.f32 v29, v30;
	v5 =	vadd.f32 v9, v5;
	_ =	sdelay $0x1  }
0x1af: {  	v33 =	vmul.f32 v8, v30;
	v7 =	vmul.f32 v28, v12;
	v5 =	vadd.f32 v6, v5  }
0x1b0: {  	v35 =	vld [tilespmem:s25+$0x8D10]  }
0x1b1: {  	v34 =	vmul.f32 v31, v10;
	v36 =	vmul.f32 v7, v30;
	v5 =	vadd.f32 v33, v5  }
0x1b2: {  	v38 =	vld [tilespmem:s25+$0x8D20];
	v39 =	vmul.f32 v32, v14  }
0x1b3: {  	v37 =	vmul.f32 v34, v30;
	v40 =	vbroadcast v0, $0xA;
	v5 =	vadd.f32 v36, v5  }
0x1b4: {  	v41 =	vld [tilespmem:s25+$0x8D30]  }
0x1b5: {  	v42 =	vmul.f32 v35, v15;
	v43 =	vld [tilespmem:s25+$0xCD00];
	v6 =	vmul.f32 v39, v40;
	v5 =	vadd.f32 v37, v5;
	_ =	sdelay $0x1  }
0x1b6: {  	v45 =	vmul.f32 v38, v12;
	v44 =	vmul.f32 v42, v40;
	v5 =	vadd.f32 v6, v5  }
0x1b7: {  	v47 =	vld [tilespmem:s25+$0xCD10]  }
0x1b8: {  	v48 =	vmul.f32 v45, v40;
	v46 =	vmul.f32 v41, v10;
	v5 =	vadd.f32 v44, v5  }
0x1b9: {  	v50 =	vld [tilespmem:s25+$0xCD20];
	v51 =	vmul.f32 v43, v14  }
0x1ba: {  	v52 =	vbroadcast v1, $0xA;
	v49 =	vmul.f32 v46, v40;
	v5 =	vadd.f32 v48, v5  }
0x1bb: {  	v53 =	vld [tilespmem:s25+$0xCD30]  }
0x1bc: {  	v54 =	vmul.f32 v47, v15;
	v55 =	vld [tilespmem:s25+$0x10D00];
	v6 =	vmul.f32 v51, v52;
	v5 =	vadd.f32 v49, v5;
	_ =	sdelay $0x1  }
0x1bd: {  	v57 =	vmul.f32 v50, v12;
	v56 =	vmul.f32 v54, v52;
	v5 =	vadd.f32 v6, v5  }
0x1be: {  	v59 =	vld [tilespmem:s25+$0x10D10]  }
0x1bf: {  	v60 =	vmul.f32 v57, v52;
	v58 =	vmul.f32 v53, v10;
	v5 =	vadd.f32 v56, v5  }
0x1c0: {  	v62 =	vld [tilespmem:s25+$0x10D20];
	v63 =	vmul.f32 v55, v14  }
0x1c1: {  	v16 =	vbroadcast v2, $0xA;
	v61 =	vmul.f32 v58, v52;
	v5 =	vadd.f32 v60, v5  }
0x1c2: {  	v17 =	vld [tilespmem:s25+$0x10D30]  }
0x1c3: {  	v18 =	vmul.f32 v59, v15;
	v6 =	vmul.f32 v63, v16;
	v5 =	vadd.f32 v61, v5  }
0x1c4: {  	v19 =	vld [tilespmem:s25+$0x14D00]  }
0x1c5: {  	v21 =	vmul.f32 v62, v12;
	v20 =	vmul.f32 v18, v16;
	v5 =	vadd.f32 v6, v5  }
0x1c6: {  	v23 =	vld [tilespmem:s25+$0x14D10]  }
0x1c7: {  	v24 =	vmul.f32 v21, v16;
	v22 =	vmul.f32 v17, v10;
	v5 =	vadd.f32 v20, v5  }
0x1c8: {  	v26 =	vld [tilespmem:s25+$0x14D20];
	v28 =	vbroadcast v3, $0xA  }
0x1c9: {  	v27 =	vmul.f32 v19, v14;
	v25 =	vmul.f32 v22, v16;
	v5 =	vadd.f32 v24, v5  }
0x1ca: {  	v29 =	vld [tilespmem:s25+$0x14D30]  }
0x1cb: {  	v31 =	vld [tilespmem:s25+$0x4D80];
	v30 =	vmul.f32 v23, v15;
	v6 =	vmul.f32 v27, v28;
	v5 =	vadd.f32 v25, v5  }
0x1cc: {  	v14 =	vld [tilespmem:s25+$0xD80]  }
0x1cd: {  	v34 =	vld [tilespmem:s25+$0x4D90];
	v32 =	vmul.f32 v30, v28;
	v33 =	vmul.f32 v26, v12;
	v5 =	vadd.f32 v6, v5  }
0x1ce: {  	v15 =	vld [tilespmem:s25+$0xD90]  }
0x1cf: {  	v10 =	vmul.f32 v29, v10;
	v12 =	vld [tilespmem:s25+$0xDA0];
	v35 =	vmul.f32 v33, v28;
	v5 =	vadd.f32 v32, v5  }
0x1d0: {  	v38 =	vbroadcast v4, $0xB;
	v36 =	vld [tilespmem:s25+$0x4DA0]  }
0x1d1: {  	v9 =	vmul.f32 v10, v28;
	v10 =	vld [tilespmem:s25+$0xDB0];
	v37 =	vmul.f32 v31, v14;
	v5 =	vadd.f32 v35, v5  }
0x1d2: {  	v39 =	vld [tilespmem:s25+$0x4DB0]  }
0x1d3: {  	v8 =	vmul.f32 v34, v15;
	v40 =	vld [tilespmem:s25+$0x8D80];
	v6 =	vmul.f32 v37, v38;
	v5 =	vadd.f32 v9, v5;
	_ =	sdelay $0x1  }
0x1d4: {  	v41 =	vmul.f32 v8, v38;
	v7 =	vmul.f32 v36, v12;
	v5 =	vadd.f32 v6, v5  }
0x1d5: {  	v43 =	vld [tilespmem:s25+$0x8D90]  }
0x1d6: {  	v42 =	vmul.f32 v39, v10;
	v44 =	vmul.f32 v7, v38;
	v5 =	vadd.f32 v41, v5  }
0x1d7: {  	v46 =	vld [tilespmem:s25+$0x8DA0];
	v47 =	vmul.f32 v40, v14  }
0x1d8: {  	v45 =	vmul.f32 v42, v38;
	v48 =	vbroadcast v0, $0xB;
	v5 =	vadd.f32 v44, v5  }
0x1d9: {  	v49 =	vld [tilespmem:s25+$0x8DB0]  }
0x1da: {  	v50 =	vmul.f32 v43, v15;
	v51 =	vld [tilespmem:s25+$0xCD80];
	v6 =	vmul.f32 v47, v48;
	v5 =	vadd.f32 v45, v5;
	_ =	sdelay $0x1  }
0x1db: {  	v53 =	vmul.f32 v46, v12;
	v52 =	vmul.f32 v50, v48;
	v5 =	vadd.f32 v6, v5  }
0x1dc: {  	v55 =	vld [tilespmem:s25+$0xCD90]  }
0x1dd: {  	v56 =	vmul.f32 v53, v48;
	v54 =	vmul.f32 v49, v10;
	v5 =	vadd.f32 v52, v5  }
0x1de: {  	v58 =	vld [tilespmem:s25+$0xCDA0];
	v59 =	vmul.f32 v51, v14  }
0x1df: {  	v60 =	vbroadcast v1, $0xB;
	v57 =	vmul.f32 v54, v48;
	v5 =	vadd.f32 v56, v5  }
0x1e0: {  	v61 =	vld [tilespmem:s25+$0xCDB0]  }
0x1e1: {  	v62 =	vmul.f32 v55, v15;
	v63 =	vld [tilespmem:s25+$0x10D80];
	v6 =	vmul.f32 v59, v60;
	v5 =	vadd.f32 v57, v5;
	_ =	sdelay $0x1  }
0x1e2: {  	v17 =	vmul.f32 v58, v12;
	v16 =	vmul.f32 v62, v60;
	v5 =	vadd.f32 v6, v5  }
0x1e3: {  	v19 =	vld [tilespmem:s25+$0x10D90]  }
0x1e4: {  	v20 =	vmul.f32 v17, v60;
	v18 =	vmul.f32 v61, v10;
	v5 =	vadd.f32 v16, v5  }
0x1e5: {  	v22 =	vld [tilespmem:s25+$0x10DA0];
	v23 =	vmul.f32 v63, v14  }
0x1e6: {  	v24 =	vbroadcast v2, $0xB;
	v21 =	vmul.f32 v18, v60;
	v5 =	vadd.f32 v20, v5  }
0x1e7: {  	v25 =	vld [tilespmem:s25+$0x10DB0]  }
0x1e8: {  	v26 =	vmul.f32 v19, v15;
	v6 =	vmul.f32 v23, v24;
	v5 =	vadd.f32 v21, v5  }
0x1e9: {  	v27 =	vld [tilespmem:s25+$0x14D80]  }
0x1ea: {  	v29 =	vmul.f32 v22, v12;
	v28 =	vmul.f32 v26, v24;
	v5 =	vadd.f32 v6, v5  }
0x1eb: {  	v31 =	vld [tilespmem:s25+$0x14D90]  }
0x1ec: {  	v32 =	vmul.f32 v29, v24;
	v30 =	vmul.f32 v25, v10;
	v5 =	vadd.f32 v28, v5  }
0x1ed: {  	v34 =	vld [tilespmem:s25+$0x14DA0];
	v36 =	vbroadcast v3, $0xB  }
0x1ee: {  	v35 =	vmul.f32 v27, v14;
	v33 =	vmul.f32 v30, v24;
	v5 =	vadd.f32 v32, v5  }
0x1ef: {  	v37 =	vld [tilespmem:s25+$0x14DB0]  }
0x1f0: {  	v39 =	vld [tilespmem:s25+$0x4E00];
	v38 =	vmul.f32 v31, v15;
	v6 =	vmul.f32 v35, v36;
	v5 =	vadd.f32 v33, v5  }
0x1f1: {  	v14 =	vld [tilespmem:s25+$0xE00]  }
0x1f2: {  	v42 =	vld [tilespmem:s25+$0x4E10];
	v40 =	vmul.f32 v38, v36;
	v41 =	vmul.f32 v34, v12;
	v5 =	vadd.f32 v6, v5  }
0x1f3: {  	v15 =	vld [tilespmem:s25+$0xE10]  }
0x1f4: {  	v10 =	vmul.f32 v37, v10;
	v12 =	vld [tilespmem:s25+$0xE20];
	v43 =	vmul.f32 v41, v36;
	v5 =	vadd.f32 v40, v5  }
0x1f5: {  	v46 =	vbroadcast v4, $0xC;
	v44 =	vld [tilespmem:s25+$0x4E20]  }
0x1f6: {  	v9 =	vmul.f32 v10, v36;
	v10 =	vld [tilespmem:s25+$0xE30];
	v45 =	vmul.f32 v39, v14;
	v5 =	vadd.f32 v43, v5  }
0x1f7: {  	v47 =	vld [tilespmem:s25+$0x4E30]  }
0x1f8: {  	v8 =	vmul.f32 v42, v15;
	v48 =	vld [tilespmem:s25+$0x8E00];
	v6 =	vmul.f32 v45, v46;
	v5 =	vadd.f32 v9, v5;
	_ =	sdelay $0x1  }
0x1f9: {  	v49 =	vmul.f32 v8, v46;
	v7 =	vmul.f32 v44, v12;
	v5 =	vadd.f32 v6, v5  }
0x1fa: {  	v51 =	vld [tilespmem:s25+$0x8E10]  }
0x1fb: {  	v50 =	vmul.f32 v47, v10;
	v52 =	vmul.f32 v7, v46;
	v5 =	vadd.f32 v49, v5  }
0x1fc: {  	v54 =	vld [tilespmem:s25+$0x8E20];
	v55 =	vmul.f32 v48, v14  }
0x1fd: {  	v53 =	vmul.f32 v50, v46;
	v56 =	vbroadcast v0, $0xC;
	v5 =	vadd.f32 v52, v5  }
0x1fe: {  	v57 =	vld [tilespmem:s25+$0x8E30]  }
0x1ff: {  	v58 =	vmul.f32 v51, v15;
	v59 =	vld [tilespmem:s25+$0xCE00];
	v6 =	vmul.f32 v55, v56;
	v5 =	vadd.f32 v53, v5;
	_ =	sdelay $0x1  }
0x200: {  	v61 =	vmul.f32 v54, v12;
	v60 =	vmul.f32 v58, v56;
	v5 =	vadd.f32 v6, v5  }
0x201: {  	v63 =	vld [tilespmem:s25+$0xCE10]  }
0x202: {  	v16 =	vmul.f32 v61, v56;
	v62 =	vmul.f32 v57, v10;
	v5 =	vadd.f32 v60, v5  }
0x203: {  	v18 =	vld [tilespmem:s25+$0xCE20];
	v19 =	vmul.f32 v59, v14  }
0x204: {  	v20 =	vbroadcast v1, $0xC;
	v17 =	vmul.f32 v62, v56;
	v5 =	vadd.f32 v16, v5  }
0x205: {  	v21 =	vld [tilespmem:s25+$0xCE30]  }
0x206: {  	v22 =	vmul.f32 v63, v15;
	v23 =	vld [tilespmem:s25+$0x10E00];
	v6 =	vmul.f32 v19, v20;
	v5 =	vadd.f32 v17, v5;
	_ =	sdelay $0x1  }
0x207: {  	v25 =	vmul.f32 v18, v12;
	v24 =	vmul.f32 v22, v20;
	v5 =	vadd.f32 v6, v5  }
0x208: {  	v27 =	vld [tilespmem:s25+$0x10E10]  }
0x209: {  	v28 =	vmul.f32 v25, v20;
	v26 =	vmul.f32 v21, v10;
	v5 =	vadd.f32 v24, v5  }
0x20a: {  	v30 =	vld [tilespmem:s25+$0x10E20];
	v31 =	vmul.f32 v23, v14  }
0x20b: {  	v32 =	vbroadcast v2, $0xC;
	v29 =	vmul.f32 v26, v20;
	v5 =	vadd.f32 v28, v5  }
0x20c: {  	v33 =	vld [tilespmem:s25+$0x10E30]  }
0x20d: {  	v34 =	vmul.f32 v27, v15;
	v6 =	vmul.f32 v31, v32;
	v5 =	vadd.f32 v29, v5  }
0x20e: {  	v35 =	vld [tilespmem:s25+$0x14E00]  }
0x20f: {  	v37 =	vmul.f32 v30, v12;
	v36 =	vmul.f32 v34, v32;
	v5 =	vadd.f32 v6, v5  }
0x210: {  	v39 =	vld [tilespmem:s25+$0x14E10]  }
0x211: {  	v40 =	vmul.f32 v37, v32;
	v38 =	vmul.f32 v33, v10;
	v5 =	vadd.f32 v36, v5  }
0x212: {  	v42 =	vld [tilespmem:s25+$0x14E20];
	v44 =	vbroadcast v3, $0xC  }
0x213: {  	v43 =	vmul.f32 v35, v14;
	v41 =	vmul.f32 v38, v32;
	v5 =	vadd.f32 v40, v5  }
0x214: {  	v45 =	vld [tilespmem:s25+$0x14E30]  }
0x215: {  	v47 =	vld [tilespmem:s25+$0x4E80];
	v46 =	vmul.f32 v39, v15;
	v6 =	vmul.f32 v43, v44;
	v5 =	vadd.f32 v41, v5  }
0x216: {  	v14 =	vld [tilespmem:s25+$0xE80]  }
0x217: {  	v50 =	vld [tilespmem:s25+$0x4E90];
	v48 =	vmul.f32 v46, v44;
	v49 =	vmul.f32 v42, v12;
	v5 =	vadd.f32 v6, v5  }
0x218: {  	v15 =	vld [tilespmem:s25+$0xE90]  }
0x219: {  	v10 =	vmul.f32 v45, v10;
	v12 =	vld [tilespmem:s25+$0xEA0];
	v51 =	vmul.f32 v49, v44;
	v5 =	vadd.f32 v48, v5  }
0x21a: {  	v54 =	vbroadcast v4, $0xD;
	v52 =	vld [tilespmem:s25+$0x4EA0]  }
0x21b: {  	v9 =	vmul.f32 v10, v44;
	v10 =	vld [tilespmem:s25+$0xEB0];
	v53 =	vmul.f32 v47, v14;
	v5 =	vadd.f32 v51, v5  }
0x21c: {  	v55 =	vld [tilespmem:s25+$0x4EB0]  }
0x21d: {  	v8 =	vmul.f32 v50, v15;
	v56 =	vld [tilespmem:s25+$0x8E80];
	v6 =	vmul.f32 v53, v54;
	v5 =	vadd.f32 v9, v5;
	_ =	sdelay $0x1  }
0x21e: {  	v57 =	vmul.f32 v8, v54;
	v7 =	vmul.f32 v52, v12;
	v5 =	vadd.f32 v6, v5  }
0x21f: {  	v59 =	vld [tilespmem:s25+$0x8E90]  }
0x220: {  	v58 =	vmul.f32 v55, v10;
	v60 =	vmul.f32 v7, v54;
	v5 =	vadd.f32 v57, v5  }
0x221: {  	v62 =	vld [tilespmem:s25+$0x8EA0];
	v63 =	vmul.f32 v56, v14  }
0x222: {  	v61 =	vmul.f32 v58, v54;
	v16 =	vbroadcast v0, $0xD;
	v5 =	vadd.f32 v60, v5  }
0x223: {  	v17 =	vld [tilespmem:s25+$0x8EB0]  }
0x224: {  	v18 =	vmul.f32 v59, v15;
	v19 =	vld [tilespmem:s25+$0xCE80];
	v6 =	vmul.f32 v63, v16;
	v5 =	vadd.f32 v61, v5;
	_ =	sdelay $0x1  }
0x225: {  	v21 =	vmul.f32 v62, v12;
	v20 =	vmul.f32 v18, v16;
	v5 =	vadd.f32 v6, v5  }
0x226: {  	v23 =	vld [tilespmem:s25+$0xCE90]  }
0x227: {  	v24 =	vmul.f32 v21, v16;
	v22 =	vmul.f32 v17, v10;
	v5 =	vadd.f32 v20, v5  }
0x228: {  	v26 =	vld [tilespmem:s25+$0xCEA0];
	v27 =	vmul.f32 v19, v14  }
0x229: {  	v28 =	vbroadcast v1, $0xD;
	v25 =	vmul.f32 v22, v16;
	v5 =	vadd.f32 v24, v5  }
0x22a: {  	v29 =	vld [tilespmem:s25+$0xCEB0]  }
0x22b: {  	v30 =	vmul.f32 v23, v15;
	v31 =	vld [tilespmem:s25+$0x10E80];
	v6 =	vmul.f32 v27, v28;
	v5 =	vadd.f32 v25, v5;
	_ =	sdelay $0x1  }
0x22c: {  	v33 =	vmul.f32 v26, v12;
	v32 =	vmul.f32 v30, v28;
	v5 =	vadd.f32 v6, v5  }
0x22d: {  	v35 =	vld [tilespmem:s25+$0x10E90]  }
0x22e: {  	v36 =	vmul.f32 v33, v28;
	v34 =	vmul.f32 v29, v10;
	v5 =	vadd.f32 v32, v5  }
0x22f: {  	v38 =	vld [tilespmem:s25+$0x10EA0];
	v39 =	vmul.f32 v31, v14  }
0x230: {  	v40 =	vbroadcast v2, $0xD;
	v37 =	vmul.f32 v34, v28;
	v5 =	vadd.f32 v36, v5  }
0x231: {  	v41 =	vld [tilespmem:s25+$0x10EB0]  }
0x232: {  	v42 =	vmul.f32 v35, v15;
	v6 =	vmul.f32 v39, v40;
	v5 =	vadd.f32 v37, v5  }
0x233: {  	v43 =	vld [tilespmem:s25+$0x14E80]  }
0x234: {  	v45 =	vmul.f32 v38, v12;
	v44 =	vmul.f32 v42, v40;
	v5 =	vadd.f32 v6, v5  }
0x235: {  	v47 =	vld [tilespmem:s25+$0x14E90]  }
0x236: {  	v48 =	vmul.f32 v45, v40;
	v46 =	vmul.f32 v41, v10;
	v5 =	vadd.f32 v44, v5  }
0x237: {  	v50 =	vld [tilespmem:s25+$0x14EA0];
	v52 =	vbroadcast v3, $0xD  }
0x238: {  	v51 =	vmul.f32 v43, v14;
	v49 =	vmul.f32 v46, v40;
	v5 =	vadd.f32 v48, v5  }
0x239: {  	v53 =	vld [tilespmem:s25+$0x14EB0]  }
0x23a: {  	v55 =	vld [tilespmem:s25+$0x4F00];
	v54 =	vmul.f32 v47, v15;
	v6 =	vmul.f32 v51, v52;
	v5 =	vadd.f32 v49, v5  }
0x23b: {  	v14 =	vld [tilespmem:s25+$0xF00]  }
0x23c: {  	v58 =	vld [tilespmem:s25+$0x4F10];
	v56 =	vmul.f32 v54, v52;
	v57 =	vmul.f32 v50, v12;
	v5 =	vadd.f32 v6, v5  }
0x23d: {  	v15 =	vld [tilespmem:s25+$0xF10]  }
0x23e: {  	v10 =	vmul.f32 v53, v10;
	v12 =	vld [tilespmem:s25+$0xF20];
	v59 =	vmul.f32 v57, v52;
	v5 =	vadd.f32 v56, v5  }
0x23f: {  	v62 =	vbroadcast v4, $0xE;
	v60 =	vld [tilespmem:s25+$0x4F20]  }
0x240: {  	v9 =	vmul.f32 v10, v52;
	v10 =	vld [tilespmem:s25+$0xF30];
	v61 =	vmul.f32 v55, v14;
	v5 =	vadd.f32 v59, v5  }
0x241: {  	v63 =	vld [tilespmem:s25+$0x4F30]  }
0x242: {  	v8 =	vmul.f32 v58, v15;
	v16 =	vld [tilespmem:s25+$0x8F00];
	v6 =	vmul.f32 v61, v62;
	v5 =	vadd.f32 v9, v5;
	_ =	sdelay $0x1  }
0x243: {  	v17 =	vmul.f32 v8, v62;
	v7 =	vmul.f32 v60, v12;
	v5 =	vadd.f32 v6, v5  }
0x244: {  	v19 =	vld [tilespmem:s25+$0x8F10]  }
0x245: {  	v18 =	vmul.f32 v63, v10;
	v20 =	vmul.f32 v7, v62;
	v5 =	vadd.f32 v17, v5  }
0x246: {  	v22 =	vld [tilespmem:s25+$0x8F20];
	v23 =	vmul.f32 v16, v14  }
0x247: {  	v21 =	vmul.f32 v18, v62;
	v24 =	vbroadcast v0, $0xE;
	v5 =	vadd.f32 v20, v5  }
0x248: {  	v25 =	vld [tilespmem:s25+$0x8F30]  }
0x249: {  	v26 =	vmul.f32 v19, v15;
	v27 =	vld [tilespmem:s25+$0xCF00];
	v6 =	vmul.f32 v23, v24;
	v5 =	vadd.f32 v21, v5;
	_ =	sdelay $0x1  }
0x24a: {  	v29 =	vmul.f32 v22, v12;
	v28 =	vmul.f32 v26, v24;
	v5 =	vadd.f32 v6, v5  }
0x24b: {  	v31 =	vld [tilespmem:s25+$0xCF10]  }
0x24c: {  	v32 =	vmul.f32 v29, v24;
	v30 =	vmul.f32 v25, v10;
	v5 =	vadd.f32 v28, v5  }
0x24d: {  	v34 =	vld [tilespmem:s25+$0xCF20];
	v35 =	vmul.f32 v27, v14  }
0x24e: {  	v36 =	vbroadcast v1, $0xE;
	v33 =	vmul.f32 v30, v24;
	v5 =	vadd.f32 v32, v5  }
0x24f: {  	v37 =	vld [tilespmem:s25+$0xCF30]  }
0x250: {  	v38 =	vmul.f32 v31, v15;
	v39 =	vld [tilespmem:s25+$0x10F00];
	v6 =	vmul.f32 v35, v36;
	v5 =	vadd.f32 v33, v5;
	_ =	sdelay $0x1  }
0x251: {  	v41 =	vmul.f32 v34, v12;
	v40 =	vmul.f32 v38, v36;
	v5 =	vadd.f32 v6, v5  }
0x252: {  	v43 =	vld [tilespmem:s25+$0x10F10]  }
0x253: {  	v44 =	vmul.f32 v41, v36;
	v42 =	vmul.f32 v37, v10;
	v5 =	vadd.f32 v40, v5  }
0x254: {  	v46 =	vld [tilespmem:s25+$0x10F20];
	v47 =	vmul.f32 v39, v14  }
0x255: {  	v48 =	vbroadcast v2, $0xE;
	v45 =	vmul.f32 v42, v36;
	v5 =	vadd.f32 v44, v5  }
0x256: {  	v49 =	vld [tilespmem:s25+$0x10F30]  }
0x257: {  	v50 =	vmul.f32 v43, v15;
	v6 =	vmul.f32 v47, v48;
	v5 =	vadd.f32 v45, v5  }
0x258: {  	v51 =	vld [tilespmem:s25+$0x14F00]  }
0x259: {  	v53 =	vmul.f32 v46, v12;
	v52 =	vmul.f32 v50, v48;
	v5 =	vadd.f32 v6, v5  }
0x25a: {  	v55 =	vld [tilespmem:s25+$0x14F10]  }
0x25b: {  	v56 =	vmul.f32 v53, v48;
	v54 =	vmul.f32 v49, v10;
	v5 =	vadd.f32 v52, v5  }
0x25c: {  	v58 =	vld [tilespmem:s25+$0x14F20];
	v60 =	vbroadcast v3, $0xE  }
0x25d: {  	v59 =	vmul.f32 v51, v14;
	v57 =	vmul.f32 v54, v48;
	v5 =	vadd.f32 v56, v5  }
0x25e: {  	v61 =	vld [tilespmem:s25+$0x14F30]  }
0x25f: {  	v63 =	vld [tilespmem:s25+$0x4F80];
	v62 =	vmul.f32 v55, v15;
	v6 =	vmul.f32 v59, v60;
	v5 =	vadd.f32 v57, v5  }
0x260: {  	v14 =	vld [tilespmem:s25+$0xF80]  }
0x261: {  	v19 =	vmul.f32 v58, v12;
	v15 =	vld [tilespmem:s25+$0xF90];
	v18 =	vmul.f32 v62, v60;
	v5 =	vadd.f32 v6, v5  }
0x262: {  	v20 =	vld [tilespmem:s25+$0x4F90]  }
0x263: {  	v22 =	vmul.f32 v19, v60;
	v10 =	vmul.f32 v61, v10;
	v23 =	vld [tilespmem:s25+$0x4FA0];
	v5 =	vadd.f32 v18, v5  }
0x264: {  	v4 =	vbroadcast v4, $0xF;
	v21 =	vld [tilespmem:s25+$0xFA0]  }
0x265: {  	v26 =	vld [tilespmem:s25+$0x4FB0];
	v9 =	vmul.f32 v10, v60;
	v25 =	vmul.f32 v63, v14;
	v5 =	vadd.f32 v22, v5  }
0x266: {  	v24 =	vld [tilespmem:s25+$0xFB0]  }
0x267: {  	v8 =	vmul.f32 v20, v15;
	v6 =	vmul.f32 v25, v4;
	v5 =	vadd.f32 v9, v5  }
0x268: {  	v27 =	vld [tilespmem:s25+$0x8F80]  }
0x269: {  	v28 =	vmul.f32 v8, v4;
	v7 =	vmul.f32 v23, v21;
	v5 =	vadd.f32 v6, v5  }
0x26a: {  	v30 =	vld [tilespmem:s25+$0x8F90]  }
0x26b: {  	v29 =	vmul.f32 v26, v24;
	v31 =	vmul.f32 v7, v4;
	v5 =	vadd.f32 v28, v5  }
0x26c: {  	v0 =	vbroadcast v0, $0xF;
	v32 =	vld [tilespmem:s25+$0x8FA0]  }
0x26d: {  	v33 =	vmul.f32 v27, v14;
	v4 =	vmul.f32 v29, v4;
	v5 =	vadd.f32 v31, v5  }
0x26e: {  	v34 =	vld [tilespmem:s25+$0x8FB0]  }
0x26f: {  	v36 =	vmul.f32 v30, v15;
	v35 =	vmul.f32 v33, v0;
	v4 =	vadd.f32 v4, v5  }
0x270: {  	v37 =	vld [tilespmem:s25+$0xCF80]  }
0x271: {  	v38 =	vmul.f32 v36, v0;
	v39 =	vmul.f32 v32, v21;
	v4 =	vadd.f32 v35, v4  }
0x272: {  	v41 =	vld [tilespmem:s25+$0xCF90]  }
0x273: {  	v40 =	vmul.f32 v34, v24;
	v42 =	vmul.f32 v39, v0;
	v4 =	vadd.f32 v38, v4  }
0x274: {  	v43 =	vld [tilespmem:s25+$0xCFA0];
	v1 =	vbroadcast v1, $0xF  }
0x275: {  	v0 =	vmul.f32 v40, v0;
	v44 =	vmul.f32 v37, v14;
	v4 =	vadd.f32 v42, v4  }
0x276: {  	v45 =	vld [tilespmem:s25+$0xCFB0]  }
0x277: {  	v47 =	vmul.f32 v41, v15;
	v46 =	vmul.f32 v44, v1;
	v0 =	vadd.f32 v0, v4  }
0x278: {  	v48 =	vld [tilespmem:s25+$0x10F80]  }
0x279: {  	v50 =	vmul.f32 v43, v21;
	v49 =	vmul.f32 v47, v1;
	v0 =	vadd.f32 v46, v0  }
0x27a: {  	v52 =	vld [tilespmem:s25+$0x10F90]  }
0x27b: {  	v53 =	vmul.f32 v50, v1;
	v51 =	vmul.f32 v45, v24;
	v0 =	vadd.f32 v49, v0  }
0x27c: {  	v2 =	vbroadcast v2, $0xF;
	v54 =	vld [tilespmem:s25+$0x10FA0]  }
0x27d: {  	v55 =	vmul.f32 v48, v14;
	v1 =	vmul.f32 v51, v1;
	v0 =	vadd.f32 v53, v0  }
0x27e: {  	v56 =	vld [tilespmem:s25+$0x10FB0]  }
0x27f: {  	v57 =	vmul.f32 v52, v15;
	v0 =	vadd.f32 v1, v0;
	v1 =	vmul.f32 v55, v2  }
0x280: {  	v58 =	vld [tilespmem:s25+$0x14F80]  }
0x281: {  	v59 =	vmul.f32 v54, v21;
	v0 =	vadd.f32 v1, v0;
	v1 =	vmul.f32 v57, v2  }
0x282: {  	v61 =	vld [tilespmem:s25+$0x14F90]  }
0x283: {  	v60 =	vmul.f32 v56, v24;
	v0 =	vadd.f32 v1, v0;
	v1 =	vmul.f32 v59, v2  }
0x284: {  	v3 =	vbroadcast v3, $0xF;
	v62 =	vld [tilespmem:s25+$0x14FA0]  }
0x285: {  	v2 =	vmul.f32 v60, v2;
	v0 =	vadd.f32 v1, v0;
	v1 =	vmul.f32 v58, v14  }
0x286: {  	v63 =	vld [tilespmem:s25+$0x14FB0]  }
0x287: {  	v0 =	vadd.f32 v2, v0;
	v1 =	vmul.f32 v1, v3;
	v2 =	vmul.f32 v61, v15;
	_ =	sdelay $0x1  }
0x288: {  	v0 =	vadd.f32 v1, v0;
	v1 =	vmul.f32 v2, v3;
	v2 =	vmul.f32 v62, v21  }
0x289: {  	p0 =	sne.s32 s24, $0x7  }
.Ltmp0:
0x28a: {  	v0 =	vadd.f32 v1, v0;
	v1 =	vmul.f32 v2, v3;
	v2 =	vmul.f32 v63, v24;
	(pc) =	sbr.rel @p0 .LBB2_2-.Ltmp0, $3  }
0x28b: {  	_ = 	snop  }
0x28c: {  	v0 =	vadd.f32 v1, v0;
	v1 =	vmul.f32 v2, v3;
	_ =	sdelay $0x1  }
0x28d: {  	s24 =	sadd.s32 $0x1, s24;
	v1 =	vadd.f32 v1, v0  }
0x28e: {  	s23 =	sadd.s32 $0x1, s23  }
0x28f: {  	p0 =	sne.s32 s23, s8  }
.Ltmp1:
0x290: {  	[tilespmem:$0x18800] =	vst v1;
	(pc) =	sbr.rel @p0 .LBB2_1-.Ltmp1, $4  }
0x291: {  	[hbm4b:s7+s2] =	stream.linear.scatter [tilespmem:s22], [sflag:$0x2], $0x80, $0x38;
	[tilespmem:$0x18880] =	vst v63  }
0x292: {  	_ =	swait.ge [sflag:s9], $0x80  }
0x293: {  	[sflag:s9] =	ssyncset.done $0x0  }
0x294: {  	[sflag:s9] =	ssyncadd.s32 $0xFFFFFF80  }
0x295: {  	_ =	sfence.sel $0x180000  }
0x296: {  	[bflag:$0x0] =	sbarrier.arrive $0xFFFF  }
0x297: {  	p0 =	sne.s32 s1, $0x0;
	_ =	strace $0x90000047  }
0x298: {  	s0 =	sadd.s32 @!p0 $0x100000, s0;
	[bflag:$0x2] =	sbarrier.arrive $0xFFFF  }
0x299: {  	[sflag:s0] =	ssyncadd.tile.s32 @!p0 $0x1;
	_ =	shalt  }
.Lfunc_end2:
_tile_overlayer_lowered:
.L_overlay_start_2:
0x29a: {  	(tag) =	ssettag $0x2  }
0x29b: {  	s0 =	rddreg [dreg:$0x0];
	s2 =	stileid.u32  }
0x29c: {  	s1 =	rddreg [dreg:$0x1];
	p0 =	sne.s32 s2, $0x0  }
0x29d: {  	s3 =	rddreg [dreg:$0x2];
	[bflag:$0x3] =	sbarrier.arrive $0xFFFF;
	s2 =	simm.s32 @!p0 $0x1C02  }
0x29e: {  	[timem:s3], [sflag:s2] =	dma.local @!p0 [hbm:s0], s1  }
0x29f: {  	s0 =	simm.s32 @!p0 $0x2  }
0x2a0: {  	_ =	swait.ge @!p0 [sflag:s0], s1  }
0x2a1: {  	s1 =	ssub.s32 @!p0 $0x0, s1;
	[sflag:s0] =	ssyncset.done @!p0 $0x0  }
0x2a2: {  	[sflag:s0] =	ssyncadd.s32 @!p0 s1  }
0x2a3: {  	[bflag:$0x3] =	sbarrier.arrive $0xFFFF  }
0x2a4: {  	_ =	shalt  }

</sc_bundles>
